<compile_context>
chip_gen: v7x
topology: tpu7x:2x2x1
jax: 0.10.2.dev20260603
libtpu: 0.0.44.dev20260713+nightly
codegen_flags: <defaults>
</compile_context>

<pallas_src>
import jax
import jax.numpy as jnp
from jax import lax
from jax.experimental import pallas as pl
from jax.experimental.pallas import tpu as pltpu
from jax.experimental.pallas import tpu_sc as plsc

_N = 10000
_E = 320000
_D = 128
_G = 64
_H = 64
_NP = 10240
_BN = 1024
_NBLK = _NP // _BN
_NSUB = 16
_SLAB = _NP // _NSUB
_EPT = _E // _NSUB
_CH = 1000
_NCH = _EPT // _CH

_mesh = plsc.VectorSubcoreMesh(core_axis_name="c", subcore_axis_name="s")


def _deg_body(dst_hbm, ones_hbm, zeros_hbm, deg_hbm, tbl, dstv, onesv):
    c = lax.axis_index("c")
    s = lax.axis_index("s")

    @pl.when(c == 0)
    def _():
        r0 = s * _SLAB
        pltpu.sync_copy(zeros_hbm.at[pl.ds(r0, _SLAB)], tbl.at[pl.ds(r0, _SLAB)])
        pltpu.sync_copy(ones_hbm, onesv)
        plsc.subcore_barrier()
        e0 = s * _EPT
        for i in range(_NCH):
            pltpu.sync_copy(dst_hbm.at[pl.ds(e0 + i * _CH, _CH)], dstv)
            pltpu.sync_copy(onesv, tbl.at[dstv], add=True)
        plsc.subcore_barrier()
        pltpu.sync_copy(tbl.at[pl.ds(r0, _SLAB)], deg_hbm.at[pl.ds(r0, _SLAB)])


_DW = 16

_deg_kernel = pl.kernel(
    _deg_body,
    out_type=jax.ShapeDtypeStruct((_NP, _DW), jnp.float32),
    mesh=_mesh,
    scratch_types=[
        pltpu.VMEM_SHARED((_NP, _DW), jnp.float32),
        pltpu.VMEM((_CH,), jnp.int32),
        pltpu.VMEM((_CH, _DW), jnp.float32),
    ],
    compiler_params=pltpu.CompilerParams(use_tc_tiling_on_sc=False),
)


def _prop_body(h_hbm, src_hbm, dst_hbm, out_hbm, acc, srcv, dstv, rows, sem):
    c = lax.axis_index("c")
    s = lax.axis_index("s")
    r0 = s * _SLAB
    base = c * _NP + r0
    pltpu.sync_copy(h_hbm.at[pl.ds(base, _SLAB)], acc.at[pl.ds(r0, _SLAB)])
    plsc.subcore_barrier()
    e0 = c * _E + s * _EPT
    ed0 = s * _EPT
    for i in range(_NCH):
        pltpu.sync_copy(src_hbm.at[pl.ds(e0 + i * _CH, _CH)], srcv)
        pltpu.sync_copy(dst_hbm.at[pl.ds(ed0 + i * _CH, _CH)], dstv)
        pltpu.async_copy(h_hbm.at[srcv], rows, sem).wait()
        pltpu.sync_copy(rows, acc.at[dstv], add=True)
    plsc.subcore_barrier()
    pltpu.sync_copy(acc.at[pl.ds(r0, _SLAB)], out_hbm.at[pl.ds(base, _SLAB)])


_prop_kernel = pl.kernel(
    _prop_body,
    out_type=jax.ShapeDtypeStruct((2 * _NP, _H), jnp.float32),
    mesh=_mesh,
    scratch_types=[
        pltpu.VMEM_SHARED((_NP, _H), jnp.float32),
        pltpu.VMEM((_CH,), jnp.int32),
        pltpu.VMEM((_CH,), jnp.int32),
        pltpu.VMEM((_CH, _H), jnp.float32),
        pltpu.SemaphoreType.DMA,
    ],
    compiler_params=pltpu.CompilerParams(use_tc_tiling_on_sc=False),
)


def _tca_body(x_ref, deg_ref, w_ref, h_ref, dinv_ref):
    dinv = lax.rsqrt(deg_ref[:, :1] + 1.0)
    h = jnp.dot(x_ref[...], w_ref[...], preferred_element_type=jnp.float32, precision=lax.Precision.HIGHEST) * dinv
    dinv_ref[...] = dinv
    h_ref[0] = h[:, :_H]
    h_ref[1] = h[:, _H:]


def _tcb_body(o_ref, dinv_ref, b_ref, w_ref, h_ref):
    dinv = dinv_ref[...]
    z = jnp.concatenate([o_ref[0], o_ref[1]], axis=1) * dinv + b_ref[...]
    z = jnp.maximum(z, 0.0)
    h = jnp.dot(z.astype(jnp.bfloat16), w_ref[...].astype(jnp.bfloat16),
                preferred_element_type=jnp.float32) * dinv
    h_ref[0] = h[:, :_H]
    h_ref[1] = h[:, _H:]


def _tcc_body(o_ref, dinv_ref, b_ref, batch_ref, wfc_ref, bfc_ref, y_ref,
              sums_ref, cnts_ref):
    i = pl.program_id(0)

    @pl.when(i == 0)
    def _():
        sums_ref[...] = jnp.zeros_like(sums_ref)
        cnts_ref[...] = jnp.zeros_like(cnts_ref)

    z = jnp.concatenate([o_ref[0], o_ref[1]], axis=1) * dinv_ref[...] + b_ref[...]
    z = jnp.maximum(z, 0.0)
    gid = lax.broadcasted_iota(jnp.int32, (_G, 1), 0)
    oh = (gid == batch_ref[...]).astype(jnp.float32)
    sums_ref[...] += jnp.dot(oh, z, preferred_element_type=jnp.float32, precision=lax.Precision.HIGHEST)
    cnts_ref[...] += jnp.sum(oh, axis=1, keepdims=True)

    @pl.when(i == pl.num_programs(0) - 1)
    def _():
        pooled = sums_ref[...] / jnp.maximum(cnts_ref[...], 1.0)
        y = jnp.dot(pooled.astype(jnp.bfloat16), wfc_ref[...].astype(jnp.bfloat16),
                    preferred_element_type=jnp.float32)
        y_ref[...] = y + bfc_ref[...]


_tca = pl.pallas_call(
    _tca_body,
    grid=(_NBLK,),
    in_specs=[
        pl.BlockSpec((_BN, _D), lambda i: (i, 0)),
        pl.BlockSpec((_BN, _DW), lambda i: (i, 0)),
        pl.BlockSpec((_D, _D), lambda i: (0, 0)),
    ],
    out_specs=[
        pl.BlockSpec((2, _BN, _H), lambda i: (0, i, 0)),
        pl.BlockSpec((_BN, 1), lambda i: (i, 0)),
    ],
    out_shape=[
        jax.ShapeDtypeStruct((2, _NP, _H), jnp.float32),
        jax.ShapeDtypeStruct((_NP, 1), jnp.float32),
    ],
)

_tcb = pl.pallas_call(
    _tcb_body,
    grid=(_NBLK,),
    in_specs=[
        pl.BlockSpec((2, _BN, _H), lambda i: (0, i, 0)),
        pl.BlockSpec((_BN, 1), lambda i: (i, 0)),
        pl.BlockSpec((1, _D), lambda i: (0, 0)),
        pl.BlockSpec((_D, _D), lambda i: (0, 0)),
    ],
    out_specs=pl.BlockSpec((2, _BN, _H), lambda i: (0, i, 0)),
    out_shape=jax.ShapeDtypeStruct((2, _NP, _H), jnp.float32),
)

_tcc = pl.pallas_call(
    _tcc_body,
    grid=(_NBLK,),
    in_specs=[
        pl.BlockSpec((2, _BN, _H), lambda i: (0, i, 0)),
        pl.BlockSpec((_BN, 1), lambda i: (i, 0)),
        pl.BlockSpec((1, _D), lambda i: (0, 0)),
        pl.BlockSpec((1, _BN), lambda i: (0, i)),
        pl.BlockSpec((_D, 1), lambda i: (0, 0)),
        pl.BlockSpec((1, 1), lambda i: (0, 0)),
    ],
    out_specs=pl.BlockSpec((_G, 1), lambda i: (0, 0)),
    out_shape=jax.ShapeDtypeStruct((_G, 1), jnp.float32),
    scratch_shapes=[
        pltpu.VMEM((_G, _D), jnp.float32),
        pltpu.VMEM((_G, 1), jnp.float32),
    ],
)


def kernel(x, edge_index, batch, W1, b1, W2, b2, Wfc, bfc):
    src = edge_index[0]
    dst = edge_index[1]
    srcs = jnp.concatenate([src, src + _NP])
    x_pad = jnp.zeros((_NP, _D), jnp.float32).at[:_N].set(x)
    batch_pad = jnp.full((1, _NP), -1, jnp.int32).at[0, :_N].set(batch)
    ones_ch = jnp.ones((_CH, _DW), jnp.float32)
    zeros_np = jnp.zeros((_NP, _DW), jnp.float32)

    deg = _deg_kernel(dst, ones_ch, zeros_np)
    h1, dinv = _tca(x_pad, deg, W1)
    out1 = _prop_kernel(h1.reshape(2 * _NP, _H), srcs, dst)
    h2 = _tcb(out1.reshape(2, _NP, _H), dinv, b1.reshape(1, _D), W2)
    out2 = _prop_kernel(h2.reshape(2 * _NP, _H), srcs, dst)
    y = _tcc(out2.reshape(2, _NP, _H), dinv, b2.reshape(1, _D),
             batch_pad, Wfc, bfc.reshape(1, 1))
    return y

# --- scband reference (transcript-rebuilt; emitter-appended) ---
"""Pipeline reference for scband-graph-convolutional-network-27702539059471 (READ-ONLY COPY).

The authoritative reference and input builder live on the scoring server;
editing this copy changes nothing except your own understanding.
"""

import jax, jax.numpy as jnp
import numpy as np

N = 10000
E = 320000
D = 128
G = 64


def setup_inputs(seed: int = 0):
    key = jax.random.key(seed)
    ks = jax.random.split(key, 10)
    x = jax.random.normal(ks[0], (N, D), dtype=jnp.float32)
    edge_index = jax.random.randint(ks[1], (2, E), 0, N, dtype=jnp.int32)
    batch = jnp.sort(jax.random.randint(ks[2], (N,), 0, G, dtype=jnp.int32))
    W1 = jax.random.normal(ks[3], (D, D), dtype=jnp.float32) * 0.05
    b1 = jnp.zeros((D,), dtype=jnp.float32)
    W2 = jax.random.normal(ks[4], (D, D), dtype=jnp.float32) * 0.05
    b2 = jnp.zeros((D,), dtype=jnp.float32)
    Wfc = jax.random.normal(ks[5], (D, 1), dtype=jnp.float32) * 0.05
    bfc = jnp.zeros((1,), dtype=jnp.float32)
    return {"x": x, "edge_index": edge_index, "batch": batch,
            "W1": W1, "b1": b1, "W2": W2, "b2": b2, "Wfc": Wfc, "bfc": bfc}


def _gcn_conv(x, src, dst, W, b):
    # PyG GCNConv: add self loops (done by caller), symmetric degree normalization
    h = x @ W
    deg = jax.ops.segment_sum(jnp.ones(src.shape[0], dtype=jnp.float32), dst, num_segments=N)
    dinv = jnp.where(deg > 0, 1.0 / jnp.sqrt(jnp.maximum(deg, 1e-12)), 0.0)
    norm = dinv[src] * dinv[dst]
    msg = h[src] * norm[:, None]
    out = jax.ops.segment_sum(msg, dst, num_segments=N)
    return out + b


def reference(x, edge_index, batch, W1, b1, W2, b2, Wfc, bfc):
    loops = jnp.arange(N, dtype=edge_index.dtype)
    src = jnp.concatenate([edge_index[0], loops])
    dst = jnp.concatenate([edge_index[1], loops])
    h = jax.nn.relu(_gcn_conv(x, src, dst, W1, b1))
    # dropout p=0.0 and eval mode -> identity
    h = jax.nn.relu(_gcn_conv(h, src, dst, W2, b2))
    sums = jax.ops.segment_sum(h, batch, num_segments=G)
    counts = jax.ops.segment_sum(jnp.ones((N,), dtype=jnp.float32), batch, num_segments=G)
    pooled = sums / jnp.maximum(counts, 1.0)[:, None]
    return pooled @ Wfc + bfc

if __name__ == "__main__":
    import jax
    _d = setup_inputs()
    print(jax.jit(kernel)(*tuple(_d.values())))

</pallas_src>

<mosaic_0001>
#map = affine_map<(d0, d1) -> (0)>
#map1 = affine_map<(d0, d1) -> (0, 0)>
module attributes {stable_mosaic.version = 14 : i64} {
  func.func @_deg_body(%arg0: i32, %arg1: i32, %arg2: memref<320000xi32, #tpu.memory_space<hbm>>, %arg3: memref<1000x16xf32, #tpu.memory_space<hbm>>, %arg4: memref<10240x16xf32, #tpu.memory_space<hbm>>, %arg5: memref<10240x16xf32, #tpu.memory_space<hbm>>, %arg6: memref<10240x16xf32, #tpu.memory_space<vmem_shared>>, %arg7: memref<1000xi32, #tpu.memory_space<vmem>>, %arg8: memref<1000x16xf32, #tpu.memory_space<vmem>>) attributes {dimension_semantics = [#tpu.dimension_semantics<core_parallel>, #tpu.dimension_semantics<subcore_parallel>], iteration_bounds = array<i64: 2, 16>, scalar_prefetch = 0 : i64, scratch_operands = 3 : i64, tpu.core_type = #tpu.core_type<sc_vector_subcore>, window_params = [{transform_indices = #map}, {transform_indices = #map1}, {transform_indices = #map1}, {transform_indices = #map1}]} {
    %eq3A = arith.constant 0 : i32
    %eq3A_0 = arith.cmpi eq, %arg0, %eq3A : i32
    %convert_element_type3A = arith.extui %eq3A_0 : i1 to i32
    %cond3A = arith.constant 0 : i32
    %cond3A_1 = arith.cmpi ne, %convert_element_type3A, %cond3A : i32
    scf.if %cond3A_1 {
      %mul3A = arith.constant 640 : i32
      %mul3A_2 = arith.muli %arg1, %mul3A : i32
      "tpu.region"() ({
        %run_scoped3A = tpu.sem_alloc : memref<!tpu.dma_semaphore, #tpu.memory_space<semaphore_mem>>
        %dma_start3A = arith.constant 0 : i32
        %dma_start3A_45 = tpu.memref_slice %arg6[%mul3A_2, %dma_start3A] : memref<10240x16xf32, #tpu.memory_space<vmem_shared>> -> memref<640x16xf32, #tpu.memory_space<vmem_shared>>
        %dma_start3A_46 = arith.constant 0 : i32
        %dma_start3A_47 = tpu.memref_slice %arg4[%mul3A_2, %dma_start3A_46] : memref<10240x16xf32, #tpu.memory_space<hbm>> -> memref<640x16xf32, #tpu.memory_space<hbm>>
        tpu.enqueue_dma source(%dma_start3A_47 : memref<640x16xf32, #tpu.memory_space<hbm>>) target(%dma_start3A_45 : memref<640x16xf32, #tpu.memory_space<vmem_shared>>) target_semaphore(%run_scoped3A : memref<!tpu.dma_semaphore, #tpu.memory_space<semaphore_mem>>)
        %dma_wait3A = arith.constant 0 : i32
        %dma_wait3A_48 = tpu.memref_slice %arg6[%mul3A_2, %dma_wait3A] : memref<10240x16xf32, #tpu.memory_space<vmem_shared>> -> memref<640x16xf32, #tpu.memory_space<vmem_shared>>
        %dma_wait3A_49 = arith.constant 0 : i32
        %dma_wait3A_50 = tpu.memref_slice %arg4[%mul3A_2, %dma_wait3A_49] : memref<10240x16xf32, #tpu.memory_space<hbm>> -> memref<640x16xf32, #tpu.memory_space<hbm>>
        tpu.wait_dma2 semaphore(%run_scoped3A : memref<!tpu.dma_semaphore, #tpu.memory_space<semaphore_mem>>) src(%dma_wait3A_50 : memref<640x16xf32, #tpu.memory_space<hbm>>) dst(%dma_wait3A_48 : memref<640x16xf32, #tpu.memory_space<vmem_shared>>)
        tpu.yield
      }) : () -> ()
      "tpu.region"() ({
        %run_scoped3A = tpu.sem_alloc : memref<!tpu.dma_semaphore, #tpu.memory_space<semaphore_mem>>
        tpu.enqueue_dma source(%arg3 : memref<1000x16xf32, #tpu.memory_space<hbm>>) target(%arg8 : memref<1000x16xf32, #tpu.memory_space<vmem>>) target_semaphore(%run_scoped3A : memref<!tpu.dma_semaphore, #tpu.memory_space<semaphore_mem>>)
        tpu.wait_dma2 semaphore(%run_scoped3A : memref<!tpu.dma_semaphore, #tpu.memory_space<semaphore_mem>>) src(%arg3 : memref<1000x16xf32, #tpu.memory_space<hbm>>) dst(%arg8 : memref<1000x16xf32, #tpu.memory_space<vmem>>)
        tpu.yield
      }) : () -> ()
      %barrier3A = arith.constant 0 : index
      tpu.barrier barrier_id(%barrier3A)
      %mul3A_3 = arith.constant 20000 : i32
      %mul3A_4 = arith.muli %arg1, %mul3A_3 : i32
      %add3A = arith.constant 0 : i32
      %add3A_5 = arith.addi %mul3A_4, %add3A : i32
      "tpu.region"() ({
        %run_scoped3A = tpu.sem_alloc : memref<!tpu.dma_semaphore, #tpu.memory_space<semaphore_mem>>
        %dma_start3A = tpu.memref_slice %arg2[%add3A_5] : memref<320000xi32, #tpu.memory_space<hbm>> -> memref<1000xi32, #tpu.memory_space<hbm>>
        %dma_start3A_45 = tpu.memref_slice %arg2[%add3A_5] : memref<320000xi32, #tpu.memory_space<hbm>> -> memref<1000xi32, #tpu.memory_space<hbm>>
        tpu.enqueue_dma source(%dma_start3A_45 : memref<1000xi32, #tpu.memory_space<hbm>>) target(%arg7 : memref<1000xi32, #tpu.memory_space<vmem>>) target_semaphore(%run_scoped3A : memref<!tpu.dma_semaphore, #tpu.memory_space<semaphore_mem>>)
        %dma_wait3A = tpu.memref_slice %arg2[%add3A_5] : memref<320000xi32, #tpu.memory_space<hbm>> -> memref<1000xi32, #tpu.memory_space<hbm>>
        %dma_wait3A_46 = tpu.memref_slice %arg2[%add3A_5] : memref<320000xi32, #tpu.memory_space<hbm>> -> memref<1000xi32, #tpu.memory_space<hbm>>
        tpu.wait_dma2 semaphore(%run_scoped3A : memref<!tpu.dma_semaphore, #tpu.memory_space<semaphore_mem>>) src(%dma_wait3A_46 : memref<1000xi32, #tpu.memory_space<hbm>>) dst(%arg7 : memref<1000xi32, #tpu.memory_space<vmem>>)
        tpu.yield
      }) : () -> ()
      "tpu.region"() ({
        %run_scoped3A = tpu.sem_alloc : memref<!tpu.dma_semaphore, #tpu.memory_space<semaphore_mem>>
        %dma_start3A = arith.constant 0 : i32
        %dma_start3A_45 = arith.constant 0 : i32
        %dma_start3A_46 = tpu.memref_slice %arg6[%dma_start3A, %dma_start3A_45] : memref<10240x16xf32, #tpu.memory_space<vmem_shared>> -> memref<10240x16xf32, #tpu.memory_space<vmem_shared>>
        tpu.enqueue_indirect_dma source(%arg8 : memref<1000x16xf32, #tpu.memory_space<vmem>>) target(%dma_start3A_46 : memref<10240x16xf32, #tpu.memory_space<vmem_shared>>) offsets(%arg7 : memref<1000xi32, #tpu.memory_space<vmem>>) semaphore(%run_scoped3A : memref<!tpu.dma_semaphore, #tpu.memory_space<semaphore_mem>>) {add = true}
        %dma_wait3A = arith.constant 0 : i32
        %dma_wait3A_47 = arith.constant 0 : i32
        %dma_wait3A_48 = tpu.memref_slice %arg6[%dma_wait3A, %dma_wait3A_47] : memref<10240x16xf32, #tpu.memory_space<vmem_shared>> -> memref<10240x16xf32, #tpu.memory_space<vmem_shared>>
        tpu.wait_indirect_dma semaphore(%run_scoped3A : memref<!tpu.dma_semaphore, #tpu.memory_space<semaphore_mem>>) src(%arg8 : memref<1000x16xf32, #tpu.memory_space<vmem>>) dst(%dma_wait3A_48 : memref<10240x16xf32, #tpu.memory_space<vmem_shared>>)
        tpu.yield
      }) : () -> ()
      %add3A_6 = arith.constant 1000 : i32
      %add3A_7 = arith.addi %mul3A_4, %add3A_6 : i32
      "tpu.region"() ({
        %run_scoped3A = tpu.sem_alloc : memref<!tpu.dma_semaphore, #tpu.memory_space<semaphore_mem>>
        %dma_start3A = tpu.memref_slice %arg2[%add3A_7] : memref<320000xi32, #tpu.memory_space<hbm>> -> memref<1000xi32, #tpu.memory_space<hbm>>
        %dma_start3A_45 = tpu.memref_slice %arg2[%add3A_7] : memref<320000xi32, #tpu.memory_space<hbm>> -> memref<1000xi32, #tpu.memory_space<hbm>>
        tpu.enqueue_dma source(%dma_start3A_45 : memref<1000xi32, #tpu.memory_space<hbm>>) target(%arg7 : memref<1000xi32, #tpu.memory_space<vmem>>) target_semaphore(%run_scoped3A : memref<!tpu.dma_semaphore, #tpu.memory_space<semaphore_mem>>)
        %dma_wait3A = tpu.memref_slice %arg2[%add3A_7] : memref<320000xi32, #tpu.memory_space<hbm>> -> memref<1000xi32, #tpu.memory_space<hbm>>
        %dma_wait3A_46 = tpu.memref_slice %arg2[%add3A_7] : memref<320000xi32, #tpu.memory_space<hbm>> -> memref<1000xi32, #tpu.memory_space<hbm>>
        tpu.wait_dma2 semaphore(%run_scoped3A : memref<!tpu.dma_semaphore, #tpu.memory_space<semaphore_mem>>) src(%dma_wait3A_46 : memref<1000xi32, #tpu.memory_space<hbm>>) dst(%arg7 : memref<1000xi32, #tpu.memory_space<vmem>>)
        tpu.yield
      }) : () -> ()
      "tpu.region"() ({
        %run_scoped3A = tpu.sem_alloc : memref<!tpu.dma_semaphore, #tpu.memory_space<semaphore_mem>>
        %dma_start3A = arith.constant 0 : i32
        %dma_start3A_45 = arith.constant 0 : i32
        %dma_start3A_46 = tpu.memref_slice %arg6[%dma_start3A, %dma_start3A_45] : memref<10240x16xf32, #tpu.memory_space<vmem_shared>> -> memref<10240x16xf32, #tpu.memory_space<vmem_shared>>
        tpu.enqueue_indirect_dma source(%arg8 : memref<1000x16xf32, #tpu.memory_space<vmem>>) target(%dma_start3A_46 : memref<10240x16xf32, #tpu.memory_space<vmem_shared>>) offsets(%arg7 : memref<1000xi32, #tpu.memory_space<vmem>>) semaphore(%run_scoped3A : memref<!tpu.dma_semaphore, #tpu.memory_space<semaphore_mem>>) {add = true}
        %dma_wait3A = arith.constant 0 : i32
        %dma_wait3A_47 = arith.constant 0 : i32
        %dma_wait3A_48 = tpu.memref_slice %arg6[%dma_wait3A, %dma_wait3A_47] : memref<10240x16xf32, #tpu.memory_space<vmem_shared>> -> memref<10240x16xf32, #tpu.memory_space<vmem_shared>>
        tpu.wait_indirect_dma semaphore(%run_scoped3A : memref<!tpu.dma_semaphore, #tpu.memory_space<semaphore_mem>>) src(%arg8 : memref<1000x16xf32, #tpu.memory_space<vmem>>) dst(%dma_wait3A_48 : memref<10240x16xf32, #tpu.memory_space<vmem_shared>>)
        tpu.yield
      }) : () -> ()
      %add3A_8 = arith.constant 2000 : i32
      %add3A_9 = arith.addi %mul3A_4, %add3A_8 : i32
      "tpu.region"() ({
        %run_scoped3A = tpu.sem_alloc : memref<!tpu.dma_semaphore, #tpu.memory_space<semaphore_mem>>
        %dma_start3A = tpu.memref_slice %arg2[%add3A_9] : memref<320000xi32, #tpu.memory_space<hbm>> -> memref<1000xi32, #tpu.memory_space<hbm>>
        %dma_start3A_45 = tpu.memref_slice %arg2[%add3A_9] : memref<320000xi32, #tpu.memory_space<hbm>> -> memref<1000xi32, #tpu.memory_space<hbm>>
        tpu.enqueue_dma source(%dma_start3A_45 : memref<1000xi32, #tpu.memory_space<hbm>>) target(%arg7 : memref<1000xi32, #tpu.memory_space<vmem>>) target_semaphore(%run_scoped3A : memref<!tpu.dma_semaphore, #tpu.memory_space<semaphore_mem>>)
        %dma_wait3A = tpu.memref_slice %arg2[%add3A_9] : memref<320000xi32, #tpu.memory_space<hbm>> -> memref<1000xi32, #tpu.memory_space<hbm>>
        %dma_wait3A_46 = tpu.memref_slice %arg2[%add3A_9] : memref<320000xi32, #tpu.memory_space<hbm>> -> memref<1000xi32, #tpu.memory_space<hbm>>
        tpu.wait_dma2 semaphore(%run_scoped3A : memref<!tpu.dma_semaphore, #tpu.memory_space<semaphore_mem>>) src(%dma_wait3A_46 : memref<1000xi32, #tpu.memory_space<hbm>>) dst(%arg7 : memref<1000xi32, #tpu.memory_space<vmem>>)
        tpu.yield
      }) : () -> ()
      "tpu.region"() ({
        %run_scoped3A = tpu.sem_alloc : memref<!tpu.dma_semaphore, #tpu.memory_space<semaphore_mem>>
        %dma_start3A = arith.constant 0 : i32
        %dma_start3A_45 = arith.constant 0 : i32
        %dma_start3A_46 = tpu.memref_slice %arg6[%dma_start3A, %dma_start3A_45] : memref<10240x16xf32, #tpu.memory_space<vmem_shared>> -> memref<10240x16xf32, #tpu.memory_space<vmem_shared>>
        tpu.enqueue_indirect_dma source(%arg8 : memref<1000x16xf32, #tpu.memory_space<vmem>>) target(%dma_start3A_46 : memref<10240x16xf32, #tpu.memory_space<vmem_shared>>) offsets(%arg7 : memref<1000xi32, #tpu.memory_space<vmem>>) semaphore(%run_scoped3A : memref<!tpu.dma_semaphore, #tpu.memory_space<semaphore_mem>>) {add = true}
        %dma_wait3A = arith.constant 0 : i32
        %dma_wait3A_47 = arith.constant 0 : i32
        %dma_wait3A_48 = tpu.memref_slice %arg6[%dma_wait3A, %dma_wait3A_47] : memref<10240x16xf32, #tpu.memory_space<vmem_shared>> -> memref<10240x16xf32, #tpu.memory_space<vmem_shared>>
        tpu.wait_indirect_dma semaphore(%run_scoped3A : memref<!tpu.dma_semaphore, #tpu.memory_space<semaphore_mem>>) src(%arg8 : memref<1000x16xf32, #tpu.memory_space<vmem>>) dst(%dma_wait3A_48 : memref<10240x16xf32, #tpu.memory_space<vmem_shared>>)
        tpu.yield
      }) : () -> ()
      %add3A_10 = arith.constant 3000 : i32
      %add3A_11 = arith.addi %mul3A_4, %add3A_10 : i32
      "tpu.region"() ({
        %run_scoped3A = tpu.sem_alloc : memref<!tpu.dma_semaphore, #tpu.memory_space<semaphore_mem>>
        %dma_start3A = tpu.memref_slice %arg2[%add3A_11] : memref<320000xi32, #tpu.memory_space<hbm>> -> memref<1000xi32, #tpu.memory_space<hbm>>
        %dma_start3A_45 = tpu.memref_slice %arg2[%add3A_11] : memref<320000xi32, #tpu.memory_space<hbm>> -> memref<1000xi32, #tpu.memory_space<hbm>>
        tpu.enqueue_dma source(%dma_start3A_45 : memref<1000xi32, #tpu.memory_space<hbm>>) target(%arg7 : memref<1000xi32, #tpu.memory_space<vmem>>) target_semaphore(%run_scoped3A : memref<!tpu.dma_semaphore, #tpu.memory_space<semaphore_mem>>)
        %dma_wait3A = tpu.memref_slice %arg2[%add3A_11] : memref<320000xi32, #tpu.memory_space<hbm>> -> memref<1000xi32, #tpu.memory_space<hbm>>
        %dma_wait3A_46 = tpu.memref_slice %arg2[%add3A_11] : memref<320000xi32, #tpu.memory_space<hbm>> -> memref<1000xi32, #tpu.memory_space<hbm>>
        tpu.wait_dma2 semaphore(%run_scoped3A : memref<!tpu.dma_semaphore, #tpu.memory_space<semaphore_mem>>) src(%dma_wait3A_46 : memref<1000xi32, #tpu.memory_space<hbm>>) dst(%arg7 : memref<1000xi32, #tpu.memory_space<vmem>>)
        tpu.yield
      }) : () -> ()
      "tpu.region"() ({
        %run_scoped3A = tpu.sem_alloc : memref<!tpu.dma_semaphore, #tpu.memory_space<semaphore_mem>>
        %dma_start3A = arith.constant 0 : i32
        %dma_start3A_45 = arith.constant 0 : i32
        %dma_start3A_46 = tpu.memref_slice %arg6[%dma_start3A, %dma_start3A_45] : memref<10240x16xf32, #tpu.memory_space<vmem_shared>> -> memref<10240x16xf32, #tpu.memory_space<vmem_shared>>
        tpu.enqueue_indirect_dma source(%arg8 : memref<1000x16xf32, #tpu.memory_space<vmem>>) target(%dma_start3A_46 : memref<10240x16xf32, #tpu.memory_space<vmem_shared>>) offsets(%arg7 : memref<1000xi32, #tpu.memory_space<vmem>>) semaphore(%run_scoped3A : memref<!tpu.dma_semaphore, #tpu.memory_space<semaphore_mem>>) {add = true}
        %dma_wait3A = arith.constant 0 : i32
        %dma_wait3A_47 = arith.constant 0 : i32
        %dma_wait3A_48 = tpu.memref_slice %arg6[%dma_wait3A, %dma_wait3A_47] : memref<10240x16xf32, #tpu.memory_space<vmem_shared>> -> memref<10240x16xf32, #tpu.memory_space<vmem_shared>>
        tpu.wait_indirect_dma semaphore(%run_scoped3A : memref<!tpu.dma_semaphore, #tpu.memory_space<semaphore_mem>>) src(%arg8 : memref<1000x16xf32, #tpu.memory_space<vmem>>) dst(%dma_wait3A_48 : memref<10240x16xf32, #tpu.memory_space<vmem_shared>>)
        tpu.yield
      }) : () -> ()
      %add3A_12 = arith.constant 4000 : i32
      %add3A_13 = arith.addi %mul3A_4, %add3A_12 : i32
      "tpu.region"() ({
        %run_scoped3A = tpu.sem_alloc : memref<!tpu.dma_semaphore, #tpu.memory_space<semaphore_mem>>
        %dma_start3A = tpu.memref_slice %arg2[%add3A_13] : memref<320000xi32, #tpu.memory_space<hbm>> -> memref<1000xi32, #tpu.memory_space<hbm>>
        %dma_start3A_45 = tpu.memref_slice %arg2[%add3A_13] : memref<320000xi32, #tpu.memory_space<hbm>> -> memref<1000xi32, #tpu.memory_space<hbm>>
        tpu.enqueue_dma source(%dma_start3A_45 : memref<1000xi32, #tpu.memory_space<hbm>>) target(%arg7 : memref<1000xi32, #tpu.memory_space<vmem>>) target_semaphore(%run_scoped3A : memref<!tpu.dma_semaphore, #tpu.memory_space<semaphore_mem>>)
        %dma_wait3A = tpu.memref_slice %arg2[%add3A_13] : memref<320000xi32, #tpu.memory_space<hbm>> -> memref<1000xi32, #tpu.memory_space<hbm>>
        %dma_wait3A_46 = tpu.memref_slice %arg2[%add3A_13] : memref<320000xi32, #tpu.memory_space<hbm>> -> memref<1000xi32, #tpu.memory_space<hbm>>
        tpu.wait_dma2 semaphore(%run_scoped3A : memref<!tpu.dma_semaphore, #tpu.memory_space<semaphore_mem>>) src(%dma_wait3A_46 : memref<1000xi32, #tpu.memory_space<hbm>>) dst(%arg7 : memref<1000xi32, #tpu.memory_space<vmem>>)
        tpu.yield
      }) : () -> ()
      "tpu.region"() ({
        %run_scoped3A = tpu.sem_alloc : memref<!tpu.dma_semaphore, #tpu.memory_space<semaphore_mem>>
        %dma_start3A = arith.constant 0 : i32
        %dma_start3A_45 = arith.constant 0 : i32
        %dma_start3A_46 = tpu.memref_slice %arg6[%dma_start3A, %dma_start3A_45] : memref<10240x16xf32, #tpu.memory_space<vmem_shared>> -> memref<10240x16xf32, #tpu.memory_space<vmem_shared>>
        tpu.enqueue_indirect_dma source(%arg8 : memref<1000x16xf32, #tpu.memory_space<vmem>>) target(%dma_start3A_46 : memref<10240x16xf32, #tpu.memory_space<vmem_shared>>) offsets(%arg7 : memref<1000xi32, #tpu.memory_space<vmem>>) semaphore(%run_scoped3A : memref<!tpu.dma_semaphore, #tpu.memory_space<semaphore_mem>>) {add = true}
        %dma_wait3A = arith.constant 0 : i32
        %dma_wait3A_47 = arith.constant 0 : i32
        %dma_wait3A_48 = tpu.memref_slice %arg6[%dma_wait3A, %dma_wait3A_47] : memref<10240x16xf32, #tpu.memory_space<vmem_shared>> -> memref<10240x16xf32, #tpu.memory_space<vmem_shared>>
        tpu.wait_indirect_dma semaphore(%run_scoped3A : memref<!tpu.dma_semaphore, #tpu.memory_space<semaphore_mem>>) src(%arg8 : memref<1000x16xf32, #tpu.memory_space<vmem>>) dst(%dma_wait3A_48 : memref<10240x16xf32, #tpu.memory_space<vmem_shared>>)
        tpu.yield
      }) : () -> ()
      %add3A_14 = arith.constant 5000 : i32
      %add3A_15 = arith.addi %mul3A_4, %add3A_14 : i32
      "tpu.region"() ({
        %run_scoped3A = tpu.sem_alloc : memref<!tpu.dma_semaphore, #tpu.memory_space<semaphore_mem>>
        %dma_start3A = tpu.memref_slice %arg2[%add3A_15] : memref<320000xi32, #tpu.memory_space<hbm>> -> memref<1000xi32, #tpu.memory_space<hbm>>
        %dma_start3A_45 = tpu.memref_slice %arg2[%add3A_15] : memref<320000xi32, #tpu.memory_space<hbm>> -> memref<1000xi32, #tpu.memory_space<hbm>>
        tpu.enqueue_dma source(%dma_start3A_45 : memref<1000xi32, #tpu.memory_space<hbm>>) target(%arg7 : memref<1000xi32, #tpu.memory_space<vmem>>) target_semaphore(%run_scoped3A : memref<!tpu.dma_semaphore, #tpu.memory_space<semaphore_mem>>)
        %dma_wait3A = tpu.memref_slice %arg2[%add3A_15] : memref<320000xi32, #tpu.memory_space<hbm>> -> memref<1000xi32, #tpu.memory_space<hbm>>
        %dma_wait3A_46 = tpu.memref_slice %arg2[%add3A_15] : memref<320000xi32, #tpu.memory_space<hbm>> -> memref<1000xi32, #tpu.memory_space<hbm>>
        tpu.wait_dma2 semaphore(%run_scoped3A : memref<!tpu.dma_semaphore, #tpu.memory_space<semaphore_mem>>) src(%dma_wait3A_46 : memref<1000xi32, #tpu.memory_space<hbm>>) dst(%arg7 : memref<1000xi32, #tpu.memory_space<vmem>>)
        tpu.yield
      }) : () -> ()
      "tpu.region"() ({
        %run_scoped3A = tpu.sem_alloc : memref<!tpu.dma_semaphore, #tpu.memory_space<semaphore_mem>>
        %dma_start3A = arith.constant 0 : i32
        %dma_start3A_45 = arith.constant 0 : i32
        %dma_start3A_46 = tpu.memref_slice %arg6[%dma_start3A, %dma_start3A_45] : memref<10240x16xf32, #tpu.memory_space<vmem_shared>> -> memref<10240x16xf32, #tpu.memory_space<vmem_shared>>
        tpu.enqueue_indirect_dma source(%arg8 : memref<1000x16xf32, #tpu.memory_space<vmem>>) target(%dma_start3A_46 : memref<10240x16xf32, #tpu.memory_space<vmem_shared>>) offsets(%arg7 : memref<1000xi32, #tpu.memory_space<vmem>>) semaphore(%run_scoped3A : memref<!tpu.dma_semaphore, #tpu.memory_space<semaphore_mem>>) {add = true}
        %dma_wait3A = arith.constant 0 : i32
        %dma_wait3A_47 = arith.constant 0 : i32
        %dma_wait3A_48 = tpu.memref_slice %arg6[%dma_wait3A, %dma_wait3A_47] : memref<10240x16xf32, #tpu.memory_space<vmem_shared>> -> memref<10240x16xf32, #tpu.memory_space<vmem_shared>>
        tpu.wait_indirect_dma semaphore(%run_scoped3A : memref<!tpu.dma_semaphore, #tpu.memory_space<semaphore_mem>>) src(%arg8 : memref<1000x16xf32, #tpu.memory_space<vmem>>) dst(%dma_wait3A_48 : memref<10240x16xf32, #tpu.memory_space<vmem_shared>>)
        tpu.yield
      }) : () -> ()
      %add3A_16 = arith.constant 6000 : i32
      %add3A_17 = arith.addi %mul3A_4, %add3A_16 : i32
      "tpu.region"() ({
        %run_scoped3A = tpu.sem_alloc : memref<!tpu.dma_semaphore, #tpu.memory_space<semaphore_mem>>
        %dma_start3A = tpu.memref_slice %arg2[%add3A_17] : memref<320000xi32, #tpu.memory_space<hbm>> -> memref<1000xi32, #tpu.memory_space<hbm>>
        %dma_start3A_45 = tpu.memref_slice %arg2[%add3A_17] : memref<320000xi32, #tpu.memory_space<hbm>> -> memref<1000xi32, #tpu.memory_space<hbm>>
        tpu.enqueue_dma source(%dma_start3A_45 : memref<1000xi32, #tpu.memory_space<hbm>>) target(%arg7 : memref<1000xi32, #tpu.memory_space<vmem>>) target_semaphore(%run_scoped3A : memref<!tpu.dma_semaphore, #tpu.memory_space<semaphore_mem>>)
        %dma_wait3A = tpu.memref_slice %arg2[%add3A_17] : memref<320000xi32, #tpu.memory_space<hbm>> -> memref<1000xi32, #tpu.memory_space<hbm>>
        %dma_wait3A_46 = tpu.memref_slice %arg2[%add3A_17] : memref<320000xi32, #tpu.memory_space<hbm>> -> memref<1000xi32, #tpu.memory_space<hbm>>
        tpu.wait_dma2 semaphore(%run_scoped3A : memref<!tpu.dma_semaphore, #tpu.memory_space<semaphore_mem>>) src(%dma_wait3A_46 : memref<1000xi32, #tpu.memory_space<hbm>>) dst(%arg7 : memref<1000xi32, #tpu.memory_space<vmem>>)
        tpu.yield
      }) : () -> ()
      "tpu.region"() ({
        %run_scoped3A = tpu.sem_alloc : memref<!tpu.dma_semaphore, #tpu.memory_space<semaphore_mem>>
        %dma_start3A = arith.constant 0 : i32
        %dma_start3A_45 = arith.constant 0 : i32
        %dma_start3A_46 = tpu.memref_slice %arg6[%dma_start3A, %dma_start3A_45] : memref<10240x16xf32, #tpu.memory_space<vmem_shared>> -> memref<10240x16xf32, #tpu.memory_space<vmem_shared>>
        tpu.enqueue_indirect_dma source(%arg8 : memref<1000x16xf32, #tpu.memory_space<vmem>>) target(%dma_start3A_46 : memref<10240x16xf32, #tpu.memory_space<vmem_shared>>) offsets(%arg7 : memref<1000xi32, #tpu.memory_space<vmem>>) semaphore(%run_scoped3A : memref<!tpu.dma_semaphore, #tpu.memory_space<semaphore_mem>>) {add = true}
        %dma_wait3A = arith.constant 0 : i32
        %dma_wait3A_47 = arith.constant 0 : i32
        %dma_wait3A_48 = tpu.memref_slice %arg6[%dma_wait3A, %dma_wait3A_47] : memref<10240x16xf32, #tpu.memory_space<vmem_shared>> -> memref<10240x16xf32, #tpu.memory_space<vmem_shared>>
        tpu.wait_indirect_dma semaphore(%run_scoped3A : memref<!tpu.dma_semaphore, #tpu.memory_space<semaphore_mem>>) src(%arg8 : memref<1000x16xf32, #tpu.memory_space<vmem>>) dst(%dma_wait3A_48 : memref<10240x16xf32, #tpu.memory_space<vmem_shared>>)
        tpu.yield
      }) : () -> ()
      %add3A_18 = arith.constant 7000 : i32
      %add3A_19 = arith.addi %mul3A_4, %add3A_18 : i32
      "tpu.region"() ({
        %run_scoped3A = tpu.sem_alloc : memref<!tpu.dma_semaphore, #tpu.memory_space<semaphore_mem>>
        %dma_start3A = tpu.memref_slice %arg2[%add3A_19] : memref<320000xi32, #tpu.memory_space<hbm>> -> memref<1000xi32, #tpu.memory_space<hbm>>
        %dma_start3A_45 = tpu.memref_slice %arg2[%add3A_19] : memref<320000xi32, #tpu.memory_space<hbm>> -> memref<1000xi32, #tpu.memory_space<hbm>>
        tpu.enqueue_dma source(%dma_start3A_45 : memref<1000xi32, #tpu.memory_space<hbm>>) target(%arg7 : memref<1000xi32, #tpu.memory_space<vmem>>) target_semaphore(%run_scoped3A : memref<!tpu.dma_semaphore, #tpu.memory_space<semaphore_mem>>)
        %dma_wait3A = tpu.memref_slice %arg2[%add3A_19] : memref<320000xi32, #tpu.memory_space<hbm>> -> memref<1000xi32, #tpu.memory_space<hbm>>
        %dma_wait3A_46 = tpu.memref_slice %arg2[%add3A_19] : memref<320000xi32, #tpu.memory_space<hbm>> -> memref<1000xi32, #tpu.memory_space<hbm>>
        tpu.wait_dma2 semaphore(%run_scoped3A : memref<!tpu.dma_semaphore, #tpu.memory_space<semaphore_mem>>) src(%dma_wait3A_46 : memref<1000xi32, #tpu.memory_space<hbm>>) dst(%arg7 : memref<1000xi32, #tpu.memory_space<vmem>>)
        tpu.yield
      }) : () -> ()
      "tpu.region"() ({
        %run_scoped3A = tpu.sem_alloc : memref<!tpu.dma_semaphore, #tpu.memory_space<semaphore_mem>>
        %dma_start3A = arith.constant 0 : i32
        %dma_start3A_45 = arith.constant 0 : i32
        %dma_start3A_46 = tpu.memref_slice %arg6[%dma_start3A, %dma_start3A_45] : memref<10240x16xf32, #tpu.memory_space<vmem_shared>> -> memref<10240x16xf32, #tpu.memory_space<vmem_shared>>
        tpu.enqueue_indirect_dma source(%arg8 : memref<1000x16xf32, #tpu.memory_space<vmem>>) target(%dma_start3A_46 : memref<10240x16xf32, #tpu.memory_space<vmem_shared>>) offsets(%arg7 : memref<1000xi32, #tpu.memory_space<vmem>>) semaphore(%run_scoped3A : memref<!tpu.dma_semaphore, #tpu.memory_space<semaphore_mem>>) {add = true}
        %dma_wait3A = arith.constant 0 : i32
        %dma_wait3A_47 = arith.constant 0 : i32
        %dma_wait3A_48 = tpu.memref_slice %arg6[%dma_wait3A, %dma_wait3A_47] : memref<10240x16xf32, #tpu.memory_space<vmem_shared>> -> memref<10240x16xf32, #tpu.memory_space<vmem_shared>>
        tpu.wait_indirect_dma semaphore(%run_scoped3A : memref<!tpu.dma_semaphore, #tpu.memory_space<semaphore_mem>>) src(%arg8 : memref<1000x16xf32, #tpu.memory_space<vmem>>) dst(%dma_wait3A_48 : memref<10240x16xf32, #tpu.memory_space<vmem_shared>>)
        tpu.yield
      }) : () -> ()
      %add3A_20 = arith.constant 8000 : i32
      %add3A_21 = arith.addi %mul3A_4, %add3A_20 : i32
      "tpu.region"() ({
        %run_scoped3A = tpu.sem_alloc : memref<!tpu.dma_semaphore, #tpu.memory_space<semaphore_mem>>
        %dma_start3A = tpu.memref_slice %arg2[%add3A_21] : memref<320000xi32, #tpu.memory_space<hbm>> -> memref<1000xi32, #tpu.memory_space<hbm>>
        %dma_start3A_45 = tpu.memref_slice %arg2[%add3A_21] : memref<320000xi32, #tpu.memory_space<hbm>> -> memref<1000xi32, #tpu.memory_space<hbm>>
        tpu.enqueue_dma source(%dma_start3A_45 : memref<1000xi32, #tpu.memory_space<hbm>>) target(%arg7 : memref<1000xi32, #tpu.memory_space<vmem>>) target_semaphore(%run_scoped3A : memref<!tpu.dma_semaphore, #tpu.memory_space<semaphore_mem>>)
        %dma_wait3A = tpu.memref_slice %arg2[%add3A_21] : memref<320000xi32, #tpu.memory_space<hbm>> -> memref<1000xi32, #tpu.memory_space<hbm>>
        %dma_wait3A_46 = tpu.memref_slice %arg2[%add3A_21] : memref<320000xi32, #tpu.memory_space<hbm>> -> memref<1000xi32, #tpu.memory_space<hbm>>
        tpu.wait_dma2 semaphore(%run_scoped3A : memref<!tpu.dma_semaphore, #tpu.memory_space<semaphore_mem>>) src(%dma_wait3A_46 : memref<1000xi32, #tpu.memory_space<hbm>>) dst(%arg7 : memref<1000xi32, #tpu.memory_space<vmem>>)
        tpu.yield
      }) : () -> ()
      "tpu.region"() ({
        %run_scoped3A = tpu.sem_alloc : memref<!tpu.dma_semaphore, #tpu.memory_space<semaphore_mem>>
        %dma_start3A = arith.constant 0 : i32
        %dma_start3A_45 = arith.constant 0 : i32
        %dma_start3A_46 = tpu.memref_slice %arg6[%dma_start3A, %dma_start3A_45] : memref<10240x16xf32, #tpu.memory_space<vmem_shared>> -> memref<10240x16xf32, #tpu.memory_space<vmem_shared>>
        tpu.enqueue_indirect_dma source(%arg8 : memref<1000x16xf32, #tpu.memory_space<vmem>>) target(%dma_start3A_46 : memref<10240x16xf32, #tpu.memory_space<vmem_shared>>) offsets(%arg7 : memref<1000xi32, #tpu.memory_space<vmem>>) semaphore(%run_scoped3A : memref<!tpu.dma_semaphore, #tpu.memory_space<semaphore_mem>>) {add = true}
        %dma_wait3A = arith.constant 0 : i32
        %dma_wait3A_47 = arith.constant 0 : i32
        %dma_wait3A_48 = tpu.memref_slice %arg6[%dma_wait3A, %dma_wait3A_47] : memref<10240x16xf32, #tpu.memory_space<vmem_shared>> -> memref<10240x16xf32, #tpu.memory_space<vmem_shared>>
        tpu.wait_indirect_dma semaphore(%run_scoped3A : memref<!tpu.dma_semaphore, #tpu.memory_space<semaphore_mem>>) src(%arg8 : memref<1000x16xf32, #tpu.memory_space<vmem>>) dst(%dma_wait3A_48 : memref<10240x16xf32, #tpu.memory_space<vmem_shared>>)
        tpu.yield
      }) : () -> ()
      %add3A_22 = arith.constant 9000 : i32
      %add3A_23 = arith.addi %mul3A_4, %add3A_22 : i32
      "tpu.region"() ({
        %run_scoped3A = tpu.sem_alloc : memref<!tpu.dma_semaphore, #tpu.memory_space<semaphore_mem>>
        %dma_start3A = tpu.memref_slice %arg2[%add3A_23] : memref<320000xi32, #tpu.memory_space<hbm>> -> memref<1000xi32, #tpu.memory_space<hbm>>
        %dma_start3A_45 = tpu.memref_slice %arg2[%add3A_23] : memref<320000xi32, #tpu.memory_space<hbm>> -> memref<1000xi32, #tpu.memory_space<hbm>>
        tpu.enqueue_dma source(%dma_start3A_45 : memref<1000xi32, #tpu.memory_space<hbm>>) target(%arg7 : memref<1000xi32, #tpu.memory_space<vmem>>) target_semaphore(%run_scoped3A : memref<!tpu.dma_semaphore, #tpu.memory_space<semaphore_mem>>)
        %dma_wait3A = tpu.memref_slice %arg2[%add3A_23] : memref<320000xi32, #tpu.memory_space<hbm>> -> memref<1000xi32, #tpu.memory_space<hbm>>
        %dma_wait3A_46 = tpu.memref_slice %arg2[%add3A_23] : memref<320000xi32, #tpu.memory_space<hbm>> -> memref<1000xi32, #tpu.memory_space<hbm>>
        tpu.wait_dma2 semaphore(%run_scoped3A : memref<!tpu.dma_semaphore, #tpu.memory_space<semaphore_mem>>) src(%dma_wait3A_46 : memref<1000xi32, #tpu.memory_space<hbm>>) dst(%arg7 : memref<1000xi32, #tpu.memory_space<vmem>>)
        tpu.yield
      }) : () -> ()
      "tpu.region"() ({
        %run_scoped3A = tpu.sem_alloc : memref<!tpu.dma_semaphore, #tpu.memory_space<semaphore_mem>>
        %dma_start3A = arith.constant 0 : i32
        %dma_start3A_45 = arith.constant 0 : i32
        %dma_start3A_46 = tpu.memref_slice %arg6[%dma_start3A, %dma_start3A_45] : memref<10240x16xf32, #tpu.memory_space<vmem_shared>> -> memref<10240x16xf32, #tpu.memory_space<vmem_shared>>
        tpu.enqueue_indirect_dma source(%arg8 : memref<1000x16xf32, #tpu.memory_space<vmem>>) target(%dma_start3A_46 : memref<10240x16xf32, #tpu.memory_space<vmem_shared>>) offsets(%arg7 : memref<1000xi32, #tpu.memory_space<vmem>>) semaphore(%run_scoped3A : memref<!tpu.dma_semaphore, #tpu.memory_space<semaphore_mem>>) {add = true}
        %dma_wait3A = arith.constant 0 : i32
        %dma_wait3A_47 = arith.constant 0 : i32
        %dma_wait3A_48 = tpu.memref_slice %arg6[%dma_wait3A, %dma_wait3A_47] : memref<10240x16xf32, #tpu.memory_space<vmem_shared>> -> memref<10240x16xf32, #tpu.memory_space<vmem_shared>>
        tpu.wait_indirect_dma semaphore(%run_scoped3A : memref<!tpu.dma_semaphore, #tpu.memory_space<semaphore_mem>>) src(%arg8 : memref<1000x16xf32, #tpu.memory_space<vmem>>) dst(%dma_wait3A_48 : memref<10240x16xf32, #tpu.memory_space<vmem_shared>>)
        tpu.yield
      }) : () -> ()
      %add3A_24 = arith.constant 10000 : i32
      %add3A_25 = arith.addi %mul3A_4, %add3A_24 : i32
      "tpu.region"() ({
        %run_scoped3A = tpu.sem_alloc : memref<!tpu.dma_semaphore, #tpu.memory_space<semaphore_mem>>
        %dma_start3A = tpu.memref_slice %arg2[%add3A_25] : memref<320000xi32, #tpu.memory_space<hbm>> -> memref<1000xi32, #tpu.memory_space<hbm>>
        %dma_start3A_45 = tpu.memref_slice %arg2[%add3A_25] : memref<320000xi32, #tpu.memory_space<hbm>> -> memref<1000xi32, #tpu.memory_space<hbm>>
        tpu.enqueue_dma source(%dma_start3A_45 : memref<1000xi32, #tpu.memory_space<hbm>>) target(%arg7 : memref<1000xi32, #tpu.memory_space<vmem>>) target_semaphore(%run_scoped3A : memref<!tpu.dma_semaphore, #tpu.memory_space<semaphore_mem>>)
        %dma_wait3A = tpu.memref_slice %arg2[%add3A_25] : memref<320000xi32, #tpu.memory_space<hbm>> -> memref<1000xi32, #tpu.memory_space<hbm>>
        %dma_wait3A_46 = tpu.memref_slice %arg2[%add3A_25] : memref<320000xi32, #tpu.memory_space<hbm>> -> memref<1000xi32, #tpu.memory_space<hbm>>
        tpu.wait_dma2 semaphore(%run_scoped3A : memref<!tpu.dma_semaphore, #tpu.memory_space<semaphore_mem>>) src(%dma_wait3A_46 : memref<1000xi32, #tpu.memory_space<hbm>>) dst(%arg7 : memref<1000xi32, #tpu.memory_space<vmem>>)
        tpu.yield
      }) : () -> ()
      "tpu.region"() ({
        %run_scoped3A = tpu.sem_alloc : memref<!tpu.dma_semaphore, #tpu.memory_space<semaphore_mem>>
        %dma_start3A = arith.constant 0 : i32
        %dma_start3A_45 = arith.constant 0 : i32
        %dma_start3A_46 = tpu.memref_slice %arg6[%dma_start3A, %dma_start3A_45] : memref<10240x16xf32, #tpu.memory_space<vmem_shared>> -> memref<10240x16xf32, #tpu.memory_space<vmem_shared>>
        tpu.enqueue_indirect_dma source(%arg8 : memref<1000x16xf32, #tpu.memory_space<vmem>>) target(%dma_start3A_46 : memref<10240x16xf32, #tpu.memory_space<vmem_shared>>) offsets(%arg7 : memref<1000xi32, #tpu.memory_space<vmem>>) semaphore(%run_scoped3A : memref<!tpu.dma_semaphore, #tpu.memory_space<semaphore_mem>>) {add = true}
        %dma_wait3A = arith.constant 0 : i32
        %dma_wait3A_47 = arith.constant 0 : i32
        %dma_wait3A_48 = tpu.memref_slice %arg6[%dma_wait3A, %dma_wait3A_47] : memref<10240x16xf32, #tpu.memory_space<vmem_shared>> -> memref<10240x16xf32, #tpu.memory_space<vmem_shared>>
        tpu.wait_indirect_dma semaphore(%run_scoped3A : memref<!tpu.dma_semaphore, #tpu.memory_space<semaphore_mem>>) src(%arg8 : memref<1000x16xf32, #tpu.memory_space<vmem>>) dst(%dma_wait3A_48 : memref<10240x16xf32, #tpu.memory_space<vmem_shared>>)
        tpu.yield
      }) : () -> ()
      %add3A_26 = arith.constant 11000 : i32
      %add3A_27 = arith.addi %mul3A_4, %add3A_26 : i32
      "tpu.region"() ({
        %run_scoped3A = tpu.sem_alloc : memref<!tpu.dma_semaphore, #tpu.memory_space<semaphore_mem>>
        %dma_start3A = tpu.memref_slice %arg2[%add3A_27] : memref<320000xi32, #tpu.memory_space<hbm>> -> memref<1000xi32, #tpu.memory_space<hbm>>
        %dma_start3A_45 = tpu.memref_slice %arg2[%add3A_27] : memref<320000xi32, #tpu.memory_space<hbm>> -> memref<1000xi32, #tpu.memory_space<hbm>>
        tpu.enqueue_dma source(%dma_start3A_45 : memref<1000xi32, #tpu.memory_space<hbm>>) target(%arg7 : memref<1000xi32, #tpu.memory_space<vmem>>) target_semaphore(%run_scoped3A : memref<!tpu.dma_semaphore, #tpu.memory_space<semaphore_mem>>)
        %dma_wait3A = tpu.memref_slice %arg2[%add3A_27] : memref<320000xi32, #tpu.memory_space<hbm>> -> memref<1000xi32, #tpu.memory_space<hbm>>
        %dma_wait3A_46 = tpu.memref_slice %arg2[%add3A_27] : memref<320000xi32, #tpu.memory_space<hbm>> -> memref<1000xi32, #tpu.memory_space<hbm>>
        tpu.wait_dma2 semaphore(%run_scoped3A : memref<!tpu.dma_semaphore, #tpu.memory_space<semaphore_mem>>) src(%dma_wait3A_46 : memref<1000xi32, #tpu.memory_space<hbm>>) dst(%arg7 : memref<1000xi32, #tpu.memory_space<vmem>>)
        tpu.yield
      }) : () -> ()
      "tpu.region"() ({
        %run_scoped3A = tpu.sem_alloc : memref<!tpu.dma_semaphore, #tpu.memory_space<semaphore_mem>>
        %dma_start3A = arith.constant 0 : i32
        %dma_start3A_45 = arith.constant 0 : i32
        %dma_start3A_46 = tpu.memref_slice %arg6[%dma_start3A, %dma_start3A_45] : memref<10240x16xf32, #tpu.memory_space<vmem_shared>> -> memref<10240x16xf32, #tpu.memory_space<vmem_shared>>
        tpu.enqueue_indirect_dma source(%arg8 : memref<1000x16xf32, #tpu.memory_space<vmem>>) target(%dma_start3A_46 : memref<10240x16xf32, #tpu.memory_space<vmem_shared>>) offsets(%arg7 : memref<1000xi32, #tpu.memory_space<vmem>>) semaphore(%run_scoped3A : memref<!tpu.dma_semaphore, #tpu.memory_space<semaphore_mem>>) {add = true}
        %dma_wait3A = arith.constant 0 : i32
        %dma_wait3A_47 = arith.constant 0 : i32
        %dma_wait3A_48 = tpu.memref_slice %arg6[%dma_wait3A, %dma_wait3A_47] : memref<10240x16xf32, #tpu.memory_space<vmem_shared>> -> memref<10240x16xf32, #tpu.memory_space<vmem_shared>>
        tpu.wait_indirect_dma semaphore(%run_scoped3A : memref<!tpu.dma_semaphore, #tpu.memory_space<semaphore_mem>>) src(%arg8 : memref<1000x16xf32, #tpu.memory_space<vmem>>) dst(%dma_wait3A_48 : memref<10240x16xf32, #tpu.memory_space<vmem_shared>>)
        tpu.yield
      }) : () -> ()
      %add3A_28 = arith.constant 12000 : i32
      %add3A_29 = arith.addi %mul3A_4, %add3A_28 : i32
      "tpu.region"() ({
        %run_scoped3A = tpu.sem_alloc : memref<!tpu.dma_semaphore, #tpu.memory_space<semaphore_mem>>
        %dma_start3A = tpu.memref_slice %arg2[%add3A_29] : memref<320000xi32, #tpu.memory_space<hbm>> -> memref<1000xi32, #tpu.memory_space<hbm>>
        %dma_start3A_45 = tpu.memref_slice %arg2[%add3A_29] : memref<320000xi32, #tpu.memory_space<hbm>> -> memref<1000xi32, #tpu.memory_space<hbm>>
        tpu.enqueue_dma source(%dma_start3A_45 : memref<1000xi32, #tpu.memory_space<hbm>>) target(%arg7 : memref<1000xi32, #tpu.memory_space<vmem>>) target_semaphore(%run_scoped3A : memref<!tpu.dma_semaphore, #tpu.memory_space<semaphore_mem>>)
        %dma_wait3A = tpu.memref_slice %arg2[%add3A_29] : memref<320000xi32, #tpu.memory_space<hbm>> -> memref<1000xi32, #tpu.memory_space<hbm>>
        %dma_wait3A_46 = tpu.memref_slice %arg2[%add3A_29] : memref<320000xi32, #tpu.memory_space<hbm>> -> memref<1000xi32, #tpu.memory_space<hbm>>
        tpu.wait_dma2 semaphore(%run_scoped3A : memref<!tpu.dma_semaphore, #tpu.memory_space<semaphore_mem>>) src(%dma_wait3A_46 : memref<1000xi32, #tpu.memory_space<hbm>>) dst(%arg7 : memref<1000xi32, #tpu.memory_space<vmem>>)
        tpu.yield
      }) : () -> ()
      "tpu.region"() ({
        %run_scoped3A = tpu.sem_alloc : memref<!tpu.dma_semaphore, #tpu.memory_space<semaphore_mem>>
        %dma_start3A = arith.constant 0 : i32
        %dma_start3A_45 = arith.constant 0 : i32
        %dma_start3A_46 = tpu.memref_slice %arg6[%dma_start3A, %dma_start3A_45] : memref<10240x16xf32, #tpu.memory_space<vmem_shared>> -> memref<10240x16xf32, #tpu.memory_space<vmem_shared>>
        tpu.enqueue_indirect_dma source(%arg8 : memref<1000x16xf32, #tpu.memory_space<vmem>>) target(%dma_start3A_46 : memref<10240x16xf32, #tpu.memory_space<vmem_shared>>) offsets(%arg7 : memref<1000xi32, #tpu.memory_space<vmem>>) semaphore(%run_scoped3A : memref<!tpu.dma_semaphore, #tpu.memory_space<semaphore_mem>>) {add = true}
        %dma_wait3A = arith.constant 0 : i32
        %dma_wait3A_47 = arith.constant 0 : i32
        %dma_wait3A_48 = tpu.memref_slice %arg6[%dma_wait3A, %dma_wait3A_47] : memref<10240x16xf32, #tpu.memory_space<vmem_shared>> -> memref<10240x16xf32, #tpu.memory_space<vmem_shared>>
        tpu.wait_indirect_dma semaphore(%run_scoped3A : memref<!tpu.dma_semaphore, #tpu.memory_space<semaphore_mem>>) src(%arg8 : memref<1000x16xf32, #tpu.memory_space<vmem>>) dst(%dma_wait3A_48 : memref<10240x16xf32, #tpu.memory_space<vmem_shared>>)
        tpu.yield
      }) : () -> ()
      %add3A_30 = arith.constant 13000 : i32
      %add3A_31 = arith.addi %mul3A_4, %add3A_30 : i32
      "tpu.region"() ({
        %run_scoped3A = tpu.sem_alloc : memref<!tpu.dma_semaphore, #tpu.memory_space<semaphore_mem>>
        %dma_start3A = tpu.memref_slice %arg2[%add3A_31] : memref<320000xi32, #tpu.memory_space<hbm>> -> memref<1000xi32, #tpu.memory_space<hbm>>
        %dma_start3A_45 = tpu.memref_slice %arg2[%add3A_31] : memref<320000xi32, #tpu.memory_space<hbm>> -> memref<1000xi32, #tpu.memory_space<hbm>>
        tpu.enqueue_dma source(%dma_start3A_45 : memref<1000xi32, #tpu.memory_space<hbm>>) target(%arg7 : memref<1000xi32, #tpu.memory_space<vmem>>) target_semaphore(%run_scoped3A : memref<!tpu.dma_semaphore, #tpu.memory_space<semaphore_mem>>)
        %dma_wait3A = tpu.memref_slice %arg2[%add3A_31] : memref<320000xi32, #tpu.memory_space<hbm>> -> memref<1000xi32, #tpu.memory_space<hbm>>
        %dma_wait3A_46 = tpu.memref_slice %arg2[%add3A_31] : memref<320000xi32, #tpu.memory_space<hbm>> -> memref<1000xi32, #tpu.memory_space<hbm>>
        tpu.wait_dma2 semaphore(%run_scoped3A : memref<!tpu.dma_semaphore, #tpu.memory_space<semaphore_mem>>) src(%dma_wait3A_46 : memref<1000xi32, #tpu.memory_space<hbm>>) dst(%arg7 : memref<1000xi32, #tpu.memory_space<vmem>>)
        tpu.yield
      }) : () -> ()
      "tpu.region"() ({
        %run_scoped3A = tpu.sem_alloc : memref<!tpu.dma_semaphore, #tpu.memory_space<semaphore_mem>>
        %dma_start3A = arith.constant 0 : i32
        %dma_start3A_45 = arith.constant 0 : i32
        %dma_start3A_46 = tpu.memref_slice %arg6[%dma_start3A, %dma_start3A_45] : memref<10240x16xf32, #tpu.memory_space<vmem_shared>> -> memref<10240x16xf32, #tpu.memory_space<vmem_shared>>
        tpu.enqueue_indirect_dma source(%arg8 : memref<1000x16xf32, #tpu.memory_space<vmem>>) target(%dma_start3A_46 : memref<10240x16xf32, #tpu.memory_space<vmem_shared>>) offsets(%arg7 : memref<1000xi32, #tpu.memory_space<vmem>>) semaphore(%run_scoped3A : memref<!tpu.dma_semaphore, #tpu.memory_space<semaphore_mem>>) {add = true}
        %dma_wait3A = arith.constant 0 : i32
        %dma_wait3A_47 = arith.constant 0 : i32
        %dma_wait3A_48 = tpu.memref_slice %arg6[%dma_wait3A, %dma_wait3A_47] : memref<10240x16xf32, #tpu.memory_space<vmem_shared>> -> memref<10240x16xf32, #tpu.memory_space<vmem_shared>>
        tpu.wait_indirect_dma semaphore(%run_scoped3A : memref<!tpu.dma_semaphore, #tpu.memory_space<semaphore_mem>>) src(%arg8 : memref<1000x16xf32, #tpu.memory_space<vmem>>) dst(%dma_wait3A_48 : memref<10240x16xf32, #tpu.memory_space<vmem_shared>>)
        tpu.yield
      }) : () -> ()
      %add3A_32 = arith.constant 14000 : i32
      %add3A_33 = arith.addi %mul3A_4, %add3A_32 : i32
      "tpu.region"() ({
        %run_scoped3A = tpu.sem_alloc : memref<!tpu.dma_semaphore, #tpu.memory_space<semaphore_mem>>
        %dma_start3A = tpu.memref_slice %arg2[%add3A_33] : memref<320000xi32, #tpu.memory_space<hbm>> -> memref<1000xi32, #tpu.memory_space<hbm>>
        %dma_start3A_45 = tpu.memref_slice %arg2[%add3A_33] : memref<320000xi32, #tpu.memory_space<hbm>> -> memref<1000xi32, #tpu.memory_space<hbm>>
        tpu.enqueue_dma source(%dma_start3A_45 : memref<1000xi32, #tpu.memory_space<hbm>>) target(%arg7 : memref<1000xi32, #tpu.memory_space<vmem>>) target_semaphore(%run_scoped3A : memref<!tpu.dma_semaphore, #tpu.memory_space<semaphore_mem>>)
        %dma_wait3A = tpu.memref_slice %arg2[%add3A_33] : memref<320000xi32, #tpu.memory_space<hbm>> -> memref<1000xi32, #tpu.memory_space<hbm>>
        %dma_wait3A_46 = tpu.memref_slice %arg2[%add3A_33] : memref<320000xi32, #tpu.memory_space<hbm>> -> memref<1000xi32, #tpu.memory_space<hbm>>
        tpu.wait_dma2 semaphore(%run_scoped3A : memref<!tpu.dma_semaphore, #tpu.memory_space<semaphore_mem>>) src(%dma_wait3A_46 : memref<1000xi32, #tpu.memory_space<hbm>>) dst(%arg7 : memref<1000xi32, #tpu.memory_space<vmem>>)
        tpu.yield
      }) : () -> ()
      "tpu.region"() ({
        %run_scoped3A = tpu.sem_alloc : memref<!tpu.dma_semaphore, #tpu.memory_space<semaphore_mem>>
        %dma_start3A = arith.constant 0 : i32
        %dma_start3A_45 = arith.constant 0 : i32
        %dma_start3A_46 = tpu.memref_slice %arg6[%dma_start3A, %dma_start3A_45] : memref<10240x16xf32, #tpu.memory_space<vmem_shared>> -> memref<10240x16xf32, #tpu.memory_space<vmem_shared>>
        tpu.enqueue_indirect_dma source(%arg8 : memref<1000x16xf32, #tpu.memory_space<vmem>>) target(%dma_start3A_46 : memref<10240x16xf32, #tpu.memory_space<vmem_shared>>) offsets(%arg7 : memref<1000xi32, #tpu.memory_space<vmem>>) semaphore(%run_scoped3A : memref<!tpu.dma_semaphore, #tpu.memory_space<semaphore_mem>>) {add = true}
        %dma_wait3A = arith.constant 0 : i32
        %dma_wait3A_47 = arith.constant 0 : i32
        %dma_wait3A_48 = tpu.memref_slice %arg6[%dma_wait3A, %dma_wait3A_47] : memref<10240x16xf32, #tpu.memory_space<vmem_shared>> -> memref<10240x16xf32, #tpu.memory_space<vmem_shared>>
        tpu.wait_indirect_dma semaphore(%run_scoped3A : memref<!tpu.dma_semaphore, #tpu.memory_space<semaphore_mem>>) src(%arg8 : memref<1000x16xf32, #tpu.memory_space<vmem>>) dst(%dma_wait3A_48 : memref<10240x16xf32, #tpu.memory_space<vmem_shared>>)
        tpu.yield
      }) : () -> ()
      %add3A_34 = arith.constant 15000 : i32
      %add3A_35 = arith.addi %mul3A_4, %add3A_34 : i32
      "tpu.region"() ({
        %run_scoped3A = tpu.sem_alloc : memref<!tpu.dma_semaphore, #tpu.memory_space<semaphore_mem>>
        %dma_start3A = tpu.memref_slice %arg2[%add3A_35] : memref<320000xi32, #tpu.memory_space<hbm>> -> memref<1000xi32, #tpu.memory_space<hbm>>
        %dma_start3A_45 = tpu.memref_slice %arg2[%add3A_35] : memref<320000xi32, #tpu.memory_space<hbm>> -> memref<1000xi32, #tpu.memory_space<hbm>>
        tpu.enqueue_dma source(%dma_start3A_45 : memref<1000xi32, #tpu.memory_space<hbm>>) target(%arg7 : memref<1000xi32, #tpu.memory_space<vmem>>) target_semaphore(%run_scoped3A : memref<!tpu.dma_semaphore, #tpu.memory_space<semaphore_mem>>)
        %dma_wait3A = tpu.memref_slice %arg2[%add3A_35] : memref<320000xi32, #tpu.memory_space<hbm>> -> memref<1000xi32, #tpu.memory_space<hbm>>
        %dma_wait3A_46 = tpu.memref_slice %arg2[%add3A_35] : memref<320000xi32, #tpu.memory_space<hbm>> -> memref<1000xi32, #tpu.memory_space<hbm>>
        tpu.wait_dma2 semaphore(%run_scoped3A : memref<!tpu.dma_semaphore, #tpu.memory_space<semaphore_mem>>) src(%dma_wait3A_46 : memref<1000xi32, #tpu.memory_space<hbm>>) dst(%arg7 : memref<1000xi32, #tpu.memory_space<vmem>>)
        tpu.yield
      }) : () -> ()
      "tpu.region"() ({
        %run_scoped3A = tpu.sem_alloc : memref<!tpu.dma_semaphore, #tpu.memory_space<semaphore_mem>>
        %dma_start3A = arith.constant 0 : i32
        %dma_start3A_45 = arith.constant 0 : i32
        %dma_start3A_46 = tpu.memref_slice %arg6[%dma_start3A, %dma_start3A_45] : memref<10240x16xf32, #tpu.memory_space<vmem_shared>> -> memref<10240x16xf32, #tpu.memory_space<vmem_shared>>
        tpu.enqueue_indirect_dma source(%arg8 : memref<1000x16xf32, #tpu.memory_space<vmem>>) target(%dma_start3A_46 : memref<10240x16xf32, #tpu.memory_space<vmem_shared>>) offsets(%arg7 : memref<1000xi32, #tpu.memory_space<vmem>>) semaphore(%run_scoped3A : memref<!tpu.dma_semaphore, #tpu.memory_space<semaphore_mem>>) {add = true}
        %dma_wait3A = arith.constant 0 : i32
        %dma_wait3A_47 = arith.constant 0 : i32
        %dma_wait3A_48 = tpu.memref_slice %arg6[%dma_wait3A, %dma_wait3A_47] : memref<10240x16xf32, #tpu.memory_space<vmem_shared>> -> memref<10240x16xf32, #tpu.memory_space<vmem_shared>>
        tpu.wait_indirect_dma semaphore(%run_scoped3A : memref<!tpu.dma_semaphore, #tpu.memory_space<semaphore_mem>>) src(%arg8 : memref<1000x16xf32, #tpu.memory_space<vmem>>) dst(%dma_wait3A_48 : memref<10240x16xf32, #tpu.memory_space<vmem_shared>>)
        tpu.yield
      }) : () -> ()
      %add3A_36 = arith.constant 16000 : i32
      %add3A_37 = arith.addi %mul3A_4, %add3A_36 : i32
      "tpu.region"() ({
        %run_scoped3A = tpu.sem_alloc : memref<!tpu.dma_semaphore, #tpu.memory_space<semaphore_mem>>
        %dma_start3A = tpu.memref_slice %arg2[%add3A_37] : memref<320000xi32, #tpu.memory_space<hbm>> -> memref<1000xi32, #tpu.memory_space<hbm>>
        %dma_start3A_45 = tpu.memref_slice %arg2[%add3A_37] : memref<320000xi32, #tpu.memory_space<hbm>> -> memref<1000xi32, #tpu.memory_space<hbm>>
        tpu.enqueue_dma source(%dma_start3A_45 : memref<1000xi32, #tpu.memory_space<hbm>>) target(%arg7 : memref<1000xi32, #tpu.memory_space<vmem>>) target_semaphore(%run_scoped3A : memref<!tpu.dma_semaphore, #tpu.memory_space<semaphore_mem>>)
        %dma_wait3A = tpu.memref_slice %arg2[%add3A_37] : memref<320000xi32, #tpu.memory_space<hbm>> -> memref<1000xi32, #tpu.memory_space<hbm>>
        %dma_wait3A_46 = tpu.memref_slice %arg2[%add3A_37] : memref<320000xi32, #tpu.memory_space<hbm>> -> memref<1000xi32, #tpu.memory_space<hbm>>
        tpu.wait_dma2 semaphore(%run_scoped3A : memref<!tpu.dma_semaphore, #tpu.memory_space<semaphore_mem>>) src(%dma_wait3A_46 : memref<1000xi32, #tpu.memory_space<hbm>>) dst(%arg7 : memref<1000xi32, #tpu.memory_space<vmem>>)
        tpu.yield
      }) : () -> ()
      "tpu.region"() ({
        %run_scoped3A = tpu.sem_alloc : memref<!tpu.dma_semaphore, #tpu.memory_space<semaphore_mem>>
        %dma_start3A = arith.constant 0 : i32
        %dma_start3A_45 = arith.constant 0 : i32
        %dma_start3A_46 = tpu.memref_slice %arg6[%dma_start3A, %dma_start3A_45] : memref<10240x16xf32, #tpu.memory_space<vmem_shared>> -> memref<10240x16xf32, #tpu.memory_space<vmem_shared>>
        tpu.enqueue_indirect_dma source(%arg8 : memref<1000x16xf32, #tpu.memory_space<vmem>>) target(%dma_start3A_46 : memref<10240x16xf32, #tpu.memory_space<vmem_shared>>) offsets(%arg7 : memref<1000xi32, #tpu.memory_space<vmem>>) semaphore(%run_scoped3A : memref<!tpu.dma_semaphore, #tpu.memory_space<semaphore_mem>>) {add = true}
        %dma_wait3A = arith.constant 0 : i32
        %dma_wait3A_47 = arith.constant 0 : i32
        %dma_wait3A_48 = tpu.memref_slice %arg6[%dma_wait3A, %dma_wait3A_47] : memref<10240x16xf32, #tpu.memory_space<vmem_shared>> -> memref<10240x16xf32, #tpu.memory_space<vmem_shared>>
        tpu.wait_indirect_dma semaphore(%run_scoped3A : memref<!tpu.dma_semaphore, #tpu.memory_space<semaphore_mem>>) src(%arg8 : memref<1000x16xf32, #tpu.memory_space<vmem>>) dst(%dma_wait3A_48 : memref<10240x16xf32, #tpu.memory_space<vmem_shared>>)
        tpu.yield
      }) : () -> ()
      %add3A_38 = arith.constant 17000 : i32
      %add3A_39 = arith.addi %mul3A_4, %add3A_38 : i32
      "tpu.region"() ({
        %run_scoped3A = tpu.sem_alloc : memref<!tpu.dma_semaphore, #tpu.memory_space<semaphore_mem>>
        %dma_start3A = tpu.memref_slice %arg2[%add3A_39] : memref<320000xi32, #tpu.memory_space<hbm>> -> memref<1000xi32, #tpu.memory_space<hbm>>
        %dma_start3A_45 = tpu.memref_slice %arg2[%add3A_39] : memref<320000xi32, #tpu.memory_space<hbm>> -> memref<1000xi32, #tpu.memory_space<hbm>>
        tpu.enqueue_dma source(%dma_start3A_45 : memref<1000xi32, #tpu.memory_space<hbm>>) target(%arg7 : memref<1000xi32, #tpu.memory_space<vmem>>) target_semaphore(%run_scoped3A : memref<!tpu.dma_semaphore, #tpu.memory_space<semaphore_mem>>)
        %dma_wait3A = tpu.memref_slice %arg2[%add3A_39] : memref<320000xi32, #tpu.memory_space<hbm>> -> memref<1000xi32, #tpu.memory_space<hbm>>
        %dma_wait3A_46 = tpu.memref_slice %arg2[%add3A_39] : memref<320000xi32, #tpu.memory_space<hbm>> -> memref<1000xi32, #tpu.memory_space<hbm>>
        tpu.wait_dma2 semaphore(%run_scoped3A : memref<!tpu.dma_semaphore, #tpu.memory_space<semaphore_mem>>) src(%dma_wait3A_46 : memref<1000xi32, #tpu.memory_space<hbm>>) dst(%arg7 : memref<1000xi32, #tpu.memory_space<vmem>>)
        tpu.yield
      }) : () -> ()
      "tpu.region"() ({
        %run_scoped3A = tpu.sem_alloc : memref<!tpu.dma_semaphore, #tpu.memory_space<semaphore_mem>>
        %dma_start3A = arith.constant 0 : i32
        %dma_start3A_45 = arith.constant 0 : i32
        %dma_start3A_46 = tpu.memref_slice %arg6[%dma_start3A, %dma_start3A_45] : memref<10240x16xf32, #tpu.memory_space<vmem_shared>> -> memref<10240x16xf32, #tpu.memory_space<vmem_shared>>
        tpu.enqueue_indirect_dma source(%arg8 : memref<1000x16xf32, #tpu.memory_space<vmem>>) target(%dma_start3A_46 : memref<10240x16xf32, #tpu.memory_space<vmem_shared>>) offsets(%arg7 : memref<1000xi32, #tpu.memory_space<vmem>>) semaphore(%run_scoped3A : memref<!tpu.dma_semaphore, #tpu.memory_space<semaphore_mem>>) {add = true}
        %dma_wait3A = arith.constant 0 : i32
        %dma_wait3A_47 = arith.constant 0 : i32
        %dma_wait3A_48 = tpu.memref_slice %arg6[%dma_wait3A, %dma_wait3A_47] : memref<10240x16xf32, #tpu.memory_space<vmem_shared>> -> memref<10240x16xf32, #tpu.memory_space<vmem_shared>>
        tpu.wait_indirect_dma semaphore(%run_scoped3A : memref<!tpu.dma_semaphore, #tpu.memory_space<semaphore_mem>>) src(%arg8 : memref<1000x16xf32, #tpu.memory_space<vmem>>) dst(%dma_wait3A_48 : memref<10240x16xf32, #tpu.memory_space<vmem_shared>>)
        tpu.yield
      }) : () -> ()
      %add3A_40 = arith.constant 18000 : i32
      %add3A_41 = arith.addi %mul3A_4, %add3A_40 : i32
      "tpu.region"() ({
        %run_scoped3A = tpu.sem_alloc : memref<!tpu.dma_semaphore, #tpu.memory_space<semaphore_mem>>
        %dma_start3A = tpu.memref_slice %arg2[%add3A_41] : memref<320000xi32, #tpu.memory_space<hbm>> -> memref<1000xi32, #tpu.memory_space<hbm>>
        %dma_start3A_45 = tpu.memref_slice %arg2[%add3A_41] : memref<320000xi32, #tpu.memory_space<hbm>> -> memref<1000xi32, #tpu.memory_space<hbm>>
        tpu.enqueue_dma source(%dma_start3A_45 : memref<1000xi32, #tpu.memory_space<hbm>>) target(%arg7 : memref<1000xi32, #tpu.memory_space<vmem>>) target_semaphore(%run_scoped3A : memref<!tpu.dma_semaphore, #tpu.memory_space<semaphore_mem>>)
        %dma_wait3A = tpu.memref_slice %arg2[%add3A_41] : memref<320000xi32, #tpu.memory_space<hbm>> -> memref<1000xi32, #tpu.memory_space<hbm>>
        %dma_wait3A_46 = tpu.memref_slice %arg2[%add3A_41] : memref<320000xi32, #tpu.memory_space<hbm>> -> memref<1000xi32, #tpu.memory_space<hbm>>
        tpu.wait_dma2 semaphore(%run_scoped3A : memref<!tpu.dma_semaphore, #tpu.memory_space<semaphore_mem>>) src(%dma_wait3A_46 : memref<1000xi32, #tpu.memory_space<hbm>>) dst(%arg7 : memref<1000xi32, #tpu.memory_space<vmem>>)
        tpu.yield
      }) : () -> ()
      "tpu.region"() ({
        %run_scoped3A = tpu.sem_alloc : memref<!tpu.dma_semaphore, #tpu.memory_space<semaphore_mem>>
        %dma_start3A = arith.constant 0 : i32
        %dma_start3A_45 = arith.constant 0 : i32
        %dma_start3A_46 = tpu.memref_slice %arg6[%dma_start3A, %dma_start3A_45] : memref<10240x16xf32, #tpu.memory_space<vmem_shared>> -> memref<10240x16xf32, #tpu.memory_space<vmem_shared>>
        tpu.enqueue_indirect_dma source(%arg8 : memref<1000x16xf32, #tpu.memory_space<vmem>>) target(%dma_start3A_46 : memref<10240x16xf32, #tpu.memory_space<vmem_shared>>) offsets(%arg7 : memref<1000xi32, #tpu.memory_space<vmem>>) semaphore(%run_scoped3A : memref<!tpu.dma_semaphore, #tpu.memory_space<semaphore_mem>>) {add = true}
        %dma_wait3A = arith.constant 0 : i32
        %dma_wait3A_47 = arith.constant 0 : i32
        %dma_wait3A_48 = tpu.memref_slice %arg6[%dma_wait3A, %dma_wait3A_47] : memref<10240x16xf32, #tpu.memory_space<vmem_shared>> -> memref<10240x16xf32, #tpu.memory_space<vmem_shared>>
        tpu.wait_indirect_dma semaphore(%run_scoped3A : memref<!tpu.dma_semaphore, #tpu.memory_space<semaphore_mem>>) src(%arg8 : memref<1000x16xf32, #tpu.memory_space<vmem>>) dst(%dma_wait3A_48 : memref<10240x16xf32, #tpu.memory_space<vmem_shared>>)
        tpu.yield
      }) : () -> ()
      %add3A_42 = arith.constant 19000 : i32
      %add3A_43 = arith.addi %mul3A_4, %add3A_42 : i32
      "tpu.region"() ({
        %run_scoped3A = tpu.sem_alloc : memref<!tpu.dma_semaphore, #tpu.memory_space<semaphore_mem>>
        %dma_start3A = tpu.memref_slice %arg2[%add3A_43] : memref<320000xi32, #tpu.memory_space<hbm>> -> memref<1000xi32, #tpu.memory_space<hbm>>
        %dma_start3A_45 = tpu.memref_slice %arg2[%add3A_43] : memref<320000xi32, #tpu.memory_space<hbm>> -> memref<1000xi32, #tpu.memory_space<hbm>>
        tpu.enqueue_dma source(%dma_start3A_45 : memref<1000xi32, #tpu.memory_space<hbm>>) target(%arg7 : memref<1000xi32, #tpu.memory_space<vmem>>) target_semaphore(%run_scoped3A : memref<!tpu.dma_semaphore, #tpu.memory_space<semaphore_mem>>)
        %dma_wait3A = tpu.memref_slice %arg2[%add3A_43] : memref<320000xi32, #tpu.memory_space<hbm>> -> memref<1000xi32, #tpu.memory_space<hbm>>
        %dma_wait3A_46 = tpu.memref_slice %arg2[%add3A_43] : memref<320000xi32, #tpu.memory_space<hbm>> -> memref<1000xi32, #tpu.memory_space<hbm>>
        tpu.wait_dma2 semaphore(%run_scoped3A : memref<!tpu.dma_semaphore, #tpu.memory_space<semaphore_mem>>) src(%dma_wait3A_46 : memref<1000xi32, #tpu.memory_space<hbm>>) dst(%arg7 : memref<1000xi32, #tpu.memory_space<vmem>>)
        tpu.yield
      }) : () -> ()
      "tpu.region"() ({
        %run_scoped3A = tpu.sem_alloc : memref<!tpu.dma_semaphore, #tpu.memory_space<semaphore_mem>>
        %dma_start3A = arith.constant 0 : i32
        %dma_start3A_45 = arith.constant 0 : i32
        %dma_start3A_46 = tpu.memref_slice %arg6[%dma_start3A, %dma_start3A_45] : memref<10240x16xf32, #tpu.memory_space<vmem_shared>> -> memref<10240x16xf32, #tpu.memory_space<vmem_shared>>
        tpu.enqueue_indirect_dma source(%arg8 : memref<1000x16xf32, #tpu.memory_space<vmem>>) target(%dma_start3A_46 : memref<10240x16xf32, #tpu.memory_space<vmem_shared>>) offsets(%arg7 : memref<1000xi32, #tpu.memory_space<vmem>>) semaphore(%run_scoped3A : memref<!tpu.dma_semaphore, #tpu.memory_space<semaphore_mem>>) {add = true}
        %dma_wait3A = arith.constant 0 : i32
        %dma_wait3A_47 = arith.constant 0 : i32
        %dma_wait3A_48 = tpu.memref_slice %arg6[%dma_wait3A, %dma_wait3A_47] : memref<10240x16xf32, #tpu.memory_space<vmem_shared>> -> memref<10240x16xf32, #tpu.memory_space<vmem_shared>>
        tpu.wait_indirect_dma semaphore(%run_scoped3A : memref<!tpu.dma_semaphore, #tpu.memory_space<semaphore_mem>>) src(%arg8 : memref<1000x16xf32, #tpu.memory_space<vmem>>) dst(%dma_wait3A_48 : memref<10240x16xf32, #tpu.memory_space<vmem_shared>>)
        tpu.yield
      }) : () -> ()
      %barrier3A_44 = arith.constant 0 : index
      tpu.barrier barrier_id(%barrier3A_44)
      "tpu.region"() ({
        %run_scoped3A = tpu.sem_alloc : memref<!tpu.dma_semaphore, #tpu.memory_space<semaphore_mem>>
        %dma_start3A = arith.constant 0 : i32
        %dma_start3A_45 = tpu.memref_slice %arg5[%mul3A_2, %dma_start3A] : memref<10240x16xf32, #tpu.memory_space<hbm>> -> memref<640x16xf32, #tpu.memory_space<hbm>>
        %dma_start3A_46 = arith.constant 0 : i32
        %dma_start3A_47 = tpu.memref_slice %arg6[%mul3A_2, %dma_start3A_46] : memref<10240x16xf32, #tpu.memory_space<vmem_shared>> -> memref<640x16xf32, #tpu.memory_space<vmem_shared>>
        tpu.enqueue_dma source(%dma_start3A_47 : memref<640x16xf32, #tpu.memory_space<vmem_shared>>) target(%dma_start3A_45 : memref<640x16xf32, #tpu.memory_space<hbm>>) target_semaphore(%run_scoped3A : memref<!tpu.dma_semaphore, #tpu.memory_space<semaphore_mem>>)
        %dma_wait3A = arith.constant 0 : i32
        %dma_wait3A_48 = tpu.memref_slice %arg5[%mul3A_2, %dma_wait3A] : memref<10240x16xf32, #tpu.memory_space<hbm>> -> memref<640x16xf32, #tpu.memory_space<hbm>>
        %dma_wait3A_49 = arith.constant 0 : i32
        %dma_wait3A_50 = tpu.memref_slice %arg6[%mul3A_2, %dma_wait3A_49] : memref<10240x16xf32, #tpu.memory_space<vmem_shared>> -> memref<640x16xf32, #tpu.memory_space<vmem_shared>>
        tpu.wait_dma2 semaphore(%run_scoped3A : memref<!tpu.dma_semaphore, #tpu.memory_space<semaphore_mem>>) src(%dma_wait3A_50 : memref<640x16xf32, #tpu.memory_space<vmem_shared>>) dst(%dma_wait3A_48 : memref<640x16xf32, #tpu.memory_space<hbm>>)
        tpu.yield
      }) : () -> ()
    } else {
    }
    return
  }
}

#map = affine_map<(d0, d1) -> (0, 0)>
#map1 = affine_map<(d0, d1) -> (0)>
module attributes {stable_mosaic.version = 14 : i64} {
  func.func @_prop_body(%arg0: i32, %arg1: i32, %arg2: memref<20480x64xf32, #tpu.memory_space<hbm>>, %arg3: memref<640000xi32, #tpu.memory_space<hbm>>, %arg4: memref<320000xi32, #tpu.memory_space<hbm>>, %arg5: memref<20480x64xf32, #tpu.memory_space<hbm>>, %arg6: memref<10240x64xf32, #tpu.memory_space<vmem_shared>>, %arg7: memref<1000xi32, #tpu.memory_space<vmem>>, %arg8: memref<1000xi32, #tpu.memory_space<vmem>>, %arg9: memref<1000x64xf32, #tpu.memory_space<vmem>>, %arg10: memref<!tpu.dma_semaphore, #tpu.memory_space<semaphore_mem>>) attributes {dimension_semantics = [#tpu.dimension_semantics<core_parallel>, #tpu.dimension_semantics<subcore_parallel>], iteration_bounds = array<i64: 2, 16>, scalar_prefetch = 0 : i64, scratch_operands = 5 : i64, tpu.core_type = #tpu.core_type<sc_vector_subcore>, window_params = [{transform_indices = #map}, {transform_indices = #map1}, {transform_indices = #map1}, {transform_indices = #map}]} {
    %mul3A = arith.constant 640 : i32
    %mul3A_0 = arith.muli %arg1, %mul3A : i32
    %mul3A_1 = arith.constant 10240 : i32
    %mul3A_2 = arith.muli %arg0, %mul3A_1 : i32
    %add3A = arith.addi %mul3A_2, %mul3A_0 : i32
    "tpu.region"() ({
      %run_scoped3A = tpu.sem_alloc : memref<!tpu.dma_semaphore, #tpu.memory_space<semaphore_mem>>
      %dma_start3A_209 = arith.constant 0 : i32
      %dma_start3A_210 = tpu.memref_slice %arg6[%mul3A_0, %dma_start3A_209] : memref<10240x64xf32, #tpu.memory_space<vmem_shared>> -> memref<640x64xf32, #tpu.memory_space<vmem_shared>>
      %dma_start3A_211 = arith.constant 0 : i32
      %dma_start3A_212 = tpu.memref_slice %arg2[%add3A, %dma_start3A_211] : memref<20480x64xf32, #tpu.memory_space<hbm>> -> memref<640x64xf32, #tpu.memory_space<hbm>>
      tpu.enqueue_dma source(%dma_start3A_212 : memref<640x64xf32, #tpu.memory_space<hbm>>) target(%dma_start3A_210 : memref<640x64xf32, #tpu.memory_space<vmem_shared>>) target_semaphore(%run_scoped3A : memref<!tpu.dma_semaphore, #tpu.memory_space<semaphore_mem>>)
      %dma_wait3A_213 = arith.constant 0 : i32
      %dma_wait3A_214 = tpu.memref_slice %arg6[%mul3A_0, %dma_wait3A_213] : memref<10240x64xf32, #tpu.memory_space<vmem_shared>> -> memref<640x64xf32, #tpu.memory_space<vmem_shared>>
      %dma_wait3A_215 = arith.constant 0 : i32
      %dma_wait3A_216 = tpu.memref_slice %arg2[%add3A, %dma_wait3A_215] : memref<20480x64xf32, #tpu.memory_space<hbm>> -> memref<640x64xf32, #tpu.memory_space<hbm>>
      tpu.wait_dma2 semaphore(%run_scoped3A : memref<!tpu.dma_semaphore, #tpu.memory_space<semaphore_mem>>) src(%dma_wait3A_216 : memref<640x64xf32, #tpu.memory_space<hbm>>) dst(%dma_wait3A_214 : memref<640x64xf32, #tpu.memory_space<vmem_shared>>)
      tpu.yield
    }) : () -> ()
    %barrier3A = arith.constant 0 : index
    tpu.barrier barrier_id(%barrier3A)
    %mul3A_3 = arith.constant 320000 : i32
    %mul3A_4 = arith.muli %arg0, %mul3A_3 : i32
    %mul3A_5 = arith.constant 20000 : i32
    %mul3A_6 = arith.muli %arg1, %mul3A_5 : i32
    %add3A_7 = arith.addi %mul3A_4, %mul3A_6 : i32
    %mul3A_8 = arith.constant 20000 : i32
    %mul3A_9 = arith.muli %arg1, %mul3A_8 : i32
    %add3A_10 = arith.constant 0 : i32
    %add3A_11 = arith.addi %add3A_7, %add3A_10 : i32
    "tpu.region"() ({
      %run_scoped3A = tpu.sem_alloc : memref<!tpu.dma_semaphore, #tpu.memory_space<semaphore_mem>>
      %dma_start3A_209 = tpu.memref_slice %arg3[%add3A_11] : memref<640000xi32, #tpu.memory_space<hbm>> -> memref<1000xi32, #tpu.memory_space<hbm>>
      %dma_start3A_210 = tpu.memref_slice %arg3[%add3A_11] : memref<640000xi32, #tpu.memory_space<hbm>> -> memref<1000xi32, #tpu.memory_space<hbm>>
      tpu.enqueue_dma source(%dma_start3A_210 : memref<1000xi32, #tpu.memory_space<hbm>>) target(%arg7 : memref<1000xi32, #tpu.memory_space<vmem>>) target_semaphore(%run_scoped3A : memref<!tpu.dma_semaphore, #tpu.memory_space<semaphore_mem>>)
      %dma_wait3A_211 = tpu.memref_slice %arg3[%add3A_11] : memref<640000xi32, #tpu.memory_space<hbm>> -> memref<1000xi32, #tpu.memory_space<hbm>>
      %dma_wait3A_212 = tpu.memref_slice %arg3[%add3A_11] : memref<640000xi32, #tpu.memory_space<hbm>> -> memref<1000xi32, #tpu.memory_space<hbm>>
      tpu.wait_dma2 semaphore(%run_scoped3A : memref<!tpu.dma_semaphore, #tpu.memory_space<semaphore_mem>>) src(%dma_wait3A_212 : memref<1000xi32, #tpu.memory_space<hbm>>) dst(%arg7 : memref<1000xi32, #tpu.memory_space<vmem>>)
      tpu.yield
    }) : () -> ()
    %add3A_12 = arith.constant 0 : i32
    %add3A_13 = arith.addi %mul3A_9, %add3A_12 : i32
    "tpu.region"() ({
      %run_scoped3A = tpu.sem_alloc : memref<!tpu.dma_semaphore, #tpu.memory_space<semaphore_mem>>
      %dma_start3A_209 = tpu.memref_slice %arg4[%add3A_13] : memref<320000xi32, #tpu.memory_space<hbm>> -> memref<1000xi32, #tpu.memory_space<hbm>>
      %dma_start3A_210 = tpu.memref_slice %arg4[%add3A_13] : memref<320000xi32, #tpu.memory_space<hbm>> -> memref<1000xi32, #tpu.memory_space<hbm>>
      tpu.enqueue_dma source(%dma_start3A_210 : memref<1000xi32, #tpu.memory_space<hbm>>) target(%arg8 : memref<1000xi32, #tpu.memory_space<vmem>>) target_semaphore(%run_scoped3A : memref<!tpu.dma_semaphore, #tpu.memory_space<semaphore_mem>>)
      %dma_wait3A_211 = tpu.memref_slice %arg4[%add3A_13] : memref<320000xi32, #tpu.memory_space<hbm>> -> memref<1000xi32, #tpu.memory_space<hbm>>
      %dma_wait3A_212 = tpu.memref_slice %arg4[%add3A_13] : memref<320000xi32, #tpu.memory_space<hbm>> -> memref<1000xi32, #tpu.memory_space<hbm>>
      tpu.wait_dma2 semaphore(%run_scoped3A : memref<!tpu.dma_semaphore, #tpu.memory_space<semaphore_mem>>) src(%dma_wait3A_212 : memref<1000xi32, #tpu.memory_space<hbm>>) dst(%arg8 : memref<1000xi32, #tpu.memory_space<vmem>>)
      tpu.yield
    }) : () -> ()
    %dma_start3A = arith.constant 0 : i32
    %dma_start3A_14 = arith.constant 0 : i32
    %dma_start3A_15 = tpu.memref_slice %arg2[%dma_start3A, %dma_start3A_14] : memref<20480x64xf32, #tpu.memory_space<hbm>> -> memref<20480x64xf32, #tpu.memory_space<hbm>>
    tpu.enqueue_indirect_dma source(%dma_start3A_15 : memref<20480x64xf32, #tpu.memory_space<hbm>>) target(%arg9 : memref<1000x64xf32, #tpu.memory_space<vmem>>) offsets(%arg7 : memref<1000xi32, #tpu.memory_space<vmem>>) semaphore(%arg10 : memref<!tpu.dma_semaphore, #tpu.memory_space<semaphore_mem>>)
    %dma_wait3A = arith.constant 0 : i32
    %dma_wait3A_16 = arith.constant 0 : i32
    %dma_wait3A_17 = tpu.memref_slice %arg2[%dma_wait3A, %dma_wait3A_16] : memref<20480x64xf32, #tpu.memory_space<hbm>> -> memref<20480x64xf32, #tpu.memory_space<hbm>>
    tpu.wait_indirect_dma semaphore(%arg10 : memref<!tpu.dma_semaphore, #tpu.memory_space<semaphore_mem>>) src(%dma_wait3A_17 : memref<20480x64xf32, #tpu.memory_space<hbm>>) dst(%arg9 : memref<1000x64xf32, #tpu.memory_space<vmem>>)
    "tpu.region"() ({
      %run_scoped3A = tpu.sem_alloc : memref<!tpu.dma_semaphore, #tpu.memory_space<semaphore_mem>>
      %dma_start3A_209 = arith.constant 0 : i32
      %dma_start3A_210 = arith.constant 0 : i32
      %dma_start3A_211 = tpu.memref_slice %arg6[%dma_start3A_209, %dma_start3A_210] : memref<10240x64xf32, #tpu.memory_space<vmem_shared>> -> memref<10240x64xf32, #tpu.memory_space<vmem_shared>>
      tpu.enqueue_indirect_dma source(%arg9 : memref<1000x64xf32, #tpu.memory_space<vmem>>) target(%dma_start3A_211 : memref<10240x64xf32, #tpu.memory_space<vmem_shared>>) offsets(%arg8 : memref<1000xi32, #tpu.memory_space<vmem>>) semaphore(%run_scoped3A : memref<!tpu.dma_semaphore, #tpu.memory_space<semaphore_mem>>) {add = true}
      %dma_wait3A_212 = arith.constant 0 : i32
      %dma_wait3A_213 = arith.constant 0 : i32
      %dma_wait3A_214 = tpu.memref_slice %arg6[%dma_wait3A_212, %dma_wait3A_213] : memref<10240x64xf32, #tpu.memory_space<vmem_shared>> -> memref<10240x64xf32, #tpu.memory_space<vmem_shared>>
      tpu.wait_indirect_dma semaphore(%run_scoped3A : memref<!tpu.dma_semaphore, #tpu.memory_space<semaphore_mem>>) src(%arg9 : memref<1000x64xf32, #tpu.memory_space<vmem>>) dst(%dma_wait3A_214 : memref<10240x64xf32, #tpu.memory_space<vmem_shared>>)
      tpu.yield
    }) : () -> ()
    %add3A_18 = arith.constant 1000 : i32
    %add3A_19 = arith.addi %add3A_7, %add3A_18 : i32
    "tpu.region"() ({
      %run_scoped3A = tpu.sem_alloc : memref<!tpu.dma_semaphore, #tpu.memory_space<semaphore_mem>>
      %dma_start3A_209 = tpu.memref_slice %arg3[%add3A_19] : memref<640000xi32, #tpu.memory_space<hbm>> -> memref<1000xi32, #tpu.memory_space<hbm>>
      %dma_start3A_210 = tpu.memref_slice %arg3[%add3A_19] : memref<640000xi32, #tpu.memory_space<hbm>> -> memref<1000xi32, #tpu.memory_space<hbm>>
      tpu.enqueue_dma source(%dma_start3A_210 : memref<1000xi32, #tpu.memory_space<hbm>>) target(%arg7 : memref<1000xi32, #tpu.memory_space<vmem>>) target_semaphore(%run_scoped3A : memref<!tpu.dma_semaphore, #tpu.memory_space<semaphore_mem>>)
      %dma_wait3A_211 = tpu.memref_slice %arg3[%add3A_19] : memref<640000xi32, #tpu.memory_space<hbm>> -> memref<1000xi32, #tpu.memory_space<hbm>>
      %dma_wait3A_212 = tpu.memref_slice %arg3[%add3A_19] : memref<640000xi32, #tpu.memory_space<hbm>> -> memref<1000xi32, #tpu.memory_space<hbm>>
      tpu.wait_dma2 semaphore(%run_scoped3A : memref<!tpu.dma_semaphore, #tpu.memory_space<semaphore_mem>>) src(%dma_wait3A_212 : memref<1000xi32, #tpu.memory_space<hbm>>) dst(%arg7 : memref<1000xi32, #tpu.memory_space<vmem>>)
      tpu.yield
    }) : () -> ()
    %add3A_20 = arith.constant 1000 : i32
    %add3A_21 = arith.addi %mul3A_9, %add3A_20 : i32
    "tpu.region"() ({
      %run_scoped3A = tpu.sem_alloc : memref<!tpu.dma_semaphore, #tpu.memory_space<semaphore_mem>>
      %dma_start3A_209 = tpu.memref_slice %arg4[%add3A_21] : memref<320000xi32, #tpu.memory_space<hbm>> -> memref<1000xi32, #tpu.memory_space<hbm>>
      %dma_start3A_210 = tpu.memref_slice %arg4[%add3A_21] : memref<320000xi32, #tpu.memory_space<hbm>> -> memref<1000xi32, #tpu.memory_space<hbm>>
      tpu.enqueue_dma source(%dma_start3A_210 : memref<1000xi32, #tpu.memory_space<hbm>>) target(%arg8 : memref<1000xi32, #tpu.memory_space<vmem>>) target_semaphore(%run_scoped3A : memref<!tpu.dma_semaphore, #tpu.memory_space<semaphore_mem>>)
      %dma_wait3A_211 = tpu.memref_slice %arg4[%add3A_21] : memref<320000xi32, #tpu.memory_space<hbm>> -> memref<1000xi32, #tpu.memory_space<hbm>>
      %dma_wait3A_212 = tpu.memref_slice %arg4[%add3A_21] : memref<320000xi32, #tpu.memory_space<hbm>> -> memref<1000xi32, #tpu.memory_space<hbm>>
      tpu.wait_dma2 semaphore(%run_scoped3A : memref<!tpu.dma_semaphore, #tpu.memory_space<semaphore_mem>>) src(%dma_wait3A_212 : memref<1000xi32, #tpu.memory_space<hbm>>) dst(%arg8 : memref<1000xi32, #tpu.memory_space<vmem>>)
      tpu.yield
    }) : () -> ()
    %dma_start3A_22 = arith.constant 0 : i32
    %dma_start3A_23 = arith.constant 0 : i32
    %dma_start3A_24 = tpu.memref_slice %arg2[%dma_start3A_22, %dma_start3A_23] : memref<20480x64xf32, #tpu.memory_space<hbm>> -> memref<20480x64xf32, #tpu.memory_space<hbm>>
    tpu.enqueue_indirect_dma source(%dma_start3A_24 : memref<20480x64xf32, #tpu.memory_space<hbm>>) target(%arg9 : memref<1000x64xf32, #tpu.memory_space<vmem>>) offsets(%arg7 : memref<1000xi32, #tpu.memory_space<vmem>>) semaphore(%arg10 : memref<!tpu.dma_semaphore, #tpu.memory_space<semaphore_mem>>)
    %dma_wait3A_25 = arith.constant 0 : i32
    %dma_wait3A_26 = arith.constant 0 : i32
    %dma_wait3A_27 = tpu.memref_slice %arg2[%dma_wait3A_25, %dma_wait3A_26] : memref<20480x64xf32, #tpu.memory_space<hbm>> -> memref<20480x64xf32, #tpu.memory_space<hbm>>
    tpu.wait_indirect_dma semaphore(%arg10 : memref<!tpu.dma_semaphore, #tpu.memory_space<semaphore_mem>>) src(%dma_wait3A_27 : memref<20480x64xf32, #tpu.memory_space<hbm>>) dst(%arg9 : memref<1000x64xf32, #tpu.memory_space<vmem>>)
    "tpu.region"() ({
      %run_scoped3A = tpu.sem_alloc : memref<!tpu.dma_semaphore, #tpu.memory_space<semaphore_mem>>
      %dma_start3A_209 = arith.constant 0 : i32
      %dma_start3A_210 = arith.constant 0 : i32
      %dma_start3A_211 = tpu.memref_slice %arg6[%dma_start3A_209, %dma_start3A_210] : memref<10240x64xf32, #tpu.memory_space<vmem_shared>> -> memref<10240x64xf32, #tpu.memory_space<vmem_shared>>
      tpu.enqueue_indirect_dma source(%arg9 : memref<1000x64xf32, #tpu.memory_space<vmem>>) target(%dma_start3A_211 : memref<10240x64xf32, #tpu.memory_space<vmem_shared>>) offsets(%arg8 : memref<1000xi32, #tpu.memory_space<vmem>>) semaphore(%run_scoped3A : memref<!tpu.dma_semaphore, #tpu.memory_space<semaphore_mem>>) {add = true}
      %dma_wait3A_212 = arith.constant 0 : i32
      %dma_wait3A_213 = arith.constant 0 : i32
      %dma_wait3A_214 = tpu.memref_slice %arg6[%dma_wait3A_212, %dma_wait3A_213] : memref<10240x64xf32, #tpu.memory_space<vmem_shared>> -> memref<10240x64xf32, #tpu.memory_space<vmem_shared>>
      tpu.wait_indirect_dma semaphore(%run_scoped3A : memref<!tpu.dma_semaphore, #tpu.memory_space<semaphore_mem>>) src(%arg9 : memref<1000x64xf32, #tpu.memory_space<vmem>>) dst(%dma_wait3A_214 : memref<10240x64xf32, #tpu.memory_space<vmem_shared>>)
      tpu.yield
    }) : () -> ()
    %add3A_28 = arith.constant 2000 : i32
    %add3A_29 = arith.addi %add3A_7, %add3A_28 : i32
    "tpu.region"() ({
      %run_scoped3A = tpu.sem_alloc : memref<!tpu.dma_semaphore, #tpu.memory_space<semaphore_mem>>
      %dma_start3A_209 = tpu.memref_slice %arg3[%add3A_29] : memref<640000xi32, #tpu.memory_space<hbm>> -> memref<1000xi32, #tpu.memory_space<hbm>>
      %dma_start3A_210 = tpu.memref_slice %arg3[%add3A_29] : memref<640000xi32, #tpu.memory_space<hbm>> -> memref<1000xi32, #tpu.memory_space<hbm>>
      tpu.enqueue_dma source(%dma_start3A_210 : memref<1000xi32, #tpu.memory_space<hbm>>) target(%arg7 : memref<1000xi32, #tpu.memory_space<vmem>>) target_semaphore(%run_scoped3A : memref<!tpu.dma_semaphore, #tpu.memory_space<semaphore_mem>>)
      %dma_wait3A_211 = tpu.memref_slice %arg3[%add3A_29] : memref<640000xi32, #tpu.memory_space<hbm>> -> memref<1000xi32, #tpu.memory_space<hbm>>
      %dma_wait3A_212 = tpu.memref_slice %arg3[%add3A_29] : memref<640000xi32, #tpu.memory_space<hbm>> -> memref<1000xi32, #tpu.memory_space<hbm>>
      tpu.wait_dma2 semaphore(%run_scoped3A : memref<!tpu.dma_semaphore, #tpu.memory_space<semaphore_mem>>) src(%dma_wait3A_212 : memref<1000xi32, #tpu.memory_space<hbm>>) dst(%arg7 : memref<1000xi32, #tpu.memory_space<vmem>>)
      tpu.yield
    }) : () -> ()
    %add3A_30 = arith.constant 2000 : i32
    %add3A_31 = arith.addi %mul3A_9, %add3A_30 : i32
    "tpu.region"() ({
      %run_scoped3A = tpu.sem_alloc : memref<!tpu.dma_semaphore, #tpu.memory_space<semaphore_mem>>
      %dma_start3A_209 = tpu.memref_slice %arg4[%add3A_31] : memref<320000xi32, #tpu.memory_space<hbm>> -> memref<1000xi32, #tpu.memory_space<hbm>>
      %dma_start3A_210 = tpu.memref_slice %arg4[%add3A_31] : memref<320000xi32, #tpu.memory_space<hbm>> -> memref<1000xi32, #tpu.memory_space<hbm>>
      tpu.enqueue_dma source(%dma_start3A_210 : memref<1000xi32, #tpu.memory_space<hbm>>) target(%arg8 : memref<1000xi32, #tpu.memory_space<vmem>>) target_semaphore(%run_scoped3A : memref<!tpu.dma_semaphore, #tpu.memory_space<semaphore_mem>>)
      %dma_wait3A_211 = tpu.memref_slice %arg4[%add3A_31] : memref<320000xi32, #tpu.memory_space<hbm>> -> memref<1000xi32, #tpu.memory_space<hbm>>
      %dma_wait3A_212 = tpu.memref_slice %arg4[%add3A_31] : memref<320000xi32, #tpu.memory_space<hbm>> -> memref<1000xi32, #tpu.memory_space<hbm>>
      tpu.wait_dma2 semaphore(%run_scoped3A : memref<!tpu.dma_semaphore, #tpu.memory_space<semaphore_mem>>) src(%dma_wait3A_212 : memref<1000xi32, #tpu.memory_space<hbm>>) dst(%arg8 : memref<1000xi32, #tpu.memory_space<vmem>>)
      tpu.yield
    }) : () -> ()
    %dma_start3A_32 = arith.constant 0 : i32
    %dma_start3A_33 = arith.constant 0 : i32
    %dma_start3A_34 = tpu.memref_slice %arg2[%dma_start3A_32, %dma_start3A_33] : memref<20480x64xf32, #tpu.memory_space<hbm>> -> memref<20480x64xf32, #tpu.memory_space<hbm>>
    tpu.enqueue_indirect_dma source(%dma_start3A_34 : memref<20480x64xf32, #tpu.memory_space<hbm>>) target(%arg9 : memref<1000x64xf32, #tpu.memory_space<vmem>>) offsets(%arg7 : memref<1000xi32, #tpu.memory_space<vmem>>) semaphore(%arg10 : memref<!tpu.dma_semaphore, #tpu.memory_space<semaphore_mem>>)
    %dma_wait3A_35 = arith.constant 0 : i32
    %dma_wait3A_36 = arith.constant 0 : i32
    %dma_wait3A_37 = tpu.memref_slice %arg2[%dma_wait3A_35, %dma_wait3A_36] : memref<20480x64xf32, #tpu.memory_space<hbm>> -> memref<20480x64xf32, #tpu.memory_space<hbm>>
    tpu.wait_indirect_dma semaphore(%arg10 : memref<!tpu.dma_semaphore, #tpu.memory_space<semaphore_mem>>) src(%dma_wait3A_37 : memref<20480x64xf32, #tpu.memory_space<hbm>>) dst(%arg9 : memref<1000x64xf32, #tpu.memory_space<vmem>>)
    "tpu.region"() ({
      %run_scoped3A = tpu.sem_alloc : memref<!tpu.dma_semaphore, #tpu.memory_space<semaphore_mem>>
      %dma_start3A_209 = arith.constant 0 : i32
      %dma_start3A_210 = arith.constant 0 : i32
      %dma_start3A_211 = tpu.memref_slice %arg6[%dma_start3A_209, %dma_start3A_210] : memref<10240x64xf32, #tpu.memory_space<vmem_shared>> -> memref<10240x64xf32, #tpu.memory_space<vmem_shared>>
      tpu.enqueue_indirect_dma source(%arg9 : memref<1000x64xf32, #tpu.memory_space<vmem>>) target(%dma_start3A_211 : memref<10240x64xf32, #tpu.memory_space<vmem_shared>>) offsets(%arg8 : memref<1000xi32, #tpu.memory_space<vmem>>) semaphore(%run_scoped3A : memref<!tpu.dma_semaphore, #tpu.memory_space<semaphore_mem>>) {add = true}
      %dma_wait3A_212 = arith.constant 0 : i32
      %dma_wait3A_213 = arith.constant 0 : i32
      %dma_wait3A_214 = tpu.memref_slice %arg6[%dma_wait3A_212, %dma_wait3A_213] : memref<10240x64xf32, #tpu.memory_space<vmem_shared>> -> memref<10240x64xf32, #tpu.memory_space<vmem_shared>>
      tpu.wait_indirect_dma semaphore(%run_scoped3A : memref<!tpu.dma_semaphore, #tpu.memory_space<semaphore_mem>>) src(%arg9 : memref<1000x64xf32, #tpu.memory_space<vmem>>) dst(%dma_wait3A_214 : memref<10240x64xf32, #tpu.memory_space<vmem_shared>>)
      tpu.yield
    }) : () -> ()
    %add3A_38 = arith.constant 3000 : i32
    %add3A_39 = arith.addi %add3A_7, %add3A_38 : i32
    "tpu.region"() ({
      %run_scoped3A = tpu.sem_alloc : memref<!tpu.dma_semaphore, #tpu.memory_space<semaphore_mem>>
      %dma_start3A_209 = tpu.memref_slice %arg3[%add3A_39] : memref<640000xi32, #tpu.memory_space<hbm>> -> memref<1000xi32, #tpu.memory_space<hbm>>
      %dma_start3A_210 = tpu.memref_slice %arg3[%add3A_39] : memref<640000xi32, #tpu.memory_space<hbm>> -> memref<1000xi32, #tpu.memory_space<hbm>>
      tpu.enqueue_dma source(%dma_start3A_210 : memref<1000xi32, #tpu.memory_space<hbm>>) target(%arg7 : memref<1000xi32, #tpu.memory_space<vmem>>) target_semaphore(%run_scoped3A : memref<!tpu.dma_semaphore, #tpu.memory_space<semaphore_mem>>)
      %dma_wait3A_211 = tpu.memref_slice %arg3[%add3A_39] : memref<640000xi32, #tpu.memory_space<hbm>> -> memref<1000xi32, #tpu.memory_space<hbm>>
      %dma_wait3A_212 = tpu.memref_slice %arg3[%add3A_39] : memref<640000xi32, #tpu.memory_space<hbm>> -> memref<1000xi32, #tpu.memory_space<hbm>>
      tpu.wait_dma2 semaphore(%run_scoped3A : memref<!tpu.dma_semaphore, #tpu.memory_space<semaphore_mem>>) src(%dma_wait3A_212 : memref<1000xi32, #tpu.memory_space<hbm>>) dst(%arg7 : memref<1000xi32, #tpu.memory_space<vmem>>)
      tpu.yield
    }) : () -> ()
    %add3A_40 = arith.constant 3000 : i32
    %add3A_41 = arith.addi %mul3A_9, %add3A_40 : i32
    "tpu.region"() ({
      %run_scoped3A = tpu.sem_alloc : memref<!tpu.dma_semaphore, #tpu.memory_space<semaphore_mem>>
      %dma_start3A_209 = tpu.memref_slice %arg4[%add3A_41] : memref<320000xi32, #tpu.memory_space<hbm>> -> memref<1000xi32, #tpu.memory_space<hbm>>
      %dma_start3A_210 = tpu.memref_slice %arg4[%add3A_41] : memref<320000xi32, #tpu.memory_space<hbm>> -> memref<1000xi32, #tpu.memory_space<hbm>>
      tpu.enqueue_dma source(%dma_start3A_210 : memref<1000xi32, #tpu.memory_space<hbm>>) target(%arg8 : memref<1000xi32, #tpu.memory_space<vmem>>) target_semaphore(%run_scoped3A : memref<!tpu.dma_semaphore, #tpu.memory_space<semaphore_mem>>)
      %dma_wait3A_211 = tpu.memref_slice %arg4[%add3A_41] : memref<320000xi32, #tpu.memory_space<hbm>> -> memref<1000xi32, #tpu.memory_space<hbm>>
      %dma_wait3A_212 = tpu.memref_slice %arg4[%add3A_41] : memref<320000xi32, #tpu.memory_space<hbm>> -> memref<1000xi32, #tpu.memory_space<hbm>>
      tpu.wait_dma2 semaphore(%run_scoped3A : memref<!tpu.dma_semaphore, #tpu.memory_space<semaphore_mem>>) src(%dma_wait3A_212 : memref<1000xi32, #tpu.memory_space<hbm>>) dst(%arg8 : memref<1000xi32, #tpu.memory_space<vmem>>)
      tpu.yield
    }) : () -> ()
    %dma_start3A_42 = arith.constant 0 : i32
    %dma_start3A_43 = arith.constant 0 : i32
    %dma_start3A_44 = tpu.memref_slice %arg2[%dma_start3A_42, %dma_start3A_43] : memref<20480x64xf32, #tpu.memory_space<hbm>> -> memref<20480x64xf32, #tpu.memory_space<hbm>>
    tpu.enqueue_indirect_dma source(%dma_start3A_44 : memref<20480x64xf32, #tpu.memory_space<hbm>>) target(%arg9 : memref<1000x64xf32, #tpu.memory_space<vmem>>) offsets(%arg7 : memref<1000xi32, #tpu.memory_space<vmem>>) semaphore(%arg10 : memref<!tpu.dma_semaphore, #tpu.memory_space<semaphore_mem>>)
    %dma_wait3A_45 = arith.constant 0 : i32
    %dma_wait3A_46 = arith.constant 0 : i32
    %dma_wait3A_47 = tpu.memref_slice %arg2[%dma_wait3A_45, %dma_wait3A_46] : memref<20480x64xf32, #tpu.memory_space<hbm>> -> memref<20480x64xf32, #tpu.memory_space<hbm>>
    tpu.wait_indirect_dma semaphore(%arg10 : memref<!tpu.dma_semaphore, #tpu.memory_space<semaphore_mem>>) src(%dma_wait3A_47 : memref<20480x64xf32, #tpu.memory_space<hbm>>) dst(%arg9 : memref<1000x64xf32, #tpu.memory_space<vmem>>)
    "tpu.region"() ({
      %run_scoped3A = tpu.sem_alloc : memref<!tpu.dma_semaphore, #tpu.memory_space<semaphore_mem>>
      %dma_start3A_209 = arith.constant 0 : i32
      %dma_start3A_210 = arith.constant 0 : i32
      %dma_start3A_211 = tpu.memref_slice %arg6[%dma_start3A_209, %dma_start3A_210] : memref<10240x64xf32, #tpu.memory_space<vmem_shared>> -> memref<10240x64xf32, #tpu.memory_space<vmem_shared>>
      tpu.enqueue_indirect_dma source(%arg9 : memref<1000x64xf32, #tpu.memory_space<vmem>>) target(%dma_start3A_211 : memref<10240x64xf32, #tpu.memory_space<vmem_shared>>) offsets(%arg8 : memref<1000xi32, #tpu.memory_space<vmem>>) semaphore(%run_scoped3A : memref<!tpu.dma_semaphore, #tpu.memory_space<semaphore_mem>>) {add = true}
      %dma_wait3A_212 = arith.constant 0 : i32
      %dma_wait3A_213 = arith.constant 0 : i32
      %dma_wait3A_214 = tpu.memref_slice %arg6[%dma_wait3A_212, %dma_wait3A_213] : memref<10240x64xf32, #tpu.memory_space<vmem_shared>> -> memref<10240x64xf32, #tpu.memory_space<vmem_shared>>
      tpu.wait_indirect_dma semaphore(%run_scoped3A : memref<!tpu.dma_semaphore, #tpu.memory_space<semaphore_mem>>) src(%arg9 : memref<1000x64xf32, #tpu.memory_space<vmem>>) dst(%dma_wait3A_214 : memref<10240x64xf32, #tpu.memory_space<vmem_shared>>)
      tpu.yield
    }) : () -> ()
    %add3A_48 = arith.constant 4000 : i32
    %add3A_49 = arith.addi %add3A_7, %add3A_48 : i32
    "tpu.region"() ({
      %run_scoped3A = tpu.sem_alloc : memref<!tpu.dma_semaphore, #tpu.memory_space<semaphore_mem>>
      %dma_start3A_209 = tpu.memref_slice %arg3[%add3A_49] : memref<640000xi32, #tpu.memory_space<hbm>> -> memref<1000xi32, #tpu.memory_space<hbm>>
      %dma_start3A_210 = tpu.memref_slice %arg3[%add3A_49] : memref<640000xi32, #tpu.memory_space<hbm>> -> memref<1000xi32, #tpu.memory_space<hbm>>
      tpu.enqueue_dma source(%dma_start3A_210 : memref<1000xi32, #tpu.memory_space<hbm>>) target(%arg7 : memref<1000xi32, #tpu.memory_space<vmem>>) target_semaphore(%run_scoped3A : memref<!tpu.dma_semaphore, #tpu.memory_space<semaphore_mem>>)
      %dma_wait3A_211 = tpu.memref_slice %arg3[%add3A_49] : memref<640000xi32, #tpu.memory_space<hbm>> -> memref<1000xi32, #tpu.memory_space<hbm>>
      %dma_wait3A_212 = tpu.memref_slice %arg3[%add3A_49] : memref<640000xi32, #tpu.memory_space<hbm>> -> memref<1000xi32, #tpu.memory_space<hbm>>
      tpu.wait_dma2 semaphore(%run_scoped3A : memref<!tpu.dma_semaphore, #tpu.memory_space<semaphore_mem>>) src(%dma_wait3A_212 : memref<1000xi32, #tpu.memory_space<hbm>>) dst(%arg7 : memref<1000xi32, #tpu.memory_space<vmem>>)
      tpu.yield
    }) : () -> ()
    %add3A_50 = arith.constant 4000 : i32
    %add3A_51 = arith.addi %mul3A_9, %add3A_50 : i32
    "tpu.region"() ({
      %run_scoped3A = tpu.sem_alloc : memref<!tpu.dma_semaphore, #tpu.memory_space<semaphore_mem>>
      %dma_start3A_209 = tpu.memref_slice %arg4[%add3A_51] : memref<320000xi32, #tpu.memory_space<hbm>> -> memref<1000xi32, #tpu.memory_space<hbm>>
      %dma_start3A_210 = tpu.memref_slice %arg4[%add3A_51] : memref<320000xi32, #tpu.memory_space<hbm>> -> memref<1000xi32, #tpu.memory_space<hbm>>
      tpu.enqueue_dma source(%dma_start3A_210 : memref<1000xi32, #tpu.memory_space<hbm>>) target(%arg8 : memref<1000xi32, #tpu.memory_space<vmem>>) target_semaphore(%run_scoped3A : memref<!tpu.dma_semaphore, #tpu.memory_space<semaphore_mem>>)
      %dma_wait3A_211 = tpu.memref_slice %arg4[%add3A_51] : memref<320000xi32, #tpu.memory_space<hbm>> -> memref<1000xi32, #tpu.memory_space<hbm>>
      %dma_wait3A_212 = tpu.memref_slice %arg4[%add3A_51] : memref<320000xi32, #tpu.memory_space<hbm>> -> memref<1000xi32, #tpu.memory_space<hbm>>
      tpu.wait_dma2 semaphore(%run_scoped3A : memref<!tpu.dma_semaphore, #tpu.memory_space<semaphore_mem>>) src(%dma_wait3A_212 : memref<1000xi32, #tpu.memory_space<hbm>>) dst(%arg8 : memref<1000xi32, #tpu.memory_space<vmem>>)
      tpu.yield
    }) : () -> ()
    %dma_start3A_52 = arith.constant 0 : i32
    %dma_start3A_53 = arith.constant 0 : i32
    %dma_start3A_54 = tpu.memref_slice %arg2[%dma_start3A_52, %dma_start3A_53] : memref<20480x64xf32, #tpu.memory_space<hbm>> -> memref<20480x64xf32, #tpu.memory_space<hbm>>
    tpu.enqueue_indirect_dma source(%dma_start3A_54 : memref<20480x64xf32, #tpu.memory_space<hbm>>) target(%arg9 : memref<1000x64xf32, #tpu.memory_space<vmem>>) offsets(%arg7 : memref<1000xi32, #tpu.memory_space<vmem>>) semaphore(%arg10 : memref<!tpu.dma_semaphore, #tpu.memory_space<semaphore_mem>>)
    %dma_wait3A_55 = arith.constant 0 : i32
    %dma_wait3A_56 = arith.constant 0 : i32
    %dma_wait3A_57 = tpu.memref_slice %arg2[%dma_wait3A_55, %dma_wait3A_56] : memref<20480x64xf32, #tpu.memory_space<hbm>> -> memref<20480x64xf32, #tpu.memory_space<hbm>>
    tpu.wait_indirect_dma semaphore(%arg10 : memref<!tpu.dma_semaphore, #tpu.memory_space<semaphore_mem>>) src(%dma_wait3A_57 : memref<20480x64xf32, #tpu.memory_space<hbm>>) dst(%arg9 : memref<1000x64xf32, #tpu.memory_space<vmem>>)
    "tpu.region"() ({
      %run_scoped3A = tpu.sem_alloc : memref<!tpu.dma_semaphore, #tpu.memory_space<semaphore_mem>>
      %dma_start3A_209 = arith.constant 0 : i32
      %dma_start3A_210 = arith.constant 0 : i32
      %dma_start3A_211 = tpu.memref_slice %arg6[%dma_start3A_209, %dma_start3A_210] : memref<10240x64xf32, #tpu.memory_space<vmem_shared>> -> memref<10240x64xf32, #tpu.memory_space<vmem_shared>>
      tpu.enqueue_indirect_dma source(%arg9 : memref<1000x64xf32, #tpu.memory_space<vmem>>) target(%dma_start3A_211 : memref<10240x64xf32, #tpu.memory_space<vmem_shared>>) offsets(%arg8 : memref<1000xi32, #tpu.memory_space<vmem>>) semaphore(%run_scoped3A : memref<!tpu.dma_semaphore, #tpu.memory_space<semaphore_mem>>) {add = true}
      %dma_wait3A_212 = arith.constant 0 : i32
      %dma_wait3A_213 = arith.constant 0 : i32
      %dma_wait3A_214 = tpu.memref_slice %arg6[%dma_wait3A_212, %dma_wait3A_213] : memref<10240x64xf32, #tpu.memory_space<vmem_shared>> -> memref<10240x64xf32, #tpu.memory_space<vmem_shared>>
      tpu.wait_indirect_dma semaphore(%run_scoped3A : memref<!tpu.dma_semaphore, #tpu.memory_space<semaphore_mem>>) src(%arg9 : memref<1000x64xf32, #tpu.memory_space<vmem>>) dst(%dma_wait3A_214 : memref<10240x64xf32, #tpu.memory_space<vmem_shared>>)
      tpu.yield
    }) : () -> ()
    %add3A_58 = arith.constant 5000 : i32
    %add3A_59 = arith.addi %add3A_7, %add3A_58 : i32
    "tpu.region"() ({
      %run_scoped3A = tpu.sem_alloc : memref<!tpu.dma_semaphore, #tpu.memory_space<semaphore_mem>>
      %dma_start3A_209 = tpu.memref_slice %arg3[%add3A_59] : memref<640000xi32, #tpu.memory_space<hbm>> -> memref<1000xi32, #tpu.memory_space<hbm>>
      %dma_start3A_210 = tpu.memref_slice %arg3[%add3A_59] : memref<640000xi32, #tpu.memory_space<hbm>> -> memref<1000xi32, #tpu.memory_space<hbm>>
      tpu.enqueue_dma source(%dma_start3A_210 : memref<1000xi32, #tpu.memory_space<hbm>>) target(%arg7 : memref<1000xi32, #tpu.memory_space<vmem>>) target_semaphore(%run_scoped3A : memref<!tpu.dma_semaphore, #tpu.memory_space<semaphore_mem>>)
      %dma_wait3A_211 = tpu.memref_slice %arg3[%add3A_59] : memref<640000xi32, #tpu.memory_space<hbm>> -> memref<1000xi32, #tpu.memory_space<hbm>>
      %dma_wait3A_212 = tpu.memref_slice %arg3[%add3A_59] : memref<640000xi32, #tpu.memory_space<hbm>> -> memref<1000xi32, #tpu.memory_space<hbm>>
      tpu.wait_dma2 semaphore(%run_scoped3A : memref<!tpu.dma_semaphore, #tpu.memory_space<semaphore_mem>>) src(%dma_wait3A_212 : memref<1000xi32, #tpu.memory_space<hbm>>) dst(%arg7 : memref<1000xi32, #tpu.memory_space<vmem>>)
      tpu.yield
    }) : () -> ()
    %add3A_60 = arith.constant 5000 : i32
    %add3A_61 = arith.addi %mul3A_9, %add3A_60 : i32
    "tpu.region"() ({
      %run_scoped3A = tpu.sem_alloc : memref<!tpu.dma_semaphore, #tpu.memory_space<semaphore_mem>>
      %dma_start3A_209 = tpu.memref_slice %arg4[%add3A_61] : memref<320000xi32, #tpu.memory_space<hbm>> -> memref<1000xi32, #tpu.memory_space<hbm>>
      %dma_start3A_210 = tpu.memref_slice %arg4[%add3A_61] : memref<320000xi32, #tpu.memory_space<hbm>> -> memref<1000xi32, #tpu.memory_space<hbm>>
      tpu.enqueue_dma source(%dma_start3A_210 : memref<1000xi32, #tpu.memory_space<hbm>>) target(%arg8 : memref<1000xi32, #tpu.memory_space<vmem>>) target_semaphore(%run_scoped3A : memref<!tpu.dma_semaphore, #tpu.memory_space<semaphore_mem>>)
      %dma_wait3A_211 = tpu.memref_slice %arg4[%add3A_61] : memref<320000xi32, #tpu.memory_space<hbm>> -> memref<1000xi32, #tpu.memory_space<hbm>>
      %dma_wait3A_212 = tpu.memref_slice %arg4[%add3A_61] : memref<320000xi32, #tpu.memory_space<hbm>> -> memref<1000xi32, #tpu.memory_space<hbm>>
      tpu.wait_dma2 semaphore(%run_scoped3A : memref<!tpu.dma_semaphore, #tpu.memory_space<semaphore_mem>>) src(%dma_wait3A_212 : memref<1000xi32, #tpu.memory_space<hbm>>) dst(%arg8 : memref<1000xi32, #tpu.memory_space<vmem>>)
      tpu.yield
    }) : () -> ()
    %dma_start3A_62 = arith.constant 0 : i32
    %dma_start3A_63 = arith.constant 0 : i32
    %dma_start3A_64 = tpu.memref_slice %arg2[%dma_start3A_62, %dma_start3A_63] : memref<20480x64xf32, #tpu.memory_space<hbm>> -> memref<20480x64xf32, #tpu.memory_space<hbm>>
    tpu.enqueue_indirect_dma source(%dma_start3A_64 : memref<20480x64xf32, #tpu.memory_space<hbm>>) target(%arg9 : memref<1000x64xf32, #tpu.memory_space<vmem>>) offsets(%arg7 : memref<1000xi32, #tpu.memory_space<vmem>>) semaphore(%arg10 : memref<!tpu.dma_semaphore, #tpu.memory_space<semaphore_mem>>)
    %dma_wait3A_65 = arith.constant 0 : i32
    %dma_wait3A_66 = arith.constant 0 : i32
    %dma_wait3A_67 = tpu.memref_slice %arg2[%dma_wait3A_65, %dma_wait3A_66] : memref<20480x64xf32, #tpu.memory_space<hbm>> -> memref<20480x64xf32, #tpu.memory_space<hbm>>
    tpu.wait_indirect_dma semaphore(%arg10 : memref<!tpu.dma_semaphore, #tpu.memory_space<semaphore_mem>>) src(%dma_wait3A_67 : memref<20480x64xf32, #tpu.memory_space<hbm>>) dst(%arg9 : memref<1000x64xf32, #tpu.memory_space<vmem>>)
    "tpu.region"() ({
      %run_scoped3A = tpu.sem_alloc : memref<!tpu.dma_semaphore, #tpu.memory_space<semaphore_mem>>
      %dma_start3A_209 = arith.constant 0 : i32
      %dma_start3A_210 = arith.constant 0 : i32
      %dma_start3A_211 = tpu.memref_slice %arg6[%dma_start3A_209, %dma_start3A_210] : memref<10240x64xf32, #tpu.memory_space<vmem_shared>> -> memref<10240x64xf32, #tpu.memory_space<vmem_shared>>
      tpu.enqueue_indirect_dma source(%arg9 : memref<1000x64xf32, #tpu.memory_space<vmem>>) target(%dma_start3A_211 : memref<10240x64xf32, #tpu.memory_space<vmem_shared>>) offsets(%arg8 : memref<1000xi32, #tpu.memory_space<vmem>>) semaphore(%run_scoped3A : memref<!tpu.dma_semaphore, #tpu.memory_space<semaphore_mem>>) {add = true}
      %dma_wait3A_212 = arith.constant 0 : i32
      %dma_wait3A_213 = arith.constant 0 : i32
      %dma_wait3A_214 = tpu.memref_slice %arg6[%dma_wait3A_212, %dma_wait3A_213] : memref<10240x64xf32, #tpu.memory_space<vmem_shared>> -> memref<10240x64xf32, #tpu.memory_space<vmem_shared>>
      tpu.wait_indirect_dma semaphore(%run_scoped3A : memref<!tpu.dma_semaphore, #tpu.memory_space<semaphore_mem>>) src(%arg9 : memref<1000x64xf32, #tpu.memory_space<vmem>>) dst(%dma_wait3A_214 : memref<10240x64xf32, #tpu.memory_space<vmem_shared>>)
      tpu.yield
    }) : () -> ()
    %add3A_68 = arith.constant 6000 : i32
    %add3A_69 = arith.addi %add3A_7, %add3A_68 : i32
    "tpu.region"() ({
      %run_scoped3A = tpu.sem_alloc : memref<!tpu.dma_semaphore, #tpu.memory_space<semaphore_mem>>
      %dma_start3A_209 = tpu.memref_slice %arg3[%add3A_69] : memref<640000xi32, #tpu.memory_space<hbm>> -> memref<1000xi32, #tpu.memory_space<hbm>>
      %dma_start3A_210 = tpu.memref_slice %arg3[%add3A_69] : memref<640000xi32, #tpu.memory_space<hbm>> -> memref<1000xi32, #tpu.memory_space<hbm>>
      tpu.enqueue_dma source(%dma_start3A_210 : memref<1000xi32, #tpu.memory_space<hbm>>) target(%arg7 : memref<1000xi32, #tpu.memory_space<vmem>>) target_semaphore(%run_scoped3A : memref<!tpu.dma_semaphore, #tpu.memory_space<semaphore_mem>>)
      %dma_wait3A_211 = tpu.memref_slice %arg3[%add3A_69] : memref<640000xi32, #tpu.memory_space<hbm>> -> memref<1000xi32, #tpu.memory_space<hbm>>
      %dma_wait3A_212 = tpu.memref_slice %arg3[%add3A_69] : memref<640000xi32, #tpu.memory_space<hbm>> -> memref<1000xi32, #tpu.memory_space<hbm>>
      tpu.wait_dma2 semaphore(%run_scoped3A : memref<!tpu.dma_semaphore, #tpu.memory_space<semaphore_mem>>) src(%dma_wait3A_212 : memref<1000xi32, #tpu.memory_space<hbm>>) dst(%arg7 : memref<1000xi32, #tpu.memory_space<vmem>>)
      tpu.yield
    }) : () -> ()
    %add3A_70 = arith.constant 6000 : i32
    %add3A_71 = arith.addi %mul3A_9, %add3A_70 : i32
    "tpu.region"() ({
      %run_scoped3A = tpu.sem_alloc : memref<!tpu.dma_semaphore, #tpu.memory_space<semaphore_mem>>
      %dma_start3A_209 = tpu.memref_slice %arg4[%add3A_71] : memref<320000xi32, #tpu.memory_space<hbm>> -> memref<1000xi32, #tpu.memory_space<hbm>>
      %dma_start3A_210 = tpu.memref_slice %arg4[%add3A_71] : memref<320000xi32, #tpu.memory_space<hbm>> -> memref<1000xi32, #tpu.memory_space<hbm>>
      tpu.enqueue_dma source(%dma_start3A_210 : memref<1000xi32, #tpu.memory_space<hbm>>) target(%arg8 : memref<1000xi32, #tpu.memory_space<vmem>>) target_semaphore(%run_scoped3A : memref<!tpu.dma_semaphore, #tpu.memory_space<semaphore_mem>>)
      %dma_wait3A_211 = tpu.memref_slice %arg4[%add3A_71] : memref<320000xi32, #tpu.memory_space<hbm>> -> memref<1000xi32, #tpu.memory_space<hbm>>
      %dma_wait3A_212 = tpu.memref_slice %arg4[%add3A_71] : memref<320000xi32, #tpu.memory_space<hbm>> -> memref<1000xi32, #tpu.memory_space<hbm>>
      tpu.wait_dma2 semaphore(%run_scoped3A : memref<!tpu.dma_semaphore, #tpu.memory_space<semaphore_mem>>) src(%dma_wait3A_212 : memref<1000xi32, #tpu.memory_space<hbm>>) dst(%arg8 : memref<1000xi32, #tpu.memory_space<vmem>>)
      tpu.yield
    }) : () -> ()
    %dma_start3A_72 = arith.constant 0 : i32
    %dma_start3A_73 = arith.constant 0 : i32
    %dma_start3A_74 = tpu.memref_slice %arg2[%dma_start3A_72, %dma_start3A_73] : memref<20480x64xf32, #tpu.memory_space<hbm>> -> memref<20480x64xf32, #tpu.memory_space<hbm>>
    tpu.enqueue_indirect_dma source(%dma_start3A_74 : memref<20480x64xf32, #tpu.memory_space<hbm>>) target(%arg9 : memref<1000x64xf32, #tpu.memory_space<vmem>>) offsets(%arg7 : memref<1000xi32, #tpu.memory_space<vmem>>) semaphore(%arg10 : memref<!tpu.dma_semaphore, #tpu.memory_space<semaphore_mem>>)
    %dma_wait3A_75 = arith.constant 0 : i32
    %dma_wait3A_76 = arith.constant 0 : i32
    %dma_wait3A_77 = tpu.memref_slice %arg2[%dma_wait3A_75, %dma_wait3A_76] : memref<20480x64xf32, #tpu.memory_space<hbm>> -> memref<20480x64xf32, #tpu.memory_space<hbm>>
    tpu.wait_indirect_dma semaphore(%arg10 : memref<!tpu.dma_semaphore, #tpu.memory_space<semaphore_mem>>) src(%dma_wait3A_77 : memref<20480x64xf32, #tpu.memory_space<hbm>>) dst(%arg9 : memref<1000x64xf32, #tpu.memory_space<vmem>>)
    "tpu.region"() ({
      %run_scoped3A = tpu.sem_alloc : memref<!tpu.dma_semaphore, #tpu.memory_space<semaphore_mem>>
      %dma_start3A_209 = arith.constant 0 : i32
      %dma_start3A_210 = arith.constant 0 : i32
      %dma_start3A_211 = tpu.memref_slice %arg6[%dma_start3A_209, %dma_start3A_210] : memref<10240x64xf32, #tpu.memory_space<vmem_shared>> -> memref<10240x64xf32, #tpu.memory_space<vmem_shared>>
      tpu.enqueue_indirect_dma source(%arg9 : memref<1000x64xf32, #tpu.memory_space<vmem>>) target(%dma_start3A_211 : memref<10240x64xf32, #tpu.memory_space<vmem_shared>>) offsets(%arg8 : memref<1000xi32, #tpu.memory_space<vmem>>) semaphore(%run_scoped3A : memref<!tpu.dma_semaphore, #tpu.memory_space<semaphore_mem>>) {add = true}
      %dma_wait3A_212 = arith.constant 0 : i32
      %dma_wait3A_213 = arith.constant 0 : i32
      %dma_wait3A_214 = tpu.memref_slice %arg6[%dma_wait3A_212, %dma_wait3A_213] : memref<10240x64xf32, #tpu.memory_space<vmem_shared>> -> memref<10240x64xf32, #tpu.memory_space<vmem_shared>>
      tpu.wait_indirect_dma semaphore(%run_scoped3A : memref<!tpu.dma_semaphore, #tpu.memory_space<semaphore_mem>>) src(%arg9 : memref<1000x64xf32, #tpu.memory_space<vmem>>) dst(%dma_wait3A_214 : memref<10240x64xf32, #tpu.memory_space<vmem_shared>>)
      tpu.yield
    }) : () -> ()
    %add3A_78 = arith.constant 7000 : i32
    %add3A_79 = arith.addi %add3A_7, %add3A_78 : i32
    "tpu.region"() ({
      %run_scoped3A = tpu.sem_alloc : memref<!tpu.dma_semaphore, #tpu.memory_space<semaphore_mem>>
      %dma_start3A_209 = tpu.memref_slice %arg3[%add3A_79] : memref<640000xi32, #tpu.memory_space<hbm>> -> memref<1000xi32, #tpu.memory_space<hbm>>
      %dma_start3A_210 = tpu.memref_slice %arg3[%add3A_79] : memref<640000xi32, #tpu.memory_space<hbm>> -> memref<1000xi32, #tpu.memory_space<hbm>>
      tpu.enqueue_dma source(%dma_start3A_210 : memref<1000xi32, #tpu.memory_space<hbm>>) target(%arg7 : memref<1000xi32, #tpu.memory_space<vmem>>) target_semaphore(%run_scoped3A : memref<!tpu.dma_semaphore, #tpu.memory_space<semaphore_mem>>)
      %dma_wait3A_211 = tpu.memref_slice %arg3[%add3A_79] : memref<640000xi32, #tpu.memory_space<hbm>> -> memref<1000xi32, #tpu.memory_space<hbm>>
      %dma_wait3A_212 = tpu.memref_slice %arg3[%add3A_79] : memref<640000xi32, #tpu.memory_space<hbm>> -> memref<1000xi32, #tpu.memory_space<hbm>>
      tpu.wait_dma2 semaphore(%run_scoped3A : memref<!tpu.dma_semaphore, #tpu.memory_space<semaphore_mem>>) src(%dma_wait3A_212 : memref<1000xi32, #tpu.memory_space<hbm>>) dst(%arg7 : memref<1000xi32, #tpu.memory_space<vmem>>)
      tpu.yield
    }) : () -> ()
    %add3A_80 = arith.constant 7000 : i32
    %add3A_81 = arith.addi %mul3A_9, %add3A_80 : i32
    "tpu.region"() ({
      %run_scoped3A = tpu.sem_alloc : memref<!tpu.dma_semaphore, #tpu.memory_space<semaphore_mem>>
      %dma_start3A_209 = tpu.memref_slice %arg4[%add3A_81] : memref<320000xi32, #tpu.memory_space<hbm>> -> memref<1000xi32, #tpu.memory_space<hbm>>
      %dma_start3A_210 = tpu.memref_slice %arg4[%add3A_81] : memref<320000xi32, #tpu.memory_space<hbm>> -> memref<1000xi32, #tpu.memory_space<hbm>>
      tpu.enqueue_dma source(%dma_start3A_210 : memref<1000xi32, #tpu.memory_space<hbm>>) target(%arg8 : memref<1000xi32, #tpu.memory_space<vmem>>) target_semaphore(%run_scoped3A : memref<!tpu.dma_semaphore, #tpu.memory_space<semaphore_mem>>)
      %dma_wait3A_211 = tpu.memref_slice %arg4[%add3A_81] : memref<320000xi32, #tpu.memory_space<hbm>> -> memref<1000xi32, #tpu.memory_space<hbm>>
      %dma_wait3A_212 = tpu.memref_slice %arg4[%add3A_81] : memref<320000xi32, #tpu.memory_space<hbm>> -> memref<1000xi32, #tpu.memory_space<hbm>>
      tpu.wait_dma2 semaphore(%run_scoped3A : memref<!tpu.dma_semaphore, #tpu.memory_space<semaphore_mem>>) src(%dma_wait3A_212 : memref<1000xi32, #tpu.memory_space<hbm>>) dst(%arg8 : memref<1000xi32, #tpu.memory_space<vmem>>)
      tpu.yield
    }) : () -> ()
    %dma_start3A_82 = arith.constant 0 : i32
    %dma_start3A_83 = arith.constant 0 : i32
    %dma_start3A_84 = tpu.memref_slice %arg2[%dma_start3A_82, %dma_start3A_83] : memref<20480x64xf32, #tpu.memory_space<hbm>> -> memref<20480x64xf32, #tpu.memory_space<hbm>>
    tpu.enqueue_indirect_dma source(%dma_start3A_84 : memref<20480x64xf32, #tpu.memory_space<hbm>>) target(%arg9 : memref<1000x64xf32, #tpu.memory_space<vmem>>) offsets(%arg7 : memref<1000xi32, #tpu.memory_space<vmem>>) semaphore(%arg10 : memref<!tpu.dma_semaphore, #tpu.memory_space<semaphore_mem>>)
    %dma_wait3A_85 = arith.constant 0 : i32
    %dma_wait3A_86 = arith.constant 0 : i32
    %dma_wait3A_87 = tpu.memref_slice %arg2[%dma_wait3A_85, %dma_wait3A_86] : memref<20480x64xf32, #tpu.memory_space<hbm>> -> memref<20480x64xf32, #tpu.memory_space<hbm>>
    tpu.wait_indirect_dma semaphore(%arg10 : memref<!tpu.dma_semaphore, #tpu.memory_space<semaphore_mem>>) src(%dma_wait3A_87 : memref<20480x64xf32, #tpu.memory_space<hbm>>) dst(%arg9 : memref<1000x64xf32, #tpu.memory_space<vmem>>)
    "tpu.region"() ({
      %run_scoped3A = tpu.sem_alloc : memref<!tpu.dma_semaphore, #tpu.memory_space<semaphore_mem>>
      %dma_start3A_209 = arith.constant 0 : i32
      %dma_start3A_210 = arith.constant 0 : i32
      %dma_start3A_211 = tpu.memref_slice %arg6[%dma_start3A_209, %dma_start3A_210] : memref<10240x64xf32, #tpu.memory_space<vmem_shared>> -> memref<10240x64xf32, #tpu.memory_space<vmem_shared>>
      tpu.enqueue_indirect_dma source(%arg9 : memref<1000x64xf32, #tpu.memory_space<vmem>>) target(%dma_start3A_211 : memref<10240x64xf32, #tpu.memory_space<vmem_shared>>) offsets(%arg8 : memref<1000xi32, #tpu.memory_space<vmem>>) semaphore(%run_scoped3A : memref<!tpu.dma_semaphore, #tpu.memory_space<semaphore_mem>>) {add = true}
      %dma_wait3A_212 = arith.constant 0 : i32
      %dma_wait3A_213 = arith.constant 0 : i32
      %dma_wait3A_214 = tpu.memref_slice %arg6[%dma_wait3A_212, %dma_wait3A_213] : memref<10240x64xf32, #tpu.memory_space<vmem_shared>> -> memref<10240x64xf32, #tpu.memory_space<vmem_shared>>
      tpu.wait_indirect_dma semaphore(%run_scoped3A : memref<!tpu.dma_semaphore, #tpu.memory_space<semaphore_mem>>) src(%arg9 : memref<1000x64xf32, #tpu.memory_space<vmem>>) dst(%dma_wait3A_214 : memref<10240x64xf32, #tpu.memory_space<vmem_shared>>)
      tpu.yield
    }) : () -> ()
    %add3A_88 = arith.constant 8000 : i32
    %add3A_89 = arith.addi %add3A_7, %add3A_88 : i32
    "tpu.region"() ({
      %run_scoped3A = tpu.sem_alloc : memref<!tpu.dma_semaphore, #tpu.memory_space<semaphore_mem>>
      %dma_start3A_209 = tpu.memref_slice %arg3[%add3A_89] : memref<640000xi32, #tpu.memory_space<hbm>> -> memref<1000xi32, #tpu.memory_space<hbm>>
      %dma_start3A_210 = tpu.memref_slice %arg3[%add3A_89] : memref<640000xi32, #tpu.memory_space<hbm>> -> memref<1000xi32, #tpu.memory_space<hbm>>
      tpu.enqueue_dma source(%dma_start3A_210 : memref<1000xi32, #tpu.memory_space<hbm>>) target(%arg7 : memref<1000xi32, #tpu.memory_space<vmem>>) target_semaphore(%run_scoped3A : memref<!tpu.dma_semaphore, #tpu.memory_space<semaphore_mem>>)
      %dma_wait3A_211 = tpu.memref_slice %arg3[%add3A_89] : memref<640000xi32, #tpu.memory_space<hbm>> -> memref<1000xi32, #tpu.memory_space<hbm>>
      %dma_wait3A_212 = tpu.memref_slice %arg3[%add3A_89] : memref<640000xi32, #tpu.memory_space<hbm>> -> memref<1000xi32, #tpu.memory_space<hbm>>
      tpu.wait_dma2 semaphore(%run_scoped3A : memref<!tpu.dma_semaphore, #tpu.memory_space<semaphore_mem>>) src(%dma_wait3A_212 : memref<1000xi32, #tpu.memory_space<hbm>>) dst(%arg7 : memref<1000xi32, #tpu.memory_space<vmem>>)
      tpu.yield
    }) : () -> ()
    %add3A_90 = arith.constant 8000 : i32
    %add3A_91 = arith.addi %mul3A_9, %add3A_90 : i32
    "tpu.region"() ({
      %run_scoped3A = tpu.sem_alloc : memref<!tpu.dma_semaphore, #tpu.memory_space<semaphore_mem>>
      %dma_start3A_209 = tpu.memref_slice %arg4[%add3A_91] : memref<320000xi32, #tpu.memory_space<hbm>> -> memref<1000xi32, #tpu.memory_space<hbm>>
      %dma_start3A_210 = tpu.memref_slice %arg4[%add3A_91] : memref<320000xi32, #tpu.memory_space<hbm>> -> memref<1000xi32, #tpu.memory_space<hbm>>
      tpu.enqueue_dma source(%dma_start3A_210 : memref<1000xi32, #tpu.memory_space<hbm>>) target(%arg8 : memref<1000xi32, #tpu.memory_space<vmem>>) target_semaphore(%run_scoped3A : memref<!tpu.dma_semaphore, #tpu.memory_space<semaphore_mem>>)
      %dma_wait3A_211 = tpu.memref_slice %arg4[%add3A_91] : memref<320000xi32, #tpu.memory_space<hbm>> -> memref<1000xi32, #tpu.memory_space<hbm>>
      %dma_wait3A_212 = tpu.memref_slice %arg4[%add3A_91] : memref<320000xi32, #tpu.memory_space<hbm>> -> memref<1000xi32, #tpu.memory_space<hbm>>
      tpu.wait_dma2 semaphore(%run_scoped3A : memref<!tpu.dma_semaphore, #tpu.memory_space<semaphore_mem>>) src(%dma_wait3A_212 : memref<1000xi32, #tpu.memory_space<hbm>>) dst(%arg8 : memref<1000xi32, #tpu.memory_space<vmem>>)
      tpu.yield
    }) : () -> ()
    %dma_start3A_92 = arith.constant 0 : i32
    %dma_start3A_93 = arith.constant 0 : i32
    %dma_start3A_94 = tpu.memref_slice %arg2[%dma_start3A_92, %dma_start3A_93] : memref<20480x64xf32, #tpu.memory_space<hbm>> -> memref<20480x64xf32, #tpu.memory_space<hbm>>
    tpu.enqueue_indirect_dma source(%dma_start3A_94 : memref<20480x64xf32, #tpu.memory_space<hbm>>) target(%arg9 : memref<1000x64xf32, #tpu.memory_space<vmem>>) offsets(%arg7 : memref<1000xi32, #tpu.memory_space<vmem>>) semaphore(%arg10 : memref<!tpu.dma_semaphore, #tpu.memory_space<semaphore_mem>>)
    %dma_wait3A_95 = arith.constant 0 : i32
    %dma_wait3A_96 = arith.constant 0 : i32
    %dma_wait3A_97 = tpu.memref_slice %arg2[%dma_wait3A_95, %dma_wait3A_96] : memref<20480x64xf32, #tpu.memory_space<hbm>> -> memref<20480x64xf32, #tpu.memory_space<hbm>>
    tpu.wait_indirect_dma semaphore(%arg10 : memref<!tpu.dma_semaphore, #tpu.memory_space<semaphore_mem>>) src(%dma_wait3A_97 : memref<20480x64xf32, #tpu.memory_space<hbm>>) dst(%arg9 : memref<1000x64xf32, #tpu.memory_space<vmem>>)
    "tpu.region"() ({
      %run_scoped3A = tpu.sem_alloc : memref<!tpu.dma_semaphore, #tpu.memory_space<semaphore_mem>>
      %dma_start3A_209 = arith.constant 0 : i32
      %dma_start3A_210 = arith.constant 0 : i32
      %dma_start3A_211 = tpu.memref_slice %arg6[%dma_start3A_209, %dma_start3A_210] : memref<10240x64xf32, #tpu.memory_space<vmem_shared>> -> memref<10240x64xf32, #tpu.memory_space<vmem_shared>>
      tpu.enqueue_indirect_dma source(%arg9 : memref<1000x64xf32, #tpu.memory_space<vmem>>) target(%dma_start3A_211 : memref<10240x64xf32, #tpu.memory_space<vmem_shared>>) offsets(%arg8 : memref<1000xi32, #tpu.memory_space<vmem>>) semaphore(%run_scoped3A : memref<!tpu.dma_semaphore, #tpu.memory_space<semaphore_mem>>) {add = true}
      %dma_wait3A_212 = arith.constant 0 : i32
      %dma_wait3A_213 = arith.constant 0 : i32
      %dma_wait3A_214 = tpu.memref_slice %arg6[%dma_wait3A_212, %dma_wait3A_213] : memref<10240x64xf32, #tpu.memory_space<vmem_shared>> -> memref<10240x64xf32, #tpu.memory_space<vmem_shared>>
      tpu.wait_indirect_dma semaphore(%run_scoped3A : memref<!tpu.dma_semaphore, #tpu.memory_space<semaphore_mem>>) src(%arg9 : memref<1000x64xf32, #tpu.memory_space<vmem>>) dst(%dma_wait3A_214 : memref<10240x64xf32, #tpu.memory_space<vmem_shared>>)
      tpu.yield
    }) : () -> ()
    %add3A_98 = arith.constant 9000 : i32
    %add3A_99 = arith.addi %add3A_7, %add3A_98 : i32
    "tpu.region"() ({
      %run_scoped3A = tpu.sem_alloc : memref<!tpu.dma_semaphore, #tpu.memory_space<semaphore_mem>>
      %dma_start3A_209 = tpu.memref_slice %arg3[%add3A_99] : memref<640000xi32, #tpu.memory_space<hbm>> -> memref<1000xi32, #tpu.memory_space<hbm>>
      %dma_start3A_210 = tpu.memref_slice %arg3[%add3A_99] : memref<640000xi32, #tpu.memory_space<hbm>> -> memref<1000xi32, #tpu.memory_space<hbm>>
      tpu.enqueue_dma source(%dma_start3A_210 : memref<1000xi32, #tpu.memory_space<hbm>>) target(%arg7 : memref<1000xi32, #tpu.memory_space<vmem>>) target_semaphore(%run_scoped3A : memref<!tpu.dma_semaphore, #tpu.memory_space<semaphore_mem>>)
      %dma_wait3A_211 = tpu.memref_slice %arg3[%add3A_99] : memref<640000xi32, #tpu.memory_space<hbm>> -> memref<1000xi32, #tpu.memory_space<hbm>>
      %dma_wait3A_212 = tpu.memref_slice %arg3[%add3A_99] : memref<640000xi32, #tpu.memory_space<hbm>> -> memref<1000xi32, #tpu.memory_space<hbm>>
      tpu.wait_dma2 semaphore(%run_scoped3A : memref<!tpu.dma_semaphore, #tpu.memory_space<semaphore_mem>>) src(%dma_wait3A_212 : memref<1000xi32, #tpu.memory_space<hbm>>) dst(%arg7 : memref<1000xi32, #tpu.memory_space<vmem>>)
      tpu.yield
    }) : () -> ()
    %add3A_100 = arith.constant 9000 : i32
    %add3A_101 = arith.addi %mul3A_9, %add3A_100 : i32
    "tpu.region"() ({
      %run_scoped3A = tpu.sem_alloc : memref<!tpu.dma_semaphore, #tpu.memory_space<semaphore_mem>>
      %dma_start3A_209 = tpu.memref_slice %arg4[%add3A_101] : memref<320000xi32, #tpu.memory_space<hbm>> -> memref<1000xi32, #tpu.memory_space<hbm>>
      %dma_start3A_210 = tpu.memref_slice %arg4[%add3A_101] : memref<320000xi32, #tpu.memory_space<hbm>> -> memref<1000xi32, #tpu.memory_space<hbm>>
      tpu.enqueue_dma source(%dma_start3A_210 : memref<1000xi32, #tpu.memory_space<hbm>>) target(%arg8 : memref<1000xi32, #tpu.memory_space<vmem>>) target_semaphore(%run_scoped3A : memref<!tpu.dma_semaphore, #tpu.memory_space<semaphore_mem>>)
      %dma_wait3A_211 = tpu.memref_slice %arg4[%add3A_101] : memref<320000xi32, #tpu.memory_space<hbm>> -> memref<1000xi32, #tpu.memory_space<hbm>>
      %dma_wait3A_212 = tpu.memref_slice %arg4[%add3A_101] : memref<320000xi32, #tpu.memory_space<hbm>> -> memref<1000xi32, #tpu.memory_space<hbm>>
      tpu.wait_dma2 semaphore(%run_scoped3A : memref<!tpu.dma_semaphore, #tpu.memory_space<semaphore_mem>>) src(%dma_wait3A_212 : memref<1000xi32, #tpu.memory_space<hbm>>) dst(%arg8 : memref<1000xi32, #tpu.memory_space<vmem>>)
      tpu.yield
    }) : () -> ()
    %dma_start3A_102 = arith.constant 0 : i32
    %dma_start3A_103 = arith.constant 0 : i32
    %dma_start3A_104 = tpu.memref_slice %arg2[%dma_start3A_102, %dma_start3A_103] : memref<20480x64xf32, #tpu.memory_space<hbm>> -> memref<20480x64xf32, #tpu.memory_space<hbm>>
    tpu.enqueue_indirect_dma source(%dma_start3A_104 : memref<20480x64xf32, #tpu.memory_space<hbm>>) target(%arg9 : memref<1000x64xf32, #tpu.memory_space<vmem>>) offsets(%arg7 : memref<1000xi32, #tpu.memory_space<vmem>>) semaphore(%arg10 : memref<!tpu.dma_semaphore, #tpu.memory_space<semaphore_mem>>)
    %dma_wait3A_105 = arith.constant 0 : i32
    %dma_wait3A_106 = arith.constant 0 : i32
    %dma_wait3A_107 = tpu.memref_slice %arg2[%dma_wait3A_105, %dma_wait3A_106] : memref<20480x64xf32, #tpu.memory_space<hbm>> -> memref<20480x64xf32, #tpu.memory_space<hbm>>
    tpu.wait_indirect_dma semaphore(%arg10 : memref<!tpu.dma_semaphore, #tpu.memory_space<semaphore_mem>>) src(%dma_wait3A_107 : memref<20480x64xf32, #tpu.memory_space<hbm>>) dst(%arg9 : memref<1000x64xf32, #tpu.memory_space<vmem>>)
    "tpu.region"() ({
      %run_scoped3A = tpu.sem_alloc : memref<!tpu.dma_semaphore, #tpu.memory_space<semaphore_mem>>
      %dma_start3A_209 = arith.constant 0 : i32
      %dma_start3A_210 = arith.constant 0 : i32
      %dma_start3A_211 = tpu.memref_slice %arg6[%dma_start3A_209, %dma_start3A_210] : memref<10240x64xf32, #tpu.memory_space<vmem_shared>> -> memref<10240x64xf32, #tpu.memory_space<vmem_shared>>
      tpu.enqueue_indirect_dma source(%arg9 : memref<1000x64xf32, #tpu.memory_space<vmem>>) target(%dma_start3A_211 : memref<10240x64xf32, #tpu.memory_space<vmem_shared>>) offsets(%arg8 : memref<1000xi32, #tpu.memory_space<vmem>>) semaphore(%run_scoped3A : memref<!tpu.dma_semaphore, #tpu.memory_space<semaphore_mem>>) {add = true}
      %dma_wait3A_212 = arith.constant 0 : i32
      %dma_wait3A_213 = arith.constant 0 : i32
      %dma_wait3A_214 = tpu.memref_slice %arg6[%dma_wait3A_212, %dma_wait3A_213] : memref<10240x64xf32, #tpu.memory_space<vmem_shared>> -> memref<10240x64xf32, #tpu.memory_space<vmem_shared>>
      tpu.wait_indirect_dma semaphore(%run_scoped3A : memref<!tpu.dma_semaphore, #tpu.memory_space<semaphore_mem>>) src(%arg9 : memref<1000x64xf32, #tpu.memory_space<vmem>>) dst(%dma_wait3A_214 : memref<10240x64xf32, #tpu.memory_space<vmem_shared>>)
      tpu.yield
    }) : () -> ()
    %add3A_108 = arith.constant 10000 : i32
    %add3A_109 = arith.addi %add3A_7, %add3A_108 : i32
    "tpu.region"() ({
      %run_scoped3A = tpu.sem_alloc : memref<!tpu.dma_semaphore, #tpu.memory_space<semaphore_mem>>
      %dma_start3A_209 = tpu.memref_slice %arg3[%add3A_109] : memref<640000xi32, #tpu.memory_space<hbm>> -> memref<1000xi32, #tpu.memory_space<hbm>>
      %dma_start3A_210 = tpu.memref_slice %arg3[%add3A_109] : memref<640000xi32, #tpu.memory_space<hbm>> -> memref<1000xi32, #tpu.memory_space<hbm>>
      tpu.enqueue_dma source(%dma_start3A_210 : memref<1000xi32, #tpu.memory_space<hbm>>) target(%arg7 : memref<1000xi32, #tpu.memory_space<vmem>>) target_semaphore(%run_scoped3A : memref<!tpu.dma_semaphore, #tpu.memory_space<semaphore_mem>>)
      %dma_wait3A_211 = tpu.memref_slice %arg3[%add3A_109] : memref<640000xi32, #tpu.memory_space<hbm>> -> memref<1000xi32, #tpu.memory_space<hbm>>
      %dma_wait3A_212 = tpu.memref_slice %arg3[%add3A_109] : memref<640000xi32, #tpu.memory_space<hbm>> -> memref<1000xi32, #tpu.memory_space<hbm>>
      tpu.wait_dma2 semaphore(%run_scoped3A : memref<!tpu.dma_semaphore, #tpu.memory_space<semaphore_mem>>) src(%dma_wait3A_212 : memref<1000xi32, #tpu.memory_space<hbm>>) dst(%arg7 : memref<1000xi32, #tpu.memory_space<vmem>>)
      tpu.yield
    }) : () -> ()
    %add3A_110 = arith.constant 10000 : i32
    %add3A_111 = arith.addi %mul3A_9, %add3A_110 : i32
    "tpu.region"() ({
      %run_scoped3A = tpu.sem_alloc : memref<!tpu.dma_semaphore, #tpu.memory_space<semaphore_mem>>
      %dma_start3A_209 = tpu.memref_slice %arg4[%add3A_111] : memref<320000xi32, #tpu.memory_space<hbm>> -> memref<1000xi32, #tpu.memory_space<hbm>>
      %dma_start3A_210 = tpu.memref_slice %arg4[%add3A_111] : memref<320000xi32, #tpu.memory_space<hbm>> -> memref<1000xi32, #tpu.memory_space<hbm>>
      tpu.enqueue_dma source(%dma_start3A_210 : memref<1000xi32, #tpu.memory_space<hbm>>) target(%arg8 : memref<1000xi32, #tpu.memory_space<vmem>>) target_semaphore(%run_scoped3A : memref<!tpu.dma_semaphore, #tpu.memory_space<semaphore_mem>>)
      %dma_wait3A_211 = tpu.memref_slice %arg4[%add3A_111] : memref<320000xi32, #tpu.memory_space<hbm>> -> memref<1000xi32, #tpu.memory_space<hbm>>
      %dma_wait3A_212 = tpu.memref_slice %arg4[%add3A_111] : memref<320000xi32, #tpu.memory_space<hbm>> -> memref<1000xi32, #tpu.memory_space<hbm>>
      tpu.wait_dma2 semaphore(%run_scoped3A : memref<!tpu.dma_semaphore, #tpu.memory_space<semaphore_mem>>) src(%dma_wait3A_212 : memref<1000xi32, #tpu.memory_space<hbm>>) dst(%arg8 : memref<1000xi32, #tpu.memory_space<vmem>>)
      tpu.yield
    }) : () -> ()
    %dma_start3A_112 = arith.constant 0 : i32
    %dma_start3A_113 = arith.constant 0 : i32
    %dma_start3A_114 = tpu.memref_slice %arg2[%dma_start3A_112, %dma_start3A_113] : memref<20480x64xf32, #tpu.memory_space<hbm>> -> memref<20480x64xf32, #tpu.memory_space<hbm>>
    tpu.enqueue_indirect_dma source(%dma_start3A_114 : memref<20480x64xf32, #tpu.memory_space<hbm>>) target(%arg9 : memref<1000x64xf32, #tpu.memory_space<vmem>>) offsets(%arg7 : memref<1000xi32, #tpu.memory_space<vmem>>) semaphore(%arg10 : memref<!tpu.dma_semaphore, #tpu.memory_space<semaphore_mem>>)
    %dma_wait3A_115 = arith.constant 0 : i32
    %dma_wait3A_116 = arith.constant 0 : i32
    %dma_wait3A_117 = tpu.memref_slice %arg2[%dma_wait3A_115, %dma_wait3A_116] : memref<20480x64xf32, #tpu.memory_space<hbm>> -> memref<20480x64xf32, #tpu.memory_space<hbm>>
    tpu.wait_indirect_dma semaphore(%arg10 : memref<!tpu.dma_semaphore, #tpu.memory_space<semaphore_mem>>) src(%dma_wait3A_117 : memref<20480x64xf32, #tpu.memory_space<hbm>>) dst(%arg9 : memref<1000x64xf32, #tpu.memory_space<vmem>>)
    "tpu.region"() ({
      %run_scoped3A = tpu.sem_alloc : memref<!tpu.dma_semaphore, #tpu.memory_space<semaphore_mem>>
      %dma_start3A_209 = arith.constant 0 : i32
      %dma_start3A_210 = arith.constant 0 : i32
      %dma_start3A_211 = tpu.memref_slice %arg6[%dma_start3A_209, %dma_start3A_210] : memref<10240x64xf32, #tpu.memory_space<vmem_shared>> -> memref<10240x64xf32, #tpu.memory_space<vmem_shared>>
      tpu.enqueue_indirect_dma source(%arg9 : memref<1000x64xf32, #tpu.memory_space<vmem>>) target(%dma_start3A_211 : memref<10240x64xf32, #tpu.memory_space<vmem_shared>>) offsets(%arg8 : memref<1000xi32, #tpu.memory_space<vmem>>) semaphore(%run_scoped3A : memref<!tpu.dma_semaphore, #tpu.memory_space<semaphore_mem>>) {add = true}
      %dma_wait3A_212 = arith.constant 0 : i32
      %dma_wait3A_213 = arith.constant 0 : i32
      %dma_wait3A_214 = tpu.memref_slice %arg6[%dma_wait3A_212, %dma_wait3A_213] : memref<10240x64xf32, #tpu.memory_space<vmem_shared>> -> memref<10240x64xf32, #tpu.memory_space<vmem_shared>>
      tpu.wait_indirect_dma semaphore(%run_scoped3A : memref<!tpu.dma_semaphore, #tpu.memory_space<semaphore_mem>>) src(%arg9 : memref<1000x64xf32, #tpu.memory_space<vmem>>) dst(%dma_wait3A_214 : memref<10240x64xf32, #tpu.memory_space<vmem_shared>>)
      tpu.yield
    }) : () -> ()
    %add3A_118 = arith.constant 11000 : i32
    %add3A_119 = arith.addi %add3A_7, %add3A_118 : i32
    "tpu.region"() ({
      %run_scoped3A = tpu.sem_alloc : memref<!tpu.dma_semaphore, #tpu.memory_space<semaphore_mem>>
      %dma_start3A_209 = tpu.memref_slice %arg3[%add3A_119] : memref<640000xi32, #tpu.memory_space<hbm>> -> memref<1000xi32, #tpu.memory_space<hbm>>
      %dma_start3A_210 = tpu.memref_slice %arg3[%add3A_119] : memref<640000xi32, #tpu.memory_space<hbm>> -> memref<1000xi32, #tpu.memory_space<hbm>>
      tpu.enqueue_dma source(%dma_start3A_210 : memref<1000xi32, #tpu.memory_space<hbm>>) target(%arg7 : memref<1000xi32, #tpu.memory_space<vmem>>) target_semaphore(%run_scoped3A : memref<!tpu.dma_semaphore, #tpu.memory_space<semaphore_mem>>)
      %dma_wait3A_211 = tpu.memref_slice %arg3[%add3A_119] : memref<640000xi32, #tpu.memory_space<hbm>> -> memref<1000xi32, #tpu.memory_space<hbm>>
      %dma_wait3A_212 = tpu.memref_slice %arg3[%add3A_119] : memref<640000xi32, #tpu.memory_space<hbm>> -> memref<1000xi32, #tpu.memory_space<hbm>>
      tpu.wait_dma2 semaphore(%run_scoped3A : memref<!tpu.dma_semaphore, #tpu.memory_space<semaphore_mem>>) src(%dma_wait3A_212 : memref<1000xi32, #tpu.memory_space<hbm>>) dst(%arg7 : memref<1000xi32, #tpu.memory_space<vmem>>)
      tpu.yield
    }) : () -> ()
    %add3A_120 = arith.constant 11000 : i32
    %add3A_121 = arith.addi %mul3A_9, %add3A_120 : i32
    "tpu.region"() ({
      %run_scoped3A = tpu.sem_alloc : memref<!tpu.dma_semaphore, #tpu.memory_space<semaphore_mem>>
      %dma_start3A_209 = tpu.memref_slice %arg4[%add3A_121] : memref<320000xi32, #tpu.memory_space<hbm>> -> memref<1000xi32, #tpu.memory_space<hbm>>
      %dma_start3A_210 = tpu.memref_slice %arg4[%add3A_121] : memref<320000xi32, #tpu.memory_space<hbm>> -> memref<1000xi32, #tpu.memory_space<hbm>>
      tpu.enqueue_dma source(%dma_start3A_210 : memref<1000xi32, #tpu.memory_space<hbm>>) target(%arg8 : memref<1000xi32, #tpu.memory_space<vmem>>) target_semaphore(%run_scoped3A : memref<!tpu.dma_semaphore, #tpu.memory_space<semaphore_mem>>)
      %dma_wait3A_211 = tpu.memref_slice %arg4[%add3A_121] : memref<320000xi32, #tpu.memory_space<hbm>> -> memref<1000xi32, #tpu.memory_space<hbm>>
      %dma_wait3A_212 = tpu.memref_slice %arg4[%add3A_121] : memref<320000xi32, #tpu.memory_space<hbm>> -> memref<1000xi32, #tpu.memory_space<hbm>>
      tpu.wait_dma2 semaphore(%run_scoped3A : memref<!tpu.dma_semaphore, #tpu.memory_space<semaphore_mem>>) src(%dma_wait3A_212 : memref<1000xi32, #tpu.memory_space<hbm>>) dst(%arg8 : memref<1000xi32, #tpu.memory_space<vmem>>)
      tpu.yield
    }) : () -> ()
    %dma_start3A_122 = arith.constant 0 : i32
    %dma_start3A_123 = arith.constant 0 : i32
    %dma_start3A_124 = tpu.memref_slice %arg2[%dma_start3A_122, %dma_start3A_123] : memref<20480x64xf32, #tpu.memory_space<hbm>> -> memref<20480x64xf32, #tpu.memory_space<hbm>>
    tpu.enqueue_indirect_dma source(%dma_start3A_124 : memref<20480x64xf32, #tpu.memory_space<hbm>>) target(%arg9 : memref<1000x64xf32, #tpu.memory_space<vmem>>) offsets(%arg7 : memref<1000xi32, #tpu.memory_space<vmem>>) semaphore(%arg10 : memref<!tpu.dma_semaphore, #tpu.memory_space<semaphore_mem>>)
    %dma_wait3A_125 = arith.constant 0 : i32
    %dma_wait3A_126 = arith.constant 0 : i32
    %dma_wait3A_127 = tpu.memref_slice %arg2[%dma_wait3A_125, %dma_wait3A_126] : memref<20480x64xf32, #tpu.memory_space<hbm>> -> memref<20480x64xf32, #tpu.memory_space<hbm>>
    tpu.wait_indirect_dma semaphore(%arg10 : memref<!tpu.dma_semaphore, #tpu.memory_space<semaphore_mem>>) src(%dma_wait3A_127 : memref<20480x64xf32, #tpu.memory_space<hbm>>) dst(%arg9 : memref<1000x64xf32, #tpu.memory_space<vmem>>)
    "tpu.region"() ({
      %run_scoped3A = tpu.sem_alloc : memref<!tpu.dma_semaphore, #tpu.memory_space<semaphore_mem>>
      %dma_start3A_209 = arith.constant 0 : i32
      %dma_start3A_210 = arith.constant 0 : i32
      %dma_start3A_211 = tpu.memref_slice %arg6[%dma_start3A_209, %dma_start3A_210] : memref<10240x64xf32, #tpu.memory_space<vmem_shared>> -> memref<10240x64xf32, #tpu.memory_space<vmem_shared>>
      tpu.enqueue_indirect_dma source(%arg9 : memref<1000x64xf32, #tpu.memory_space<vmem>>) target(%dma_start3A_211 : memref<10240x64xf32, #tpu.memory_space<vmem_shared>>) offsets(%arg8 : memref<1000xi32, #tpu.memory_space<vmem>>) semaphore(%run_scoped3A : memref<!tpu.dma_semaphore, #tpu.memory_space<semaphore_mem>>) {add = true}
      %dma_wait3A_212 = arith.constant 0 : i32
      %dma_wait3A_213 = arith.constant 0 : i32
      %dma_wait3A_214 = tpu.memref_slice %arg6[%dma_wait3A_212, %dma_wait3A_213] : memref<10240x64xf32, #tpu.memory_space<vmem_shared>> -> memref<10240x64xf32, #tpu.memory_space<vmem_shared>>
      tpu.wait_indirect_dma semaphore(%run_scoped3A : memref<!tpu.dma_semaphore, #tpu.memory_space<semaphore_mem>>) src(%arg9 : memref<1000x64xf32, #tpu.memory_space<vmem>>) dst(%dma_wait3A_214 : memref<10240x64xf32, #tpu.memory_space<vmem_shared>>)
      tpu.yield
    }) : () -> ()
    %add3A_128 = arith.constant 12000 : i32
    %add3A_129 = arith.addi %add3A_7, %add3A_128 : i32
    "tpu.region"() ({
      %run_scoped3A = tpu.sem_alloc : memref<!tpu.dma_semaphore, #tpu.memory_space<semaphore_mem>>
      %dma_start3A_209 = tpu.memref_slice %arg3[%add3A_129] : memref<640000xi32, #tpu.memory_space<hbm>> -> memref<1000xi32, #tpu.memory_space<hbm>>
      %dma_start3A_210 = tpu.memref_slice %arg3[%add3A_129] : memref<640000xi32, #tpu.memory_space<hbm>> -> memref<1000xi32, #tpu.memory_space<hbm>>
      tpu.enqueue_dma source(%dma_start3A_210 : memref<1000xi32, #tpu.memory_space<hbm>>) target(%arg7 : memref<1000xi32, #tpu.memory_space<vmem>>) target_semaphore(%run_scoped3A : memref<!tpu.dma_semaphore, #tpu.memory_space<semaphore_mem>>)
      %dma_wait3A_211 = tpu.memref_slice %arg3[%add3A_129] : memref<640000xi32, #tpu.memory_space<hbm>> -> memref<1000xi32, #tpu.memory_space<hbm>>
      %dma_wait3A_212 = tpu.memref_slice %arg3[%add3A_129] : memref<640000xi32, #tpu.memory_space<hbm>> -> memref<1000xi32, #tpu.memory_space<hbm>>
      tpu.wait_dma2 semaphore(%run_scoped3A : memref<!tpu.dma_semaphore, #tpu.memory_space<semaphore_mem>>) src(%dma_wait3A_212 : memref<1000xi32, #tpu.memory_space<hbm>>) dst(%arg7 : memref<1000xi32, #tpu.memory_space<vmem>>)
      tpu.yield
    }) : () -> ()
    %add3A_130 = arith.constant 12000 : i32
    %add3A_131 = arith.addi %mul3A_9, %add3A_130 : i32
    "tpu.region"() ({
      %run_scoped3A = tpu.sem_alloc : memref<!tpu.dma_semaphore, #tpu.memory_space<semaphore_mem>>
      %dma_start3A_209 = tpu.memref_slice %arg4[%add3A_131] : memref<320000xi32, #tpu.memory_space<hbm>> -> memref<1000xi32, #tpu.memory_space<hbm>>
      %dma_start3A_210 = tpu.memref_slice %arg4[%add3A_131] : memref<320000xi32, #tpu.memory_space<hbm>> -> memref<1000xi32, #tpu.memory_space<hbm>>
      tpu.enqueue_dma source(%dma_start3A_210 : memref<1000xi32, #tpu.memory_space<hbm>>) target(%arg8 : memref<1000xi32, #tpu.memory_space<vmem>>) target_semaphore(%run_scoped3A : memref<!tpu.dma_semaphore, #tpu.memory_space<semaphore_mem>>)
      %dma_wait3A_211 = tpu.memref_slice %arg4[%add3A_131] : memref<320000xi32, #tpu.memory_space<hbm>> -> memref<1000xi32, #tpu.memory_space<hbm>>
      %dma_wait3A_212 = tpu.memref_slice %arg4[%add3A_131] : memref<320000xi32, #tpu.memory_space<hbm>> -> memref<1000xi32, #tpu.memory_space<hbm>>
      tpu.wait_dma2 semaphore(%run_scoped3A : memref<!tpu.dma_semaphore, #tpu.memory_space<semaphore_mem>>) src(%dma_wait3A_212 : memref<1000xi32, #tpu.memory_space<hbm>>) dst(%arg8 : memref<1000xi32, #tpu.memory_space<vmem>>)
      tpu.yield
    }) : () -> ()
    %dma_start3A_132 = arith.constant 0 : i32
    %dma_start3A_133 = arith.constant 0 : i32
    %dma_start3A_134 = tpu.memref_slice %arg2[%dma_start3A_132, %dma_start3A_133] : memref<20480x64xf32, #tpu.memory_space<hbm>> -> memref<20480x64xf32, #tpu.memory_space<hbm>>
    tpu.enqueue_indirect_dma source(%dma_start3A_134 : memref<20480x64xf32, #tpu.memory_space<hbm>>) target(%arg9 : memref<1000x64xf32, #tpu.memory_space<vmem>>) offsets(%arg7 : memref<1000xi32, #tpu.memory_space<vmem>>) semaphore(%arg10 : memref<!tpu.dma_semaphore, #tpu.memory_space<semaphore_mem>>)
    %dma_wait3A_135 = arith.constant 0 : i32
    %dma_wait3A_136 = arith.constant 0 : i32
    %dma_wait3A_137 = tpu.memref_slice %arg2[%dma_wait3A_135, %dma_wait3A_136] : memref<20480x64xf32, #tpu.memory_space<hbm>> -> memref<20480x64xf32, #tpu.memory_space<hbm>>
    tpu.wait_indirect_dma semaphore(%arg10 : memref<!tpu.dma_semaphore, #tpu.memory_space<semaphore_mem>>) src(%dma_wait3A_137 : memref<20480x64xf32, #tpu.memory_space<hbm>>) dst(%arg9 : memref<1000x64xf32, #tpu.memory_space<vmem>>)
    "tpu.region"() ({
      %run_scoped3A = tpu.sem_alloc : memref<!tpu.dma_semaphore, #tpu.memory_space<semaphore_mem>>
      %dma_start3A_209 = arith.constant 0 : i32
      %dma_start3A_210 = arith.constant 0 : i32
      %dma_start3A_211 = tpu.memref_slice %arg6[%dma_start3A_209, %dma_start3A_210] : memref<10240x64xf32, #tpu.memory_space<vmem_shared>> -> memref<10240x64xf32, #tpu.memory_space<vmem_shared>>
      tpu.enqueue_indirect_dma source(%arg9 : memref<1000x64xf32, #tpu.memory_space<vmem>>) target(%dma_start3A_211 : memref<10240x64xf32, #tpu.memory_space<vmem_shared>>) offsets(%arg8 : memref<1000xi32, #tpu.memory_space<vmem>>) semaphore(%run_scoped3A : memref<!tpu.dma_semaphore, #tpu.memory_space<semaphore_mem>>) {add = true}
      %dma_wait3A_212 = arith.constant 0 : i32
      %dma_wait3A_213 = arith.constant 0 : i32
      %dma_wait3A_214 = tpu.memref_slice %arg6[%dma_wait3A_212, %dma_wait3A_213] : memref<10240x64xf32, #tpu.memory_space<vmem_shared>> -> memref<10240x64xf32, #tpu.memory_space<vmem_shared>>
      tpu.wait_indirect_dma semaphore(%run_scoped3A : memref<!tpu.dma_semaphore, #tpu.memory_space<semaphore_mem>>) src(%arg9 : memref<1000x64xf32, #tpu.memory_space<vmem>>) dst(%dma_wait3A_214 : memref<10240x64xf32, #tpu.memory_space<vmem_shared>>)
      tpu.yield
    }) : () -> ()
    %add3A_138 = arith.constant 13000 : i32
    %add3A_139 = arith.addi %add3A_7, %add3A_138 : i32
    "tpu.region"() ({
      %run_scoped3A = tpu.sem_alloc : memref<!tpu.dma_semaphore, #tpu.memory_space<semaphore_mem>>
      %dma_start3A_209 = tpu.memref_slice %arg3[%add3A_139] : memref<640000xi32, #tpu.memory_space<hbm>> -> memref<1000xi32, #tpu.memory_space<hbm>>
      %dma_start3A_210 = tpu.memref_slice %arg3[%add3A_139] : memref<640000xi32, #tpu.memory_space<hbm>> -> memref<1000xi32, #tpu.memory_space<hbm>>
      tpu.enqueue_dma source(%dma_start3A_210 : memref<1000xi32, #tpu.memory_space<hbm>>) target(%arg7 : memref<1000xi32, #tpu.memory_space<vmem>>) target_semaphore(%run_scoped3A : memref<!tpu.dma_semaphore, #tpu.memory_space<semaphore_mem>>)
      %dma_wait3A_211 = tpu.memref_slice %arg3[%add3A_139] : memref<640000xi32, #tpu.memory_space<hbm>> -> memref<1000xi32, #tpu.memory_space<hbm>>
      %dma_wait3A_212 = tpu.memref_slice %arg3[%add3A_139] : memref<640000xi32, #tpu.memory_space<hbm>> -> memref<1000xi32, #tpu.memory_space<hbm>>
      tpu.wait_dma2 semaphore(%run_scoped3A : memref<!tpu.dma_semaphore, #tpu.memory_space<semaphore_mem>>) src(%dma_wait3A_212 : memref<1000xi32, #tpu.memory_space<hbm>>) dst(%arg7 : memref<1000xi32, #tpu.memory_space<vmem>>)
      tpu.yield
    }) : () -> ()
    %add3A_140 = arith.constant 13000 : i32
    %add3A_141 = arith.addi %mul3A_9, %add3A_140 : i32
    "tpu.region"() ({
      %run_scoped3A = tpu.sem_alloc : memref<!tpu.dma_semaphore, #tpu.memory_space<semaphore_mem>>
      %dma_start3A_209 = tpu.memref_slice %arg4[%add3A_141] : memref<320000xi32, #tpu.memory_space<hbm>> -> memref<1000xi32, #tpu.memory_space<hbm>>
      %dma_start3A_210 = tpu.memref_slice %arg4[%add3A_141] : memref<320000xi32, #tpu.memory_space<hbm>> -> memref<1000xi32, #tpu.memory_space<hbm>>
      tpu.enqueue_dma source(%dma_start3A_210 : memref<1000xi32, #tpu.memory_space<hbm>>) target(%arg8 : memref<1000xi32, #tpu.memory_space<vmem>>) target_semaphore(%run_scoped3A : memref<!tpu.dma_semaphore, #tpu.memory_space<semaphore_mem>>)
      %dma_wait3A_211 = tpu.memref_slice %arg4[%add3A_141] : memref<320000xi32, #tpu.memory_space<hbm>> -> memref<1000xi32, #tpu.memory_space<hbm>>
      %dma_wait3A_212 = tpu.memref_slice %arg4[%add3A_141] : memref<320000xi32, #tpu.memory_space<hbm>> -> memref<1000xi32, #tpu.memory_space<hbm>>
      tpu.wait_dma2 semaphore(%run_scoped3A : memref<!tpu.dma_semaphore, #tpu.memory_space<semaphore_mem>>) src(%dma_wait3A_212 : memref<1000xi32, #tpu.memory_space<hbm>>) dst(%arg8 : memref<1000xi32, #tpu.memory_space<vmem>>)
      tpu.yield
    }) : () -> ()
    %dma_start3A_142 = arith.constant 0 : i32
    %dma_start3A_143 = arith.constant 0 : i32
    %dma_start3A_144 = tpu.memref_slice %arg2[%dma_start3A_142, %dma_start3A_143] : memref<20480x64xf32, #tpu.memory_space<hbm>> -> memref<20480x64xf32, #tpu.memory_space<hbm>>
    tpu.enqueue_indirect_dma source(%dma_start3A_144 : memref<20480x64xf32, #tpu.memory_space<hbm>>) target(%arg9 : memref<1000x64xf32, #tpu.memory_space<vmem>>) offsets(%arg7 : memref<1000xi32, #tpu.memory_space<vmem>>) semaphore(%arg10 : memref<!tpu.dma_semaphore, #tpu.memory_space<semaphore_mem>>)
    %dma_wait3A_145 = arith.constant 0 : i32
    %dma_wait3A_146 = arith.constant 0 : i32
    %dma_wait3A_147 = tpu.memref_slice %arg2[%dma_wait3A_145, %dma_wait3A_146] : memref<20480x64xf32, #tpu.memory_space<hbm>> -> memref<20480x64xf32, #tpu.memory_space<hbm>>
    tpu.wait_indirect_dma semaphore(%arg10 : memref<!tpu.dma_semaphore, #tpu.memory_space<semaphore_mem>>) src(%dma_wait3A_147 : memref<20480x64xf32, #tpu.memory_space<hbm>>) dst(%arg9 : memref<1000x64xf32, #tpu.memory_space<vmem>>)
    "tpu.region"() ({
      %run_scoped3A = tpu.sem_alloc : memref<!tpu.dma_semaphore, #tpu.memory_space<semaphore_mem>>
      %dma_start3A_209 = arith.constant 0 : i32
      %dma_start3A_210 = arith.constant 0 : i32
      %dma_start3A_211 = tpu.memref_slice %arg6[%dma_start3A_209, %dma_start3A_210] : memref<10240x64xf32, #tpu.memory_space<vmem_shared>> -> memref<10240x64xf32, #tpu.memory_space<vmem_shared>>
      tpu.enqueue_indirect_dma source(%arg9 : memref<1000x64xf32, #tpu.memory_space<vmem>>) target(%dma_start3A_211 : memref<10240x64xf32, #tpu.memory_space<vmem_shared>>) offsets(%arg8 : memref<1000xi32, #tpu.memory_space<vmem>>) semaphore(%run_scoped3A : memref<!tpu.dma_semaphore, #tpu.memory_space<semaphore_mem>>) {add = true}
      %dma_wait3A_212 = arith.constant 0 : i32
      %dma_wait3A_213 = arith.constant 0 : i32
      %dma_wait3A_214 = tpu.memref_slice %arg6[%dma_wait3A_212, %dma_wait3A_213] : memref<10240x64xf32, #tpu.memory_space<vmem_shared>> -> memref<10240x64xf32, #tpu.memory_space<vmem_shared>>
      tpu.wait_indirect_dma semaphore(%run_scoped3A : memref<!tpu.dma_semaphore, #tpu.memory_space<semaphore_mem>>) src(%arg9 : memref<1000x64xf32, #tpu.memory_space<vmem>>) dst(%dma_wait3A_214 : memref<10240x64xf32, #tpu.memory_space<vmem_shared>>)
      tpu.yield
    }) : () -> ()
    %add3A_148 = arith.constant 14000 : i32
    %add3A_149 = arith.addi %add3A_7, %add3A_148 : i32
    "tpu.region"() ({
      %run_scoped3A = tpu.sem_alloc : memref<!tpu.dma_semaphore, #tpu.memory_space<semaphore_mem>>
      %dma_start3A_209 = tpu.memref_slice %arg3[%add3A_149] : memref<640000xi32, #tpu.memory_space<hbm>> -> memref<1000xi32, #tpu.memory_space<hbm>>
      %dma_start3A_210 = tpu.memref_slice %arg3[%add3A_149] : memref<640000xi32, #tpu.memory_space<hbm>> -> memref<1000xi32, #tpu.memory_space<hbm>>
      tpu.enqueue_dma source(%dma_start3A_210 : memref<1000xi32, #tpu.memory_space<hbm>>) target(%arg7 : memref<1000xi32, #tpu.memory_space<vmem>>) target_semaphore(%run_scoped3A : memref<!tpu.dma_semaphore, #tpu.memory_space<semaphore_mem>>)
      %dma_wait3A_211 = tpu.memref_slice %arg3[%add3A_149] : memref<640000xi32, #tpu.memory_space<hbm>> -> memref<1000xi32, #tpu.memory_space<hbm>>
      %dma_wait3A_212 = tpu.memref_slice %arg3[%add3A_149] : memref<640000xi32, #tpu.memory_space<hbm>> -> memref<1000xi32, #tpu.memory_space<hbm>>
      tpu.wait_dma2 semaphore(%run_scoped3A : memref<!tpu.dma_semaphore, #tpu.memory_space<semaphore_mem>>) src(%dma_wait3A_212 : memref<1000xi32, #tpu.memory_space<hbm>>) dst(%arg7 : memref<1000xi32, #tpu.memory_space<vmem>>)
      tpu.yield
    }) : () -> ()
    %add3A_150 = arith.constant 14000 : i32
    %add3A_151 = arith.addi %mul3A_9, %add3A_150 : i32
    "tpu.region"() ({
      %run_scoped3A = tpu.sem_alloc : memref<!tpu.dma_semaphore, #tpu.memory_space<semaphore_mem>>
      %dma_start3A_209 = tpu.memref_slice %arg4[%add3A_151] : memref<320000xi32, #tpu.memory_space<hbm>> -> memref<1000xi32, #tpu.memory_space<hbm>>
      %dma_start3A_210 = tpu.memref_slice %arg4[%add3A_151] : memref<320000xi32, #tpu.memory_space<hbm>> -> memref<1000xi32, #tpu.memory_space<hbm>>
      tpu.enqueue_dma source(%dma_start3A_210 : memref<1000xi32, #tpu.memory_space<hbm>>) target(%arg8 : memref<1000xi32, #tpu.memory_space<vmem>>) target_semaphore(%run_scoped3A : memref<!tpu.dma_semaphore, #tpu.memory_space<semaphore_mem>>)
      %dma_wait3A_211 = tpu.memref_slice %arg4[%add3A_151] : memref<320000xi32, #tpu.memory_space<hbm>> -> memref<1000xi32, #tpu.memory_space<hbm>>
      %dma_wait3A_212 = tpu.memref_slice %arg4[%add3A_151] : memref<320000xi32, #tpu.memory_space<hbm>> -> memref<1000xi32, #tpu.memory_space<hbm>>
      tpu.wait_dma2 semaphore(%run_scoped3A : memref<!tpu.dma_semaphore, #tpu.memory_space<semaphore_mem>>) src(%dma_wait3A_212 : memref<1000xi32, #tpu.memory_space<hbm>>) dst(%arg8 : memref<1000xi32, #tpu.memory_space<vmem>>)
      tpu.yield
    }) : () -> ()
    %dma_start3A_152 = arith.constant 0 : i32
    %dma_start3A_153 = arith.constant 0 : i32
    %dma_start3A_154 = tpu.memref_slice %arg2[%dma_start3A_152, %dma_start3A_153] : memref<20480x64xf32, #tpu.memory_space<hbm>> -> memref<20480x64xf32, #tpu.memory_space<hbm>>
    tpu.enqueue_indirect_dma source(%dma_start3A_154 : memref<20480x64xf32, #tpu.memory_space<hbm>>) target(%arg9 : memref<1000x64xf32, #tpu.memory_space<vmem>>) offsets(%arg7 : memref<1000xi32, #tpu.memory_space<vmem>>) semaphore(%arg10 : memref<!tpu.dma_semaphore, #tpu.memory_space<semaphore_mem>>)
    %dma_wait3A_155 = arith.constant 0 : i32
    %dma_wait3A_156 = arith.constant 0 : i32
    %dma_wait3A_157 = tpu.memref_slice %arg2[%dma_wait3A_155, %dma_wait3A_156] : memref<20480x64xf32, #tpu.memory_space<hbm>> -> memref<20480x64xf32, #tpu.memory_space<hbm>>
    tpu.wait_indirect_dma semaphore(%arg10 : memref<!tpu.dma_semaphore, #tpu.memory_space<semaphore_mem>>) src(%dma_wait3A_157 : memref<20480x64xf32, #tpu.memory_space<hbm>>) dst(%arg9 : memref<1000x64xf32, #tpu.memory_space<vmem>>)
    "tpu.region"() ({
      %run_scoped3A = tpu.sem_alloc : memref<!tpu.dma_semaphore, #tpu.memory_space<semaphore_mem>>
      %dma_start3A_209 = arith.constant 0 : i32
      %dma_start3A_210 = arith.constant 0 : i32
      %dma_start3A_211 = tpu.memref_slice %arg6[%dma_start3A_209, %dma_start3A_210] : memref<10240x64xf32, #tpu.memory_space<vmem_shared>> -> memref<10240x64xf32, #tpu.memory_space<vmem_shared>>
      tpu.enqueue_indirect_dma source(%arg9 : memref<1000x64xf32, #tpu.memory_space<vmem>>) target(%dma_start3A_211 : memref<10240x64xf32, #tpu.memory_space<vmem_shared>>) offsets(%arg8 : memref<1000xi32, #tpu.memory_space<vmem>>) semaphore(%run_scoped3A : memref<!tpu.dma_semaphore, #tpu.memory_space<semaphore_mem>>) {add = true}
      %dma_wait3A_212 = arith.constant 0 : i32
      %dma_wait3A_213 = arith.constant 0 : i32
      %dma_wait3A_214 = tpu.memref_slice %arg6[%dma_wait3A_212, %dma_wait3A_213] : memref<10240x64xf32, #tpu.memory_space<vmem_shared>> -> memref<10240x64xf32, #tpu.memory_space<vmem_shared>>
      tpu.wait_indirect_dma semaphore(%run_scoped3A : memref<!tpu.dma_semaphore, #tpu.memory_space<semaphore_mem>>) src(%arg9 : memref<1000x64xf32, #tpu.memory_space<vmem>>) dst(%dma_wait3A_214 : memref<10240x64xf32, #tpu.memory_space<vmem_shared>>)
      tpu.yield
    }) : () -> ()
    %add3A_158 = arith.constant 15000 : i32
    %add3A_159 = arith.addi %add3A_7, %add3A_158 : i32
    "tpu.region"() ({
      %run_scoped3A = tpu.sem_alloc : memref<!tpu.dma_semaphore, #tpu.memory_space<semaphore_mem>>
      %dma_start3A_209 = tpu.memref_slice %arg3[%add3A_159] : memref<640000xi32, #tpu.memory_space<hbm>> -> memref<1000xi32, #tpu.memory_space<hbm>>
      %dma_start3A_210 = tpu.memref_slice %arg3[%add3A_159] : memref<640000xi32, #tpu.memory_space<hbm>> -> memref<1000xi32, #tpu.memory_space<hbm>>
      tpu.enqueue_dma source(%dma_start3A_210 : memref<1000xi32, #tpu.memory_space<hbm>>) target(%arg7 : memref<1000xi32, #tpu.memory_space<vmem>>) target_semaphore(%run_scoped3A : memref<!tpu.dma_semaphore, #tpu.memory_space<semaphore_mem>>)
      %dma_wait3A_211 = tpu.memref_slice %arg3[%add3A_159] : memref<640000xi32, #tpu.memory_space<hbm>> -> memref<1000xi32, #tpu.memory_space<hbm>>
      %dma_wait3A_212 = tpu.memref_slice %arg3[%add3A_159] : memref<640000xi32, #tpu.memory_space<hbm>> -> memref<1000xi32, #tpu.memory_space<hbm>>
      tpu.wait_dma2 semaphore(%run_scoped3A : memref<!tpu.dma_semaphore, #tpu.memory_space<semaphore_mem>>) src(%dma_wait3A_212 : memref<1000xi32, #tpu.memory_space<hbm>>) dst(%arg7 : memref<1000xi32, #tpu.memory_space<vmem>>)
      tpu.yield
    }) : () -> ()
    %add3A_160 = arith.constant 15000 : i32
    %add3A_161 = arith.addi %mul3A_9, %add3A_160 : i32
    "tpu.region"() ({
      %run_scoped3A = tpu.sem_alloc : memref<!tpu.dma_semaphore, #tpu.memory_space<semaphore_mem>>
      %dma_start3A_209 = tpu.memref_slice %arg4[%add3A_161] : memref<320000xi32, #tpu.memory_space<hbm>> -> memref<1000xi32, #tpu.memory_space<hbm>>
      %dma_start3A_210 = tpu.memref_slice %arg4[%add3A_161] : memref<320000xi32, #tpu.memory_space<hbm>> -> memref<1000xi32, #tpu.memory_space<hbm>>
      tpu.enqueue_dma source(%dma_start3A_210 : memref<1000xi32, #tpu.memory_space<hbm>>) target(%arg8 : memref<1000xi32, #tpu.memory_space<vmem>>) target_semaphore(%run_scoped3A : memref<!tpu.dma_semaphore, #tpu.memory_space<semaphore_mem>>)
      %dma_wait3A_211 = tpu.memref_slice %arg4[%add3A_161] : memref<320000xi32, #tpu.memory_space<hbm>> -> memref<1000xi32, #tpu.memory_space<hbm>>
      %dma_wait3A_212 = tpu.memref_slice %arg4[%add3A_161] : memref<320000xi32, #tpu.memory_space<hbm>> -> memref<1000xi32, #tpu.memory_space<hbm>>
      tpu.wait_dma2 semaphore(%run_scoped3A : memref<!tpu.dma_semaphore, #tpu.memory_space<semaphore_mem>>) src(%dma_wait3A_212 : memref<1000xi32, #tpu.memory_space<hbm>>) dst(%arg8 : memref<1000xi32, #tpu.memory_space<vmem>>)
      tpu.yield
    }) : () -> ()
    %dma_start3A_162 = arith.constant 0 : i32
    %dma_start3A_163 = arith.constant 0 : i32
    %dma_start3A_164 = tpu.memref_slice %arg2[%dma_start3A_162, %dma_start3A_163] : memref<20480x64xf32, #tpu.memory_space<hbm>> -> memref<20480x64xf32, #tpu.memory_space<hbm>>
    tpu.enqueue_indirect_dma source(%dma_start3A_164 : memref<20480x64xf32, #tpu.memory_space<hbm>>) target(%arg9 : memref<1000x64xf32, #tpu.memory_space<vmem>>) offsets(%arg7 : memref<1000xi32, #tpu.memory_space<vmem>>) semaphore(%arg10 : memref<!tpu.dma_semaphore, #tpu.memory_space<semaphore_mem>>)
    %dma_wait3A_165 = arith.constant 0 : i32
    %dma_wait3A_166 = arith.constant 0 : i32
    %dma_wait3A_167 = tpu.memref_slice %arg2[%dma_wait3A_165, %dma_wait3A_166] : memref<20480x64xf32, #tpu.memory_space<hbm>> -> memref<20480x64xf32, #tpu.memory_space<hbm>>
    tpu.wait_indirect_dma semaphore(%arg10 : memref<!tpu.dma_semaphore, #tpu.memory_space<semaphore_mem>>) src(%dma_wait3A_167 : memref<20480x64xf32, #tpu.memory_space<hbm>>) dst(%arg9 : memref<1000x64xf32, #tpu.memory_space<vmem>>)
    "tpu.region"() ({
      %run_scoped3A = tpu.sem_alloc : memref<!tpu.dma_semaphore, #tpu.memory_space<semaphore_mem>>
      %dma_start3A_209 = arith.constant 0 : i32
      %dma_start3A_210 = arith.constant 0 : i32
      %dma_start3A_211 = tpu.memref_slice %arg6[%dma_start3A_209, %dma_start3A_210] : memref<10240x64xf32, #tpu.memory_space<vmem_shared>> -> memref<10240x64xf32, #tpu.memory_space<vmem_shared>>
      tpu.enqueue_indirect_dma source(%arg9 : memref<1000x64xf32, #tpu.memory_space<vmem>>) target(%dma_start3A_211 : memref<10240x64xf32, #tpu.memory_space<vmem_shared>>) offsets(%arg8 : memref<1000xi32, #tpu.memory_space<vmem>>) semaphore(%run_scoped3A : memref<!tpu.dma_semaphore, #tpu.memory_space<semaphore_mem>>) {add = true}
      %dma_wait3A_212 = arith.constant 0 : i32
      %dma_wait3A_213 = arith.constant 0 : i32
      %dma_wait3A_214 = tpu.memref_slice %arg6[%dma_wait3A_212, %dma_wait3A_213] : memref<10240x64xf32, #tpu.memory_space<vmem_shared>> -> memref<10240x64xf32, #tpu.memory_space<vmem_shared>>
      tpu.wait_indirect_dma semaphore(%run_scoped3A : memref<!tpu.dma_semaphore, #tpu.memory_space<semaphore_mem>>) src(%arg9 : memref<1000x64xf32, #tpu.memory_space<vmem>>) dst(%dma_wait3A_214 : memref<10240x64xf32, #tpu.memory_space<vmem_shared>>)
      tpu.yield
    }) : () -> ()
    %add3A_168 = arith.constant 16000 : i32
    %add3A_169 = arith.addi %add3A_7, %add3A_168 : i32
    "tpu.region"() ({
      %run_scoped3A = tpu.sem_alloc : memref<!tpu.dma_semaphore, #tpu.memory_space<semaphore_mem>>
      %dma_start3A_209 = tpu.memref_slice %arg3[%add3A_169] : memref<640000xi32, #tpu.memory_space<hbm>> -> memref<1000xi32, #tpu.memory_space<hbm>>
      %dma_start3A_210 = tpu.memref_slice %arg3[%add3A_169] : memref<640000xi32, #tpu.memory_space<hbm>> -> memref<1000xi32, #tpu.memory_space<hbm>>
      tpu.enqueue_dma source(%dma_start3A_210 : memref<1000xi32, #tpu.memory_space<hbm>>) target(%arg7 : memref<1000xi32, #tpu.memory_space<vmem>>) target_semaphore(%run_scoped3A : memref<!tpu.dma_semaphore, #tpu.memory_space<semaphore_mem>>)
      %dma_wait3A_211 = tpu.memref_slice %arg3[%add3A_169] : memref<640000xi32, #tpu.memory_space<hbm>> -> memref<1000xi32, #tpu.memory_space<hbm>>
      %dma_wait3A_212 = tpu.memref_slice %arg3[%add3A_169] : memref<640000xi32, #tpu.memory_space<hbm>> -> memref<1000xi32, #tpu.memory_space<hbm>>
      tpu.wait_dma2 semaphore(%run_scoped3A : memref<!tpu.dma_semaphore, #tpu.memory_space<semaphore_mem>>) src(%dma_wait3A_212 : memref<1000xi32, #tpu.memory_space<hbm>>) dst(%arg7 : memref<1000xi32, #tpu.memory_space<vmem>>)
      tpu.yield
    }) : () -> ()
    %add3A_170 = arith.constant 16000 : i32
    %add3A_171 = arith.addi %mul3A_9, %add3A_170 : i32
    "tpu.region"() ({
      %run_scoped3A = tpu.sem_alloc : memref<!tpu.dma_semaphore, #tpu.memory_space<semaphore_mem>>
      %dma_start3A_209 = tpu.memref_slice %arg4[%add3A_171] : memref<320000xi32, #tpu.memory_space<hbm>> -> memref<1000xi32, #tpu.memory_space<hbm>>
      %dma_start3A_210 = tpu.memref_slice %arg4[%add3A_171] : memref<320000xi32, #tpu.memory_space<hbm>> -> memref<1000xi32, #tpu.memory_space<hbm>>
      tpu.enqueue_dma source(%dma_start3A_210 : memref<1000xi32, #tpu.memory_space<hbm>>) target(%arg8 : memref<1000xi32, #tpu.memory_space<vmem>>) target_semaphore(%run_scoped3A : memref<!tpu.dma_semaphore, #tpu.memory_space<semaphore_mem>>)
      %dma_wait3A_211 = tpu.memref_slice %arg4[%add3A_171] : memref<320000xi32, #tpu.memory_space<hbm>> -> memref<1000xi32, #tpu.memory_space<hbm>>
      %dma_wait3A_212 = tpu.memref_slice %arg4[%add3A_171] : memref<320000xi32, #tpu.memory_space<hbm>> -> memref<1000xi32, #tpu.memory_space<hbm>>
      tpu.wait_dma2 semaphore(%run_scoped3A : memref<!tpu.dma_semaphore, #tpu.memory_space<semaphore_mem>>) src(%dma_wait3A_212 : memref<1000xi32, #tpu.memory_space<hbm>>) dst(%arg8 : memref<1000xi32, #tpu.memory_space<vmem>>)
      tpu.yield
    }) : () -> ()
    %dma_start3A_172 = arith.constant 0 : i32
    %dma_start3A_173 = arith.constant 0 : i32
    %dma_start3A_174 = tpu.memref_slice %arg2[%dma_start3A_172, %dma_start3A_173] : memref<20480x64xf32, #tpu.memory_space<hbm>> -> memref<20480x64xf32, #tpu.memory_space<hbm>>
    tpu.enqueue_indirect_dma source(%dma_start3A_174 : memref<20480x64xf32, #tpu.memory_space<hbm>>) target(%arg9 : memref<1000x64xf32, #tpu.memory_space<vmem>>) offsets(%arg7 : memref<1000xi32, #tpu.memory_space<vmem>>) semaphore(%arg10 : memref<!tpu.dma_semaphore, #tpu.memory_space<semaphore_mem>>)
    %dma_wait3A_175 = arith.constant 0 : i32
    %dma_wait3A_176 = arith.constant 0 : i32
    %dma_wait3A_177 = tpu.memref_slice %arg2[%dma_wait3A_175, %dma_wait3A_176] : memref<20480x64xf32, #tpu.memory_space<hbm>> -> memref<20480x64xf32, #tpu.memory_space<hbm>>
    tpu.wait_indirect_dma semaphore(%arg10 : memref<!tpu.dma_semaphore, #tpu.memory_space<semaphore_mem>>) src(%dma_wait3A_177 : memref<20480x64xf32, #tpu.memory_space<hbm>>) dst(%arg9 : memref<1000x64xf32, #tpu.memory_space<vmem>>)
    "tpu.region"() ({
      %run_scoped3A = tpu.sem_alloc : memref<!tpu.dma_semaphore, #tpu.memory_space<semaphore_mem>>
      %dma_start3A_209 = arith.constant 0 : i32
      %dma_start3A_210 = arith.constant 0 : i32
      %dma_start3A_211 = tpu.memref_slice %arg6[%dma_start3A_209, %dma_start3A_210] : memref<10240x64xf32, #tpu.memory_space<vmem_shared>> -> memref<10240x64xf32, #tpu.memory_space<vmem_shared>>
      tpu.enqueue_indirect_dma source(%arg9 : memref<1000x64xf32, #tpu.memory_space<vmem>>) target(%dma_start3A_211 : memref<10240x64xf32, #tpu.memory_space<vmem_shared>>) offsets(%arg8 : memref<1000xi32, #tpu.memory_space<vmem>>) semaphore(%run_scoped3A : memref<!tpu.dma_semaphore, #tpu.memory_space<semaphore_mem>>) {add = true}
      %dma_wait3A_212 = arith.constant 0 : i32
      %dma_wait3A_213 = arith.constant 0 : i32
      %dma_wait3A_214 = tpu.memref_slice %arg6[%dma_wait3A_212, %dma_wait3A_213] : memref<10240x64xf32, #tpu.memory_space<vmem_shared>> -> memref<10240x64xf32, #tpu.memory_space<vmem_shared>>
      tpu.wait_indirect_dma semaphore(%run_scoped3A : memref<!tpu.dma_semaphore, #tpu.memory_space<semaphore_mem>>) src(%arg9 : memref<1000x64xf32, #tpu.memory_space<vmem>>) dst(%dma_wait3A_214 : memref<10240x64xf32, #tpu.memory_space<vmem_shared>>)
      tpu.yield
    }) : () -> ()
    %add3A_178 = arith.constant 17000 : i32
    %add3A_179 = arith.addi %add3A_7, %add3A_178 : i32
    "tpu.region"() ({
      %run_scoped3A = tpu.sem_alloc : memref<!tpu.dma_semaphore, #tpu.memory_space<semaphore_mem>>
      %dma_start3A_209 = tpu.memref_slice %arg3[%add3A_179] : memref<640000xi32, #tpu.memory_space<hbm>> -> memref<1000xi32, #tpu.memory_space<hbm>>
      %dma_start3A_210 = tpu.memref_slice %arg3[%add3A_179] : memref<640000xi32, #tpu.memory_space<hbm>> -> memref<1000xi32, #tpu.memory_space<hbm>>
      tpu.enqueue_dma source(%dma_start3A_210 : memref<1000xi32, #tpu.memory_space<hbm>>) target(%arg7 : memref<1000xi32, #tpu.memory_space<vmem>>) target_semaphore(%run_scoped3A : memref<!tpu.dma_semaphore, #tpu.memory_space<semaphore_mem>>)
      %dma_wait3A_211 = tpu.memref_slice %arg3[%add3A_179] : memref<640000xi32, #tpu.memory_space<hbm>> -> memref<1000xi32, #tpu.memory_space<hbm>>
      %dma_wait3A_212 = tpu.memref_slice %arg3[%add3A_179] : memref<640000xi32, #tpu.memory_space<hbm>> -> memref<1000xi32, #tpu.memory_space<hbm>>
      tpu.wait_dma2 semaphore(%run_scoped3A : memref<!tpu.dma_semaphore, #tpu.memory_space<semaphore_mem>>) src(%dma_wait3A_212 : memref<1000xi32, #tpu.memory_space<hbm>>) dst(%arg7 : memref<1000xi32, #tpu.memory_space<vmem>>)
      tpu.yield
    }) : () -> ()
    %add3A_180 = arith.constant 17000 : i32
    %add3A_181 = arith.addi %mul3A_9, %add3A_180 : i32
    "tpu.region"() ({
      %run_scoped3A = tpu.sem_alloc : memref<!tpu.dma_semaphore, #tpu.memory_space<semaphore_mem>>
      %dma_start3A_209 = tpu.memref_slice %arg4[%add3A_181] : memref<320000xi32, #tpu.memory_space<hbm>> -> memref<1000xi32, #tpu.memory_space<hbm>>
      %dma_start3A_210 = tpu.memref_slice %arg4[%add3A_181] : memref<320000xi32, #tpu.memory_space<hbm>> -> memref<1000xi32, #tpu.memory_space<hbm>>
      tpu.enqueue_dma source(%dma_start3A_210 : memref<1000xi32, #tpu.memory_space<hbm>>) target(%arg8 : memref<1000xi32, #tpu.memory_space<vmem>>) target_semaphore(%run_scoped3A : memref<!tpu.dma_semaphore, #tpu.memory_space<semaphore_mem>>)
      %dma_wait3A_211 = tpu.memref_slice %arg4[%add3A_181] : memref<320000xi32, #tpu.memory_space<hbm>> -> memref<1000xi32, #tpu.memory_space<hbm>>
      %dma_wait3A_212 = tpu.memref_slice %arg4[%add3A_181] : memref<320000xi32, #tpu.memory_space<hbm>> -> memref<1000xi32, #tpu.memory_space<hbm>>
      tpu.wait_dma2 semaphore(%run_scoped3A : memref<!tpu.dma_semaphore, #tpu.memory_space<semaphore_mem>>) src(%dma_wait3A_212 : memref<1000xi32, #tpu.memory_space<hbm>>) dst(%arg8 : memref<1000xi32, #tpu.memory_space<vmem>>)
      tpu.yield
    }) : () -> ()
    %dma_start3A_182 = arith.constant 0 : i32
    %dma_start3A_183 = arith.constant 0 : i32
    %dma_start3A_184 = tpu.memref_slice %arg2[%dma_start3A_182, %dma_start3A_183] : memref<20480x64xf32, #tpu.memory_space<hbm>> -> memref<20480x64xf32, #tpu.memory_space<hbm>>
    tpu.enqueue_indirect_dma source(%dma_start3A_184 : memref<20480x64xf32, #tpu.memory_space<hbm>>) target(%arg9 : memref<1000x64xf32, #tpu.memory_space<vmem>>) offsets(%arg7 : memref<1000xi32, #tpu.memory_space<vmem>>) semaphore(%arg10 : memref<!tpu.dma_semaphore, #tpu.memory_space<semaphore_mem>>)
    %dma_wait3A_185 = arith.constant 0 : i32
    %dma_wait3A_186 = arith.constant 0 : i32
    %dma_wait3A_187 = tpu.memref_slice %arg2[%dma_wait3A_185, %dma_wait3A_186] : memref<20480x64xf32, #tpu.memory_space<hbm>> -> memref<20480x64xf32, #tpu.memory_space<hbm>>
    tpu.wait_indirect_dma semaphore(%arg10 : memref<!tpu.dma_semaphore, #tpu.memory_space<semaphore_mem>>) src(%dma_wait3A_187 : memref<20480x64xf32, #tpu.memory_space<hbm>>) dst(%arg9 : memref<1000x64xf32, #tpu.memory_space<vmem>>)
    "tpu.region"() ({
      %run_scoped3A = tpu.sem_alloc : memref<!tpu.dma_semaphore, #tpu.memory_space<semaphore_mem>>
      %dma_start3A_209 = arith.constant 0 : i32
      %dma_start3A_210 = arith.constant 0 : i32
      %dma_start3A_211 = tpu.memref_slice %arg6[%dma_start3A_209, %dma_start3A_210] : memref<10240x64xf32, #tpu.memory_space<vmem_shared>> -> memref<10240x64xf32, #tpu.memory_space<vmem_shared>>
      tpu.enqueue_indirect_dma source(%arg9 : memref<1000x64xf32, #tpu.memory_space<vmem>>) target(%dma_start3A_211 : memref<10240x64xf32, #tpu.memory_space<vmem_shared>>) offsets(%arg8 : memref<1000xi32, #tpu.memory_space<vmem>>) semaphore(%run_scoped3A : memref<!tpu.dma_semaphore, #tpu.memory_space<semaphore_mem>>) {add = true}
      %dma_wait3A_212 = arith.constant 0 : i32
      %dma_wait3A_213 = arith.constant 0 : i32
      %dma_wait3A_214 = tpu.memref_slice %arg6[%dma_wait3A_212, %dma_wait3A_213] : memref<10240x64xf32, #tpu.memory_space<vmem_shared>> -> memref<10240x64xf32, #tpu.memory_space<vmem_shared>>
      tpu.wait_indirect_dma semaphore(%run_scoped3A : memref<!tpu.dma_semaphore, #tpu.memory_space<semaphore_mem>>) src(%arg9 : memref<1000x64xf32, #tpu.memory_space<vmem>>) dst(%dma_wait3A_214 : memref<10240x64xf32, #tpu.memory_space<vmem_shared>>)
      tpu.yield
    }) : () -> ()
    %add3A_188 = arith.constant 18000 : i32
    %add3A_189 = arith.addi %add3A_7, %add3A_188 : i32
    "tpu.region"() ({
      %run_scoped3A = tpu.sem_alloc : memref<!tpu.dma_semaphore, #tpu.memory_space<semaphore_mem>>
      %dma_start3A_209 = tpu.memref_slice %arg3[%add3A_189] : memref<640000xi32, #tpu.memory_space<hbm>> -> memref<1000xi32, #tpu.memory_space<hbm>>
      %dma_start3A_210 = tpu.memref_slice %arg3[%add3A_189] : memref<640000xi32, #tpu.memory_space<hbm>> -> memref<1000xi32, #tpu.memory_space<hbm>>
      tpu.enqueue_dma source(%dma_start3A_210 : memref<1000xi32, #tpu.memory_space<hbm>>) target(%arg7 : memref<1000xi32, #tpu.memory_space<vmem>>) target_semaphore(%run_scoped3A : memref<!tpu.dma_semaphore, #tpu.memory_space<semaphore_mem>>)
      %dma_wait3A_211 = tpu.memref_slice %arg3[%add3A_189] : memref<640000xi32, #tpu.memory_space<hbm>> -> memref<1000xi32, #tpu.memory_space<hbm>>
      %dma_wait3A_212 = tpu.memref_slice %arg3[%add3A_189] : memref<640000xi32, #tpu.memory_space<hbm>> -> memref<1000xi32, #tpu.memory_space<hbm>>
      tpu.wait_dma2 semaphore(%run_scoped3A : memref<!tpu.dma_semaphore, #tpu.memory_space<semaphore_mem>>) src(%dma_wait3A_212 : memref<1000xi32, #tpu.memory_space<hbm>>) dst(%arg7 : memref<1000xi32, #tpu.memory_space<vmem>>)
      tpu.yield
    }) : () -> ()
    %add3A_190 = arith.constant 18000 : i32
    %add3A_191 = arith.addi %mul3A_9, %add3A_190 : i32
    "tpu.region"() ({
      %run_scoped3A = tpu.sem_alloc : memref<!tpu.dma_semaphore, #tpu.memory_space<semaphore_mem>>
      %dma_start3A_209 = tpu.memref_slice %arg4[%add3A_191] : memref<320000xi32, #tpu.memory_space<hbm>> -> memref<1000xi32, #tpu.memory_space<hbm>>
      %dma_start3A_210 = tpu.memref_slice %arg4[%add3A_191] : memref<320000xi32, #tpu.memory_space<hbm>> -> memref<1000xi32, #tpu.memory_space<hbm>>
      tpu.enqueue_dma source(%dma_start3A_210 : memref<1000xi32, #tpu.memory_space<hbm>>) target(%arg8 : memref<1000xi32, #tpu.memory_space<vmem>>) target_semaphore(%run_scoped3A : memref<!tpu.dma_semaphore, #tpu.memory_space<semaphore_mem>>)
      %dma_wait3A_211 = tpu.memref_slice %arg4[%add3A_191] : memref<320000xi32, #tpu.memory_space<hbm>> -> memref<1000xi32, #tpu.memory_space<hbm>>
      %dma_wait3A_212 = tpu.memref_slice %arg4[%add3A_191] : memref<320000xi32, #tpu.memory_space<hbm>> -> memref<1000xi32, #tpu.memory_space<hbm>>
      tpu.wait_dma2 semaphore(%run_scoped3A : memref<!tpu.dma_semaphore, #tpu.memory_space<semaphore_mem>>) src(%dma_wait3A_212 : memref<1000xi32, #tpu.memory_space<hbm>>) dst(%arg8 : memref<1000xi32, #tpu.memory_space<vmem>>)
      tpu.yield
    }) : () -> ()
    %dma_start3A_192 = arith.constant 0 : i32
    %dma_start3A_193 = arith.constant 0 : i32
    %dma_start3A_194 = tpu.memref_slice %arg2[%dma_start3A_192, %dma_start3A_193] : memref<20480x64xf32, #tpu.memory_space<hbm>> -> memref<20480x64xf32, #tpu.memory_space<hbm>>
    tpu.enqueue_indirect_dma source(%dma_start3A_194 : memref<20480x64xf32, #tpu.memory_space<hbm>>) target(%arg9 : memref<1000x64xf32, #tpu.memory_space<vmem>>) offsets(%arg7 : memref<1000xi32, #tpu.memory_space<vmem>>) semaphore(%arg10 : memref<!tpu.dma_semaphore, #tpu.memory_space<semaphore_mem>>)
    %dma_wait3A_195 = arith.constant 0 : i32
    %dma_wait3A_196 = arith.constant 0 : i32
    %dma_wait3A_197 = tpu.memref_slice %arg2[%dma_wait3A_195, %dma_wait3A_196] : memref<20480x64xf32, #tpu.memory_space<hbm>> -> memref<20480x64xf32, #tpu.memory_space<hbm>>
    tpu.wait_indirect_dma semaphore(%arg10 : memref<!tpu.dma_semaphore, #tpu.memory_space<semaphore_mem>>) src(%dma_wait3A_197 : memref<20480x64xf32, #tpu.memory_space<hbm>>) dst(%arg9 : memref<1000x64xf32, #tpu.memory_space<vmem>>)
    "tpu.region"() ({
      %run_scoped3A = tpu.sem_alloc : memref<!tpu.dma_semaphore, #tpu.memory_space<semaphore_mem>>
      %dma_start3A_209 = arith.constant 0 : i32
      %dma_start3A_210 = arith.constant 0 : i32
      %dma_start3A_211 = tpu.memref_slice %arg6[%dma_start3A_209, %dma_start3A_210] : memref<10240x64xf32, #tpu.memory_space<vmem_shared>> -> memref<10240x64xf32, #tpu.memory_space<vmem_shared>>
      tpu.enqueue_indirect_dma source(%arg9 : memref<1000x64xf32, #tpu.memory_space<vmem>>) target(%dma_start3A_211 : memref<10240x64xf32, #tpu.memory_space<vmem_shared>>) offsets(%arg8 : memref<1000xi32, #tpu.memory_space<vmem>>) semaphore(%run_scoped3A : memref<!tpu.dma_semaphore, #tpu.memory_space<semaphore_mem>>) {add = true}
      %dma_wait3A_212 = arith.constant 0 : i32
      %dma_wait3A_213 = arith.constant 0 : i32
      %dma_wait3A_214 = tpu.memref_slice %arg6[%dma_wait3A_212, %dma_wait3A_213] : memref<10240x64xf32, #tpu.memory_space<vmem_shared>> -> memref<10240x64xf32, #tpu.memory_space<vmem_shared>>
      tpu.wait_indirect_dma semaphore(%run_scoped3A : memref<!tpu.dma_semaphore, #tpu.memory_space<semaphore_mem>>) src(%arg9 : memref<1000x64xf32, #tpu.memory_space<vmem>>) dst(%dma_wait3A_214 : memref<10240x64xf32, #tpu.memory_space<vmem_shared>>)
      tpu.yield
    }) : () -> ()
    %add3A_198 = arith.constant 19000 : i32
    %add3A_199 = arith.addi %add3A_7, %add3A_198 : i32
    "tpu.region"() ({
      %run_scoped3A = tpu.sem_alloc : memref<!tpu.dma_semaphore, #tpu.memory_space<semaphore_mem>>
      %dma_start3A_209 = tpu.memref_slice %arg3[%add3A_199] : memref<640000xi32, #tpu.memory_space<hbm>> -> memref<1000xi32, #tpu.memory_space<hbm>>
      %dma_start3A_210 = tpu.memref_slice %arg3[%add3A_199] : memref<640000xi32, #tpu.memory_space<hbm>> -> memref<1000xi32, #tpu.memory_space<hbm>>
      tpu.enqueue_dma source(%dma_start3A_210 : memref<1000xi32, #tpu.memory_space<hbm>>) target(%arg7 : memref<1000xi32, #tpu.memory_space<vmem>>) target_semaphore(%run_scoped3A : memref<!tpu.dma_semaphore, #tpu.memory_space<semaphore_mem>>)
      %dma_wait3A_211 = tpu.memref_slice %arg3[%add3A_199] : memref<640000xi32, #tpu.memory_space<hbm>> -> memref<1000xi32, #tpu.memory_space<hbm>>
      %dma_wait3A_212 = tpu.memref_slice %arg3[%add3A_199] : memref<640000xi32, #tpu.memory_space<hbm>> -> memref<1000xi32, #tpu.memory_space<hbm>>
      tpu.wait_dma2 semaphore(%run_scoped3A : memref<!tpu.dma_semaphore, #tpu.memory_space<semaphore_mem>>) src(%dma_wait3A_212 : memref<1000xi32, #tpu.memory_space<hbm>>) dst(%arg7 : memref<1000xi32, #tpu.memory_space<vmem>>)
      tpu.yield
    }) : () -> ()
    %add3A_200 = arith.constant 19000 : i32
    %add3A_201 = arith.addi %mul3A_9, %add3A_200 : i32
    "tpu.region"() ({
      %run_scoped3A = tpu.sem_alloc : memref<!tpu.dma_semaphore, #tpu.memory_space<semaphore_mem>>
      %dma_start3A_209 = tpu.memref_slice %arg4[%add3A_201] : memref<320000xi32, #tpu.memory_space<hbm>> -> memref<1000xi32, #tpu.memory_space<hbm>>
      %dma_start3A_210 = tpu.memref_slice %arg4[%add3A_201] : memref<320000xi32, #tpu.memory_space<hbm>> -> memref<1000xi32, #tpu.memory_space<hbm>>
      tpu.enqueue_dma source(%dma_start3A_210 : memref<1000xi32, #tpu.memory_space<hbm>>) target(%arg8 : memref<1000xi32, #tpu.memory_space<vmem>>) target_semaphore(%run_scoped3A : memref<!tpu.dma_semaphore, #tpu.memory_space<semaphore_mem>>)
      %dma_wait3A_211 = tpu.memref_slice %arg4[%add3A_201] : memref<320000xi32, #tpu.memory_space<hbm>> -> memref<1000xi32, #tpu.memory_space<hbm>>
      %dma_wait3A_212 = tpu.memref_slice %arg4[%add3A_201] : memref<320000xi32, #tpu.memory_space<hbm>> -> memref<1000xi32, #tpu.memory_space<hbm>>
      tpu.wait_dma2 semaphore(%run_scoped3A : memref<!tpu.dma_semaphore, #tpu.memory_space<semaphore_mem>>) src(%dma_wait3A_212 : memref<1000xi32, #tpu.memory_space<hbm>>) dst(%arg8 : memref<1000xi32, #tpu.memory_space<vmem>>)
      tpu.yield
    }) : () -> ()
    %dma_start3A_202 = arith.constant 0 : i32
    %dma_start3A_203 = arith.constant 0 : i32
    %dma_start3A_204 = tpu.memref_slice %arg2[%dma_start3A_202, %dma_start3A_203] : memref<20480x64xf32, #tpu.memory_space<hbm>> -> memref<20480x64xf32, #tpu.memory_space<hbm>>
    tpu.enqueue_indirect_dma source(%dma_start3A_204 : memref<20480x64xf32, #tpu.memory_space<hbm>>) target(%arg9 : memref<1000x64xf32, #tpu.memory_space<vmem>>) offsets(%arg7 : memref<1000xi32, #tpu.memory_space<vmem>>) semaphore(%arg10 : memref<!tpu.dma_semaphore, #tpu.memory_space<semaphore_mem>>)
    %dma_wait3A_205 = arith.constant 0 : i32
    %dma_wait3A_206 = arith.constant 0 : i32
    %dma_wait3A_207 = tpu.memref_slice %arg2[%dma_wait3A_205, %dma_wait3A_206] : memref<20480x64xf32, #tpu.memory_space<hbm>> -> memref<20480x64xf32, #tpu.memory_space<hbm>>
    tpu.wait_indirect_dma semaphore(%arg10 : memref<!tpu.dma_semaphore, #tpu.memory_space<semaphore_mem>>) src(%dma_wait3A_207 : memref<20480x64xf32, #tpu.memory_space<hbm>>) dst(%arg9 : memref<1000x64xf32, #tpu.memory_space<vmem>>)
    "tpu.region"() ({
      %run_scoped3A = tpu.sem_alloc : memref<!tpu.dma_semaphore, #tpu.memory_space<semaphore_mem>>
      %dma_start3A_209 = arith.constant 0 : i32
      %dma_start3A_210 = arith.constant 0 : i32
      %dma_start3A_211 = tpu.memref_slice %arg6[%dma_start3A_209, %dma_start3A_210] : memref<10240x64xf32, #tpu.memory_space<vmem_shared>> -> memref<10240x64xf32, #tpu.memory_space<vmem_shared>>
      tpu.enqueue_indirect_dma source(%arg9 : memref<1000x64xf32, #tpu.memory_space<vmem>>) target(%dma_start3A_211 : memref<10240x64xf32, #tpu.memory_space<vmem_shared>>) offsets(%arg8 : memref<1000xi32, #tpu.memory_space<vmem>>) semaphore(%run_scoped3A : memref<!tpu.dma_semaphore, #tpu.memory_space<semaphore_mem>>) {add = true}
      %dma_wait3A_212 = arith.constant 0 : i32
      %dma_wait3A_213 = arith.constant 0 : i32
      %dma_wait3A_214 = tpu.memref_slice %arg6[%dma_wait3A_212, %dma_wait3A_213] : memref<10240x64xf32, #tpu.memory_space<vmem_shared>> -> memref<10240x64xf32, #tpu.memory_space<vmem_shared>>
      tpu.wait_indirect_dma semaphore(%run_scoped3A : memref<!tpu.dma_semaphore, #tpu.memory_space<semaphore_mem>>) src(%arg9 : memref<1000x64xf32, #tpu.memory_space<vmem>>) dst(%dma_wait3A_214 : memref<10240x64xf32, #tpu.memory_space<vmem_shared>>)
      tpu.yield
    }) : () -> ()
    %barrier3A_208 = arith.constant 0 : index
    tpu.barrier barrier_id(%barrier3A_208)
    "tpu.region"() ({
      %run_scoped3A = tpu.sem_alloc : memref<!tpu.dma_semaphore, #tpu.memory_space<semaphore_mem>>
      %dma_start3A_209 = arith.constant 0 : i32
      %dma_start3A_210 = tpu.memref_slice %arg5[%add3A, %dma_start3A_209] : memref<20480x64xf32, #tpu.memory_space<hbm>> -> memref<640x64xf32, #tpu.memory_space<hbm>>
      %dma_start3A_211 = arith.constant 0 : i32
      %dma_start3A_212 = tpu.memref_slice %arg6[%mul3A_0, %dma_start3A_211] : memref<10240x64xf32, #tpu.memory_space<vmem_shared>> -> memref<640x64xf32, #tpu.memory_space<vmem_shared>>
      tpu.enqueue_dma source(%dma_start3A_212 : memref<640x64xf32, #tpu.memory_space<vmem_shared>>) target(%dma_start3A_210 : memref<640x64xf32, #tpu.memory_space<hbm>>) target_semaphore(%run_scoped3A : memref<!tpu.dma_semaphore, #tpu.memory_space<semaphore_mem>>)
      %dma_wait3A_213 = arith.constant 0 : i32
      %dma_wait3A_214 = tpu.memref_slice %arg5[%add3A, %dma_wait3A_213] : memref<20480x64xf32, #tpu.memory_space<hbm>> -> memref<640x64xf32, #tpu.memory_space<hbm>>
      %dma_wait3A_215 = arith.constant 0 : i32
      %dma_wait3A_216 = tpu.memref_slice %arg6[%mul3A_0, %dma_wait3A_215] : memref<10240x64xf32, #tpu.memory_space<vmem_shared>> -> memref<640x64xf32, #tpu.memory_space<vmem_shared>>
      tpu.wait_dma2 semaphore(%run_scoped3A : memref<!tpu.dma_semaphore, #tpu.memory_space<semaphore_mem>>) src(%dma_wait3A_216 : memref<640x64xf32, #tpu.memory_space<vmem_shared>>) dst(%dma_wait3A_214 : memref<640x64xf32, #tpu.memory_space<hbm>>)
      tpu.yield
    }) : () -> ()
    return
  }
}

#map = affine_map<(d0, d1) -> (0, 0)>
#map1 = affine_map<(d0, d1) -> (0)>
module attributes {stable_mosaic.version = 14 : i64} {
  func.func @_prop_body(%arg0: i32, %arg1: i32, %arg2: memref<20480x64xf32, #tpu.memory_space<hbm>>, %arg3: memref<640000xi32, #tpu.memory_space<hbm>>, %arg4: memref<320000xi32, #tpu.memory_space<hbm>>, %arg5: memref<20480x64xf32, #tpu.memory_space<hbm>>, %arg6: memref<10240x64xf32, #tpu.memory_space<vmem_shared>>, %arg7: memref<1000xi32, #tpu.memory_space<vmem>>, %arg8: memref<1000xi32, #tpu.memory_space<vmem>>, %arg9: memref<1000x64xf32, #tpu.memory_space<vmem>>, %arg10: memref<!tpu.dma_semaphore, #tpu.memory_space<semaphore_mem>>) attributes {dimension_semantics = [#tpu.dimension_semantics<core_parallel>, #tpu.dimension_semantics<subcore_parallel>], iteration_bounds = array<i64: 2, 16>, scalar_prefetch = 0 : i64, scratch_operands = 5 : i64, tpu.core_type = #tpu.core_type<sc_vector_subcore>, window_params = [{transform_indices = #map}, {transform_indices = #map1}, {transform_indices = #map1}, {transform_indices = #map}]} {
    %mul3A = arith.constant 640 : i32
    %mul3A_0 = arith.muli %arg1, %mul3A : i32
    %mul3A_1 = arith.constant 10240 : i32
    %mul3A_2 = arith.muli %arg0, %mul3A_1 : i32
    %add3A = arith.addi %mul3A_2, %mul3A_0 : i32
    "tpu.region"() ({
      %run_scoped3A = tpu.sem_alloc : memref<!tpu.dma_semaphore, #tpu.memory_space<semaphore_mem>>
      %dma_start3A_209 = arith.constant 0 : i32
      %dma_start3A_210 = tpu.memref_slice %arg6[%mul3A_0, %dma_start3A_209] : memref<10240x64xf32, #tpu.memory_space<vmem_shared>> -> memref<640x64xf32, #tpu.memory_space<vmem_shared>>
      %dma_start3A_211 = arith.constant 0 : i32
      %dma_start3A_212 = tpu.memref_slice %arg2[%add3A, %dma_start3A_211] : memref<20480x64xf32, #tpu.memory_space<hbm>> -> memref<640x64xf32, #tpu.memory_space<hbm>>
      tpu.enqueue_dma source(%dma_start3A_212 : memref<640x64xf32, #tpu.memory_space<hbm>>) target(%dma_start3A_210 : memref<640x64xf32, #tpu.memory_space<vmem_shared>>) target_semaphore(%run_scoped3A : memref<!tpu.dma_semaphore, #tpu.memory_space<semaphore_mem>>)
      %dma_wait3A_213 = arith.constant 0 : i32
      %dma_wait3A_214 = tpu.memref_slice %arg6[%mul3A_0, %dma_wait3A_213] : memref<10240x64xf32, #tpu.memory_space<vmem_shared>> -> memref<640x64xf32, #tpu.memory_space<vmem_shared>>
      %dma_wait3A_215 = arith.constant 0 : i32
      %dma_wait3A_216 = tpu.memref_slice %arg2[%add3A, %dma_wait3A_215] : memref<20480x64xf32, #tpu.memory_space<hbm>> -> memref<640x64xf32, #tpu.memory_space<hbm>>
      tpu.wait_dma2 semaphore(%run_scoped3A : memref<!tpu.dma_semaphore, #tpu.memory_space<semaphore_mem>>) src(%dma_wait3A_216 : memref<640x64xf32, #tpu.memory_space<hbm>>) dst(%dma_wait3A_214 : memref<640x64xf32, #tpu.memory_space<vmem_shared>>)
      tpu.yield
    }) : () -> ()
    %barrier3A = arith.constant 0 : index
    tpu.barrier barrier_id(%barrier3A)
    %mul3A_3 = arith.constant 320000 : i32
    %mul3A_4 = arith.muli %arg0, %mul3A_3 : i32
    %mul3A_5 = arith.constant 20000 : i32
    %mul3A_6 = arith.muli %arg1, %mul3A_5 : i32
    %add3A_7 = arith.addi %mul3A_4, %mul3A_6 : i32
    %mul3A_8 = arith.constant 20000 : i32
    %mul3A_9 = arith.muli %arg1, %mul3A_8 : i32
    %add3A_10 = arith.constant 0 : i32
    %add3A_11 = arith.addi %add3A_7, %add3A_10 : i32
    "tpu.region"() ({
      %run_scoped3A = tpu.sem_alloc : memref<!tpu.dma_semaphore, #tpu.memory_space<semaphore_mem>>
      %dma_start3A_209 = tpu.memref_slice %arg3[%add3A_11] : memref<640000xi32, #tpu.memory_space<hbm>> -> memref<1000xi32, #tpu.memory_space<hbm>>
      %dma_start3A_210 = tpu.memref_slice %arg3[%add3A_11] : memref<640000xi32, #tpu.memory_space<hbm>> -> memref<1000xi32, #tpu.memory_space<hbm>>
      tpu.enqueue_dma source(%dma_start3A_210 : memref<1000xi32, #tpu.memory_space<hbm>>) target(%arg7 : memref<1000xi32, #tpu.memory_space<vmem>>) target_semaphore(%run_scoped3A : memref<!tpu.dma_semaphore, #tpu.memory_space<semaphore_mem>>)
      %dma_wait3A_211 = tpu.memref_slice %arg3[%add3A_11] : memref<640000xi32, #tpu.memory_space<hbm>> -> memref<1000xi32, #tpu.memory_space<hbm>>
      %dma_wait3A_212 = tpu.memref_slice %arg3[%add3A_11] : memref<640000xi32, #tpu.memory_space<hbm>> -> memref<1000xi32, #tpu.memory_space<hbm>>
      tpu.wait_dma2 semaphore(%run_scoped3A : memref<!tpu.dma_semaphore, #tpu.memory_space<semaphore_mem>>) src(%dma_wait3A_212 : memref<1000xi32, #tpu.memory_space<hbm>>) dst(%arg7 : memref<1000xi32, #tpu.memory_space<vmem>>)
      tpu.yield
    }) : () -> ()
    %add3A_12 = arith.constant 0 : i32
    %add3A_13 = arith.addi %mul3A_9, %add3A_12 : i32
    "tpu.region"() ({
      %run_scoped3A = tpu.sem_alloc : memref<!tpu.dma_semaphore, #tpu.memory_space<semaphore_mem>>
      %dma_start3A_209 = tpu.memref_slice %arg4[%add3A_13] : memref<320000xi32, #tpu.memory_space<hbm>> -> memref<1000xi32, #tpu.memory_space<hbm>>
      %dma_start3A_210 = tpu.memref_slice %arg4[%add3A_13] : memref<320000xi32, #tpu.memory_space<hbm>> -> memref<1000xi32, #tpu.memory_space<hbm>>
      tpu.enqueue_dma source(%dma_start3A_210 : memref<1000xi32, #tpu.memory_space<hbm>>) target(%arg8 : memref<1000xi32, #tpu.memory_space<vmem>>) target_semaphore(%run_scoped3A : memref<!tpu.dma_semaphore, #tpu.memory_space<semaphore_mem>>)
      %dma_wait3A_211 = tpu.memref_slice %arg4[%add3A_13] : memref<320000xi32, #tpu.memory_space<hbm>> -> memref<1000xi32, #tpu.memory_space<hbm>>
      %dma_wait3A_212 = tpu.memref_slice %arg4[%add3A_13] : memref<320000xi32, #tpu.memory_space<hbm>> -> memref<1000xi32, #tpu.memory_space<hbm>>
      tpu.wait_dma2 semaphore(%run_scoped3A : memref<!tpu.dma_semaphore, #tpu.memory_space<semaphore_mem>>) src(%dma_wait3A_212 : memref<1000xi32, #tpu.memory_space<hbm>>) dst(%arg8 : memref<1000xi32, #tpu.memory_space<vmem>>)
      tpu.yield
    }) : () -> ()
    %dma_start3A = arith.constant 0 : i32
    %dma_start3A_14 = arith.constant 0 : i32
    %dma_start3A_15 = tpu.memref_slice %arg2[%dma_start3A, %dma_start3A_14] : memref<20480x64xf32, #tpu.memory_space<hbm>> -> memref<20480x64xf32, #tpu.memory_space<hbm>>
    tpu.enqueue_indirect_dma source(%dma_start3A_15 : memref<20480x64xf32, #tpu.memory_space<hbm>>) target(%arg9 : memref<1000x64xf32, #tpu.memory_space<vmem>>) offsets(%arg7 : memref<1000xi32, #tpu.memory_space<vmem>>) semaphore(%arg10 : memref<!tpu.dma_semaphore, #tpu.memory_space<semaphore_mem>>)
    %dma_wait3A = arith.constant 0 : i32
    %dma_wait3A_16 = arith.constant 0 : i32
    %dma_wait3A_17 = tpu.memref_slice %arg2[%dma_wait3A, %dma_wait3A_16] : memref<20480x64xf32, #tpu.memory_space<hbm>> -> memref<20480x64xf32, #tpu.memory_space<hbm>>
    tpu.wait_indirect_dma semaphore(%arg10 : memref<!tpu.dma_semaphore, #tpu.memory_space<semaphore_mem>>) src(%dma_wait3A_17 : memref<20480x64xf32, #tpu.memory_space<hbm>>) dst(%arg9 : memref<1000x64xf32, #tpu.memory_space<vmem>>)
    "tpu.region"() ({
      %run_scoped3A = tpu.sem_alloc : memref<!tpu.dma_semaphore, #tpu.memory_space<semaphore_mem>>
      %dma_start3A_209 = arith.constant 0 : i32
      %dma_start3A_210 = arith.constant 0 : i32
      %dma_start3A_211 = tpu.memref_slice %arg6[%dma_start3A_209, %dma_start3A_210] : memref<10240x64xf32, #tpu.memory_space<vmem_shared>> -> memref<10240x64xf32, #tpu.memory_space<vmem_shared>>
      tpu.enqueue_indirect_dma source(%arg9 : memref<1000x64xf32, #tpu.memory_space<vmem>>) target(%dma_start3A_211 : memref<10240x64xf32, #tpu.memory_space<vmem_shared>>) offsets(%arg8 : memref<1000xi32, #tpu.memory_space<vmem>>) semaphore(%run_scoped3A : memref<!tpu.dma_semaphore, #tpu.memory_space<semaphore_mem>>) {add = true}
      %dma_wait3A_212 = arith.constant 0 : i32
      %dma_wait3A_213 = arith.constant 0 : i32
      %dma_wait3A_214 = tpu.memref_slice %arg6[%dma_wait3A_212, %dma_wait3A_213] : memref<10240x64xf32, #tpu.memory_space<vmem_shared>> -> memref<10240x64xf32, #tpu.memory_space<vmem_shared>>
      tpu.wait_indirect_dma semaphore(%run_scoped3A : memref<!tpu.dma_semaphore, #tpu.memory_space<semaphore_mem>>) src(%arg9 : memref<1000x64xf32, #tpu.memory_space<vmem>>) dst(%dma_wait3A_214 : memref<10240x64xf32, #tpu.memory_space<vmem_shared>>)
      tpu.yield
    }) : () -> ()
    %add3A_18 = arith.constant 1000 : i32
    %add3A_19 = arith.addi %add3A_7, %add3A_18 : i32
    "tpu.region"() ({
      %run_scoped3A = tpu.sem_alloc : memref<!tpu.dma_semaphore, #tpu.memory_space<semaphore_mem>>
      %dma_start3A_209 = tpu.memref_slice %arg3[%add3A_19] : memref<640000xi32, #tpu.memory_space<hbm>> -> memref<1000xi32, #tpu.memory_space<hbm>>
      %dma_start3A_210 = tpu.memref_slice %arg3[%add3A_19] : memref<640000xi32, #tpu.memory_space<hbm>> -> memref<1000xi32, #tpu.memory_space<hbm>>
      tpu.enqueue_dma source(%dma_start3A_210 : memref<1000xi32, #tpu.memory_space<hbm>>) target(%arg7 : memref<1000xi32, #tpu.memory_space<vmem>>) target_semaphore(%run_scoped3A : memref<!tpu.dma_semaphore, #tpu.memory_space<semaphore_mem>>)
      %dma_wait3A_211 = tpu.memref_slice %arg3[%add3A_19] : memref<640000xi32, #tpu.memory_space<hbm>> -> memref<1000xi32, #tpu.memory_space<hbm>>
      %dma_wait3A_212 = tpu.memref_slice %arg3[%add3A_19] : memref<640000xi32, #tpu.memory_space<hbm>> -> memref<1000xi32, #tpu.memory_space<hbm>>
      tpu.wait_dma2 semaphore(%run_scoped3A : memref<!tpu.dma_semaphore, #tpu.memory_space<semaphore_mem>>) src(%dma_wait3A_212 : memref<1000xi32, #tpu.memory_space<hbm>>) dst(%arg7 : memref<1000xi32, #tpu.memory_space<vmem>>)
      tpu.yield
    }) : () -> ()
    %add3A_20 = arith.constant 1000 : i32
    %add3A_21 = arith.addi %mul3A_9, %add3A_20 : i32
    "tpu.region"() ({
      %run_scoped3A = tpu.sem_alloc : memref<!tpu.dma_semaphore, #tpu.memory_space<semaphore_mem>>
      %dma_start3A_209 = tpu.memref_slice %arg4[%add3A_21] : memref<320000xi32, #tpu.memory_space<hbm>> -> memref<1000xi32, #tpu.memory_space<hbm>>
      %dma_start3A_210 = tpu.memref_slice %arg4[%add3A_21] : memref<320000xi32, #tpu.memory_space<hbm>> -> memref<1000xi32, #tpu.memory_space<hbm>>
      tpu.enqueue_dma source(%dma_start3A_210 : memref<1000xi32, #tpu.memory_space<hbm>>) target(%arg8 : memref<1000xi32, #tpu.memory_space<vmem>>) target_semaphore(%run_scoped3A : memref<!tpu.dma_semaphore, #tpu.memory_space<semaphore_mem>>)
      %dma_wait3A_211 = tpu.memref_slice %arg4[%add3A_21] : memref<320000xi32, #tpu.memory_space<hbm>> -> memref<1000xi32, #tpu.memory_space<hbm>>
      %dma_wait3A_212 = tpu.memref_slice %arg4[%add3A_21] : memref<320000xi32, #tpu.memory_space<hbm>> -> memref<1000xi32, #tpu.memory_space<hbm>>
      tpu.wait_dma2 semaphore(%run_scoped3A : memref<!tpu.dma_semaphore, #tpu.memory_space<semaphore_mem>>) src(%dma_wait3A_212 : memref<1000xi32, #tpu.memory_space<hbm>>) dst(%arg8 : memref<1000xi32, #tpu.memory_space<vmem>>)
      tpu.yield
    }) : () -> ()
    %dma_start3A_22 = arith.constant 0 : i32
    %dma_start3A_23 = arith.constant 0 : i32
    %dma_start3A_24 = tpu.memref_slice %arg2[%dma_start3A_22, %dma_start3A_23] : memref<20480x64xf32, #tpu.memory_space<hbm>> -> memref<20480x64xf32, #tpu.memory_space<hbm>>
    tpu.enqueue_indirect_dma source(%dma_start3A_24 : memref<20480x64xf32, #tpu.memory_space<hbm>>) target(%arg9 : memref<1000x64xf32, #tpu.memory_space<vmem>>) offsets(%arg7 : memref<1000xi32, #tpu.memory_space<vmem>>) semaphore(%arg10 : memref<!tpu.dma_semaphore, #tpu.memory_space<semaphore_mem>>)
    %dma_wait3A_25 = arith.constant 0 : i32
    %dma_wait3A_26 = arith.constant 0 : i32
    %dma_wait3A_27 = tpu.memref_slice %arg2[%dma_wait3A_25, %dma_wait3A_26] : memref<20480x64xf32, #tpu.memory_space<hbm>> -> memref<20480x64xf32, #tpu.memory_space<hbm>>
    tpu.wait_indirect_dma semaphore(%arg10 : memref<!tpu.dma_semaphore, #tpu.memory_space<semaphore_mem>>) src(%dma_wait3A_27 : memref<20480x64xf32, #tpu.memory_space<hbm>>) dst(%arg9 : memref<1000x64xf32, #tpu.memory_space<vmem>>)
    "tpu.region"() ({
      %run_scoped3A = tpu.sem_alloc : memref<!tpu.dma_semaphore, #tpu.memory_space<semaphore_mem>>
      %dma_start3A_209 = arith.constant 0 : i32
      %dma_start3A_210 = arith.constant 0 : i32
      %dma_start3A_211 = tpu.memref_slice %arg6[%dma_start3A_209, %dma_start3A_210] : memref<10240x64xf32, #tpu.memory_space<vmem_shared>> -> memref<10240x64xf32, #tpu.memory_space<vmem_shared>>
      tpu.enqueue_indirect_dma source(%arg9 : memref<1000x64xf32, #tpu.memory_space<vmem>>) target(%dma_start3A_211 : memref<10240x64xf32, #tpu.memory_space<vmem_shared>>) offsets(%arg8 : memref<1000xi32, #tpu.memory_space<vmem>>) semaphore(%run_scoped3A : memref<!tpu.dma_semaphore, #tpu.memory_space<semaphore_mem>>) {add = true}
      %dma_wait3A_212 = arith.constant 0 : i32
      %dma_wait3A_213 = arith.constant 0 : i32
      %dma_wait3A_214 = tpu.memref_slice %arg6[%dma_wait3A_212, %dma_wait3A_213] : memref<10240x64xf32, #tpu.memory_space<vmem_shared>> -> memref<10240x64xf32, #tpu.memory_space<vmem_shared>>
      tpu.wait_indirect_dma semaphore(%run_scoped3A : memref<!tpu.dma_semaphore, #tpu.memory_space<semaphore_mem>>) src(%arg9 : memref<1000x64xf32, #tpu.memory_space<vmem>>) dst(%dma_wait3A_214 : memref<10240x64xf32, #tpu.memory_space<vmem_shared>>)
      tpu.yield
    }) : () -> ()
    %add3A_28 = arith.constant 2000 : i32
    %add3A_29 = arith.addi %add3A_7, %add3A_28 : i32
    "tpu.region"() ({
      %run_scoped3A = tpu.sem_alloc : memref<!tpu.dma_semaphore, #tpu.memory_space<semaphore_mem>>
      %dma_start3A_209 = tpu.memref_slice %arg3[%add3A_29] : memref<640000xi32, #tpu.memory_space<hbm>> -> memref<1000xi32, #tpu.memory_space<hbm>>
      %dma_start3A_210 = tpu.memref_slice %arg3[%add3A_29] : memref<640000xi32, #tpu.memory_space<hbm>> -> memref<1000xi32, #tpu.memory_space<hbm>>
      tpu.enqueue_dma source(%dma_start3A_210 : memref<1000xi32, #tpu.memory_space<hbm>>) target(%arg7 : memref<1000xi32, #tpu.memory_space<vmem>>) target_semaphore(%run_scoped3A : memref<!tpu.dma_semaphore, #tpu.memory_space<semaphore_mem>>)
      %dma_wait3A_211 = tpu.memref_slice %arg3[%add3A_29] : memref<640000xi32, #tpu.memory_space<hbm>> -> memref<1000xi32, #tpu.memory_space<hbm>>
      %dma_wait3A_212 = tpu.memref_slice %arg3[%add3A_29] : memref<640000xi32, #tpu.memory_space<hbm>> -> memref<1000xi32, #tpu.memory_space<hbm>>
      tpu.wait_dma2 semaphore(%run_scoped3A : memref<!tpu.dma_semaphore, #tpu.memory_space<semaphore_mem>>) src(%dma_wait3A_212 : memref<1000xi32, #tpu.memory_space<hbm>>) dst(%arg7 : memref<1000xi32, #tpu.memory_space<vmem>>)
      tpu.yield
    }) : () -> ()
    %add3A_30 = arith.constant 2000 : i32
    %add3A_31 = arith.addi %mul3A_9, %add3A_30 : i32
    "tpu.region"() ({
      %run_scoped3A = tpu.sem_alloc : memref<!tpu.dma_semaphore, #tpu.memory_space<semaphore_mem>>
      %dma_start3A_209 = tpu.memref_slice %arg4[%add3A_31] : memref<320000xi32, #tpu.memory_space<hbm>> -> memref<1000xi32, #tpu.memory_space<hbm>>
      %dma_start3A_210 = tpu.memref_slice %arg4[%add3A_31] : memref<320000xi32, #tpu.memory_space<hbm>> -> memref<1000xi32, #tpu.memory_space<hbm>>
      tpu.enqueue_dma source(%dma_start3A_210 : memref<1000xi32, #tpu.memory_space<hbm>>) target(%arg8 : memref<1000xi32, #tpu.memory_space<vmem>>) target_semaphore(%run_scoped3A : memref<!tpu.dma_semaphore, #tpu.memory_space<semaphore_mem>>)
      %dma_wait3A_211 = tpu.memref_slice %arg4[%add3A_31] : memref<320000xi32, #tpu.memory_space<hbm>> -> memref<1000xi32, #tpu.memory_space<hbm>>
      %dma_wait3A_212 = tpu.memref_slice %arg4[%add3A_31] : memref<320000xi32, #tpu.memory_space<hbm>> -> memref<1000xi32, #tpu.memory_space<hbm>>
      tpu.wait_dma2 semaphore(%run_scoped3A : memref<!tpu.dma_semaphore, #tpu.memory_space<semaphore_mem>>) src(%dma_wait3A_212 : memref<1000xi32, #tpu.memory_space<hbm>>) dst(%arg8 : memref<1000xi32, #tpu.memory_space<vmem>>)
      tpu.yield
    }) : () -> ()
    %dma_start3A_32 = arith.constant 0 : i32
    %dma_start3A_33 = arith.constant 0 : i32
    %dma_start3A_34 = tpu.memref_slice %arg2[%dma_start3A_32, %dma_start3A_33] : memref<20480x64xf32, #tpu.memory_space<hbm>> -> memref<20480x64xf32, #tpu.memory_space<hbm>>
    tpu.enqueue_indirect_dma source(%dma_start3A_34 : memref<20480x64xf32, #tpu.memory_space<hbm>>) target(%arg9 : memref<1000x64xf32, #tpu.memory_space<vmem>>) offsets(%arg7 : memref<1000xi32, #tpu.memory_space<vmem>>) semaphore(%arg10 : memref<!tpu.dma_semaphore, #tpu.memory_space<semaphore_mem>>)
    %dma_wait3A_35 = arith.constant 0 : i32
    %dma_wait3A_36 = arith.constant 0 : i32
    %dma_wait3A_37 = tpu.memref_slice %arg2[%dma_wait3A_35, %dma_wait3A_36] : memref<20480x64xf32, #tpu.memory_space<hbm>> -> memref<20480x64xf32, #tpu.memory_space<hbm>>
    tpu.wait_indirect_dma semaphore(%arg10 : memref<!tpu.dma_semaphore, #tpu.memory_space<semaphore_mem>>) src(%dma_wait3A_37 : memref<20480x64xf32, #tpu.memory_space<hbm>>) dst(%arg9 : memref<1000x64xf32, #tpu.memory_space<vmem>>)
    "tpu.region"() ({
      %run_scoped3A = tpu.sem_alloc : memref<!tpu.dma_semaphore, #tpu.memory_space<semaphore_mem>>
      %dma_start3A_209 = arith.constant 0 : i32
      %dma_start3A_210 = arith.constant 0 : i32
      %dma_start3A_211 = tpu.memref_slice %arg6[%dma_start3A_209, %dma_start3A_210] : memref<10240x64xf32, #tpu.memory_space<vmem_shared>> -> memref<10240x64xf32, #tpu.memory_space<vmem_shared>>
      tpu.enqueue_indirect_dma source(%arg9 : memref<1000x64xf32, #tpu.memory_space<vmem>>) target(%dma_start3A_211 : memref<10240x64xf32, #tpu.memory_space<vmem_shared>>) offsets(%arg8 : memref<1000xi32, #tpu.memory_space<vmem>>) semaphore(%run_scoped3A : memref<!tpu.dma_semaphore, #tpu.memory_space<semaphore_mem>>) {add = true}
      %dma_wait3A_212 = arith.constant 0 : i32
      %dma_wait3A_213 = arith.constant 0 : i32
      %dma_wait3A_214 = tpu.memref_slice %arg6[%dma_wait3A_212, %dma_wait3A_213] : memref<10240x64xf32, #tpu.memory_space<vmem_shared>> -> memref<10240x64xf32, #tpu.memory_space<vmem_shared>>
      tpu.wait_indirect_dma semaphore(%run_scoped3A : memref<!tpu.dma_semaphore, #tpu.memory_space<semaphore_mem>>) src(%arg9 : memref<1000x64xf32, #tpu.memory_space<vmem>>) dst(%dma_wait3A_214 : memref<10240x64xf32, #tpu.memory_space<vmem_shared>>)
      tpu.yield
    }) : () -> ()
    %add3A_38 = arith.constant 3000 : i32
    %add3A_39 = arith.addi %add3A_7, %add3A_38 : i32
    "tpu.region"() ({
      %run_scoped3A = tpu.sem_alloc : memref<!tpu.dma_semaphore, #tpu.memory_space<semaphore_mem>>
      %dma_start3A_209 = tpu.memref_slice %arg3[%add3A_39] : memref<640000xi32, #tpu.memory_space<hbm>> -> memref<1000xi32, #tpu.memory_space<hbm>>
      %dma_start3A_210 = tpu.memref_slice %arg3[%add3A_39] : memref<640000xi32, #tpu.memory_space<hbm>> -> memref<1000xi32, #tpu.memory_space<hbm>>
      tpu.enqueue_dma source(%dma_start3A_210 : memref<1000xi32, #tpu.memory_space<hbm>>) target(%arg7 : memref<1000xi32, #tpu.memory_space<vmem>>) target_semaphore(%run_scoped3A : memref<!tpu.dma_semaphore, #tpu.memory_space<semaphore_mem>>)
      %dma_wait3A_211 = tpu.memref_slice %arg3[%add3A_39] : memref<640000xi32, #tpu.memory_space<hbm>> -> memref<1000xi32, #tpu.memory_space<hbm>>
      %dma_wait3A_212 = tpu.memref_slice %arg3[%add3A_39] : memref<640000xi32, #tpu.memory_space<hbm>> -> memref<1000xi32, #tpu.memory_space<hbm>>
      tpu.wait_dma2 semaphore(%run_scoped3A : memref<!tpu.dma_semaphore, #tpu.memory_space<semaphore_mem>>) src(%dma_wait3A_212 : memref<1000xi32, #tpu.memory_space<hbm>>) dst(%arg7 : memref<1000xi32, #tpu.memory_space<vmem>>)
      tpu.yield
    }) : () -> ()
    %add3A_40 = arith.constant 3000 : i32
    %add3A_41 = arith.addi %mul3A_9, %add3A_40 : i32
    "tpu.region"() ({
      %run_scoped3A = tpu.sem_alloc : memref<!tpu.dma_semaphore, #tpu.memory_space<semaphore_mem>>
      %dma_start3A_209 = tpu.memref_slice %arg4[%add3A_41] : memref<320000xi32, #tpu.memory_space<hbm>> -> memref<1000xi32, #tpu.memory_space<hbm>>
      %dma_start3A_210 = tpu.memref_slice %arg4[%add3A_41] : memref<320000xi32, #tpu.memory_space<hbm>> -> memref<1000xi32, #tpu.memory_space<hbm>>
      tpu.enqueue_dma source(%dma_start3A_210 : memref<1000xi32, #tpu.memory_space<hbm>>) target(%arg8 : memref<1000xi32, #tpu.memory_space<vmem>>) target_semaphore(%run_scoped3A : memref<!tpu.dma_semaphore, #tpu.memory_space<semaphore_mem>>)
      %dma_wait3A_211 = tpu.memref_slice %arg4[%add3A_41] : memref<320000xi32, #tpu.memory_space<hbm>> -> memref<1000xi32, #tpu.memory_space<hbm>>
      %dma_wait3A_212 = tpu.memref_slice %arg4[%add3A_41] : memref<320000xi32, #tpu.memory_space<hbm>> -> memref<1000xi32, #tpu.memory_space<hbm>>
      tpu.wait_dma2 semaphore(%run_scoped3A : memref<!tpu.dma_semaphore, #tpu.memory_space<semaphore_mem>>) src(%dma_wait3A_212 : memref<1000xi32, #tpu.memory_space<hbm>>) dst(%arg8 : memref<1000xi32, #tpu.memory_space<vmem>>)
      tpu.yield
    }) : () -> ()
    %dma_start3A_42 = arith.constant 0 : i32
    %dma_start3A_43 = arith.constant 0 : i32
    %dma_start3A_44 = tpu.memref_slice %arg2[%dma_start3A_42, %dma_start3A_43] : memref<20480x64xf32, #tpu.memory_space<hbm>> -> memref<20480x64xf32, #tpu.memory_space<hbm>>
    tpu.enqueue_indirect_dma source(%dma_start3A_44 : memref<20480x64xf32, #tpu.memory_space<hbm>>) target(%arg9 : memref<1000x64xf32, #tpu.memory_space<vmem>>) offsets(%arg7 : memref<1000xi32, #tpu.memory_space<vmem>>) semaphore(%arg10 : memref<!tpu.dma_semaphore, #tpu.memory_space<semaphore_mem>>)
    %dma_wait3A_45 = arith.constant 0 : i32
    %dma_wait3A_46 = arith.constant 0 : i32
    %dma_wait3A_47 = tpu.memref_slice %arg2[%dma_wait3A_45, %dma_wait3A_46] : memref<20480x64xf32, #tpu.memory_space<hbm>> -> memref<20480x64xf32, #tpu.memory_space<hbm>>
    tpu.wait_indirect_dma semaphore(%arg10 : memref<!tpu.dma_semaphore, #tpu.memory_space<semaphore_mem>>) src(%dma_wait3A_47 : memref<20480x64xf32, #tpu.memory_space<hbm>>) dst(%arg9 : memref<1000x64xf32, #tpu.memory_space<vmem>>)
    "tpu.region"() ({
      %run_scoped3A = tpu.sem_alloc : memref<!tpu.dma_semaphore, #tpu.memory_space<semaphore_mem>>
      %dma_start3A_209 = arith.constant 0 : i32
      %dma_start3A_210 = arith.constant 0 : i32
      %dma_start3A_211 = tpu.memref_slice %arg6[%dma_start3A_209, %dma_start3A_210] : memref<10240x64xf32, #tpu.memory_space<vmem_shared>> -> memref<10240x64xf32, #tpu.memory_space<vmem_shared>>
      tpu.enqueue_indirect_dma source(%arg9 : memref<1000x64xf32, #tpu.memory_space<vmem>>) target(%dma_start3A_211 : memref<10240x64xf32, #tpu.memory_space<vmem_shared>>) offsets(%arg8 : memref<1000xi32, #tpu.memory_space<vmem>>) semaphore(%run_scoped3A : memref<!tpu.dma_semaphore, #tpu.memory_space<semaphore_mem>>) {add = true}
      %dma_wait3A_212 = arith.constant 0 : i32
      %dma_wait3A_213 = arith.constant 0 : i32
      %dma_wait3A_214 = tpu.memref_slice %arg6[%dma_wait3A_212, %dma_wait3A_213] : memref<10240x64xf32, #tpu.memory_space<vmem_shared>> -> memref<10240x64xf32, #tpu.memory_space<vmem_shared>>
      tpu.wait_indirect_dma semaphore(%run_scoped3A : memref<!tpu.dma_semaphore, #tpu.memory_space<semaphore_mem>>) src(%arg9 : memref<1000x64xf32, #tpu.memory_space<vmem>>) dst(%dma_wait3A_214 : memref<10240x64xf32, #tpu.memory_space<vmem_shared>>)
      tpu.yield
    }) : () -> ()
    %add3A_48 = arith.constant 4000 : i32
    %add3A_49 = arith.addi %add3A_7, %add3A_48 : i32
    "tpu.region"() ({
      %run_scoped3A = tpu.sem_alloc : memref<!tpu.dma_semaphore, #tpu.memory_space<semaphore_mem>>
      %dma_start3A_209 = tpu.memref_slice %arg3[%add3A_49] : memref<640000xi32, #tpu.memory_space<hbm>> -> memref<1000xi32, #tpu.memory_space<hbm>>
      %dma_start3A_210 = tpu.memref_slice %arg3[%add3A_49] : memref<640000xi32, #tpu.memory_space<hbm>> -> memref<1000xi32, #tpu.memory_space<hbm>>
      tpu.enqueue_dma source(%dma_start3A_210 : memref<1000xi32, #tpu.memory_space<hbm>>) target(%arg7 : memref<1000xi32, #tpu.memory_space<vmem>>) target_semaphore(%run_scoped3A : memref<!tpu.dma_semaphore, #tpu.memory_space<semaphore_mem>>)
      %dma_wait3A_211 = tpu.memref_slice %arg3[%add3A_49] : memref<640000xi32, #tpu.memory_space<hbm>> -> memref<1000xi32, #tpu.memory_space<hbm>>
      %dma_wait3A_212 = tpu.memref_slice %arg3[%add3A_49] : memref<640000xi32, #tpu.memory_space<hbm>> -> memref<1000xi32, #tpu.memory_space<hbm>>
      tpu.wait_dma2 semaphore(%run_scoped3A : memref<!tpu.dma_semaphore, #tpu.memory_space<semaphore_mem>>) src(%dma_wait3A_212 : memref<1000xi32, #tpu.memory_space<hbm>>) dst(%arg7 : memref<1000xi32, #tpu.memory_space<vmem>>)
      tpu.yield
    }) : () -> ()
    %add3A_50 = arith.constant 4000 : i32
    %add3A_51 = arith.addi %mul3A_9, %add3A_50 : i32
    "tpu.region"() ({
      %run_scoped3A = tpu.sem_alloc : memref<!tpu.dma_semaphore, #tpu.memory_space<semaphore_mem>>
      %dma_start3A_209 = tpu.memref_slice %arg4[%add3A_51] : memref<320000xi32, #tpu.memory_space<hbm>> -> memref<1000xi32, #tpu.memory_space<hbm>>
      %dma_start3A_210 = tpu.memref_slice %arg4[%add3A_51] : memref<320000xi32, #tpu.memory_space<hbm>> -> memref<1000xi32, #tpu.memory_space<hbm>>
      tpu.enqueue_dma source(%dma_start3A_210 : memref<1000xi32, #tpu.memory_space<hbm>>) target(%arg8 : memref<1000xi32, #tpu.memory_space<vmem>>) target_semaphore(%run_scoped3A : memref<!tpu.dma_semaphore, #tpu.memory_space<semaphore_mem>>)
      %dma_wait3A_211 = tpu.memref_slice %arg4[%add3A_51] : memref<320000xi32, #tpu.memory_space<hbm>> -> memref<1000xi32, #tpu.memory_space<hbm>>
      %dma_wait3A_212 = tpu.memref_slice %arg4[%add3A_51] : memref<320000xi32, #tpu.memory_space<hbm>> -> memref<1000xi32, #tpu.memory_space<hbm>>
      tpu.wait_dma2 semaphore(%run_scoped3A : memref<!tpu.dma_semaphore, #tpu.memory_space<semaphore_mem>>) src(%dma_wait3A_212 : memref<1000xi32, #tpu.memory_space<hbm>>) dst(%arg8 : memref<1000xi32, #tpu.memory_space<vmem>>)
      tpu.yield
    }) : () -> ()
    %dma_start3A_52 = arith.constant 0 : i32
    %dma_start3A_53 = arith.constant 0 : i32
    %dma_start3A_54 = tpu.memref_slice %arg2[%dma_start3A_52, %dma_start3A_53] : memref<20480x64xf32, #tpu.memory_space<hbm>> -> memref<20480x64xf32, #tpu.memory_space<hbm>>
    tpu.enqueue_indirect_dma source(%dma_start3A_54 : memref<20480x64xf32, #tpu.memory_space<hbm>>) target(%arg9 : memref<1000x64xf32, #tpu.memory_space<vmem>>) offsets(%arg7 : memref<1000xi32, #tpu.memory_space<vmem>>) semaphore(%arg10 : memref<!tpu.dma_semaphore, #tpu.memory_space<semaphore_mem>>)
    %dma_wait3A_55 = arith.constant 0 : i32
    %dma_wait3A_56 = arith.constant 0 : i32
    %dma_wait3A_57 = tpu.memref_slice %arg2[%dma_wait3A_55, %dma_wait3A_56] : memref<20480x64xf32, #tpu.memory_space<hbm>> -> memref<20480x64xf32, #tpu.memory_space<hbm>>
    tpu.wait_indirect_dma semaphore(%arg10 : memref<!tpu.dma_semaphore, #tpu.memory_space<semaphore_mem>>) src(%dma_wait3A_57 : memref<20480x64xf32, #tpu.memory_space<hbm>>) dst(%arg9 : memref<1000x64xf32, #tpu.memory_space<vmem>>)
    "tpu.region"() ({
      %run_scoped3A = tpu.sem_alloc : memref<!tpu.dma_semaphore, #tpu.memory_space<semaphore_mem>>
      %dma_start3A_209 = arith.constant 0 : i32
      %dma_start3A_210 = arith.constant 0 : i32
      %dma_start3A_211 = tpu.memref_slice %arg6[%dma_start3A_209, %dma_start3A_210] : memref<10240x64xf32, #tpu.memory_space<vmem_shared>> -> memref<10240x64xf32, #tpu.memory_space<vmem_shared>>
      tpu.enqueue_indirect_dma source(%arg9 : memref<1000x64xf32, #tpu.memory_space<vmem>>) target(%dma_start3A_211 : memref<10240x64xf32, #tpu.memory_space<vmem_shared>>) offsets(%arg8 : memref<1000xi32, #tpu.memory_space<vmem>>) semaphore(%run_scoped3A : memref<!tpu.dma_semaphore, #tpu.memory_space<semaphore_mem>>) {add = true}
      %dma_wait3A_212 = arith.constant 0 : i32
      %dma_wait3A_213 = arith.constant 0 : i32
      %dma_wait3A_214 = tpu.memref_slice %arg6[%dma_wait3A_212, %dma_wait3A_213] : memref<10240x64xf32, #tpu.memory_space<vmem_shared>> -> memref<10240x64xf32, #tpu.memory_space<vmem_shared>>
      tpu.wait_indirect_dma semaphore(%run_scoped3A : memref<!tpu.dma_semaphore, #tpu.memory_space<semaphore_mem>>) src(%arg9 : memref<1000x64xf32, #tpu.memory_space<vmem>>) dst(%dma_wait3A_214 : memref<10240x64xf32, #tpu.memory_space<vmem_shared>>)
      tpu.yield
    }) : () -> ()
    %add3A_58 = arith.constant 5000 : i32
    %add3A_59 = arith.addi %add3A_7, %add3A_58 : i32
    "tpu.region"() ({
      %run_scoped3A = tpu.sem_alloc : memref<!tpu.dma_semaphore, #tpu.memory_space<semaphore_mem>>
      %dma_start3A_209 = tpu.memref_slice %arg3[%add3A_59] : memref<640000xi32, #tpu.memory_space<hbm>> -> memref<1000xi32, #tpu.memory_space<hbm>>
      %dma_start3A_210 = tpu.memref_slice %arg3[%add3A_59] : memref<640000xi32, #tpu.memory_space<hbm>> -> memref<1000xi32, #tpu.memory_space<hbm>>
      tpu.enqueue_dma source(%dma_start3A_210 : memref<1000xi32, #tpu.memory_space<hbm>>) target(%arg7 : memref<1000xi32, #tpu.memory_space<vmem>>) target_semaphore(%run_scoped3A : memref<!tpu.dma_semaphore, #tpu.memory_space<semaphore_mem>>)
      %dma_wait3A_211 = tpu.memref_slice %arg3[%add3A_59] : memref<640000xi32, #tpu.memory_space<hbm>> -> memref<1000xi32, #tpu.memory_space<hbm>>
      %dma_wait3A_212 = tpu.memref_slice %arg3[%add3A_59] : memref<640000xi32, #tpu.memory_space<hbm>> -> memref<1000xi32, #tpu.memory_space<hbm>>
      tpu.wait_dma2 semaphore(%run_scoped3A : memref<!tpu.dma_semaphore, #tpu.memory_space<semaphore_mem>>) src(%dma_wait3A_212 : memref<1000xi32, #tpu.memory_space<hbm>>) dst(%arg7 : memref<1000xi32, #tpu.memory_space<vmem>>)
      tpu.yield
    }) : () -> ()
    %add3A_60 = arith.constant 5000 : i32
    %add3A_61 = arith.addi %mul3A_9, %add3A_60 : i32
    "tpu.region"() ({
      %run_scoped3A = tpu.sem_alloc : memref<!tpu.dma_semaphore, #tpu.memory_space<semaphore_mem>>
      %dma_start3A_209 = tpu.memref_slice %arg4[%add3A_61] : memref<320000xi32, #tpu.memory_space<hbm>> -> memref<1000xi32, #tpu.memory_space<hbm>>
      %dma_start3A_210 = tpu.memref_slice %arg4[%add3A_61] : memref<320000xi32, #tpu.memory_space<hbm>> -> memref<1000xi32, #tpu.memory_space<hbm>>
      tpu.enqueue_dma source(%dma_start3A_210 : memref<1000xi32, #tpu.memory_space<hbm>>) target(%arg8 : memref<1000xi32, #tpu.memory_space<vmem>>) target_semaphore(%run_scoped3A : memref<!tpu.dma_semaphore, #tpu.memory_space<semaphore_mem>>)
      %dma_wait3A_211 = tpu.memref_slice %arg4[%add3A_61] : memref<320000xi32, #tpu.memory_space<hbm>> -> memref<1000xi32, #tpu.memory_space<hbm>>
      %dma_wait3A_212 = tpu.memref_slice %arg4[%add3A_61] : memref<320000xi32, #tpu.memory_space<hbm>> -> memref<1000xi32, #tpu.memory_space<hbm>>
      tpu.wait_dma2 semaphore(%run_scoped3A : memref<!tpu.dma_semaphore, #tpu.memory_space<semaphore_mem>>) src(%dma_wait3A_212 : memref<1000xi32, #tpu.memory_space<hbm>>) dst(%arg8 : memref<1000xi32, #tpu.memory_space<vmem>>)
      tpu.yield
    }) : () -> ()
    %dma_start3A_62 = arith.constant 0 : i32
    %dma_start3A_63 = arith.constant 0 : i32
    %dma_start3A_64 = tpu.memref_slice %arg2[%dma_start3A_62, %dma_start3A_63] : memref<20480x64xf32, #tpu.memory_space<hbm>> -> memref<20480x64xf32, #tpu.memory_space<hbm>>
    tpu.enqueue_indirect_dma source(%dma_start3A_64 : memref<20480x64xf32, #tpu.memory_space<hbm>>) target(%arg9 : memref<1000x64xf32, #tpu.memory_space<vmem>>) offsets(%arg7 : memref<1000xi32, #tpu.memory_space<vmem>>) semaphore(%arg10 : memref<!tpu.dma_semaphore, #tpu.memory_space<semaphore_mem>>)
    %dma_wait3A_65 = arith.constant 0 : i32
    %dma_wait3A_66 = arith.constant 0 : i32
    %dma_wait3A_67 = tpu.memref_slice %arg2[%dma_wait3A_65, %dma_wait3A_66] : memref<20480x64xf32, #tpu.memory_space<hbm>> -> memref<20480x64xf32, #tpu.memory_space<hbm>>
    tpu.wait_indirect_dma semaphore(%arg10 : memref<!tpu.dma_semaphore, #tpu.memory_space<semaphore_mem>>) src(%dma_wait3A_67 : memref<20480x64xf32, #tpu.memory_space<hbm>>) dst(%arg9 : memref<1000x64xf32, #tpu.memory_space<vmem>>)
    "tpu.region"() ({
      %run_scoped3A = tpu.sem_alloc : memref<!tpu.dma_semaphore, #tpu.memory_space<semaphore_mem>>
      %dma_start3A_209 = arith.constant 0 : i32
      %dma_start3A_210 = arith.constant 0 : i32
      %dma_start3A_211 = tpu.memref_slice %arg6[%dma_start3A_209, %dma_start3A_210] : memref<10240x64xf32, #tpu.memory_space<vmem_shared>> -> memref<10240x64xf32, #tpu.memory_space<vmem_shared>>
      tpu.enqueue_indirect_dma source(%arg9 : memref<1000x64xf32, #tpu.memory_space<vmem>>) target(%dma_start3A_211 : memref<10240x64xf32, #tpu.memory_space<vmem_shared>>) offsets(%arg8 : memref<1000xi32, #tpu.memory_space<vmem>>) semaphore(%run_scoped3A : memref<!tpu.dma_semaphore, #tpu.memory_space<semaphore_mem>>) {add = true}
      %dma_wait3A_212 = arith.constant 0 : i32
      %dma_wait3A_213 = arith.constant 0 : i32
      %dma_wait3A_214 = tpu.memref_slice %arg6[%dma_wait3A_212, %dma_wait3A_213] : memref<10240x64xf32, #tpu.memory_space<vmem_shared>> -> memref<10240x64xf32, #tpu.memory_space<vmem_shared>>
      tpu.wait_indirect_dma semaphore(%run_scoped3A : memref<!tpu.dma_semaphore, #tpu.memory_space<semaphore_mem>>) src(%arg9 : memref<1000x64xf32, #tpu.memory_space<vmem>>) dst(%dma_wait3A_214 : memref<10240x64xf32, #tpu.memory_space<vmem_shared>>)
      tpu.yield
    }) : () -> ()
    %add3A_68 = arith.constant 6000 : i32
    %add3A_69 = arith.addi %add3A_7, %add3A_68 : i32
    "tpu.region"() ({
      %run_scoped3A = tpu.sem_alloc : memref<!tpu.dma_semaphore, #tpu.memory_space<semaphore_mem>>
      %dma_start3A_209 = tpu.memref_slice %arg3[%add3A_69] : memref<640000xi32, #tpu.memory_space<hbm>> -> memref<1000xi32, #tpu.memory_space<hbm>>
      %dma_start3A_210 = tpu.memref_slice %arg3[%add3A_69] : memref<640000xi32, #tpu.memory_space<hbm>> -> memref<1000xi32, #tpu.memory_space<hbm>>
      tpu.enqueue_dma source(%dma_start3A_210 : memref<1000xi32, #tpu.memory_space<hbm>>) target(%arg7 : memref<1000xi32, #tpu.memory_space<vmem>>) target_semaphore(%run_scoped3A : memref<!tpu.dma_semaphore, #tpu.memory_space<semaphore_mem>>)
      %dma_wait3A_211 = tpu.memref_slice %arg3[%add3A_69] : memref<640000xi32, #tpu.memory_space<hbm>> -> memref<1000xi32, #tpu.memory_space<hbm>>
      %dma_wait3A_212 = tpu.memref_slice %arg3[%add3A_69] : memref<640000xi32, #tpu.memory_space<hbm>> -> memref<1000xi32, #tpu.memory_space<hbm>>
      tpu.wait_dma2 semaphore(%run_scoped3A : memref<!tpu.dma_semaphore, #tpu.memory_space<semaphore_mem>>) src(%dma_wait3A_212 : memref<1000xi32, #tpu.memory_space<hbm>>) dst(%arg7 : memref<1000xi32, #tpu.memory_space<vmem>>)
      tpu.yield
    }) : () -> ()
    %add3A_70 = arith.constant 6000 : i32
    %add3A_71 = arith.addi %mul3A_9, %add3A_70 : i32
    "tpu.region"() ({
      %run_scoped3A = tpu.sem_alloc : memref<!tpu.dma_semaphore, #tpu.memory_space<semaphore_mem>>
      %dma_start3A_209 = tpu.memref_slice %arg4[%add3A_71] : memref<320000xi32, #tpu.memory_space<hbm>> -> memref<1000xi32, #tpu.memory_space<hbm>>
      %dma_start3A_210 = tpu.memref_slice %arg4[%add3A_71] : memref<320000xi32, #tpu.memory_space<hbm>> -> memref<1000xi32, #tpu.memory_space<hbm>>
      tpu.enqueue_dma source(%dma_start3A_210 : memref<1000xi32, #tpu.memory_space<hbm>>) target(%arg8 : memref<1000xi32, #tpu.memory_space<vmem>>) target_semaphore(%run_scoped3A : memref<!tpu.dma_semaphore, #tpu.memory_space<semaphore_mem>>)
      %dma_wait3A_211 = tpu.memref_slice %arg4[%add3A_71] : memref<320000xi32, #tpu.memory_space<hbm>> -> memref<1000xi32, #tpu.memory_space<hbm>>
      %dma_wait3A_212 = tpu.memref_slice %arg4[%add3A_71] : memref<320000xi32, #tpu.memory_space<hbm>> -> memref<1000xi32, #tpu.memory_space<hbm>>
      tpu.wait_dma2 semaphore(%run_scoped3A : memref<!tpu.dma_semaphore, #tpu.memory_space<semaphore_mem>>) src(%dma_wait3A_212 : memref<1000xi32, #tpu.memory_space<hbm>>) dst(%arg8 : memref<1000xi32, #tpu.memory_space<vmem>>)
      tpu.yield
    }) : () -> ()
    %dma_start3A_72 = arith.constant 0 : i32
    %dma_start3A_73 = arith.constant 0 : i32
    %dma_start3A_74 = tpu.memref_slice %arg2[%dma_start3A_72, %dma_start3A_73] : memref<20480x64xf32, #tpu.memory_space<hbm>> -> memref<20480x64xf32, #tpu.memory_space<hbm>>
    tpu.enqueue_indirect_dma source(%dma_start3A_74 : memref<20480x64xf32, #tpu.memory_space<hbm>>) target(%arg9 : memref<1000x64xf32, #tpu.memory_space<vmem>>) offsets(%arg7 : memref<1000xi32, #tpu.memory_space<vmem>>) semaphore(%arg10 : memref<!tpu.dma_semaphore, #tpu.memory_space<semaphore_mem>>)
    %dma_wait3A_75 = arith.constant 0 : i32
    %dma_wait3A_76 = arith.constant 0 : i32
    %dma_wait3A_77 = tpu.memref_slice %arg2[%dma_wait3A_75, %dma_wait3A_76] : memref<20480x64xf32, #tpu.memory_space<hbm>> -> memref<20480x64xf32, #tpu.memory_space<hbm>>
    tpu.wait_indirect_dma semaphore(%arg10 : memref<!tpu.dma_semaphore, #tpu.memory_space<semaphore_mem>>) src(%dma_wait3A_77 : memref<20480x64xf32, #tpu.memory_space<hbm>>) dst(%arg9 : memref<1000x64xf32, #tpu.memory_space<vmem>>)
    "tpu.region"() ({
      %run_scoped3A = tpu.sem_alloc : memref<!tpu.dma_semaphore, #tpu.memory_space<semaphore_mem>>
      %dma_start3A_209 = arith.constant 0 : i32
      %dma_start3A_210 = arith.constant 0 : i32
      %dma_start3A_211 = tpu.memref_slice %arg6[%dma_start3A_209, %dma_start3A_210] : memref<10240x64xf32, #tpu.memory_space<vmem_shared>> -> memref<10240x64xf32, #tpu.memory_space<vmem_shared>>
      tpu.enqueue_indirect_dma source(%arg9 : memref<1000x64xf32, #tpu.memory_space<vmem>>) target(%dma_start3A_211 : memref<10240x64xf32, #tpu.memory_space<vmem_shared>>) offsets(%arg8 : memref<1000xi32, #tpu.memory_space<vmem>>) semaphore(%run_scoped3A : memref<!tpu.dma_semaphore, #tpu.memory_space<semaphore_mem>>) {add = true}
      %dma_wait3A_212 = arith.constant 0 : i32
      %dma_wait3A_213 = arith.constant 0 : i32
      %dma_wait3A_214 = tpu.memref_slice %arg6[%dma_wait3A_212, %dma_wait3A_213] : memref<10240x64xf32, #tpu.memory_space<vmem_shared>> -> memref<10240x64xf32, #tpu.memory_space<vmem_shared>>
      tpu.wait_indirect_dma semaphore(%run_scoped3A : memref<!tpu.dma_semaphore, #tpu.memory_space<semaphore_mem>>) src(%arg9 : memref<1000x64xf32, #tpu.memory_space<vmem>>) dst(%dma_wait3A_214 : memref<10240x64xf32, #tpu.memory_space<vmem_shared>>)
      tpu.yield
    }) : () -> ()
    %add3A_78 = arith.constant 7000 : i32
    %add3A_79 = arith.addi %add3A_7, %add3A_78 : i32
    "tpu.region"() ({
      %run_scoped3A = tpu.sem_alloc : memref<!tpu.dma_semaphore, #tpu.memory_space<semaphore_mem>>
      %dma_start3A_209 = tpu.memref_slice %arg3[%add3A_79] : memref<640000xi32, #tpu.memory_space<hbm>> -> memref<1000xi32, #tpu.memory_space<hbm>>
      %dma_start3A_210 = tpu.memref_slice %arg3[%add3A_79] : memref<640000xi32, #tpu.memory_space<hbm>> -> memref<1000xi32, #tpu.memory_space<hbm>>
      tpu.enqueue_dma source(%dma_start3A_210 : memref<1000xi32, #tpu.memory_space<hbm>>) target(%arg7 : memref<1000xi32, #tpu.memory_space<vmem>>) target_semaphore(%run_scoped3A : memref<!tpu.dma_semaphore, #tpu.memory_space<semaphore_mem>>)
      %dma_wait3A_211 = tpu.memref_slice %arg3[%add3A_79] : memref<640000xi32, #tpu.memory_space<hbm>> -> memref<1000xi32, #tpu.memory_space<hbm>>
      %dma_wait3A_212 = tpu.memref_slice %arg3[%add3A_79] : memref<640000xi32, #tpu.memory_space<hbm>> -> memref<1000xi32, #tpu.memory_space<hbm>>
      tpu.wait_dma2 semaphore(%run_scoped3A : memref<!tpu.dma_semaphore, #tpu.memory_space<semaphore_mem>>) src(%dma_wait3A_212 : memref<1000xi32, #tpu.memory_space<hbm>>) dst(%arg7 : memref<1000xi32, #tpu.memory_space<vmem>>)
      tpu.yield
    }) : () -> ()
    %add3A_80 = arith.constant 7000 : i32
    %add3A_81 = arith.addi %mul3A_9, %add3A_80 : i32
    "tpu.region"() ({
      %run_scoped3A = tpu.sem_alloc : memref<!tpu.dma_semaphore, #tpu.memory_space<semaphore_mem>>
      %dma_start3A_209 = tpu.memref_slice %arg4[%add3A_81] : memref<320000xi32, #tpu.memory_space<hbm>> -> memref<1000xi32, #tpu.memory_space<hbm>>
      %dma_start3A_210 = tpu.memref_slice %arg4[%add3A_81] : memref<320000xi32, #tpu.memory_space<hbm>> -> memref<1000xi32, #tpu.memory_space<hbm>>
      tpu.enqueue_dma source(%dma_start3A_210 : memref<1000xi32, #tpu.memory_space<hbm>>) target(%arg8 : memref<1000xi32, #tpu.memory_space<vmem>>) target_semaphore(%run_scoped3A : memref<!tpu.dma_semaphore, #tpu.memory_space<semaphore_mem>>)
      %dma_wait3A_211 = tpu.memref_slice %arg4[%add3A_81] : memref<320000xi32, #tpu.memory_space<hbm>> -> memref<1000xi32, #tpu.memory_space<hbm>>
      %dma_wait3A_212 = tpu.memref_slice %arg4[%add3A_81] : memref<320000xi32, #tpu.memory_space<hbm>> -> memref<1000xi32, #tpu.memory_space<hbm>>
      tpu.wait_dma2 semaphore(%run_scoped3A : memref<!tpu.dma_semaphore, #tpu.memory_space<semaphore_mem>>) src(%dma_wait3A_212 : memref<1000xi32, #tpu.memory_space<hbm>>) dst(%arg8 : memref<1000xi32, #tpu.memory_space<vmem>>)
      tpu.yield
    }) : () -> ()
    %dma_start3A_82 = arith.constant 0 : i32
    %dma_start3A_83 = arith.constant 0 : i32
    %dma_start3A_84 = tpu.memref_slice %arg2[%dma_start3A_82, %dma_start3A_83] : memref<20480x64xf32, #tpu.memory_space<hbm>> -> memref<20480x64xf32, #tpu.memory_space<hbm>>
    tpu.enqueue_indirect_dma source(%dma_start3A_84 : memref<20480x64xf32, #tpu.memory_space<hbm>>) target(%arg9 : memref<1000x64xf32, #tpu.memory_space<vmem>>) offsets(%arg7 : memref<1000xi32, #tpu.memory_space<vmem>>) semaphore(%arg10 : memref<!tpu.dma_semaphore, #tpu.memory_space<semaphore_mem>>)
    %dma_wait3A_85 = arith.constant 0 : i32
    %dma_wait3A_86 = arith.constant 0 : i32
    %dma_wait3A_87 = tpu.memref_slice %arg2[%dma_wait3A_85, %dma_wait3A_86] : memref<20480x64xf32, #tpu.memory_space<hbm>> -> memref<20480x64xf32, #tpu.memory_space<hbm>>
    tpu.wait_indirect_dma semaphore(%arg10 : memref<!tpu.dma_semaphore, #tpu.memory_space<semaphore_mem>>) src(%dma_wait3A_87 : memref<20480x64xf32, #tpu.memory_space<hbm>>) dst(%arg9 : memref<1000x64xf32, #tpu.memory_space<vmem>>)
    "tpu.region"() ({
      %run_scoped3A = tpu.sem_alloc : memref<!tpu.dma_semaphore, #tpu.memory_space<semaphore_mem>>
      %dma_start3A_209 = arith.constant 0 : i32
      %dma_start3A_210 = arith.constant 0 : i32
      %dma_start3A_211 = tpu.memref_slice %arg6[%dma_start3A_209, %dma_start3A_210] : memref<10240x64xf32, #tpu.memory_space<vmem_shared>> -> memref<10240x64xf32, #tpu.memory_space<vmem_shared>>
      tpu.enqueue_indirect_dma source(%arg9 : memref<1000x64xf32, #tpu.memory_space<vmem>>) target(%dma_start3A_211 : memref<10240x64xf32, #tpu.memory_space<vmem_shared>>) offsets(%arg8 : memref<1000xi32, #tpu.memory_space<vmem>>) semaphore(%run_scoped3A : memref<!tpu.dma_semaphore, #tpu.memory_space<semaphore_mem>>) {add = true}
      %dma_wait3A_212 = arith.constant 0 : i32
      %dma_wait3A_213 = arith.constant 0 : i32
      %dma_wait3A_214 = tpu.memref_slice %arg6[%dma_wait3A_212, %dma_wait3A_213] : memref<10240x64xf32, #tpu.memory_space<vmem_shared>> -> memref<10240x64xf32, #tpu.memory_space<vmem_shared>>
      tpu.wait_indirect_dma semaphore(%run_scoped3A : memref<!tpu.dma_semaphore, #tpu.memory_space<semaphore_mem>>) src(%arg9 : memref<1000x64xf32, #tpu.memory_space<vmem>>) dst(%dma_wait3A_214 : memref<10240x64xf32, #tpu.memory_space<vmem_shared>>)
      tpu.yield
    }) : () -> ()
    %add3A_88 = arith.constant 8000 : i32
    %add3A_89 = arith.addi %add3A_7, %add3A_88 : i32
    "tpu.region"() ({
      %run_scoped3A = tpu.sem_alloc : memref<!tpu.dma_semaphore, #tpu.memory_space<semaphore_mem>>
      %dma_start3A_209 = tpu.memref_slice %arg3[%add3A_89] : memref<640000xi32, #tpu.memory_space<hbm>> -> memref<1000xi32, #tpu.memory_space<hbm>>
      %dma_start3A_210 = tpu.memref_slice %arg3[%add3A_89] : memref<640000xi32, #tpu.memory_space<hbm>> -> memref<1000xi32, #tpu.memory_space<hbm>>
      tpu.enqueue_dma source(%dma_start3A_210 : memref<1000xi32, #tpu.memory_space<hbm>>) target(%arg7 : memref<1000xi32, #tpu.memory_space<vmem>>) target_semaphore(%run_scoped3A : memref<!tpu.dma_semaphore, #tpu.memory_space<semaphore_mem>>)
      %dma_wait3A_211 = tpu.memref_slice %arg3[%add3A_89] : memref<640000xi32, #tpu.memory_space<hbm>> -> memref<1000xi32, #tpu.memory_space<hbm>>
      %dma_wait3A_212 = tpu.memref_slice %arg3[%add3A_89] : memref<640000xi32, #tpu.memory_space<hbm>> -> memref<1000xi32, #tpu.memory_space<hbm>>
      tpu.wait_dma2 semaphore(%run_scoped3A : memref<!tpu.dma_semaphore, #tpu.memory_space<semaphore_mem>>) src(%dma_wait3A_212 : memref<1000xi32, #tpu.memory_space<hbm>>) dst(%arg7 : memref<1000xi32, #tpu.memory_space<vmem>>)
      tpu.yield
    }) : () -> ()
    %add3A_90 = arith.constant 8000 : i32
    %add3A_91 = arith.addi %mul3A_9, %add3A_90 : i32
    "tpu.region"() ({
      %run_scoped3A = tpu.sem_alloc : memref<!tpu.dma_semaphore, #tpu.memory_space<semaphore_mem>>
      %dma_start3A_209 = tpu.memref_slice %arg4[%add3A_91] : memref<320000xi32, #tpu.memory_space<hbm>> -> memref<1000xi32, #tpu.memory_space<hbm>>
      %dma_start3A_210 = tpu.memref_slice %arg4[%add3A_91] : memref<320000xi32, #tpu.memory_space<hbm>> -> memref<1000xi32, #tpu.memory_space<hbm>>
      tpu.enqueue_dma source(%dma_start3A_210 : memref<1000xi32, #tpu.memory_space<hbm>>) target(%arg8 : memref<1000xi32, #tpu.memory_space<vmem>>) target_semaphore(%run_scoped3A : memref<!tpu.dma_semaphore, #tpu.memory_space<semaphore_mem>>)
      %dma_wait3A_211 = tpu.memref_slice %arg4[%add3A_91] : memref<320000xi32, #tpu.memory_space<hbm>> -> memref<1000xi32, #tpu.memory_space<hbm>>
      %dma_wait3A_212 = tpu.memref_slice %arg4[%add3A_91] : memref<320000xi32, #tpu.memory_space<hbm>> -> memref<1000xi32, #tpu.memory_space<hbm>>
      tpu.wait_dma2 semaphore(%run_scoped3A : memref<!tpu.dma_semaphore, #tpu.memory_space<semaphore_mem>>) src(%dma_wait3A_212 : memref<1000xi32, #tpu.memory_space<hbm>>) dst(%arg8 : memref<1000xi32, #tpu.memory_space<vmem>>)
      tpu.yield
    }) : () -> ()
    %dma_start3A_92 = arith.constant 0 : i32
    %dma_start3A_93 = arith.constant 0 : i32
    %dma_start3A_94 = tpu.memref_slice %arg2[%dma_start3A_92, %dma_start3A_93] : memref<20480x64xf32, #tpu.memory_space<hbm>> -> memref<20480x64xf32, #tpu.memory_space<hbm>>
    tpu.enqueue_indirect_dma source(%dma_start3A_94 : memref<20480x64xf32, #tpu.memory_space<hbm>>) target(%arg9 : memref<1000x64xf32, #tpu.memory_space<vmem>>) offsets(%arg7 : memref<1000xi32, #tpu.memory_space<vmem>>) semaphore(%arg10 : memref<!tpu.dma_semaphore, #tpu.memory_space<semaphore_mem>>)
    %dma_wait3A_95 = arith.constant 0 : i32
    %dma_wait3A_96 = arith.constant 0 : i32
    %dma_wait3A_97 = tpu.memref_slice %arg2[%dma_wait3A_95, %dma_wait3A_96] : memref<20480x64xf32, #tpu.memory_space<hbm>> -> memref<20480x64xf32, #tpu.memory_space<hbm>>
    tpu.wait_indirect_dma semaphore(%arg10 : memref<!tpu.dma_semaphore, #tpu.memory_space<semaphore_mem>>) src(%dma_wait3A_97 : memref<20480x64xf32, #tpu.memory_space<hbm>>) dst(%arg9 : memref<1000x64xf32, #tpu.memory_space<vmem>>)
    "tpu.region"() ({
      %run_scoped3A = tpu.sem_alloc : memref<!tpu.dma_semaphore, #tpu.memory_space<semaphore_mem>>
      %dma_start3A_209 = arith.constant 0 : i32
      %dma_start3A_210 = arith.constant 0 : i32
      %dma_start3A_211 = tpu.memref_slice %arg6[%dma_start3A_209, %dma_start3A_210] : memref<10240x64xf32, #tpu.memory_space<vmem_shared>> -> memref<10240x64xf32, #tpu.memory_space<vmem_shared>>
      tpu.enqueue_indirect_dma source(%arg9 : memref<1000x64xf32, #tpu.memory_space<vmem>>) target(%dma_start3A_211 : memref<10240x64xf32, #tpu.memory_space<vmem_shared>>) offsets(%arg8 : memref<1000xi32, #tpu.memory_space<vmem>>) semaphore(%run_scoped3A : memref<!tpu.dma_semaphore, #tpu.memory_space<semaphore_mem>>) {add = true}
      %dma_wait3A_212 = arith.constant 0 : i32
      %dma_wait3A_213 = arith.constant 0 : i32
      %dma_wait3A_214 = tpu.memref_slice %arg6[%dma_wait3A_212, %dma_wait3A_213] : memref<10240x64xf32, #tpu.memory_space<vmem_shared>> -> memref<10240x64xf32, #tpu.memory_space<vmem_shared>>
      tpu.wait_indirect_dma semaphore(%run_scoped3A : memref<!tpu.dma_semaphore, #tpu.memory_space<semaphore_mem>>) src(%arg9 : memref<1000x64xf32, #tpu.memory_space<vmem>>) dst(%dma_wait3A_214 : memref<10240x64xf32, #tpu.memory_space<vmem_shared>>)
      tpu.yield
    }) : () -> ()
    %add3A_98 = arith.constant 9000 : i32
    %add3A_99 = arith.addi %add3A_7, %add3A_98 : i32
    "tpu.region"() ({
      %run_scoped3A = tpu.sem_alloc : memref<!tpu.dma_semaphore, #tpu.memory_space<semaphore_mem>>
      %dma_start3A_209 = tpu.memref_slice %arg3[%add3A_99] : memref<640000xi32, #tpu.memory_space<hbm>> -> memref<1000xi32, #tpu.memory_space<hbm>>
      %dma_start3A_210 = tpu.memref_slice %arg3[%add3A_99] : memref<640000xi32, #tpu.memory_space<hbm>> -> memref<1000xi32, #tpu.memory_space<hbm>>
      tpu.enqueue_dma source(%dma_start3A_210 : memref<1000xi32, #tpu.memory_space<hbm>>) target(%arg7 : memref<1000xi32, #tpu.memory_space<vmem>>) target_semaphore(%run_scoped3A : memref<!tpu.dma_semaphore, #tpu.memory_space<semaphore_mem>>)
      %dma_wait3A_211 = tpu.memref_slice %arg3[%add3A_99] : memref<640000xi32, #tpu.memory_space<hbm>> -> memref<1000xi32, #tpu.memory_space<hbm>>
      %dma_wait3A_212 = tpu.memref_slice %arg3[%add3A_99] : memref<640000xi32, #tpu.memory_space<hbm>> -> memref<1000xi32, #tpu.memory_space<hbm>>
      tpu.wait_dma2 semaphore(%run_scoped3A : memref<!tpu.dma_semaphore, #tpu.memory_space<semaphore_mem>>) src(%dma_wait3A_212 : memref<1000xi32, #tpu.memory_space<hbm>>) dst(%arg7 : memref<1000xi32, #tpu.memory_space<vmem>>)
      tpu.yield
    }) : () -> ()
    %add3A_100 = arith.constant 9000 : i32
    %add3A_101 = arith.addi %mul3A_9, %add3A_100 : i32
    "tpu.region"() ({
      %run_scoped3A = tpu.sem_alloc : memref<!tpu.dma_semaphore, #tpu.memory_space<semaphore_mem>>
      %dma_start3A_209 = tpu.memref_slice %arg4[%add3A_101] : memref<320000xi32, #tpu.memory_space<hbm>> -> memref<1000xi32, #tpu.memory_space<hbm>>
      %dma_start3A_210 = tpu.memref_slice %arg4[%add3A_101] : memref<320000xi32, #tpu.memory_space<hbm>> -> memref<1000xi32, #tpu.memory_space<hbm>>
      tpu.enqueue_dma source(%dma_start3A_210 : memref<1000xi32, #tpu.memory_space<hbm>>) target(%arg8 : memref<1000xi32, #tpu.memory_space<vmem>>) target_semaphore(%run_scoped3A : memref<!tpu.dma_semaphore, #tpu.memory_space<semaphore_mem>>)
      %dma_wait3A_211 = tpu.memref_slice %arg4[%add3A_101] : memref<320000xi32, #tpu.memory_space<hbm>> -> memref<1000xi32, #tpu.memory_space<hbm>>
      %dma_wait3A_212 = tpu.memref_slice %arg4[%add3A_101] : memref<320000xi32, #tpu.memory_space<hbm>> -> memref<1000xi32, #tpu.memory_space<hbm>>
      tpu.wait_dma2 semaphore(%run_scoped3A : memref<!tpu.dma_semaphore, #tpu.memory_space<semaphore_mem>>) src(%dma_wait3A_212 : memref<1000xi32, #tpu.memory_space<hbm>>) dst(%arg8 : memref<1000xi32, #tpu.memory_space<vmem>>)
      tpu.yield
    }) : () -> ()
    %dma_start3A_102 = arith.constant 0 : i32
    %dma_start3A_103 = arith.constant 0 : i32
    %dma_start3A_104 = tpu.memref_slice %arg2[%dma_start3A_102, %dma_start3A_103] : memref<20480x64xf32, #tpu.memory_space<hbm>> -> memref<20480x64xf32, #tpu.memory_space<hbm>>
    tpu.enqueue_indirect_dma source(%dma_start3A_104 : memref<20480x64xf32, #tpu.memory_space<hbm>>) target(%arg9 : memref<1000x64xf32, #tpu.memory_space<vmem>>) offsets(%arg7 : memref<1000xi32, #tpu.memory_space<vmem>>) semaphore(%arg10 : memref<!tpu.dma_semaphore, #tpu.memory_space<semaphore_mem>>)
    %dma_wait3A_105 = arith.constant 0 : i32
    %dma_wait3A_106 = arith.constant 0 : i32
    %dma_wait3A_107 = tpu.memref_slice %arg2[%dma_wait3A_105, %dma_wait3A_106] : memref<20480x64xf32, #tpu.memory_space<hbm>> -> memref<20480x64xf32, #tpu.memory_space<hbm>>
    tpu.wait_indirect_dma semaphore(%arg10 : memref<!tpu.dma_semaphore, #tpu.memory_space<semaphore_mem>>) src(%dma_wait3A_107 : memref<20480x64xf32, #tpu.memory_space<hbm>>) dst(%arg9 : memref<1000x64xf32, #tpu.memory_space<vmem>>)
    "tpu.region"() ({
      %run_scoped3A = tpu.sem_alloc : memref<!tpu.dma_semaphore, #tpu.memory_space<semaphore_mem>>
      %dma_start3A_209 = arith.constant 0 : i32
      %dma_start3A_210 = arith.constant 0 : i32
      %dma_start3A_211 = tpu.memref_slice %arg6[%dma_start3A_209, %dma_start3A_210] : memref<10240x64xf32, #tpu.memory_space<vmem_shared>> -> memref<10240x64xf32, #tpu.memory_space<vmem_shared>>
      tpu.enqueue_indirect_dma source(%arg9 : memref<1000x64xf32, #tpu.memory_space<vmem>>) target(%dma_start3A_211 : memref<10240x64xf32, #tpu.memory_space<vmem_shared>>) offsets(%arg8 : memref<1000xi32, #tpu.memory_space<vmem>>) semaphore(%run_scoped3A : memref<!tpu.dma_semaphore, #tpu.memory_space<semaphore_mem>>) {add = true}
      %dma_wait3A_212 = arith.constant 0 : i32
      %dma_wait3A_213 = arith.constant 0 : i32
      %dma_wait3A_214 = tpu.memref_slice %arg6[%dma_wait3A_212, %dma_wait3A_213] : memref<10240x64xf32, #tpu.memory_space<vmem_shared>> -> memref<10240x64xf32, #tpu.memory_space<vmem_shared>>
      tpu.wait_indirect_dma semaphore(%run_scoped3A : memref<!tpu.dma_semaphore, #tpu.memory_space<semaphore_mem>>) src(%arg9 : memref<1000x64xf32, #tpu.memory_space<vmem>>) dst(%dma_wait3A_214 : memref<10240x64xf32, #tpu.memory_space<vmem_shared>>)
      tpu.yield
    }) : () -> ()
    %add3A_108 = arith.constant 10000 : i32
    %add3A_109 = arith.addi %add3A_7, %add3A_108 : i32
    "tpu.region"() ({
      %run_scoped3A = tpu.sem_alloc : memref<!tpu.dma_semaphore, #tpu.memory_space<semaphore_mem>>
      %dma_start3A_209 = tpu.memref_slice %arg3[%add3A_109] : memref<640000xi32, #tpu.memory_space<hbm>> -> memref<1000xi32, #tpu.memory_space<hbm>>
      %dma_start3A_210 = tpu.memref_slice %arg3[%add3A_109] : memref<640000xi32, #tpu.memory_space<hbm>> -> memref<1000xi32, #tpu.memory_space<hbm>>
      tpu.enqueue_dma source(%dma_start3A_210 : memref<1000xi32, #tpu.memory_space<hbm>>) target(%arg7 : memref<1000xi32, #tpu.memory_space<vmem>>) target_semaphore(%run_scoped3A : memref<!tpu.dma_semaphore, #tpu.memory_space<semaphore_mem>>)
      %dma_wait3A_211 = tpu.memref_slice %arg3[%add3A_109] : memref<640000xi32, #tpu.memory_space<hbm>> -> memref<1000xi32, #tpu.memory_space<hbm>>
      %dma_wait3A_212 = tpu.memref_slice %arg3[%add3A_109] : memref<640000xi32, #tpu.memory_space<hbm>> -> memref<1000xi32, #tpu.memory_space<hbm>>
      tpu.wait_dma2 semaphore(%run_scoped3A : memref<!tpu.dma_semaphore, #tpu.memory_space<semaphore_mem>>) src(%dma_wait3A_212 : memref<1000xi32, #tpu.memory_space<hbm>>) dst(%arg7 : memref<1000xi32, #tpu.memory_space<vmem>>)
      tpu.yield
    }) : () -> ()
    %add3A_110 = arith.constant 10000 : i32
    %add3A_111 = arith.addi %mul3A_9, %add3A_110 : i32
    "tpu.region"() ({
      %run_scoped3A = tpu.sem_alloc : memref<!tpu.dma_semaphore, #tpu.memory_space<semaphore_mem>>
      %dma_start3A_209 = tpu.memref_slice %arg4[%add3A_111] : memref<320000xi32, #tpu.memory_space<hbm>> -> memref<1000xi32, #tpu.memory_space<hbm>>
      %dma_start3A_210 = tpu.memref_slice %arg4[%add3A_111] : memref<320000xi32, #tpu.memory_space<hbm>> -> memref<1000xi32, #tpu.memory_space<hbm>>
      tpu.enqueue_dma source(%dma_start3A_210 : memref<1000xi32, #tpu.memory_space<hbm>>) target(%arg8 : memref<1000xi32, #tpu.memory_space<vmem>>) target_semaphore(%run_scoped3A : memref<!tpu.dma_semaphore, #tpu.memory_space<semaphore_mem>>)
      %dma_wait3A_211 = tpu.memref_slice %arg4[%add3A_111] : memref<320000xi32, #tpu.memory_space<hbm>> -> memref<1000xi32, #tpu.memory_space<hbm>>
      %dma_wait3A_212 = tpu.memref_slice %arg4[%add3A_111] : memref<320000xi32, #tpu.memory_space<hbm>> -> memref<1000xi32, #tpu.memory_space<hbm>>
      tpu.wait_dma2 semaphore(%run_scoped3A : memref<!tpu.dma_semaphore, #tpu.memory_space<semaphore_mem>>) src(%dma_wait3A_212 : memref<1000xi32, #tpu.memory_space<hbm>>) dst(%arg8 : memref<1000xi32, #tpu.memory_space<vmem>>)
      tpu.yield
    }) : () -> ()
    %dma_start3A_112 = arith.constant 0 : i32
    %dma_start3A_113 = arith.constant 0 : i32
    %dma_start3A_114 = tpu.memref_slice %arg2[%dma_start3A_112, %dma_start3A_113] : memref<20480x64xf32, #tpu.memory_space<hbm>> -> memref<20480x64xf32, #tpu.memory_space<hbm>>
    tpu.enqueue_indirect_dma source(%dma_start3A_114 : memref<20480x64xf32, #tpu.memory_space<hbm>>) target(%arg9 : memref<1000x64xf32, #tpu.memory_space<vmem>>) offsets(%arg7 : memref<1000xi32, #tpu.memory_space<vmem>>) semaphore(%arg10 : memref<!tpu.dma_semaphore, #tpu.memory_space<semaphore_mem>>)
    %dma_wait3A_115 = arith.constant 0 : i32
    %dma_wait3A_116 = arith.constant 0 : i32
    %dma_wait3A_117 = tpu.memref_slice %arg2[%dma_wait3A_115, %dma_wait3A_116] : memref<20480x64xf32, #tpu.memory_space<hbm>> -> memref<20480x64xf32, #tpu.memory_space<hbm>>
    tpu.wait_indirect_dma semaphore(%arg10 : memref<!tpu.dma_semaphore, #tpu.memory_space<semaphore_mem>>) src(%dma_wait3A_117 : memref<20480x64xf32, #tpu.memory_space<hbm>>) dst(%arg9 : memref<1000x64xf32, #tpu.memory_space<vmem>>)
    "tpu.region"() ({
      %run_scoped3A = tpu.sem_alloc : memref<!tpu.dma_semaphore, #tpu.memory_space<semaphore_mem>>
      %dma_start3A_209 = arith.constant 0 : i32
      %dma_start3A_210 = arith.constant 0 : i32
      %dma_start3A_211 = tpu.memref_slice %arg6[%dma_start3A_209, %dma_start3A_210] : memref<10240x64xf32, #tpu.memory_space<vmem_shared>> -> memref<10240x64xf32, #tpu.memory_space<vmem_shared>>
      tpu.enqueue_indirect_dma source(%arg9 : memref<1000x64xf32, #tpu.memory_space<vmem>>) target(%dma_start3A_211 : memref<10240x64xf32, #tpu.memory_space<vmem_shared>>) offsets(%arg8 : memref<1000xi32, #tpu.memory_space<vmem>>) semaphore(%run_scoped3A : memref<!tpu.dma_semaphore, #tpu.memory_space<semaphore_mem>>) {add = true}
      %dma_wait3A_212 = arith.constant 0 : i32
      %dma_wait3A_213 = arith.constant 0 : i32
      %dma_wait3A_214 = tpu.memref_slice %arg6[%dma_wait3A_212, %dma_wait3A_213] : memref<10240x64xf32, #tpu.memory_space<vmem_shared>> -> memref<10240x64xf32, #tpu.memory_space<vmem_shared>>
      tpu.wait_indirect_dma semaphore(%run_scoped3A : memref<!tpu.dma_semaphore, #tpu.memory_space<semaphore_mem>>) src(%arg9 : memref<1000x64xf32, #tpu.memory_space<vmem>>) dst(%dma_wait3A_214 : memref<10240x64xf32, #tpu.memory_space<vmem_shared>>)
      tpu.yield
    }) : () -> ()
    %add3A_118 = arith.constant 11000 : i32
    %add3A_119 = arith.addi %add3A_7, %add3A_118 : i32
    "tpu.region"() ({
      %run_scoped3A = tpu.sem_alloc : memref<!tpu.dma_semaphore, #tpu.memory_space<semaphore_mem>>
      %dma_start3A_209 = tpu.memref_slice %arg3[%add3A_119] : memref<640000xi32, #tpu.memory_space<hbm>> -> memref<1000xi32, #tpu.memory_space<hbm>>
      %dma_start3A_210 = tpu.memref_slice %arg3[%add3A_119] : memref<640000xi32, #tpu.memory_space<hbm>> -> memref<1000xi32, #tpu.memory_space<hbm>>
      tpu.enqueue_dma source(%dma_start3A_210 : memref<1000xi32, #tpu.memory_space<hbm>>) target(%arg7 : memref<1000xi32, #tpu.memory_space<vmem>>) target_semaphore(%run_scoped3A : memref<!tpu.dma_semaphore, #tpu.memory_space<semaphore_mem>>)
      %dma_wait3A_211 = tpu.memref_slice %arg3[%add3A_119] : memref<640000xi32, #tpu.memory_space<hbm>> -> memref<1000xi32, #tpu.memory_space<hbm>>
      %dma_wait3A_212 = tpu.memref_slice %arg3[%add3A_119] : memref<640000xi32, #tpu.memory_space<hbm>> -> memref<1000xi32, #tpu.memory_space<hbm>>
      tpu.wait_dma2 semaphore(%run_scoped3A : memref<!tpu.dma_semaphore, #tpu.memory_space<semaphore_mem>>) src(%dma_wait3A_212 : memref<1000xi32, #tpu.memory_space<hbm>>) dst(%arg7 : memref<1000xi32, #tpu.memory_space<vmem>>)
      tpu.yield
    }) : () -> ()
    %add3A_120 = arith.constant 11000 : i32
    %add3A_121 = arith.addi %mul3A_9, %add3A_120 : i32
    "tpu.region"() ({
      %run_scoped3A = tpu.sem_alloc : memref<!tpu.dma_semaphore, #tpu.memory_space<semaphore_mem>>
      %dma_start3A_209 = tpu.memref_slice %arg4[%add3A_121] : memref<320000xi32, #tpu.memory_space<hbm>> -> memref<1000xi32, #tpu.memory_space<hbm>>
      %dma_start3A_210 = tpu.memref_slice %arg4[%add3A_121] : memref<320000xi32, #tpu.memory_space<hbm>> -> memref<1000xi32, #tpu.memory_space<hbm>>
      tpu.enqueue_dma source(%dma_start3A_210 : memref<1000xi32, #tpu.memory_space<hbm>>) target(%arg8 : memref<1000xi32, #tpu.memory_space<vmem>>) target_semaphore(%run_scoped3A : memref<!tpu.dma_semaphore, #tpu.memory_space<semaphore_mem>>)
      %dma_wait3A_211 = tpu.memref_slice %arg4[%add3A_121] : memref<320000xi32, #tpu.memory_space<hbm>> -> memref<1000xi32, #tpu.memory_space<hbm>>
      %dma_wait3A_212 = tpu.memref_slice %arg4[%add3A_121] : memref<320000xi32, #tpu.memory_space<hbm>> -> memref<1000xi32, #tpu.memory_space<hbm>>
      tpu.wait_dma2 semaphore(%run_scoped3A : memref<!tpu.dma_semaphore, #tpu.memory_space<semaphore_mem>>) src(%dma_wait3A_212 : memref<1000xi32, #tpu.memory_space<hbm>>) dst(%arg8 : memref<1000xi32, #tpu.memory_space<vmem>>)
      tpu.yield
    }) : () -> ()
    %dma_start3A_122 = arith.constant 0 : i32
    %dma_start3A_123 = arith.constant 0 : i32
    %dma_start3A_124 = tpu.memref_slice %arg2[%dma_start3A_122, %dma_start3A_123] : memref<20480x64xf32, #tpu.memory_space<hbm>> -> memref<20480x64xf32, #tpu.memory_space<hbm>>
    tpu.enqueue_indirect_dma source(%dma_start3A_124 : memref<20480x64xf32, #tpu.memory_space<hbm>>) target(%arg9 : memref<1000x64xf32, #tpu.memory_space<vmem>>) offsets(%arg7 : memref<1000xi32, #tpu.memory_space<vmem>>) semaphore(%arg10 : memref<!tpu.dma_semaphore, #tpu.memory_space<semaphore_mem>>)
    %dma_wait3A_125 = arith.constant 0 : i32
    %dma_wait3A_126 = arith.constant 0 : i32
    %dma_wait3A_127 = tpu.memref_slice %arg2[%dma_wait3A_125, %dma_wait3A_126] : memref<20480x64xf32, #tpu.memory_space<hbm>> -> memref<20480x64xf32, #tpu.memory_space<hbm>>
    tpu.wait_indirect_dma semaphore(%arg10 : memref<!tpu.dma_semaphore, #tpu.memory_space<semaphore_mem>>) src(%dma_wait3A_127 : memref<20480x64xf32, #tpu.memory_space<hbm>>) dst(%arg9 : memref<1000x64xf32, #tpu.memory_space<vmem>>)
    "tpu.region"() ({
      %run_scoped3A = tpu.sem_alloc : memref<!tpu.dma_semaphore, #tpu.memory_space<semaphore_mem>>
      %dma_start3A_209 = arith.constant 0 : i32
      %dma_start3A_210 = arith.constant 0 : i32
      %dma_start3A_211 = tpu.memref_slice %arg6[%dma_start3A_209, %dma_start3A_210] : memref<10240x64xf32, #tpu.memory_space<vmem_shared>> -> memref<10240x64xf32, #tpu.memory_space<vmem_shared>>
      tpu.enqueue_indirect_dma source(%arg9 : memref<1000x64xf32, #tpu.memory_space<vmem>>) target(%dma_start3A_211 : memref<10240x64xf32, #tpu.memory_space<vmem_shared>>) offsets(%arg8 : memref<1000xi32, #tpu.memory_space<vmem>>) semaphore(%run_scoped3A : memref<!tpu.dma_semaphore, #tpu.memory_space<semaphore_mem>>) {add = true}
      %dma_wait3A_212 = arith.constant 0 : i32
      %dma_wait3A_213 = arith.constant 0 : i32
      %dma_wait3A_214 = tpu.memref_slice %arg6[%dma_wait3A_212, %dma_wait3A_213] : memref<10240x64xf32, #tpu.memory_space<vmem_shared>> -> memref<10240x64xf32, #tpu.memory_space<vmem_shared>>
      tpu.wait_indirect_dma semaphore(%run_scoped3A : memref<!tpu.dma_semaphore, #tpu.memory_space<semaphore_mem>>) src(%arg9 : memref<1000x64xf32, #tpu.memory_space<vmem>>) dst(%dma_wait3A_214 : memref<10240x64xf32, #tpu.memory_space<vmem_shared>>)
      tpu.yield
    }) : () -> ()
    %add3A_128 = arith.constant 12000 : i32
    %add3A_129 = arith.addi %add3A_7, %add3A_128 : i32
    "tpu.region"() ({
      %run_scoped3A = tpu.sem_alloc : memref<!tpu.dma_semaphore, #tpu.memory_space<semaphore_mem>>
      %dma_start3A_209 = tpu.memref_slice %arg3[%add3A_129] : memref<640000xi32, #tpu.memory_space<hbm>> -> memref<1000xi32, #tpu.memory_space<hbm>>
      %dma_start3A_210 = tpu.memref_slice %arg3[%add3A_129] : memref<640000xi32, #tpu.memory_space<hbm>> -> memref<1000xi32, #tpu.memory_space<hbm>>
      tpu.enqueue_dma source(%dma_start3A_210 : memref<1000xi32, #tpu.memory_space<hbm>>) target(%arg7 : memref<1000xi32, #tpu.memory_space<vmem>>) target_semaphore(%run_scoped3A : memref<!tpu.dma_semaphore, #tpu.memory_space<semaphore_mem>>)
      %dma_wait3A_211 = tpu.memref_slice %arg3[%add3A_129] : memref<640000xi32, #tpu.memory_space<hbm>> -> memref<1000xi32, #tpu.memory_space<hbm>>
      %dma_wait3A_212 = tpu.memref_slice %arg3[%add3A_129] : memref<640000xi32, #tpu.memory_space<hbm>> -> memref<1000xi32, #tpu.memory_space<hbm>>
      tpu.wait_dma2 semaphore(%run_scoped3A : memref<!tpu.dma_semaphore, #tpu.memory_space<semaphore_mem>>) src(%dma_wait3A_212 : memref<1000xi32, #tpu.memory_space<hbm>>) dst(%arg7 : memref<1000xi32, #tpu.memory_space<vmem>>)
      tpu.yield
    }) : () -> ()
    %add3A_130 = arith.constant 12000 : i32
    %add3A_131 = arith.addi %mul3A_9, %add3A_130 : i32
    "tpu.region"() ({
      %run_scoped3A = tpu.sem_alloc : memref<!tpu.dma_semaphore, #tpu.memory_space<semaphore_mem>>
      %dma_start3A_209 = tpu.memref_slice %arg4[%add3A_131] : memref<320000xi32, #tpu.memory_space<hbm>> -> memref<1000xi32, #tpu.memory_space<hbm>>
      %dma_start3A_210 = tpu.memref_slice %arg4[%add3A_131] : memref<320000xi32, #tpu.memory_space<hbm>> -> memref<1000xi32, #tpu.memory_space<hbm>>
      tpu.enqueue_dma source(%dma_start3A_210 : memref<1000xi32, #tpu.memory_space<hbm>>) target(%arg8 : memref<1000xi32, #tpu.memory_space<vmem>>) target_semaphore(%run_scoped3A : memref<!tpu.dma_semaphore, #tpu.memory_space<semaphore_mem>>)
      %dma_wait3A_211 = tpu.memref_slice %arg4[%add3A_131] : memref<320000xi32, #tpu.memory_space<hbm>> -> memref<1000xi32, #tpu.memory_space<hbm>>
      %dma_wait3A_212 = tpu.memref_slice %arg4[%add3A_131] : memref<320000xi32, #tpu.memory_space<hbm>> -> memref<1000xi32, #tpu.memory_space<hbm>>
      tpu.wait_dma2 semaphore(%run_scoped3A : memref<!tpu.dma_semaphore, #tpu.memory_space<semaphore_mem>>) src(%dma_wait3A_212 : memref<1000xi32, #tpu.memory_space<hbm>>) dst(%arg8 : memref<1000xi32, #tpu.memory_space<vmem>>)
      tpu.yield
    }) : () -> ()
    %dma_start3A_132 = arith.constant 0 : i32
    %dma_start3A_133 = arith.constant 0 : i32
    %dma_start3A_134 = tpu.memref_slice %arg2[%dma_start3A_132, %dma_start3A_133] : memref<20480x64xf32, #tpu.memory_space<hbm>> -> memref<20480x64xf32, #tpu.memory_space<hbm>>
    tpu.enqueue_indirect_dma source(%dma_start3A_134 : memref<20480x64xf32, #tpu.memory_space<hbm>>) target(%arg9 : memref<1000x64xf32, #tpu.memory_space<vmem>>) offsets(%arg7 : memref<1000xi32, #tpu.memory_space<vmem>>) semaphore(%arg10 : memref<!tpu.dma_semaphore, #tpu.memory_space<semaphore_mem>>)
    %dma_wait3A_135 = arith.constant 0 : i32
    %dma_wait3A_136 = arith.constant 0 : i32
    %dma_wait3A_137 = tpu.memref_slice %arg2[%dma_wait3A_135, %dma_wait3A_136] : memref<20480x64xf32, #tpu.memory_space<hbm>> -> memref<20480x64xf32, #tpu.memory_space<hbm>>
    tpu.wait_indirect_dma semaphore(%arg10 : memref<!tpu.dma_semaphore, #tpu.memory_space<semaphore_mem>>) src(%dma_wait3A_137 : memref<20480x64xf32, #tpu.memory_space<hbm>>) dst(%arg9 : memref<1000x64xf32, #tpu.memory_space<vmem>>)
    "tpu.region"() ({
      %run_scoped3A = tpu.sem_alloc : memref<!tpu.dma_semaphore, #tpu.memory_space<semaphore_mem>>
      %dma_start3A_209 = arith.constant 0 : i32
      %dma_start3A_210 = arith.constant 0 : i32
      %dma_start3A_211 = tpu.memref_slice %arg6[%dma_start3A_209, %dma_start3A_210] : memref<10240x64xf32, #tpu.memory_space<vmem_shared>> -> memref<10240x64xf32, #tpu.memory_space<vmem_shared>>
      tpu.enqueue_indirect_dma source(%arg9 : memref<1000x64xf32, #tpu.memory_space<vmem>>) target(%dma_start3A_211 : memref<10240x64xf32, #tpu.memory_space<vmem_shared>>) offsets(%arg8 : memref<1000xi32, #tpu.memory_space<vmem>>) semaphore(%run_scoped3A : memref<!tpu.dma_semaphore, #tpu.memory_space<semaphore_mem>>) {add = true}
      %dma_wait3A_212 = arith.constant 0 : i32
      %dma_wait3A_213 = arith.constant 0 : i32
      %dma_wait3A_214 = tpu.memref_slice %arg6[%dma_wait3A_212, %dma_wait3A_213] : memref<10240x64xf32, #tpu.memory_space<vmem_shared>> -> memref<10240x64xf32, #tpu.memory_space<vmem_shared>>
      tpu.wait_indirect_dma semaphore(%run_scoped3A : memref<!tpu.dma_semaphore, #tpu.memory_space<semaphore_mem>>) src(%arg9 : memref<1000x64xf32, #tpu.memory_space<vmem>>) dst(%dma_wait3A_214 : memref<10240x64xf32, #tpu.memory_space<vmem_shared>>)
      tpu.yield
    }) : () -> ()
    %add3A_138 = arith.constant 13000 : i32
    %add3A_139 = arith.addi %add3A_7, %add3A_138 : i32
    "tpu.region"() ({
      %run_scoped3A = tpu.sem_alloc : memref<!tpu.dma_semaphore, #tpu.memory_space<semaphore_mem>>
      %dma_start3A_209 = tpu.memref_slice %arg3[%add3A_139] : memref<640000xi32, #tpu.memory_space<hbm>> -> memref<1000xi32, #tpu.memory_space<hbm>>
      %dma_start3A_210 = tpu.memref_slice %arg3[%add3A_139] : memref<640000xi32, #tpu.memory_space<hbm>> -> memref<1000xi32, #tpu.memory_space<hbm>>
      tpu.enqueue_dma source(%dma_start3A_210 : memref<1000xi32, #tpu.memory_space<hbm>>) target(%arg7 : memref<1000xi32, #tpu.memory_space<vmem>>) target_semaphore(%run_scoped3A : memref<!tpu.dma_semaphore, #tpu.memory_space<semaphore_mem>>)
      %dma_wait3A_211 = tpu.memref_slice %arg3[%add3A_139] : memref<640000xi32, #tpu.memory_space<hbm>> -> memref<1000xi32, #tpu.memory_space<hbm>>
      %dma_wait3A_212 = tpu.memref_slice %arg3[%add3A_139] : memref<640000xi32, #tpu.memory_space<hbm>> -> memref<1000xi32, #tpu.memory_space<hbm>>
      tpu.wait_dma2 semaphore(%run_scoped3A : memref<!tpu.dma_semaphore, #tpu.memory_space<semaphore_mem>>) src(%dma_wait3A_212 : memref<1000xi32, #tpu.memory_space<hbm>>) dst(%arg7 : memref<1000xi32, #tpu.memory_space<vmem>>)
      tpu.yield
    }) : () -> ()
    %add3A_140 = arith.constant 13000 : i32
    %add3A_141 = arith.addi %mul3A_9, %add3A_140 : i32
    "tpu.region"() ({
      %run_scoped3A = tpu.sem_alloc : memref<!tpu.dma_semaphore, #tpu.memory_space<semaphore_mem>>
      %dma_start3A_209 = tpu.memref_slice %arg4[%add3A_141] : memref<320000xi32, #tpu.memory_space<hbm>> -> memref<1000xi32, #tpu.memory_space<hbm>>
      %dma_start3A_210 = tpu.memref_slice %arg4[%add3A_141] : memref<320000xi32, #tpu.memory_space<hbm>> -> memref<1000xi32, #tpu.memory_space<hbm>>
      tpu.enqueue_dma source(%dma_start3A_210 : memref<1000xi32, #tpu.memory_space<hbm>>) target(%arg8 : memref<1000xi32, #tpu.memory_space<vmem>>) target_semaphore(%run_scoped3A : memref<!tpu.dma_semaphore, #tpu.memory_space<semaphore_mem>>)
      %dma_wait3A_211 = tpu.memref_slice %arg4[%add3A_141] : memref<320000xi32, #tpu.memory_space<hbm>> -> memref<1000xi32, #tpu.memory_space<hbm>>
      %dma_wait3A_212 = tpu.memref_slice %arg4[%add3A_141] : memref<320000xi32, #tpu.memory_space<hbm>> -> memref<1000xi32, #tpu.memory_space<hbm>>
      tpu.wait_dma2 semaphore(%run_scoped3A : memref<!tpu.dma_semaphore, #tpu.memory_space<semaphore_mem>>) src(%dma_wait3A_212 : memref<1000xi32, #tpu.memory_space<hbm>>) dst(%arg8 : memref<1000xi32, #tpu.memory_space<vmem>>)
      tpu.yield
    }) : () -> ()
    %dma_start3A_142 = arith.constant 0 : i32
    %dma_start3A_143 = arith.constant 0 : i32
    %dma_start3A_144 = tpu.memref_slice %arg2[%dma_start3A_142, %dma_start3A_143] : memref<20480x64xf32, #tpu.memory_space<hbm>> -> memref<20480x64xf32, #tpu.memory_space<hbm>>
    tpu.enqueue_indirect_dma source(%dma_start3A_144 : memref<20480x64xf32, #tpu.memory_space<hbm>>) target(%arg9 : memref<1000x64xf32, #tpu.memory_space<vmem>>) offsets(%arg7 : memref<1000xi32, #tpu.memory_space<vmem>>) semaphore(%arg10 : memref<!tpu.dma_semaphore, #tpu.memory_space<semaphore_mem>>)
    %dma_wait3A_145 = arith.constant 0 : i32
    %dma_wait3A_146 = arith.constant 0 : i32
    %dma_wait3A_147 = tpu.memref_slice %arg2[%dma_wait3A_145, %dma_wait3A_146] : memref<20480x64xf32, #tpu.memory_space<hbm>> -> memref<20480x64xf32, #tpu.memory_space<hbm>>
    tpu.wait_indirect_dma semaphore(%arg10 : memref<!tpu.dma_semaphore, #tpu.memory_space<semaphore_mem>>) src(%dma_wait3A_147 : memref<20480x64xf32, #tpu.memory_space<hbm>>) dst(%arg9 : memref<1000x64xf32, #tpu.memory_space<vmem>>)
    "tpu.region"() ({
      %run_scoped3A = tpu.sem_alloc : memref<!tpu.dma_semaphore, #tpu.memory_space<semaphore_mem>>
      %dma_start3A_209 = arith.constant 0 : i32
      %dma_start3A_210 = arith.constant 0 : i32
      %dma_start3A_211 = tpu.memref_slice %arg6[%dma_start3A_209, %dma_start3A_210] : memref<10240x64xf32, #tpu.memory_space<vmem_shared>> -> memref<10240x64xf32, #tpu.memory_space<vmem_shared>>
      tpu.enqueue_indirect_dma source(%arg9 : memref<1000x64xf32, #tpu.memory_space<vmem>>) target(%dma_start3A_211 : memref<10240x64xf32, #tpu.memory_space<vmem_shared>>) offsets(%arg8 : memref<1000xi32, #tpu.memory_space<vmem>>) semaphore(%run_scoped3A : memref<!tpu.dma_semaphore, #tpu.memory_space<semaphore_mem>>) {add = true}
      %dma_wait3A_212 = arith.constant 0 : i32
      %dma_wait3A_213 = arith.constant 0 : i32
      %dma_wait3A_214 = tpu.memref_slice %arg6[%dma_wait3A_212, %dma_wait3A_213] : memref<10240x64xf32, #tpu.memory_space<vmem_shared>> -> memref<10240x64xf32, #tpu.memory_space<vmem_shared>>
      tpu.wait_indirect_dma semaphore(%run_scoped3A : memref<!tpu.dma_semaphore, #tpu.memory_space<semaphore_mem>>) src(%arg9 : memref<1000x64xf32, #tpu.memory_space<vmem>>) dst(%dma_wait3A_214 : memref<10240x64xf32, #tpu.memory_space<vmem_shared>>)
      tpu.yield
    }) : () -> ()
    %add3A_148 = arith.constant 14000 : i32
    %add3A_149 = arith.addi %add3A_7, %add3A_148 : i32
    "tpu.region"() ({
      %run_scoped3A = tpu.sem_alloc : memref<!tpu.dma_semaphore, #tpu.memory_space<semaphore_mem>>
      %dma_start3A_209 = tpu.memref_slice %arg3[%add3A_149] : memref<640000xi32, #tpu.memory_space<hbm>> -> memref<1000xi32, #tpu.memory_space<hbm>>
      %dma_start3A_210 = tpu.memref_slice %arg3[%add3A_149] : memref<640000xi32, #tpu.memory_space<hbm>> -> memref<1000xi32, #tpu.memory_space<hbm>>
      tpu.enqueue_dma source(%dma_start3A_210 : memref<1000xi32, #tpu.memory_space<hbm>>) target(%arg7 : memref<1000xi32, #tpu.memory_space<vmem>>) target_semaphore(%run_scoped3A : memref<!tpu.dma_semaphore, #tpu.memory_space<semaphore_mem>>)
      %dma_wait3A_211 = tpu.memref_slice %arg3[%add3A_149] : memref<640000xi32, #tpu.memory_space<hbm>> -> memref<1000xi32, #tpu.memory_space<hbm>>
      %dma_wait3A_212 = tpu.memref_slice %arg3[%add3A_149] : memref<640000xi32, #tpu.memory_space<hbm>> -> memref<1000xi32, #tpu.memory_space<hbm>>
      tpu.wait_dma2 semaphore(%run_scoped3A : memref<!tpu.dma_semaphore, #tpu.memory_space<semaphore_mem>>) src(%dma_wait3A_212 : memref<1000xi32, #tpu.memory_space<hbm>>) dst(%arg7 : memref<1000xi32, #tpu.memory_space<vmem>>)
      tpu.yield
    }) : () -> ()
    %add3A_150 = arith.constant 14000 : i32
    %add3A_151 = arith.addi %mul3A_9, %add3A_150 : i32
    "tpu.region"() ({
      %run_scoped3A = tpu.sem_alloc : memref<!tpu.dma_semaphore, #tpu.memory_space<semaphore_mem>>
      %dma_start3A_209 = tpu.memref_slice %arg4[%add3A_151] : memref<320000xi32, #tpu.memory_space<hbm>> -> memref<1000xi32, #tpu.memory_space<hbm>>
      %dma_start3A_210 = tpu.memref_slice %arg4[%add3A_151] : memref<320000xi32, #tpu.memory_space<hbm>> -> memref<1000xi32, #tpu.memory_space<hbm>>
      tpu.enqueue_dma source(%dma_start3A_210 : memref<1000xi32, #tpu.memory_space<hbm>>) target(%arg8 : memref<1000xi32, #tpu.memory_space<vmem>>) target_semaphore(%run_scoped3A : memref<!tpu.dma_semaphore, #tpu.memory_space<semaphore_mem>>)
      %dma_wait3A_211 = tpu.memref_slice %arg4[%add3A_151] : memref<320000xi32, #tpu.memory_space<hbm>> -> memref<1000xi32, #tpu.memory_space<hbm>>
      %dma_wait3A_212 = tpu.memref_slice %arg4[%add3A_151] : memref<320000xi32, #tpu.memory_space<hbm>> -> memref<1000xi32, #tpu.memory_space<hbm>>
      tpu.wait_dma2 semaphore(%run_scoped3A : memref<!tpu.dma_semaphore, #tpu.memory_space<semaphore_mem>>) src(%dma_wait3A_212 : memref<1000xi32, #tpu.memory_space<hbm>>) dst(%arg8 : memref<1000xi32, #tpu.memory_space<vmem>>)
      tpu.yield
    }) : () -> ()
    %dma_start3A_152 = arith.constant 0 : i32
    %dma_start3A_153 = arith.constant 0 : i32
    %dma_start3A_154 = tpu.memref_slice %arg2[%dma_start3A_152, %dma_start3A_153] : memref<20480x64xf32, #tpu.memory_space<hbm>> -> memref<20480x64xf32, #tpu.memory_space<hbm>>
    tpu.enqueue_indirect_dma source(%dma_start3A_154 : memref<20480x64xf32, #tpu.memory_space<hbm>>) target(%arg9 : memref<1000x64xf32, #tpu.memory_space<vmem>>) offsets(%arg7 : memref<1000xi32, #tpu.memory_space<vmem>>) semaphore(%arg10 : memref<!tpu.dma_semaphore, #tpu.memory_space<semaphore_mem>>)
    %dma_wait3A_155 = arith.constant 0 : i32
    %dma_wait3A_156 = arith.constant 0 : i32
    %dma_wait3A_157 = tpu.memref_slice %arg2[%dma_wait3A_155, %dma_wait3A_156] : memref<20480x64xf32, #tpu.memory_space<hbm>> -> memref<20480x64xf32, #tpu.memory_space<hbm>>
    tpu.wait_indirect_dma semaphore(%arg10 : memref<!tpu.dma_semaphore, #tpu.memory_space<semaphore_mem>>) src(%dma_wait3A_157 : memref<20480x64xf32, #tpu.memory_space<hbm>>) dst(%arg9 : memref<1000x64xf32, #tpu.memory_space<vmem>>)
    "tpu.region"() ({
      %run_scoped3A = tpu.sem_alloc : memref<!tpu.dma_semaphore, #tpu.memory_space<semaphore_mem>>
      %dma_start3A_209 = arith.constant 0 : i32
      %dma_start3A_210 = arith.constant 0 : i32
      %dma_start3A_211 = tpu.memref_slice %arg6[%dma_start3A_209, %dma_start3A_210] : memref<10240x64xf32, #tpu.memory_space<vmem_shared>> -> memref<10240x64xf32, #tpu.memory_space<vmem_shared>>
      tpu.enqueue_indirect_dma source(%arg9 : memref<1000x64xf32, #tpu.memory_space<vmem>>) target(%dma_start3A_211 : memref<10240x64xf32, #tpu.memory_space<vmem_shared>>) offsets(%arg8 : memref<1000xi32, #tpu.memory_space<vmem>>) semaphore(%run_scoped3A : memref<!tpu.dma_semaphore, #tpu.memory_space<semaphore_mem>>) {add = true}
      %dma_wait3A_212 = arith.constant 0 : i32
      %dma_wait3A_213 = arith.constant 0 : i32
      %dma_wait3A_214 = tpu.memref_slice %arg6[%dma_wait3A_212, %dma_wait3A_213] : memref<10240x64xf32, #tpu.memory_space<vmem_shared>> -> memref<10240x64xf32, #tpu.memory_space<vmem_shared>>
      tpu.wait_indirect_dma semaphore(%run_scoped3A : memref<!tpu.dma_semaphore, #tpu.memory_space<semaphore_mem>>) src(%arg9 : memref<1000x64xf32, #tpu.memory_space<vmem>>) dst(%dma_wait3A_214 : memref<10240x64xf32, #tpu.memory_space<vmem_shared>>)
      tpu.yield
    }) : () -> ()
    %add3A_158 = arith.constant 15000 : i32
    %add3A_159 = arith.addi %add3A_7, %add3A_158 : i32
    "tpu.region"() ({
      %run_scoped3A = tpu.sem_alloc : memref<!tpu.dma_semaphore, #tpu.memory_space<semaphore_mem>>
      %dma_start3A_209 = tpu.memref_slice %arg3[%add3A_159] : memref<640000xi32, #tpu.memory_space<hbm>> -> memref<1000xi32, #tpu.memory_space<hbm>>
      %dma_start3A_210 = tpu.memref_slice %arg3[%add3A_159] : memref<640000xi32, #tpu.memory_space<hbm>> -> memref<1000xi32, #tpu.memory_space<hbm>>
      tpu.enqueue_dma source(%dma_start3A_210 : memref<1000xi32, #tpu.memory_space<hbm>>) target(%arg7 : memref<1000xi32, #tpu.memory_space<vmem>>) target_semaphore(%run_scoped3A : memref<!tpu.dma_semaphore, #tpu.memory_space<semaphore_mem>>)
      %dma_wait3A_211 = tpu.memref_slice %arg3[%add3A_159] : memref<640000xi32, #tpu.memory_space<hbm>> -> memref<1000xi32, #tpu.memory_space<hbm>>
      %dma_wait3A_212 = tpu.memref_slice %arg3[%add3A_159] : memref<640000xi32, #tpu.memory_space<hbm>> -> memref<1000xi32, #tpu.memory_space<hbm>>
      tpu.wait_dma2 semaphore(%run_scoped3A : memref<!tpu.dma_semaphore, #tpu.memory_space<semaphore_mem>>) src(%dma_wait3A_212 : memref<1000xi32, #tpu.memory_space<hbm>>) dst(%arg7 : memref<1000xi32, #tpu.memory_space<vmem>>)
      tpu.yield
    }) : () -> ()
    %add3A_160 = arith.constant 15000 : i32
    %add3A_161 = arith.addi %mul3A_9, %add3A_160 : i32
    "tpu.region"() ({
      %run_scoped3A = tpu.sem_alloc : memref<!tpu.dma_semaphore, #tpu.memory_space<semaphore_mem>>
      %dma_start3A_209 = tpu.memref_slice %arg4[%add3A_161] : memref<320000xi32, #tpu.memory_space<hbm>> -> memref<1000xi32, #tpu.memory_space<hbm>>
      %dma_start3A_210 = tpu.memref_slice %arg4[%add3A_161] : memref<320000xi32, #tpu.memory_space<hbm>> -> memref<1000xi32, #tpu.memory_space<hbm>>
      tpu.enqueue_dma source(%dma_start3A_210 : memref<1000xi32, #tpu.memory_space<hbm>>) target(%arg8 : memref<1000xi32, #tpu.memory_space<vmem>>) target_semaphore(%run_scoped3A : memref<!tpu.dma_semaphore, #tpu.memory_space<semaphore_mem>>)
      %dma_wait3A_211 = tpu.memref_slice %arg4[%add3A_161] : memref<320000xi32, #tpu.memory_space<hbm>> -> memref<1000xi32, #tpu.memory_space<hbm>>
      %dma_wait3A_212 = tpu.memref_slice %arg4[%add3A_161] : memref<320000xi32, #tpu.memory_space<hbm>> -> memref<1000xi32, #tpu.memory_space<hbm>>
      tpu.wait_dma2 semaphore(%run_scoped3A : memref<!tpu.dma_semaphore, #tpu.memory_space<semaphore_mem>>) src(%dma_wait3A_212 : memref<1000xi32, #tpu.memory_space<hbm>>) dst(%arg8 : memref<1000xi32, #tpu.memory_space<vmem>>)
      tpu.yield
    }) : () -> ()
    %dma_start3A_162 = arith.constant 0 : i32
    %dma_start3A_163 = arith.constant 0 : i32
    %dma_start3A_164 = tpu.memref_slice %arg2[%dma_start3A_162, %dma_start3A_163] : memref<20480x64xf32, #tpu.memory_space<hbm>> -> memref<20480x64xf32, #tpu.memory_space<hbm>>
    tpu.enqueue_indirect_dma source(%dma_start3A_164 : memref<20480x64xf32, #tpu.memory_space<hbm>>) target(%arg9 : memref<1000x64xf32, #tpu.memory_space<vmem>>) offsets(%arg7 : memref<1000xi32, #tpu.memory_space<vmem>>) semaphore(%arg10 : memref<!tpu.dma_semaphore, #tpu.memory_space<semaphore_mem>>)
    %dma_wait3A_165 = arith.constant 0 : i32
    %dma_wait3A_166 = arith.constant 0 : i32
    %dma_wait3A_167 = tpu.memref_slice %arg2[%dma_wait3A_165, %dma_wait3A_166] : memref<20480x64xf32, #tpu.memory_space<hbm>> -> memref<20480x64xf32, #tpu.memory_space<hbm>>
    tpu.wait_indirect_dma semaphore(%arg10 : memref<!tpu.dma_semaphore, #tpu.memory_space<semaphore_mem>>) src(%dma_wait3A_167 : memref<20480x64xf32, #tpu.memory_space<hbm>>) dst(%arg9 : memref<1000x64xf32, #tpu.memory_space<vmem>>)
    "tpu.region"() ({
      %run_scoped3A = tpu.sem_alloc : memref<!tpu.dma_semaphore, #tpu.memory_space<semaphore_mem>>
      %dma_start3A_209 = arith.constant 0 : i32
      %dma_start3A_210 = arith.constant 0 : i32
      %dma_start3A_211 = tpu.memref_slice %arg6[%dma_start3A_209, %dma_start3A_210] : memref<10240x64xf32, #tpu.memory_space<vmem_shared>> -> memref<10240x64xf32, #tpu.memory_space<vmem_shared>>
      tpu.enqueue_indirect_dma source(%arg9 : memref<1000x64xf32, #tpu.memory_space<vmem>>) target(%dma_start3A_211 : memref<10240x64xf32, #tpu.memory_space<vmem_shared>>) offsets(%arg8 : memref<1000xi32, #tpu.memory_space<vmem>>) semaphore(%run_scoped3A : memref<!tpu.dma_semaphore, #tpu.memory_space<semaphore_mem>>) {add = true}
      %dma_wait3A_212 = arith.constant 0 : i32
      %dma_wait3A_213 = arith.constant 0 : i32
      %dma_wait3A_214 = tpu.memref_slice %arg6[%dma_wait3A_212, %dma_wait3A_213] : memref<10240x64xf32, #tpu.memory_space<vmem_shared>> -> memref<10240x64xf32, #tpu.memory_space<vmem_shared>>
      tpu.wait_indirect_dma semaphore(%run_scoped3A : memref<!tpu.dma_semaphore, #tpu.memory_space<semaphore_mem>>) src(%arg9 : memref<1000x64xf32, #tpu.memory_space<vmem>>) dst(%dma_wait3A_214 : memref<10240x64xf32, #tpu.memory_space<vmem_shared>>)
      tpu.yield
    }) : () -> ()
    %add3A_168 = arith.constant 16000 : i32
    %add3A_169 = arith.addi %add3A_7, %add3A_168 : i32
    "tpu.region"() ({
      %run_scoped3A = tpu.sem_alloc : memref<!tpu.dma_semaphore, #tpu.memory_space<semaphore_mem>>
      %dma_start3A_209 = tpu.memref_slice %arg3[%add3A_169] : memref<640000xi32, #tpu.memory_space<hbm>> -> memref<1000xi32, #tpu.memory_space<hbm>>
      %dma_start3A_210 = tpu.memref_slice %arg3[%add3A_169] : memref<640000xi32, #tpu.memory_space<hbm>> -> memref<1000xi32, #tpu.memory_space<hbm>>
      tpu.enqueue_dma source(%dma_start3A_210 : memref<1000xi32, #tpu.memory_space<hbm>>) target(%arg7 : memref<1000xi32, #tpu.memory_space<vmem>>) target_semaphore(%run_scoped3A : memref<!tpu.dma_semaphore, #tpu.memory_space<semaphore_mem>>)
      %dma_wait3A_211 = tpu.memref_slice %arg3[%add3A_169] : memref<640000xi32, #tpu.memory_space<hbm>> -> memref<1000xi32, #tpu.memory_space<hbm>>
      %dma_wait3A_212 = tpu.memref_slice %arg3[%add3A_169] : memref<640000xi32, #tpu.memory_space<hbm>> -> memref<1000xi32, #tpu.memory_space<hbm>>
      tpu.wait_dma2 semaphore(%run_scoped3A : memref<!tpu.dma_semaphore, #tpu.memory_space<semaphore_mem>>) src(%dma_wait3A_212 : memref<1000xi32, #tpu.memory_space<hbm>>) dst(%arg7 : memref<1000xi32, #tpu.memory_space<vmem>>)
      tpu.yield
    }) : () -> ()
    %add3A_170 = arith.constant 16000 : i32
    %add3A_171 = arith.addi %mul3A_9, %add3A_170 : i32
    "tpu.region"() ({
      %run_scoped3A = tpu.sem_alloc : memref<!tpu.dma_semaphore, #tpu.memory_space<semaphore_mem>>
      %dma_start3A_209 = tpu.memref_slice %arg4[%add3A_171] : memref<320000xi32, #tpu.memory_space<hbm>> -> memref<1000xi32, #tpu.memory_space<hbm>>
      %dma_start3A_210 = tpu.memref_slice %arg4[%add3A_171] : memref<320000xi32, #tpu.memory_space<hbm>> -> memref<1000xi32, #tpu.memory_space<hbm>>
      tpu.enqueue_dma source(%dma_start3A_210 : memref<1000xi32, #tpu.memory_space<hbm>>) target(%arg8 : memref<1000xi32, #tpu.memory_space<vmem>>) target_semaphore(%run_scoped3A : memref<!tpu.dma_semaphore, #tpu.memory_space<semaphore_mem>>)
      %dma_wait3A_211 = tpu.memref_slice %arg4[%add3A_171] : memref<320000xi32, #tpu.memory_space<hbm>> -> memref<1000xi32, #tpu.memory_space<hbm>>
      %dma_wait3A_212 = tpu.memref_slice %arg4[%add3A_171] : memref<320000xi32, #tpu.memory_space<hbm>> -> memref<1000xi32, #tpu.memory_space<hbm>>
      tpu.wait_dma2 semaphore(%run_scoped3A : memref<!tpu.dma_semaphore, #tpu.memory_space<semaphore_mem>>) src(%dma_wait3A_212 : memref<1000xi32, #tpu.memory_space<hbm>>) dst(%arg8 : memref<1000xi32, #tpu.memory_space<vmem>>)
      tpu.yield
    }) : () -> ()
    %dma_start3A_172 = arith.constant 0 : i32
    %dma_start3A_173 = arith.constant 0 : i32
    %dma_start3A_174 = tpu.memref_slice %arg2[%dma_start3A_172, %dma_start3A_173] : memref<20480x64xf32, #tpu.memory_space<hbm>> -> memref<20480x64xf32, #tpu.memory_space<hbm>>
    tpu.enqueue_indirect_dma source(%dma_start3A_174 : memref<20480x64xf32, #tpu.memory_space<hbm>>) target(%arg9 : memref<1000x64xf32, #tpu.memory_space<vmem>>) offsets(%arg7 : memref<1000xi32, #tpu.memory_space<vmem>>) semaphore(%arg10 : memref<!tpu.dma_semaphore, #tpu.memory_space<semaphore_mem>>)
    %dma_wait3A_175 = arith.constant 0 : i32
    %dma_wait3A_176 = arith.constant 0 : i32
    %dma_wait3A_177 = tpu.memref_slice %arg2[%dma_wait3A_175, %dma_wait3A_176] : memref<20480x64xf32, #tpu.memory_space<hbm>> -> memref<20480x64xf32, #tpu.memory_space<hbm>>
    tpu.wait_indirect_dma semaphore(%arg10 : memref<!tpu.dma_semaphore, #tpu.memory_space<semaphore_mem>>) src(%dma_wait3A_177 : memref<20480x64xf32, #tpu.memory_space<hbm>>) dst(%arg9 : memref<1000x64xf32, #tpu.memory_space<vmem>>)
    "tpu.region"() ({
      %run_scoped3A = tpu.sem_alloc : memref<!tpu.dma_semaphore, #tpu.memory_space<semaphore_mem>>
      %dma_start3A_209 = arith.constant 0 : i32
      %dma_start3A_210 = arith.constant 0 : i32
      %dma_start3A_211 = tpu.memref_slice %arg6[%dma_start3A_209, %dma_start3A_210] : memref<10240x64xf32, #tpu.memory_space<vmem_shared>> -> memref<10240x64xf32, #tpu.memory_space<vmem_shared>>
      tpu.enqueue_indirect_dma source(%arg9 : memref<1000x64xf32, #tpu.memory_space<vmem>>) target(%dma_start3A_211 : memref<10240x64xf32, #tpu.memory_space<vmem_shared>>) offsets(%arg8 : memref<1000xi32, #tpu.memory_space<vmem>>) semaphore(%run_scoped3A : memref<!tpu.dma_semaphore, #tpu.memory_space<semaphore_mem>>) {add = true}
      %dma_wait3A_212 = arith.constant 0 : i32
      %dma_wait3A_213 = arith.constant 0 : i32
      %dma_wait3A_214 = tpu.memref_slice %arg6[%dma_wait3A_212, %dma_wait3A_213] : memref<10240x64xf32, #tpu.memory_space<vmem_shared>> -> memref<10240x64xf32, #tpu.memory_space<vmem_shared>>
      tpu.wait_indirect_dma semaphore(%run_scoped3A : memref<!tpu.dma_semaphore, #tpu.memory_space<semaphore_mem>>) src(%arg9 : memref<1000x64xf32, #tpu.memory_space<vmem>>) dst(%dma_wait3A_214 : memref<10240x64xf32, #tpu.memory_space<vmem_shared>>)
      tpu.yield
    }) : () -> ()
    %add3A_178 = arith.constant 17000 : i32
    %add3A_179 = arith.addi %add3A_7, %add3A_178 : i32
    "tpu.region"() ({
      %run_scoped3A = tpu.sem_alloc : memref<!tpu.dma_semaphore, #tpu.memory_space<semaphore_mem>>
      %dma_start3A_209 = tpu.memref_slice %arg3[%add3A_179] : memref<640000xi32, #tpu.memory_space<hbm>> -> memref<1000xi32, #tpu.memory_space<hbm>>
      %dma_start3A_210 = tpu.memref_slice %arg3[%add3A_179] : memref<640000xi32, #tpu.memory_space<hbm>> -> memref<1000xi32, #tpu.memory_space<hbm>>
      tpu.enqueue_dma source(%dma_start3A_210 : memref<1000xi32, #tpu.memory_space<hbm>>) target(%arg7 : memref<1000xi32, #tpu.memory_space<vmem>>) target_semaphore(%run_scoped3A : memref<!tpu.dma_semaphore, #tpu.memory_space<semaphore_mem>>)
      %dma_wait3A_211 = tpu.memref_slice %arg3[%add3A_179] : memref<640000xi32, #tpu.memory_space<hbm>> -> memref<1000xi32, #tpu.memory_space<hbm>>
      %dma_wait3A_212 = tpu.memref_slice %arg3[%add3A_179] : memref<640000xi32, #tpu.memory_space<hbm>> -> memref<1000xi32, #tpu.memory_space<hbm>>
      tpu.wait_dma2 semaphore(%run_scoped3A : memref<!tpu.dma_semaphore, #tpu.memory_space<semaphore_mem>>) src(%dma_wait3A_212 : memref<1000xi32, #tpu.memory_space<hbm>>) dst(%arg7 : memref<1000xi32, #tpu.memory_space<vmem>>)
      tpu.yield
    }) : () -> ()
    %add3A_180 = arith.constant 17000 : i32
    %add3A_181 = arith.addi %mul3A_9, %add3A_180 : i32
    "tpu.region"() ({
      %run_scoped3A = tpu.sem_alloc : memref<!tpu.dma_semaphore, #tpu.memory_space<semaphore_mem>>
      %dma_start3A_209 = tpu.memref_slice %arg4[%add3A_181] : memref<320000xi32, #tpu.memory_space<hbm>> -> memref<1000xi32, #tpu.memory_space<hbm>>
      %dma_start3A_210 = tpu.memref_slice %arg4[%add3A_181] : memref<320000xi32, #tpu.memory_space<hbm>> -> memref<1000xi32, #tpu.memory_space<hbm>>
      tpu.enqueue_dma source(%dma_start3A_210 : memref<1000xi32, #tpu.memory_space<hbm>>) target(%arg8 : memref<1000xi32, #tpu.memory_space<vmem>>) target_semaphore(%run_scoped3A : memref<!tpu.dma_semaphore, #tpu.memory_space<semaphore_mem>>)
      %dma_wait3A_211 = tpu.memref_slice %arg4[%add3A_181] : memref<320000xi32, #tpu.memory_space<hbm>> -> memref<1000xi32, #tpu.memory_space<hbm>>
      %dma_wait3A_212 = tpu.memref_slice %arg4[%add3A_181] : memref<320000xi32, #tpu.memory_space<hbm>> -> memref<1000xi32, #tpu.memory_space<hbm>>
      tpu.wait_dma2 semaphore(%run_scoped3A : memref<!tpu.dma_semaphore, #tpu.memory_space<semaphore_mem>>) src(%dma_wait3A_212 : memref<1000xi32, #tpu.memory_space<hbm>>) dst(%arg8 : memref<1000xi32, #tpu.memory_space<vmem>>)
      tpu.yield
    }) : () -> ()
    %dma_start3A_182 = arith.constant 0 : i32
    %dma_start3A_183 = arith.constant 0 : i32
    %dma_start3A_184 = tpu.memref_slice %arg2[%dma_start3A_182, %dma_start3A_183] : memref<20480x64xf32, #tpu.memory_space<hbm>> -> memref<20480x64xf32, #tpu.memory_space<hbm>>
    tpu.enqueue_indirect_dma source(%dma_start3A_184 : memref<20480x64xf32, #tpu.memory_space<hbm>>) target(%arg9 : memref<1000x64xf32, #tpu.memory_space<vmem>>) offsets(%arg7 : memref<1000xi32, #tpu.memory_space<vmem>>) semaphore(%arg10 : memref<!tpu.dma_semaphore, #tpu.memory_space<semaphore_mem>>)
    %dma_wait3A_185 = arith.constant 0 : i32
    %dma_wait3A_186 = arith.constant 0 : i32
    %dma_wait3A_187 = tpu.memref_slice %arg2[%dma_wait3A_185, %dma_wait3A_186] : memref<20480x64xf32, #tpu.memory_space<hbm>> -> memref<20480x64xf32, #tpu.memory_space<hbm>>
    tpu.wait_indirect_dma semaphore(%arg10 : memref<!tpu.dma_semaphore, #tpu.memory_space<semaphore_mem>>) src(%dma_wait3A_187 : memref<20480x64xf32, #tpu.memory_space<hbm>>) dst(%arg9 : memref<1000x64xf32, #tpu.memory_space<vmem>>)
    "tpu.region"() ({
      %run_scoped3A = tpu.sem_alloc : memref<!tpu.dma_semaphore, #tpu.memory_space<semaphore_mem>>
      %dma_start3A_209 = arith.constant 0 : i32
      %dma_start3A_210 = arith.constant 0 : i32
      %dma_start3A_211 = tpu.memref_slice %arg6[%dma_start3A_209, %dma_start3A_210] : memref<10240x64xf32, #tpu.memory_space<vmem_shared>> -> memref<10240x64xf32, #tpu.memory_space<vmem_shared>>
      tpu.enqueue_indirect_dma source(%arg9 : memref<1000x64xf32, #tpu.memory_space<vmem>>) target(%dma_start3A_211 : memref<10240x64xf32, #tpu.memory_space<vmem_shared>>) offsets(%arg8 : memref<1000xi32, #tpu.memory_space<vmem>>) semaphore(%run_scoped3A : memref<!tpu.dma_semaphore, #tpu.memory_space<semaphore_mem>>) {add = true}
      %dma_wait3A_212 = arith.constant 0 : i32
      %dma_wait3A_213 = arith.constant 0 : i32
      %dma_wait3A_214 = tpu.memref_slice %arg6[%dma_wait3A_212, %dma_wait3A_213] : memref<10240x64xf32, #tpu.memory_space<vmem_shared>> -> memref<10240x64xf32, #tpu.memory_space<vmem_shared>>
      tpu.wait_indirect_dma semaphore(%run_scoped3A : memref<!tpu.dma_semaphore, #tpu.memory_space<semaphore_mem>>) src(%arg9 : memref<1000x64xf32, #tpu.memory_space<vmem>>) dst(%dma_wait3A_214 : memref<10240x64xf32, #tpu.memory_space<vmem_shared>>)
      tpu.yield
    }) : () -> ()
    %add3A_188 = arith.constant 18000 : i32
    %add3A_189 = arith.addi %add3A_7, %add3A_188 : i32
    "tpu.region"() ({
      %run_scoped3A = tpu.sem_alloc : memref<!tpu.dma_semaphore, #tpu.memory_space<semaphore_mem>>
      %dma_start3A_209 = tpu.memref_slice %arg3[%add3A_189] : memref<640000xi32, #tpu.memory_space<hbm>> -> memref<1000xi32, #tpu.memory_space<hbm>>
      %dma_start3A_210 = tpu.memref_slice %arg3[%add3A_189] : memref<640000xi32, #tpu.memory_space<hbm>> -> memref<1000xi32, #tpu.memory_space<hbm>>
      tpu.enqueue_dma source(%dma_start3A_210 : memref<1000xi32, #tpu.memory_space<hbm>>) target(%arg7 : memref<1000xi32, #tpu.memory_space<vmem>>) target_semaphore(%run_scoped3A : memref<!tpu.dma_semaphore, #tpu.memory_space<semaphore_mem>>)
      %dma_wait3A_211 = tpu.memref_slice %arg3[%add3A_189] : memref<640000xi32, #tpu.memory_space<hbm>> -> memref<1000xi32, #tpu.memory_space<hbm>>
      %dma_wait3A_212 = tpu.memref_slice %arg3[%add3A_189] : memref<640000xi32, #tpu.memory_space<hbm>> -> memref<1000xi32, #tpu.memory_space<hbm>>
      tpu.wait_dma2 semaphore(%run_scoped3A : memref<!tpu.dma_semaphore, #tpu.memory_space<semaphore_mem>>) src(%dma_wait3A_212 : memref<1000xi32, #tpu.memory_space<hbm>>) dst(%arg7 : memref<1000xi32, #tpu.memory_space<vmem>>)
      tpu.yield
    }) : () -> ()
    %add3A_190 = arith.constant 18000 : i32
    %add3A_191 = arith.addi %mul3A_9, %add3A_190 : i32
    "tpu.region"() ({
      %run_scoped3A = tpu.sem_alloc : memref<!tpu.dma_semaphore, #tpu.memory_space<semaphore_mem>>
      %dma_start3A_209 = tpu.memref_slice %arg4[%add3A_191] : memref<320000xi32, #tpu.memory_space<hbm>> -> memref<1000xi32, #tpu.memory_space<hbm>>
      %dma_start3A_210 = tpu.memref_slice %arg4[%add3A_191] : memref<320000xi32, #tpu.memory_space<hbm>> -> memref<1000xi32, #tpu.memory_space<hbm>>
      tpu.enqueue_dma source(%dma_start3A_210 : memref<1000xi32, #tpu.memory_space<hbm>>) target(%arg8 : memref<1000xi32, #tpu.memory_space<vmem>>) target_semaphore(%run_scoped3A : memref<!tpu.dma_semaphore, #tpu.memory_space<semaphore_mem>>)
      %dma_wait3A_211 = tpu.memref_slice %arg4[%add3A_191] : memref<320000xi32, #tpu.memory_space<hbm>> -> memref<1000xi32, #tpu.memory_space<hbm>>
      %dma_wait3A_212 = tpu.memref_slice %arg4[%add3A_191] : memref<320000xi32, #tpu.memory_space<hbm>> -> memref<1000xi32, #tpu.memory_space<hbm>>
      tpu.wait_dma2 semaphore(%run_scoped3A : memref<!tpu.dma_semaphore, #tpu.memory_space<semaphore_mem>>) src(%dma_wait3A_212 : memref<1000xi32, #tpu.memory_space<hbm>>) dst(%arg8 : memref<1000xi32, #tpu.memory_space<vmem>>)
      tpu.yield
    }) : () -> ()
    %dma_start3A_192 = arith.constant 0 : i32
    %dma_start3A_193 = arith.constant 0 : i32
    %dma_start3A_194 = tpu.memref_slice %arg2[%dma_start3A_192, %dma_start3A_193] : memref<20480x64xf32, #tpu.memory_space<hbm>> -> memref<20480x64xf32, #tpu.memory_space<hbm>>
    tpu.enqueue_indirect_dma source(%dma_start3A_194 : memref<20480x64xf32, #tpu.memory_space<hbm>>) target(%arg9 : memref<1000x64xf32, #tpu.memory_space<vmem>>) offsets(%arg7 : memref<1000xi32, #tpu.memory_space<vmem>>) semaphore(%arg10 : memref<!tpu.dma_semaphore, #tpu.memory_space<semaphore_mem>>)
    %dma_wait3A_195 = arith.constant 0 : i32
    %dma_wait3A_196 = arith.constant 0 : i32
    %dma_wait3A_197 = tpu.memref_slice %arg2[%dma_wait3A_195, %dma_wait3A_196] : memref<20480x64xf32, #tpu.memory_space<hbm>> -> memref<20480x64xf32, #tpu.memory_space<hbm>>
    tpu.wait_indirect_dma semaphore(%arg10 : memref<!tpu.dma_semaphore, #tpu.memory_space<semaphore_mem>>) src(%dma_wait3A_197 : memref<20480x64xf32, #tpu.memory_space<hbm>>) dst(%arg9 : memref<1000x64xf32, #tpu.memory_space<vmem>>)
    "tpu.region"() ({
      %run_scoped3A = tpu.sem_alloc : memref<!tpu.dma_semaphore, #tpu.memory_space<semaphore_mem>>
      %dma_start3A_209 = arith.constant 0 : i32
      %dma_start3A_210 = arith.constant 0 : i32
      %dma_start3A_211 = tpu.memref_slice %arg6[%dma_start3A_209, %dma_start3A_210] : memref<10240x64xf32, #tpu.memory_space<vmem_shared>> -> memref<10240x64xf32, #tpu.memory_space<vmem_shared>>
      tpu.enqueue_indirect_dma source(%arg9 : memref<1000x64xf32, #tpu.memory_space<vmem>>) target(%dma_start3A_211 : memref<10240x64xf32, #tpu.memory_space<vmem_shared>>) offsets(%arg8 : memref<1000xi32, #tpu.memory_space<vmem>>) semaphore(%run_scoped3A : memref<!tpu.dma_semaphore, #tpu.memory_space<semaphore_mem>>) {add = true}
      %dma_wait3A_212 = arith.constant 0 : i32
      %dma_wait3A_213 = arith.constant 0 : i32
      %dma_wait3A_214 = tpu.memref_slice %arg6[%dma_wait3A_212, %dma_wait3A_213] : memref<10240x64xf32, #tpu.memory_space<vmem_shared>> -> memref<10240x64xf32, #tpu.memory_space<vmem_shared>>
      tpu.wait_indirect_dma semaphore(%run_scoped3A : memref<!tpu.dma_semaphore, #tpu.memory_space<semaphore_mem>>) src(%arg9 : memref<1000x64xf32, #tpu.memory_space<vmem>>) dst(%dma_wait3A_214 : memref<10240x64xf32, #tpu.memory_space<vmem_shared>>)
      tpu.yield
    }) : () -> ()
    %add3A_198 = arith.constant 19000 : i32
    %add3A_199 = arith.addi %add3A_7, %add3A_198 : i32
    "tpu.region"() ({
      %run_scoped3A = tpu.sem_alloc : memref<!tpu.dma_semaphore, #tpu.memory_space<semaphore_mem>>
      %dma_start3A_209 = tpu.memref_slice %arg3[%add3A_199] : memref<640000xi32, #tpu.memory_space<hbm>> -> memref<1000xi32, #tpu.memory_space<hbm>>
      %dma_start3A_210 = tpu.memref_slice %arg3[%add3A_199] : memref<640000xi32, #tpu.memory_space<hbm>> -> memref<1000xi32, #tpu.memory_space<hbm>>
      tpu.enqueue_dma source(%dma_start3A_210 : memref<1000xi32, #tpu.memory_space<hbm>>) target(%arg7 : memref<1000xi32, #tpu.memory_space<vmem>>) target_semaphore(%run_scoped3A : memref<!tpu.dma_semaphore, #tpu.memory_space<semaphore_mem>>)
      %dma_wait3A_211 = tpu.memref_slice %arg3[%add3A_199] : memref<640000xi32, #tpu.memory_space<hbm>> -> memref<1000xi32, #tpu.memory_space<hbm>>
      %dma_wait3A_212 = tpu.memref_slice %arg3[%add3A_199] : memref<640000xi32, #tpu.memory_space<hbm>> -> memref<1000xi32, #tpu.memory_space<hbm>>
      tpu.wait_dma2 semaphore(%run_scoped3A : memref<!tpu.dma_semaphore, #tpu.memory_space<semaphore_mem>>) src(%dma_wait3A_212 : memref<1000xi32, #tpu.memory_space<hbm>>) dst(%arg7 : memref<1000xi32, #tpu.memory_space<vmem>>)
      tpu.yield
    }) : () -> ()
    %add3A_200 = arith.constant 19000 : i32
    %add3A_201 = arith.addi %mul3A_9, %add3A_200 : i32
    "tpu.region"() ({
      %run_scoped3A = tpu.sem_alloc : memref<!tpu.dma_semaphore, #tpu.memory_space<semaphore_mem>>
      %dma_start3A_209 = tpu.memref_slice %arg4[%add3A_201] : memref<320000xi32, #tpu.memory_space<hbm>> -> memref<1000xi32, #tpu.memory_space<hbm>>
      %dma_start3A_210 = tpu.memref_slice %arg4[%add3A_201] : memref<320000xi32, #tpu.memory_space<hbm>> -> memref<1000xi32, #tpu.memory_space<hbm>>
      tpu.enqueue_dma source(%dma_start3A_210 : memref<1000xi32, #tpu.memory_space<hbm>>) target(%arg8 : memref<1000xi32, #tpu.memory_space<vmem>>) target_semaphore(%run_scoped3A : memref<!tpu.dma_semaphore, #tpu.memory_space<semaphore_mem>>)
      %dma_wait3A_211 = tpu.memref_slice %arg4[%add3A_201] : memref<320000xi32, #tpu.memory_space<hbm>> -> memref<1000xi32, #tpu.memory_space<hbm>>
      %dma_wait3A_212 = tpu.memref_slice %arg4[%add3A_201] : memref<320000xi32, #tpu.memory_space<hbm>> -> memref<1000xi32, #tpu.memory_space<hbm>>
      tpu.wait_dma2 semaphore(%run_scoped3A : memref<!tpu.dma_semaphore, #tpu.memory_space<semaphore_mem>>) src(%dma_wait3A_212 : memref<1000xi32, #tpu.memory_space<hbm>>) dst(%arg8 : memref<1000xi32, #tpu.memory_space<vmem>>)
      tpu.yield
    }) : () -> ()
    %dma_start3A_202 = arith.constant 0 : i32
    %dma_start3A_203 = arith.constant 0 : i32
    %dma_start3A_204 = tpu.memref_slice %arg2[%dma_start3A_202, %dma_start3A_203] : memref<20480x64xf32, #tpu.memory_space<hbm>> -> memref<20480x64xf32, #tpu.memory_space<hbm>>
    tpu.enqueue_indirect_dma source(%dma_start3A_204 : memref<20480x64xf32, #tpu.memory_space<hbm>>) target(%arg9 : memref<1000x64xf32, #tpu.memory_space<vmem>>) offsets(%arg7 : memref<1000xi32, #tpu.memory_space<vmem>>) semaphore(%arg10 : memref<!tpu.dma_semaphore, #tpu.memory_space<semaphore_mem>>)
    %dma_wait3A_205 = arith.constant 0 : i32
    %dma_wait3A_206 = arith.constant 0 : i32
    %dma_wait3A_207 = tpu.memref_slice %arg2[%dma_wait3A_205, %dma_wait3A_206] : memref<20480x64xf32, #tpu.memory_space<hbm>> -> memref<20480x64xf32, #tpu.memory_space<hbm>>
    tpu.wait_indirect_dma semaphore(%arg10 : memref<!tpu.dma_semaphore, #tpu.memory_space<semaphore_mem>>) src(%dma_wait3A_207 : memref<20480x64xf32, #tpu.memory_space<hbm>>) dst(%arg9 : memref<1000x64xf32, #tpu.memory_space<vmem>>)
    "tpu.region"() ({
      %run_scoped3A = tpu.sem_alloc : memref<!tpu.dma_semaphore, #tpu.memory_space<semaphore_mem>>
      %dma_start3A_209 = arith.constant 0 : i32
      %dma_start3A_210 = arith.constant 0 : i32
      %dma_start3A_211 = tpu.memref_slice %arg6[%dma_start3A_209, %dma_start3A_210] : memref<10240x64xf32, #tpu.memory_space<vmem_shared>> -> memref<10240x64xf32, #tpu.memory_space<vmem_shared>>
      tpu.enqueue_indirect_dma source(%arg9 : memref<1000x64xf32, #tpu.memory_space<vmem>>) target(%dma_start3A_211 : memref<10240x64xf32, #tpu.memory_space<vmem_shared>>) offsets(%arg8 : memref<1000xi32, #tpu.memory_space<vmem>>) semaphore(%run_scoped3A : memref<!tpu.dma_semaphore, #tpu.memory_space<semaphore_mem>>) {add = true}
      %dma_wait3A_212 = arith.constant 0 : i32
      %dma_wait3A_213 = arith.constant 0 : i32
      %dma_wait3A_214 = tpu.memref_slice %arg6[%dma_wait3A_212, %dma_wait3A_213] : memref<10240x64xf32, #tpu.memory_space<vmem_shared>> -> memref<10240x64xf32, #tpu.memory_space<vmem_shared>>
      tpu.wait_indirect_dma semaphore(%run_scoped3A : memref<!tpu.dma_semaphore, #tpu.memory_space<semaphore_mem>>) src(%arg9 : memref<1000x64xf32, #tpu.memory_space<vmem>>) dst(%dma_wait3A_214 : memref<10240x64xf32, #tpu.memory_space<vmem_shared>>)
      tpu.yield
    }) : () -> ()
    %barrier3A_208 = arith.constant 0 : index
    tpu.barrier barrier_id(%barrier3A_208)
    "tpu.region"() ({
      %run_scoped3A = tpu.sem_alloc : memref<!tpu.dma_semaphore, #tpu.memory_space<semaphore_mem>>
      %dma_start3A_209 = arith.constant 0 : i32
      %dma_start3A_210 = tpu.memref_slice %arg5[%add3A, %dma_start3A_209] : memref<20480x64xf32, #tpu.memory_space<hbm>> -> memref<640x64xf32, #tpu.memory_space<hbm>>
      %dma_start3A_211 = arith.constant 0 : i32
      %dma_start3A_212 = tpu.memref_slice %arg6[%mul3A_0, %dma_start3A_211] : memref<10240x64xf32, #tpu.memory_space<vmem_shared>> -> memref<640x64xf32, #tpu.memory_space<vmem_shared>>
      tpu.enqueue_dma source(%dma_start3A_212 : memref<640x64xf32, #tpu.memory_space<vmem_shared>>) target(%dma_start3A_210 : memref<640x64xf32, #tpu.memory_space<hbm>>) target_semaphore(%run_scoped3A : memref<!tpu.dma_semaphore, #tpu.memory_space<semaphore_mem>>)
      %dma_wait3A_213 = arith.constant 0 : i32
      %dma_wait3A_214 = tpu.memref_slice %arg5[%add3A, %dma_wait3A_213] : memref<20480x64xf32, #tpu.memory_space<hbm>> -> memref<640x64xf32, #tpu.memory_space<hbm>>
      %dma_wait3A_215 = arith.constant 0 : i32
      %dma_wait3A_216 = tpu.memref_slice %arg6[%mul3A_0, %dma_wait3A_215] : memref<10240x64xf32, #tpu.memory_space<vmem_shared>> -> memref<640x64xf32, #tpu.memory_space<vmem_shared>>
      tpu.wait_dma2 semaphore(%run_scoped3A : memref<!tpu.dma_semaphore, #tpu.memory_space<semaphore_mem>>) src(%dma_wait3A_216 : memref<640x64xf32, #tpu.memory_space<vmem_shared>>) dst(%dma_wait3A_214 : memref<640x64xf32, #tpu.memory_space<hbm>>)
      tpu.yield
    }) : () -> ()
    return
  }
}

module attributes {stable_mosaic.version = 14 : i64} {
  func.func @_tca_body(%arg0: i32, %arg1: memref<1024x128xf32, #tpu.memory_space<vmem>>, %arg2: memref<1024x16xf32, #tpu.memory_space<vmem>>, %arg3: memref<128x128xf32, #tpu.memory_space<vmem>>, %arg4: memref<2x1024x64xf32, #tpu.memory_space<vmem>>, %arg5: memref<1024x1xf32, #tpu.memory_space<vmem>>) attributes {dimension_semantics = [#tpu.dimension_semantics<arbitrary>], iteration_bounds = array<i64: 10>, scalar_prefetch = 0 : i64, scratch_operands = 0 : i64, tpu.core_type = #tpu.core_type<tc>, window_params = [{transform_indices = @transform_0, window_bounds = array<i64: 1024, 128>}, {transform_indices = @transform_1, window_bounds = array<i64: 1024, 16>}, {pipeline_mode = #tpu.pipeline_mode<synchronous>, transform_indices = @transform_2, window_bounds = array<i64: 128, 128>}, {transform_indices = @transform_3, window_bounds = array<i64: 2, 1024, 64>}, {transform_indices = @transform_4, window_bounds = array<i64: 1024, 1>}]} {
    %get3A = arith.constant 0 : index
    %get3A_0 = arith.constant 0 : index
    %get3A_1 = vector.load %arg2[%get3A, %get3A_0] : memref<1024x16xf32, #tpu.memory_space<vmem>>, vector<1024x1xf32>
    %add3A = arith.constant 1.000000e+00 : f32
    %add3A_2 = vector.broadcast %add3A : f32 to vector<1024x1xf32>
    %add3A_3 = arith.addf %get3A_1, %add3A_2 : vector<1024x1xf32>
    %rsqrt3A = math.rsqrt %add3A_3 : vector<1024x1xf32>
    %get3A_4 = arith.constant 0 : index
    %get3A_5 = arith.constant 0 : index
    %get3A_6 = vector.load %arg1[%get3A_4, %get3A_5] : memref<1024x128xf32, #tpu.memory_space<vmem>>, vector<1024x128xf32>
    %get3A_7 = arith.constant 0 : index
    %get3A_8 = arith.constant 0 : index
    %get3A_9 = vector.load %arg3[%get3A_7, %get3A_8] : memref<128x128xf32, #tpu.memory_space<vmem>>, vector<128x128xf32>
    %dot_general3A = arith.constant dense<0.000000e+00> : vector<1024x128xf32>
    %dot_general3A_10 = tpu.matmul %get3A_6, %get3A_9, %dot_general3A {dimension_numbers = #tpu.dot_dimension_numbers<[1], [0], [0], [1], [0, 0, 1, 1], [], []>, precision = #tpu.contract_precision<fp32>, transpose_lhs_hint = false} : vector<1024x128xf32>, vector<128x128xf32>, vector<1024x128xf32> -> vector<1024x128xf32>
    %mul3A = vector.broadcast %rsqrt3A : vector<1024x1xf32> to vector<1024x128xf32>
    %mul3A_11 = arith.mulf %dot_general3A_10, %mul3A : vector<1024x128xf32>
    %swap3A = arith.constant 0 : index
    %swap3A_12 = arith.constant 0 : index
    %swap3A_13 = vector.load %arg5[%swap3A, %swap3A_12] : memref<1024x1xf32, #tpu.memory_space<vmem>>, vector<1024x1xf32>
    tpu.vector_store %arg5[%swap3A, %swap3A_12], %rsqrt3A {strides = array<i32>} : memref<1024x1xf32, #tpu.memory_space<vmem>>, vector<1024x1xf32>,
    %slice3A = vector.extract_strided_slice %mul3A_11 {offsets = [0, 0], sizes = [1024, 64], strides = [1, 1]} : vector<1024x128xf32> to vector<1024x64xf32>
    %swap3A_14 = arith.constant 0 : index
    %swap3A_15 = arith.constant 0 : index
    %swap3A_16 = arith.constant 0 : index
    %swap3A_17 = vector.load %arg4[%swap3A_14, %swap3A_15, %swap3A_16] : memref<2x1024x64xf32, #tpu.memory_space<vmem>>, vector<1x1024x64xf32>
    %swap3A_18 = vector.shape_cast %swap3A_17 : vector<1x1024x64xf32> to vector<1024x64xf32>
    %swap3A_19 = vector.shape_cast %slice3A : vector<1024x64xf32> to vector<1x1024x64xf32>
    tpu.vector_store %arg4[%swap3A_14, %swap3A_15, %swap3A_16], %swap3A_19 {strides = array<i32>} : memref<2x1024x64xf32, #tpu.memory_space<vmem>>, vector<1x1024x64xf32>,
    %slice3A_20 = vector.extract_strided_slice %mul3A_11 {offsets = [0, 64], sizes = [1024, 64], strides = [1, 1]} : vector<1024x128xf32> to vector<1024x64xf32>
    %swap3A_21 = arith.constant 1 : index
    %swap3A_22 = arith.constant 0 : index
    %swap3A_23 = arith.constant 0 : index
    %swap3A_24 = vector.load %arg4[%swap3A_21, %swap3A_22, %swap3A_23] : memref<2x1024x64xf32, #tpu.memory_space<vmem>>, vector<1x1024x64xf32>
    %swap3A_25 = vector.shape_cast %swap3A_24 : vector<1x1024x64xf32> to vector<1024x64xf32>
    %swap3A_26 = vector.shape_cast %slice3A_20 : vector<1024x64xf32> to vector<1x1024x64xf32>
    tpu.vector_store %arg4[%swap3A_21, %swap3A_22, %swap3A_23], %swap3A_26 {strides = array<i32>} : memref<2x1024x64xf32, #tpu.memory_space<vmem>>, vector<1x1024x64xf32>,
    return
  }
  func.func @transform_0(%arg0: i32) -> (i32, i32) {
    %c0_i32 = arith.constant 0 : i32
    %c0_i32_0 = arith.constant 0 : i32
    return %arg0, %c0_i32 : i32, i32
  }
  func.func @transform_1(%arg0: i32) -> (i32, i32) {
    %c0_i32 = arith.constant 0 : i32
    %c0_i32_0 = arith.constant 0 : i32
    return %arg0, %c0_i32 : i32, i32
  }
  func.func @transform_2(%arg0: i32) -> (i32, i32) {
    %c0_i32 = arith.constant 0 : i32
    %c0_i32_0 = arith.constant 0 : i32
    %c0_i32_1 = arith.constant 0 : i32
    return %c0_i32, %c0_i32_0 : i32, i32
  }
  func.func @transform_3(%arg0: i32) -> (i32, i32, i32) {
    %c0_i32 = arith.constant 0 : i32
    %c0_i32_0 = arith.constant 0 : i32
    %c0_i32_1 = arith.constant 0 : i32
    return %c0_i32, %arg0, %c0_i32_0 : i32, i32, i32
  }
  func.func @transform_4(%arg0: i32) -> (i32, i32) {
    %c0_i32 = arith.constant 0 : i32
    %c0_i32_0 = arith.constant 0 : i32
    return %arg0, %c0_i32 : i32, i32
  }
}

module attributes {stable_mosaic.version = 14 : i64} {
  func.func @_tcb_body(%arg0: i32, %arg1: memref<2x1024x64xf32, #tpu.memory_space<vmem>>, %arg2: memref<1024x1xf32, #tpu.memory_space<vmem>>, %arg3: memref<1x128xf32, #tpu.memory_space<vmem>>, %arg4: memref<128x128xf32, #tpu.memory_space<vmem>>, %arg5: memref<2x1024x64xf32, #tpu.memory_space<vmem>>) attributes {dimension_semantics = [#tpu.dimension_semantics<arbitrary>], iteration_bounds = array<i64: 10>, scalar_prefetch = 0 : i64, scratch_operands = 0 : i64, tpu.core_type = #tpu.core_type<tc>, window_params = [{transform_indices = @transform_0, window_bounds = array<i64: 2, 1024, 64>}, {transform_indices = @transform_1, window_bounds = array<i64: 1024, 1>}, {pipeline_mode = #tpu.pipeline_mode<synchronous>, transform_indices = @transform_2, window_bounds = array<i64: 1, 128>}, {pipeline_mode = #tpu.pipeline_mode<synchronous>, transform_indices = @transform_3, window_bounds = array<i64: 128, 128>}, {transform_indices = @transform_4, window_bounds = array<i64: 2, 1024, 64>}]} {
    %get3A = arith.constant 0 : index
    %get3A_0 = arith.constant 0 : index
    %get3A_1 = vector.load %arg2[%get3A, %get3A_0] : memref<1024x1xf32, #tpu.memory_space<vmem>>, vector<1024x1xf32>
    %get3A_2 = arith.constant 0 : index
    %get3A_3 = arith.constant 0 : index
    %get3A_4 = arith.constant 0 : index
    %get3A_5 = vector.load %arg1[%get3A_2, %get3A_3, %get3A_4] : memref<2x1024x64xf32, #tpu.memory_space<vmem>>, vector<1x1024x64xf32>
    %get3A_6 = vector.shape_cast %get3A_5 : vector<1x1024x64xf32> to vector<1024x64xf32>
    %get3A_7 = arith.constant 1 : index
    %get3A_8 = arith.constant 0 : index
    %get3A_9 = arith.constant 0 : index
    %get3A_10 = vector.load %arg1[%get3A_7, %get3A_8, %get3A_9] : memref<2x1024x64xf32, #tpu.memory_space<vmem>>, vector<1x1024x64xf32>
    %get3A_11 = vector.shape_cast %get3A_10 : vector<1x1024x64xf32> to vector<1024x64xf32>
    %concatenate3A = tpu.concatenate %get3A_6, %get3A_11 in 1 : vector<1024x64xf32>, vector<1024x64xf32> -> vector<1024x128xf32>
    %mul3A = vector.broadcast %get3A_1 : vector<1024x1xf32> to vector<1024x128xf32>
    %mul3A_12 = arith.mulf %concatenate3A, %mul3A : vector<1024x128xf32>
    %get3A_13 = arith.constant 0 : index
    %get3A_14 = arith.constant 0 : index
    %get3A_15 = vector.load %arg3[%get3A_13, %get3A_14] : memref<1x128xf32, #tpu.memory_space<vmem>>, vector<1x128xf32>
    %add3A = vector.broadcast %get3A_15 : vector<1x128xf32> to vector<1024x128xf32>
    %add3A_16 = arith.addf %mul3A_12, %add3A : vector<1024x128xf32>
    %max3A = arith.constant 0.000000e+00 : f32
    %max3A_17 = vector.broadcast %max3A : f32 to vector<1024x128xf32>
    %max3A_18 = arith.maximumf %add3A_16, %max3A_17 : vector<1024x128xf32>
    %convert_element_type3A = arith.truncf %max3A_18 : vector<1024x128xf32> to vector<1024x128xbf16>
    %get3A_19 = arith.constant 0 : index
    %get3A_20 = arith.constant 0 : index
    %get3A_21 = vector.load %arg4[%get3A_19, %get3A_20] : memref<128x128xf32, #tpu.memory_space<vmem>>, vector<128x128xf32>
    %convert_element_type3A_22 = arith.truncf %get3A_21 : vector<128x128xf32> to vector<128x128xbf16>
    %dot_general3A = arith.constant dense<0.000000e+00> : vector<1024x128xf32>
    %dot_general3A_23 = tpu.matmul %convert_element_type3A, %convert_element_type3A_22, %dot_general3A {dimension_numbers = #tpu.dot_dimension_numbers<[1], [0], [0], [1], [0, 0, 1, 1], [], []>, transpose_lhs_hint = false} : vector<1024x128xbf16>, vector<128x128xbf16>, vector<1024x128xf32> -> vector<1024x128xf32>
    %mul3A_24 = vector.broadcast %get3A_1 : vector<1024x1xf32> to vector<1024x128xf32>
    %mul3A_25 = arith.mulf %dot_general3A_23, %mul3A_24 : vector<1024x128xf32>
    %slice3A = vector.extract_strided_slice %mul3A_25 {offsets = [0, 0], sizes = [1024, 64], strides = [1, 1]} : vector<1024x128xf32> to vector<1024x64xf32>
    %swap3A = arith.constant 0 : index
    %swap3A_26 = arith.constant 0 : index
    %swap3A_27 = arith.constant 0 : index
    %swap3A_28 = vector.load %arg5[%swap3A, %swap3A_26, %swap3A_27] : memref<2x1024x64xf32, #tpu.memory_space<vmem>>, vector<1x1024x64xf32>
    %swap3A_29 = vector.shape_cast %swap3A_28 : vector<1x1024x64xf32> to vector<1024x64xf32>
    %swap3A_30 = vector.shape_cast %slice3A : vector<1024x64xf32> to vector<1x1024x64xf32>
    tpu.vector_store %arg5[%swap3A, %swap3A_26, %swap3A_27], %swap3A_30 {strides = array<i32>} : memref<2x1024x64xf32, #tpu.memory_space<vmem>>, vector<1x1024x64xf32>,
    %slice3A_31 = vector.extract_strided_slice %mul3A_25 {offsets = [0, 64], sizes = [1024, 64], strides = [1, 1]} : vector<1024x128xf32> to vector<1024x64xf32>
    %swap3A_32 = arith.constant 1 : index
    %swap3A_33 = arith.constant 0 : index
    %swap3A_34 = arith.constant 0 : index
    %swap3A_35 = vector.load %arg5[%swap3A_32, %swap3A_33, %swap3A_34] : memref<2x1024x64xf32, #tpu.memory_space<vmem>>, vector<1x1024x64xf32>
    %swap3A_36 = vector.shape_cast %swap3A_35 : vector<1x1024x64xf32> to vector<1024x64xf32>
    %swap3A_37 = vector.shape_cast %slice3A_31 : vector<1024x64xf32> to vector<1x1024x64xf32>
    tpu.vector_store %arg5[%swap3A_32, %swap3A_33, %swap3A_34], %swap3A_37 {strides = array<i32>} : memref<2x1024x64xf32, #tpu.memory_space<vmem>>, vector<1x1024x64xf32>,
    return
  }
  func.func @transform_0(%arg0: i32) -> (i32, i32, i32) {
    %c0_i32 = arith.constant 0 : i32
    %c0_i32_0 = arith.constant 0 : i32
    %c0_i32_1 = arith.constant 0 : i32
    return %c0_i32, %arg0, %c0_i32_0 : i32, i32, i32
  }
  func.func @transform_1(%arg0: i32) -> (i32, i32) {
    %c0_i32 = arith.constant 0 : i32
    %c0_i32_0 = arith.constant 0 : i32
    return %arg0, %c0_i32 : i32, i32
  }
  func.func @transform_2(%arg0: i32) -> (i32, i32) {
    %c0_i32 = arith.constant 0 : i32
    %c0_i32_0 = arith.constant 0 : i32
    %c0_i32_1 = arith.constant 0 : i32
    return %c0_i32, %c0_i32_0 : i32, i32
  }
  func.func @transform_3(%arg0: i32) -> (i32, i32) {
    %c0_i32 = arith.constant 0 : i32
    %c0_i32_0 = arith.constant 0 : i32
    %c0_i32_1 = arith.constant 0 : i32
    return %c0_i32, %c0_i32_0 : i32, i32
  }
  func.func @transform_4(%arg0: i32) -> (i32, i32, i32) {
    %c0_i32 = arith.constant 0 : i32
    %c0_i32_0 = arith.constant 0 : i32
    %c0_i32_1 = arith.constant 0 : i32
    return %c0_i32, %arg0, %c0_i32_0 : i32, i32, i32
  }
}

module attributes {stable_mosaic.version = 14 : i64} {
  func.func @_tcc_body(%arg0: i32, %arg1: memref<2x1024x64xf32, #tpu.memory_space<vmem>>, %arg2: memref<1024x1xf32, #tpu.memory_space<vmem>>, %arg3: memref<1x128xf32, #tpu.memory_space<vmem>>, %arg4: memref<1x1024xi32, #tpu.memory_space<vmem>>, %arg5: memref<128x1xf32, #tpu.memory_space<vmem>>, %arg6: memref<1x1xf32, #tpu.memory_space<vmem>>, %arg7: memref<64x1xf32, #tpu.memory_space<vmem>>, %arg8: memref<64x128xf32, #tpu.memory_space<vmem>>, %arg9: memref<64x1xf32, #tpu.memory_space<vmem>>) attributes {dimension_semantics = [#tpu.dimension_semantics<arbitrary>], iteration_bounds = array<i64: 10>, scalar_prefetch = 0 : i64, scratch_operands = 2 : i64, tpu.core_type = #tpu.core_type<tc>, window_params = [{transform_indices = @transform_0, window_bounds = array<i64: 2, 1024, 64>}, {transform_indices = @transform_1, window_bounds = array<i64: 1024, 1>}, {pipeline_mode = #tpu.pipeline_mode<synchronous>, transform_indices = @transform_2, window_bounds = array<i64: 1, 128>}, {transform_indices = @transform_3, window_bounds = array<i64: 1, 1024>}, {pipeline_mode = #tpu.pipeline_mode<synchronous>, transform_indices = @transform_4, window_bounds = array<i64: 128, 1>}, {pipeline_mode = #tpu.pipeline_mode<synchronous>, transform_indices = @transform_5, window_bounds = array<i64: 1, 1>}, {pipeline_mode = #tpu.pipeline_mode<synchronous>, transform_indices = @transform_6, window_bounds = array<i64: 64, 1>}]} {
    %eq3A = arith.constant 0 : i32
    %eq3A_0 = arith.cmpi eq, %arg0, %eq3A : i32
    %convert_element_type3A = arith.extui %eq3A_0 : i1 to i32
    %cond3A = arith.constant 0 : i32
    %cond3A_1 = arith.cmpi ne, %convert_element_type3A, %cond3A : i32
    scf.if %cond3A_1 {
      %broadcast_in_dim3A_49 = arith.constant 0.000000e+00 : f32
      %broadcast_in_dim3A_50 = vector.broadcast %broadcast_in_dim3A_49 : f32 to vector<64x128xf32>
      %swap3A_51 = arith.constant 0 : index
      %swap3A_52 = arith.constant 0 : index
      %swap3A_53 = vector.load %arg8[%swap3A_51, %swap3A_52] : memref<64x128xf32, #tpu.memory_space<vmem>>, vector<64x128xf32>
      tpu.vector_store %arg8[%swap3A_51, %swap3A_52], %broadcast_in_dim3A_50 {strides = array<i32>} : memref<64x128xf32, #tpu.memory_space<vmem>>, vector<64x128xf32>,
      %broadcast_in_dim3A_54 = arith.constant 0.000000e+00 : f32
      %broadcast_in_dim3A_55 = vector.broadcast %broadcast_in_dim3A_54 : f32 to vector<64x1xf32>
      %swap3A_56 = arith.constant 0 : index
      %swap3A_57 = arith.constant 0 : index
      %swap3A_58 = vector.load %arg9[%swap3A_56, %swap3A_57] : memref<64x1xf32, #tpu.memory_space<vmem>>, vector<64x1xf32>
      tpu.vector_store %arg9[%swap3A_56, %swap3A_57], %broadcast_in_dim3A_55 {strides = array<i32>} : memref<64x1xf32, #tpu.memory_space<vmem>>, vector<64x1xf32>,
    } else {
    }
    %get3A = arith.constant 0 : index
    %get3A_2 = arith.constant 0 : index
    %get3A_3 = arith.constant 0 : index
    %get3A_4 = vector.load %arg1[%get3A, %get3A_2, %get3A_3] : memref<2x1024x64xf32, #tpu.memory_space<vmem>>, vector<1x1024x64xf32>
    %get3A_5 = vector.shape_cast %get3A_4 : vector<1x1024x64xf32> to vector<1024x64xf32>
    %get3A_6 = arith.constant 1 : index
    %get3A_7 = arith.constant 0 : index
    %get3A_8 = arith.constant 0 : index
    %get3A_9 = vector.load %arg1[%get3A_6, %get3A_7, %get3A_8] : memref<2x1024x64xf32, #tpu.memory_space<vmem>>, vector<1x1024x64xf32>
    %get3A_10 = vector.shape_cast %get3A_9 : vector<1x1024x64xf32> to vector<1024x64xf32>
    %concatenate3A = tpu.concatenate %get3A_5, %get3A_10 in 1 : vector<1024x64xf32>, vector<1024x64xf32> -> vector<1024x128xf32>
    %get3A_11 = arith.constant 0 : index
    %get3A_12 = arith.constant 0 : index
    %get3A_13 = vector.load %arg2[%get3A_11, %get3A_12] : memref<1024x1xf32, #tpu.memory_space<vmem>>, vector<1024x1xf32>
    %mul3A = vector.broadcast %get3A_13 : vector<1024x1xf32> to vector<1024x128xf32>
    %mul3A_14 = arith.mulf %concatenate3A, %mul3A : vector<1024x128xf32>
    %get3A_15 = arith.constant 0 : index
    %get3A_16 = arith.constant 0 : index
    %get3A_17 = vector.load %arg3[%get3A_15, %get3A_16] : memref<1x128xf32, #tpu.memory_space<vmem>>, vector<1x128xf32>
    %add3A = vector.broadcast %get3A_17 : vector<1x128xf32> to vector<1024x128xf32>
    %add3A_18 = arith.addf %mul3A_14, %add3A : vector<1024x128xf32>
    %max3A = arith.constant 0.000000e+00 : f32
    %max3A_19 = vector.broadcast %max3A : f32 to vector<1024x128xf32>
    %max3A_20 = arith.maximumf %add3A_18, %max3A_19 : vector<1024x128xf32>
    %iota3A = tpu.iota {dimensions = array<i32: 0>} : vector<64x1xi32>
    %get3A_21 = arith.constant 0 : index
    %get3A_22 = arith.constant 0 : index
    %get3A_23 = vector.load %arg4[%get3A_21, %get3A_22] : memref<1x1024xi32, #tpu.memory_space<vmem>>, vector<1x1024xi32>
    %eq3A_24 = vector.broadcast %iota3A : vector<64x1xi32> to vector<64x1024xi32>
    %eq3A_25 = vector.broadcast %get3A_23 : vector<1x1024xi32> to vector<64x1024xi32>
    %eq3A_26 = arith.cmpi eq, %eq3A_24, %eq3A_25 : vector<64x1024xi32>
    %convert_element_type3A_27 = arith.extui %eq3A_26 : vector<64x1024xi1> to vector<64x1024xi32>
    %convert_element_type3A_28 = arith.sitofp %convert_element_type3A_27 : vector<64x1024xi32> to vector<64x1024xf32>
    %get3A_29 = arith.constant 0 : index
    %get3A_30 = arith.constant 0 : index
    %get3A_31 = vector.load %arg8[%get3A_29, %get3A_30] : memref<64x128xf32, #tpu.memory_space<vmem>>, vector<64x128xf32>
    %dot_general3A = arith.constant dense<0.000000e+00> : vector<64x128xf32>
    %dot_general3A_32 = tpu.matmul %convert_element_type3A_28, %max3A_20, %dot_general3A {dimension_numbers = #tpu.dot_dimension_numbers<[1], [0], [0], [1], [0, 0, 1, 1], [], []>, precision = #tpu.contract_precision<fp32>, transpose_lhs_hint = false} : vector<64x1024xf32>, vector<1024x128xf32>, vector<64x128xf32> -> vector<64x128xf32>
    %add3A_33 = arith.addf %get3A_31, %dot_general3A_32 : vector<64x128xf32>
    %swap3A = arith.constant 0 : index
    %swap3A_34 = arith.constant 0 : index
    %swap3A_35 = vector.load %arg8[%swap3A, %swap3A_34] : memref<64x128xf32, #tpu.memory_space<vmem>>, vector<64x128xf32>
    tpu.vector_store %arg8[%swap3A, %swap3A_34], %add3A_33 {strides = array<i32>} : memref<64x128xf32, #tpu.memory_space<vmem>>, vector<64x128xf32>,
    %get3A_36 = arith.constant 0 : index
    %get3A_37 = arith.constant 0 : index
    %get3A_38 = vector.load %arg9[%get3A_36, %get3A_37] : memref<64x1xf32, #tpu.memory_space<vmem>>, vector<64x1xf32>
    %reduce_sum3A = arith.constant dense<0.000000e+00> : vector<64xf32>
    %reduce_sum3A_39 = vector.multi_reduction <add>, %convert_element_type3A_28, %reduce_sum3A [1] : vector<64x1024xf32> to vector<64xf32>
    %broadcast_in_dim3A = vector.shape_cast %reduce_sum3A_39 : vector<64xf32> to vector<64x1xf32>
    %add3A_40 = arith.addf %get3A_38, %broadcast_in_dim3A : vector<64x1xf32>
    %swap3A_41 = arith.constant 0 : index
    %swap3A_42 = arith.constant 0 : index
    %swap3A_43 = vector.load %arg9[%swap3A_41, %swap3A_42] : memref<64x1xf32, #tpu.memory_space<vmem>>, vector<64x1xf32>
    tpu.vector_store %arg9[%swap3A_41, %swap3A_42], %add3A_40 {strides = array<i32>} : memref<64x1xf32, #tpu.memory_space<vmem>>, vector<64x1xf32>,
    %eq3A_44 = arith.constant 9 : i32
    %eq3A_45 = arith.cmpi eq, %arg0, %eq3A_44 : i32
    %convert_element_type3A_46 = arith.extui %eq3A_45 : i1 to i32
    %cond3A_47 = arith.constant 0 : i32
    %cond3A_48 = arith.cmpi ne, %convert_element_type3A_46, %cond3A_47 : i32
    scf.if %cond3A_48 {
      %get3A_49 = arith.constant 0 : index
      %get3A_50 = arith.constant 0 : index
      %get3A_51 = vector.load %arg8[%get3A_49, %get3A_50] : memref<64x128xf32, #tpu.memory_space<vmem>>, vector<64x128xf32>
      %get3A_52 = arith.constant 0 : index
      %get3A_53 = arith.constant 0 : index
      %get3A_54 = vector.load %arg9[%get3A_52, %get3A_53] : memref<64x1xf32, #tpu.memory_space<vmem>>, vector<64x1xf32>
      %max3A_55 = arith.constant 1.000000e+00 : f32
      %max3A_56 = vector.broadcast %max3A_55 : f32 to vector<64x1xf32>
      %max3A_57 = arith.maximumf %get3A_54, %max3A_56 : vector<64x1xf32>
      %div3A = vector.broadcast %max3A_57 : vector<64x1xf32> to vector<64x128xf32>
      %div3A_58 = arith.divf %get3A_51, %div3A : vector<64x128xf32>
      %convert_element_type3A_59 = arith.truncf %div3A_58 : vector<64x128xf32> to vector<64x128xbf16>
      %get3A_60 = arith.constant 0 : index
      %get3A_61 = arith.constant 0 : index
      %get3A_62 = vector.load %arg5[%get3A_60, %get3A_61] : memref<128x1xf32, #tpu.memory_space<vmem>>, vector<128x1xf32>
      %convert_element_type3A_63 = arith.truncf %get3A_62 : vector<128x1xf32> to vector<128x1xbf16>
      %dot_general3A_64 = arith.constant dense<0.000000e+00> : vector<64x1xf32>
      %dot_general3A_65 = tpu.matmul %convert_element_type3A_59, %convert_element_type3A_63, %dot_general3A_64 {dimension_numbers = #tpu.dot_dimension_numbers<[1], [0], [0], [1], [0, 0, 1, 1], [], []>, transpose_lhs_hint = false} : vector<64x128xbf16>, vector<128x1xbf16>, vector<64x1xf32> -> vector<64x1xf32>
      %get3A_66 = arith.constant 0 : index
      %get3A_67 = arith.constant 0 : index
      %get3A_68 = vector.load %arg6[%get3A_66, %get3A_67] : memref<1x1xf32, #tpu.memory_space<vmem>>, vector<1x1xf32>
      %add3A_69 = vector.broadcast %get3A_68 : vector<1x1xf32> to vector<64x1xf32>
      %add3A_70 = arith.addf %dot_general3A_65, %add3A_69 : vector<64x1xf32>
      %swap3A_71 = arith.constant 0 : index
      %swap3A_72 = arith.constant 0 : index
      %swap3A_73 = vector.load %arg7[%swap3A_71, %swap3A_72] : memref<64x1xf32, #tpu.memory_space<vmem>>, vector<64x1xf32>
      tpu.vector_store %arg7[%swap3A_71, %swap3A_72], %add3A_70 {strides = array<i32>} : memref<64x1xf32, #tpu.memory_space<vmem>>, vector<64x1xf32>,
    } else {
    }
    return
  }
  func.func @transform_0(%arg0: i32) -> (i32, i32, i32) {
    %c0_i32 = arith.constant 0 : i32
    %c0_i32_0 = arith.constant 0 : i32
    %c0_i32_1 = arith.constant 0 : i32
    return %c0_i32, %arg0, %c0_i32_0 : i32, i32, i32
  }
  func.func @transform_1(%arg0: i32) -> (i32, i32) {
    %c0_i32 = arith.constant 0 : i32
    %c0_i32_0 = arith.constant 0 : i32
    return %arg0, %c0_i32 : i32, i32
  }
  func.func @transform_2(%arg0: i32) -> (i32, i32) {
    %c0_i32 = arith.constant 0 : i32
    %c0_i32_0 = arith.constant 0 : i32
    %c0_i32_1 = arith.constant 0 : i32
    return %c0_i32, %c0_i32_0 : i32, i32
  }
  func.func @transform_3(%arg0: i32) -> (i32, i32) {
    %c0_i32 = arith.constant 0 : i32
    %c0_i32_0 = arith.constant 0 : i32
    return %c0_i32, %arg0 : i32, i32
  }
  func.func @transform_4(%arg0: i32) -> (i32, i32) {
    %c0_i32 = arith.constant 0 : i32
    %c0_i32_0 = arith.constant 0 : i32
    %c0_i32_1 = arith.constant 0 : i32
    return %c0_i32, %c0_i32_0 : i32, i32
  }
  func.func @transform_5(%arg0: i32) -> (i32, i32) {
    %c0_i32 = arith.constant 0 : i32
    %c0_i32_0 = arith.constant 0 : i32
    %c0_i32_1 = arith.constant 0 : i32
    return %c0_i32, %c0_i32_0 : i32, i32
  }
  func.func @transform_6(%arg0: i32) -> (i32, i32) {
    %c0_i32 = arith.constant 0 : i32
    %c0_i32_0 = arith.constant 0 : i32
    %c0_i32_1 = arith.constant 0 : i32
    return %c0_i32, %c0_i32_0 : i32, i32
  }
}

</mosaic_0001>

<sc_bundles>
// kernel: kernel.11.cloned.1.call-start
scs
__scs_entry_jumppad:
0x0: {  	(pc) =	sbr.rel $0x88, $3  }
0x1: {  	(tag) =	ssettag $0x0;
	lr =	simm.s32 $0x1  }
0x2: {  	[smem:$0x3F98] =	sst lr;
	_ =	strace $0xD0000000  }
0x3: {  	_ = 	snop  }
0x4: {  	_ = 	snop  }
0x5: {  	_ = 	snop  }
0x6: {  	_ = 	snop  }
0x7: {  	_ = 	snop  }
__scs_overlays_trampoline_lowered:
0x8: {  	[smem:$0x3FA7] =	sst s0  }
0x9: {  	[smem:$0x3FA8] =	sst s1  }
0xa: {  	[smem:$0x3FA9] =	sst s2  }
0xb: {  	[smem:$0x3FAA] =	sst s3  }
0xc: {  	[smem:$0x3FAB] =	sst s4  }
0xd: {  	[smem:$0x3FAC] =	sst s5  }
0xe: {  	[smem:$0x3FAD] =	sst s6  }
0xf: {  	[smem:$0x3FAE] =	sst s7  }
0x10: {  	[smem:$0x3FAF] =	sst s8  }
0x11: {  	[smem:$0x3FB0] =	sst s9;
	s0 =	simm.s32 @!p0 $0x0  }
0x12: {  	s1 =	sld [smem:$0x3F96];
	s0 =	simm.s32 @p0 $0x1  }
0x13: {  	[smem:$0x3FB1] =	sst s0;
	s0 =	simm.s32 @!p1 $0x0  }
0x14: {  	s2 =	sld [smem:$0x3F95];
	s0 =	simm.s32 @p1 $0x1  }
0x15: {  	[smem:$0x3FB2] =	sst s0;
	s0 =	simm.s32 @!p2 $0x0  }
0x16: {  	s3 =	sld [smem:$0x3FDB];
	s0 =	simm.s32 @p2 $0x1  }
0x17: {  	s4 =	simm.s32 $0x1BF5;
	[smem:$0x3FB4] =	sst s0  }
0x18: {  	s0 =	sld [smem:$0x3F97];
	_ =	swait.ge [sflag:s4], $0x0  }
0x19: {  	s7 =	sld [smem:$0x3F98]  }
0x1a: {  	s8 =	sadd.s32 $0xFFFFE003, lr  }
0x1b: {  	s9 =	sadd.s32 $0xFFFFFEF7, lr;
	s5 =	simm.s32 $0xFFFFFFFF;
	p2 =	slt.u32 s8, $0xFFFFF086  }
0x1c: {  	p1 =	slt.u32 s9, $0xF7A;
	s5 =	simm.s32 @!p2 $0x0  }
0x1d: {  	s5 =	simm.s32 @p1 $0x1;
	p0 =	seq.s32 s7, s2  }
0x1e: {  	s7 =	smul.u32 @!p0 $0xF7A, s2;
	p2 =	seq.s32 @!p0 s5, $0x0  }
0x1f: {  	s9 =	smul.u32 $0xF7A, s1;
	s8 =	simm.s32 @!p0 $0x1BF5;
	p2 =	por !p2, p0  }
0x20: {  	[sflag:s8] =	ssyncset.s32 @!p0 $0xFFFFF086;
	s6 =	sadd.s32 @!p0 s3, s7;
	s7 =	simm.s32 @!p0 $0x108  }
0x21: {  	s3 =	sadd.s32 s3, s9;
	s6 =	sadd.s32 @!p0 $0x88, s6;
	s7 =	simm.s32 @p2 $0x1082  }
0x22: {  	[simem:s7], [sflag:s8] =	dma.local @!p0 [hbm:s6], $0xF7A  }
0x23: {  	s9 =	sor.u32 $0xD0000000, s2;
	s6 =	simm.s32 $0x108;
	_ =	swait.ge @!p0 [sflag:s8], $0x0  }
0x24: {  	s3 =	sadd.s32 $0x88, s3;
	s6 =	simm.s32 @!p1 $0x1082;
	[sflag:s4] =	ssyncset.s32 $0xFFFFF086  }
0x25: {  	[simem:s6], [sflag:s4] =	dma.local [hbm:s3], $0xF7A  }
0x26: {  	[smem:$0x3F98] =	sst s1;
	(tag) =	ssettag s2;
	_ =	strace s9  }
0x27: {  	s1 =	sld [smem:$0x3FA8]  }
0x28: {  	s2 =	sld [smem:$0x3FA9]  }
0x29: {  	s4 =	sld [smem:$0x3FAB]  }
0x2a: {  	p0 =	seq.s32 s5, $0x0;
	s5 =	sld [smem:$0x3FAC]  }
0x2b: {  	s6 =	sld [smem:$0x3FAD]  }
0x2c: {  	s7 =	sld [smem:$0x3FAE]  }
0x2d: {  	s3 =	simm.s32 $0x108;
	s8 =	sld [smem:$0x3FAF]  }
0x2e: {  	s3 =	simm.s32 @!p0 $0x1082;
	s9 =	sld [smem:$0x3FB0]  }
0x2f: {  	lr =	sadd.s32 s0, s3;
	s0 =	sld [smem:$0x3FA7]  }
0x30: {  	s3 =	sld [smem:$0x3FAA]  }
0x31: {  	[smem:$0x3FB3] =	sst s10  }
0x32: {  	s10 =	sld [smem:$0x3FB1];
	_ =	sdelay $0x3  }
0x33: {  	p0 =	seq.s32 s10, $0x1;
	s10 =	sld [smem:$0x3FB3];
	_ =	sdelay $0x3  }
0x34: {  	[smem:$0x3FB3] =	sst s10  }
0x35: {  	s10 =	sld [smem:$0x3FB2];
	_ =	sdelay $0x3  }
0x36: {  	p1 =	seq.s32 s10, $0x1;
	s10 =	sld [smem:$0x3FB3];
	_ =	sdelay $0x3  }
0x37: {  	[smem:$0x3FB3] =	sst s10  }
0x38: {  	s10 =	sld [smem:$0x3FB4]  }
0x39: {  	_ = 	snop;
	(pc) =	sbr.ind lr, $3  }
0x3a: {  	_ = 	snop  }
0x3b: {  	_ = 	snop  }
0x3c: {  	p2 =	seq.s32 s10, $0x1;
	s10 =	sld [smem:$0x3FB3]  }
0x3d: {  	_ =	shalt  }
0x3e: {  	_ =	shalt  }
0x3f: {  	_ =	shalt  }
0x40: {  	_ =	shalt  }
0x41: {  	_ =	shalt  }
0x42: {  	_ =	shalt  }
0x43: {  	_ =	shalt  }
0x44: {  	_ =	shalt  }
0x45: {  	_ =	shalt  }
0x46: {  	_ =	shalt  }
0x47: {  	_ =	shalt  }
0x48: {  	_ =	shalt  }
0x49: {  	_ =	shalt  }
0x4a: {  	_ =	shalt  }
0x4b: {  	_ =	shalt  }
0x4c: {  	_ =	shalt  }
0x4d: {  	_ =	shalt  }
0x4e: {  	_ =	shalt  }
0x4f: {  	_ =	shalt  }
0x50: {  	_ =	shalt  }
0x51: {  	_ =	shalt  }
0x52: {  	_ =	shalt  }
0x53: {  	_ =	shalt  }
0x54: {  	_ =	shalt  }
0x55: {  	_ =	shalt  }
0x56: {  	_ =	shalt  }
0x57: {  	_ =	shalt  }
0x58: {  	_ =	shalt  }
0x59: {  	_ =	shalt  }
0x5a: {  	_ =	shalt  }
0x5b: {  	_ =	shalt  }
0x5c: {  	_ =	shalt  }
0x5d: {  	_ =	shalt  }
0x5e: {  	_ =	shalt  }
0x5f: {  	_ =	shalt  }
0x60: {  	_ =	shalt  }
0x61: {  	_ =	shalt  }
0x62: {  	_ =	shalt  }
0x63: {  	_ =	shalt  }
0x64: {  	_ =	shalt  }
0x65: {  	_ =	shalt  }
0x66: {  	_ =	shalt  }
0x67: {  	_ =	shalt  }
0x68: {  	_ =	shalt  }
0x69: {  	_ =	shalt  }
0x6a: {  	_ =	shalt  }
0x6b: {  	_ =	shalt  }
0x6c: {  	_ =	shalt  }
0x6d: {  	_ =	shalt  }
0x6e: {  	_ =	shalt  }
0x6f: {  	_ =	shalt  }
0x70: {  	_ =	shalt  }
0x71: {  	_ =	shalt  }
0x72: {  	_ =	shalt  }
0x73: {  	_ =	shalt  }
0x74: {  	_ =	shalt  }
0x75: {  	_ =	shalt  }
0x76: {  	_ =	shalt  }
0x77: {  	_ =	shalt  }
0x78: {  	_ =	shalt  }
0x79: {  	_ =	shalt  }
0x7a: {  	_ =	shalt  }
0x7b: {  	_ =	shalt  }
0x7c: {  	_ =	shalt  }
0x7d: {  	_ =	shalt  }
0x7e: {  	_ =	shalt  }
0x7f: {  	_ =	shalt  }
0x80: {  	_ =	shalt  }
0x81: {  	_ =	shalt  }
0x82: {  	_ =	shalt  }
0x83: {  	_ =	shalt  }
0x84: {  	_ =	shalt  }
0x85: {  	_ =	shalt  }
0x86: {  	_ =	shalt  }
0x87: {  	_ =	shalt  }
.Lfunc_end0:
.L_simem_size_0:
called_computation.1_lowered:
.L_overlay_start_0:
0x88: {  	s2 =	sld [smem:$0x3FD9]  }
0x89: {  	s3 =	sld [smem:$0x3FFE];
	_ =	sdelay $0x1  }
0x8a: {  	s1 =	srdreg.scid  }
0x8b: {  	s0 =	sand.u32 $0x1, s1  }
0x8c: {  	s16 =	sshll.u32 s0, $0xA;
	s2 =	sadd.s32 s3, s2  }
0x8d: {  	s2 =	sadd.s32 s2, s16  }
0x8e: {  	[smem:$0x3FBF] =	sst s2  }
0x8f: {  	_ = 	snop  }
0x90: {  	(tm) =	ssettm $0x1  }
0x91: {  	s17 =	sld [smem:$0x3FFB];
	_ =	sdelay $0x3  }
0x92: {  	_ =	strace s17  }
0x93: {  	s2 =	sld [smem:$0x3FFC];
	_ =	sdelay $0x3  }
0x94: {  	_ =	strace s2  }
0x95: {  	s2 =	sld [smem:$0x3FFD];
	_ =	sdelay $0x3  }
0x96: {  	_ =	strace s2  }
0x97: {  	_ =	strace $0x8FFFFFFF  }
0x98: {  	s18 =	sld [smem:$0x3FDB];
	_ =	sdelay $0x1  }
0x99: {  	s19 =	simm.s32 $_scs_section_size  }
0x9a: {  	s4 =	simm.s32 $_size__tile_overlayer_lowered;
	s5 =	simm.s32 $_tile_overlayer_lowered  }
0x9b: {  	s22 =	simm.s32 $0x1BFF;
	s21 =	sshll.u32 s5, $0x1;
	s2 =	sadd.s32 s19, s18  }
0x9c: {  	s6 =	simm.s32 $0x0;
	s20 =	sshll.u32 s4, $0x1;
	s4 =	sadd.s32 s21, s2  }
0x9d: {  	[timem:s6], [sflag:s22] =	dma.local [hbm:s4], s20  }
0x9e: {  	_ =	swait.ge [sflag:s22], s20  }
0x9f: {  	s3 =	ssub.s32 $0x0, s20;
	[sflag:s22] =	ssyncset.done $0x0  }
0xa0: {  	[sflag:s22] =	ssyncadd.s32 s3;
	_ =	sdelay $0x1  }
0xa1: {  	s23 =	simm.s32 $0x1B8B  }
0xa2: {  	_ =	swait.ge [sflag:s23], $0x1  }
0xa3: {  	[sflag:s23] =	ssyncset.done $0x0  }
0xa4: {  	s25 =	simm.s32 $0x1B8E;
	s24 =	sld [smem:$0x3FFE];
	[sflag:s23] =	ssyncadd.s32 $0xFFFFFFFF  }
0xa5: {  	s26 =	simm.s32 $execute0_lowered;
	[smem:$0x3FD2] =	sst s25  }
0xa6: {  	s4 =	sshll.u32 s26, $0x1;
	_ =	strace $0x80000049;
	[dreg:$0x1] =	wrdreg $0xFFFFFFFF  }
0xa7: {  	s28 =	simm.s32 $_size_execute0_lowered;
	s2 =	sadd.s32 s2, s4;
	[dreg:$0x0] =	wrdreg $0x0  }
0xa8: {  	s4 =	sshll.u32 s28, $0x1;
	[dreg:$0x2] =	wrdreg s2  }
0xa9: {  	[dreg:$0x3] =	wrdreg s4  }
0xaa: {  	[dreg:$0x4] =	wrdreg $0xC0  }
0xab: {  	_ =	task [dreg:s6], $0x5FFFF  }
0xac: {  	[dreg:$0x1] =	wrdreg $0xFFFFFFFF  }
0xad: {  	[dreg:$0x0] =	wrdreg $0x60  }
0xae: {  	[dreg:$0x2] =	wrdreg s24  }
0xaf: {  	[dreg:$0x3] =	wrdreg $0x0  }
0xb0: {  	[dreg:$0x4] =	wrdreg $0x9  }
0xb1: {  	_ =	task.clear_ibuf [dreg:s6], $0x5FFFF;
	_ =	strace $0x90000049  }
0xb2: {  	s29 =	simm.s32 $0x9;
	_ =	strace $0x8000004B  }
0xb3: {  	_ =	swait.ge [sflag:s29], $0x1  }
0xb4: {  	[sflag:s29] =	ssyncadd.s32 $0xFFFFFFFF  }
0xb5: {  	_ =	strace $0x9000004B  }
0xb6: {  	_ =	sfence  }
0xb7: {  	s30 =	sld [smem:$0x0];
	_ =	sdelay $0x2  }
0xb8: {  	s31 =	sshll.u32 s1, $0xD;
	s1 =	sshrl.u32 s1, $0x2  }
0xb9: {  	s3 =	sand.u32 $0x4000, s31;
	s1 =	sadd.s32 s1, s30  }
0xba: {  	s0 =	sor.u32 s3, s0;
	s1 =	sshll.u32 s1, $0x11  }
0xbb: {  	s0 =	sor.u32 s1, s0  }
0xbc: {  	s0 =	sadd.s32 $0x8F2B, s0  }
0xbd: {  	[sflag:s0] =	ssyncadd.remote.s32 $0x1  }
0xbe: {  	_ =	sfence.sel $0xFFFF  }
0xbf: {  	[dreg:$0x0] =	wrdreg $0xFFFFFFFF;
	(pc) =	sbr.abs _section_cstart, $3  }
0xc0: {  	[dreg:$0x1] =	wrdreg $0xFFFFFFFF  }
0xc1: {  	_ =	task.clear_ibuf [dreg:s6], $0x2FFFF;
	_ =	strace $0x9FFFFFFF  }
0xc2: {  	(tm) =	ssettm $0x7FFFFFFF  }
0xc3: {  	_ =	shalt  }
tec
execute0_lowered:
.L_overlay_start_1:
0x0: {  	(tag) =	ssettag $0x1  }
0x1: {  	s0 =	srdreg.scid  }
0x2: {  	s6 =	rddreg [dreg:$0x0];
	s11 =	stileid.u32  }
0x3: {  	s2 =	rddreg [dreg:$0x1];
	s1 =	smul.u32 $0x280, s11  }
0x4: {  	s3 =	simm.s32 $0x0;
	s31 =	sand.u32 $0x1, s0;
	s30 =	smul.u32 $0x4E20, s11  }
0x5: {  	[smem:$0x7FF] =	sst s3;
	s0 =	smul.u32 $0x2800, s31  }
0x6: {  	s4 =	sadd.s32 $0x79400, s6;
	s29 =	sadd.s32 $0x15A00, s6;
	s5 =	smul.u32 $0x4E200, s31  }
0x7: {  	_ =	strace $0x8000004A;
	s14 =	sadd.s32 $0x3E8, s30;
	s16 =	sshrl.u32 s30, $0x3  }
0x8: {  	s9 =	sadd.s32 $0xBB8, s30;
	s0 =	sadd.s32 s1, s0;
	s1 =	sadd.s32 $0x1400, s6  }
0x9: {  	s6 =	sshrl.u32 s14, $0x3;
	s20 =	sshrl.u32 s9, $0x3;
	s7 =	sshll.u32 s0, $0x3  }
0xa: {  	s0 =	sadd.s32 s30, s5;
	s6 =	sadd.s32 s1, s6;
	[dreg:$0x1b] =	wrdreg s7  }
0xb: {  	s21 =	sadd.s32 s1, s20;
	s10 =	sadd.s32 s4, s7;
	[dreg:$0x5] =	wrdreg s6  }
0xc: {  	s12 =	sadd.s32 $0x3E8, s0;
	s6 =	sadd.s32 s1, s16;
	[dreg:$0x9] =	wrdreg s21  }
0xd: {  	s15 =	sshrl.u32 s0, $0x3;
	[dreg:$0x3] =	wrdreg s10;
	s19 =	sadd.s32 $0xFA, s6  }
0xe: {  	s18 =	sadd.s32 $0xBB8, s0;
	s24 =	sadd.s32 $0x1F4, s6;
	[dreg:$0x7] =	wrdreg s19  }
0xf: {  	s13 =	sshrl.u32 s12, $0x3;
	s12 =	sadd.s32 $0x2EE, s6;
	[dreg:$0xb] =	wrdreg s24  }
0x10: {  	s5 =	sadd.s32 s29, s15;
	s8 =	sadd.s32 s29, s13;
	[dreg:$0xf] =	wrdreg s12  }
0x11: {  	s7 =	sshrl.u32 s18, $0x3;
	s17 =	sadd.s32 $0xFA, s5;
	[dreg:$0x4] =	wrdreg s8  }
0x12: {  	s25 =	sadd.s32 $0x1388, s30;
	s7 =	sadd.s32 s29, s7;
	[dreg:$0x6] =	wrdreg s17  }
0x13: {  	s26 =	sshrl.u32 s25, $0x3;
	s22 =	sadd.s32 $0x1F4, s5;
	[dreg:$0x8] =	wrdreg s7  }
0x14: {  	s23 =	sadd.s32 $0x1388, s0;
	s9 =	sadd.s32 $0x2EE, s5;
	[dreg:$0xa] =	wrdreg s22  }
0x15: {  	s10 =	sadd.s32 $0x1B58, s0;
	s16 =	sadd.s32 $0x3E8, s5;
	[dreg:$0xe] =	wrdreg s9  }
0x16: {  	s18 =	sadd.s32 $0x2328, s0;
	s19 =	sadd.s32 $0x3E8, s6;
	[dreg:$0x12] =	wrdreg s16  }
0x17: {  	s13 =	sadd.s32 $0x1B58, s30;
	s24 =	sadd.s32 $0x4E2, s6;
	[dreg:$0x13] =	wrdreg s19  }
0x18: {  	s12 =	sshll.u32 s11, $0x6;
	s8 =	sadd.s32 s1, s26;
	[dreg:$0x17] =	wrdreg s24  }
0x19: {  	s7 =	sshrl.u32 s23, $0x3;
	s22 =	sadd.s32 $0x4E2, s5;
	[dreg:$0xd] =	wrdreg s8  }
0x1a: {  	s14 =	sshrl.u32 s13, $0x3;
	s17 =	smul.u32 $0x28000, s11;
	[dreg:$0x16] =	wrdreg s22  }
0x1b: {  	s7 =	sadd.s32 s29, s7;
	s15 =	sadd.s32 s1, s14;
	s14 =	rddreg [dreg:$0x3]  }
0x1c: {  	s23 =	sadd.s32 $0x2AF8, s0;
	s26 =	sadd.s32 $0x2AF8, s30;
	[dreg:$0xc] =	wrdreg s7  }
0x1d: {  	s9 =	sshrl.u32 s23, $0x3;
	s7 =	sshrl.u32 s10, $0x3;
	[dreg:$0x11] =	wrdreg s15  }
0x1e: {  	s10 =	sadd.s32 $0x2328, s30;
	s8 =	sshrl.u32 s17, $0x2;
	s25 =	sadd.s32 s29, s9  }
0x1f: {  	s15 =	sadd.s32 $0x5DC, s5;
	s7 =	sadd.s32 s29, s7;
	[dreg:$0x18] =	wrdreg s25  }
0x20: {  	s20 =	sshrl.u32 s10, $0x3;
	s8 =	sadd.s32 s8, s2;
	[dreg:$0x1a] =	wrdreg s15  }
0x21: {  	s10 =	sshrl.u32 s26, $0x3;
	[dreg:$0x10] =	wrdreg s7;
	s21 =	sadd.s32 s1, s20  }
0x22: {  	s7 =	sshrl.u32 s18, $0x3;
	s13 =	sadd.s32 s1, s10;
	[dreg:$0x15] =	wrdreg s21  }
0x23: {  	s9 =	sshrl.u32 s8, $0x3;
	s7 =	sadd.s32 s29, s7;
	[dreg:$0x19] =	wrdreg s13  }
0x24: {  	s8 =	simm.s32 $0x2;
	[dreg:$0x14] =	wrdreg s7;
	s7 =	sor.u32 $0x1C02, s12  }
0x25: {  	[spmem:s9], [sflag:s7] =	dma.local [hbm:s14], $0x1400  }
0x26: {  	_ =	swait.ge [sflag:s8], $0x1400  }
0x27: {  	[sflag:s8] =	ssyncset.done $0x0  }
0x28: {  	[sflag:s8] =	ssyncadd.s32 $0xFFFFEC00  }
0x29: {  	s10 =	simm.s32 $0xA000;
	[bflag:$0x0] =	sbarrier.arrive $0xFFFF  }
0x2a: {  	[tilespmem:s10], [sflag:$0x2] =	stream.linear.gather [hbm4b:s5+s3], $0x3E8, $0x38;
	[tilespmem:$0x1A1D0] =	vst v63  }
0x2b: {  	_ =	swait.ge [sflag:s8], $0x3E8  }
0x2c: {  	[sflag:s8] =	ssyncset.done $0x0  }
0x2d: {  	s11 =	simm.s32 $0xA3E8;
	[sflag:s8] =	ssyncadd.s32 $0xFFFFFC18  }
0x2e: {  	[tilespmem:s11], [sflag:$0x2] =	stream.linear.gather [hbm4b:s6+s3], $0x3E8, $0x38;
	[tilespmem:$0x1A1D0] =	vst v63  }
0x2f: {  	_ =	swait.ge [sflag:s8], $0x3E8  }
0x30: {  	s13 =	simm.s32 $0xA7D0;
	[sflag:s8] =	ssyncset.done $0x0  }
0x31: {  	s12 =	simm.s32 $0x3E8;
	s14 =	simm.s32 $0x1;
	[sflag:s8] =	ssyncadd.s32 $0xFFFFFC18  }
0x32: {  	[tilespmem:s13], [sflag:$0x1] =	stream.indirect.gather [hbm4b:s4+s12], $0x40, s10, s12, $0xb8;
	[tilespmem:$0x1A1D0] =	vst v63  }
0x33: {  	_ =	swait.ge [sflag:s14], $0xFA00  }
0x34: {  	[sflag:s14] =	ssyncset.done $0x0  }
0x35: {  	[sflag:s14] =	ssyncadd.s32 $0xFFFF0600  }
0x36: {  	[spmem:s2] =	stream.indirect.scatter.add.f32 [tilespmem:s13], [sflag:$0x2], $0x40, s11, s12, $0xb8;
	[tilespmem:$0x1A1D0] =	vst v63  }
0x37: {  	_ =	swait.ge [sflag:s8], $0xFA00  }
0x38: {  	[sflag:s8] =	ssyncset.done $0x0  }
0x39: {  	s15 =	rddreg [dreg:$0x4];
	[sflag:s8] =	ssyncadd.s32 $0xFFFF0600  }
0x3a: {  	[tilespmem:s10], [sflag:$0x2] =	stream.linear.gather [hbm4b:s15+s3], $0x3E8, $0x38;
	[tilespmem:$0x1A1D0] =	vst v63  }
0x3b: {  	_ =	swait.ge [sflag:s8], $0x3E8  }
0x3c: {  	[sflag:s8] =	ssyncset.done $0x0  }
0x3d: {  	s16 =	rddreg [dreg:$0x5];
	[sflag:s8] =	ssyncadd.s32 $0xFFFFFC18  }
0x3e: {  	[tilespmem:s11], [sflag:$0x2] =	stream.linear.gather [hbm4b:s16+s3], $0x3E8, $0x38;
	[tilespmem:$0x1A1D0] =	vst v63  }
0x3f: {  	_ =	swait.ge [sflag:s8], $0x3E8  }
0x40: {  	[sflag:s8] =	ssyncset.done $0x0  }
0x41: {  	[sflag:s8] =	ssyncadd.s32 $0xFFFFFC18  }
0x42: {  	[tilespmem:s13], [sflag:$0x1] =	stream.indirect.gather [hbm4b:s4+s12], $0x40, s10, s12, $0xb8;
	[tilespmem:$0x1A1D0] =	vst v63  }
0x43: {  	_ =	swait.ge [sflag:s14], $0xFA00  }
0x44: {  	[sflag:s14] =	ssyncset.done $0x0  }
0x45: {  	[sflag:s14] =	ssyncadd.s32 $0xFFFF0600  }
0x46: {  	[spmem:s2] =	stream.indirect.scatter.add.f32 [tilespmem:s13], [sflag:$0x2], $0x40, s11, s12, $0xb8;
	[tilespmem:$0x1A1D0] =	vst v63  }
0x47: {  	_ =	swait.ge [sflag:s8], $0xFA00  }
0x48: {  	[sflag:s8] =	ssyncset.done $0x0  }
0x49: {  	s17 =	rddreg [dreg:$0x6];
	[sflag:s8] =	ssyncadd.s32 $0xFFFF0600  }
0x4a: {  	[tilespmem:s10], [sflag:$0x2] =	stream.linear.gather [hbm4b:s17+s3], $0x3E8, $0x38;
	[tilespmem:$0x1A1D0] =	vst v63  }
0x4b: {  	_ =	swait.ge [sflag:s8], $0x3E8  }
0x4c: {  	[sflag:s8] =	ssyncset.done $0x0  }
0x4d: {  	s18 =	rddreg [dreg:$0x7];
	[sflag:s8] =	ssyncadd.s32 $0xFFFFFC18  }
0x4e: {  	[tilespmem:s11], [sflag:$0x2] =	stream.linear.gather [hbm4b:s18+s3], $0x3E8, $0x38;
	[tilespmem:$0x1A1D0] =	vst v63  }
0x4f: {  	_ =	swait.ge [sflag:s8], $0x3E8  }
0x50: {  	[sflag:s8] =	ssyncset.done $0x0  }
0x51: {  	[sflag:s8] =	ssyncadd.s32 $0xFFFFFC18  }
0x52: {  	[tilespmem:s13], [sflag:$0x1] =	stream.indirect.gather [hbm4b:s4+s12], $0x40, s10, s12, $0xb8;
	[tilespmem:$0x1A1D0] =	vst v63  }
0x53: {  	_ =	swait.ge [sflag:s14], $0xFA00  }
0x54: {  	[sflag:s14] =	ssyncset.done $0x0  }
0x55: {  	[sflag:s14] =	ssyncadd.s32 $0xFFFF0600  }
0x56: {  	[spmem:s2] =	stream.indirect.scatter.add.f32 [tilespmem:s13], [sflag:$0x2], $0x40, s11, s12, $0xb8;
	[tilespmem:$0x1A1D0] =	vst v63  }
0x57: {  	_ =	swait.ge [sflag:s8], $0xFA00  }
0x58: {  	[sflag:s8] =	ssyncset.done $0x0  }
0x59: {  	s19 =	rddreg [dreg:$0x8];
	[sflag:s8] =	ssyncadd.s32 $0xFFFF0600  }
0x5a: {  	[tilespmem:s10], [sflag:$0x2] =	stream.linear.gather [hbm4b:s19+s3], $0x3E8, $0x38;
	[tilespmem:$0x1A1D0] =	vst v63  }
0x5b: {  	_ =	swait.ge [sflag:s8], $0x3E8  }
0x5c: {  	[sflag:s8] =	ssyncset.done $0x0  }
0x5d: {  	s20 =	rddreg [dreg:$0x9];
	[sflag:s8] =	ssyncadd.s32 $0xFFFFFC18  }
0x5e: {  	[tilespmem:s11], [sflag:$0x2] =	stream.linear.gather [hbm4b:s20+s3], $0x3E8, $0x38;
	[tilespmem:$0x1A1D0] =	vst v63  }
0x5f: {  	_ =	swait.ge [sflag:s8], $0x3E8  }
0x60: {  	[sflag:s8] =	ssyncset.done $0x0  }
0x61: {  	[sflag:s8] =	ssyncadd.s32 $0xFFFFFC18  }
0x62: {  	[tilespmem:s13], [sflag:$0x1] =	stream.indirect.gather [hbm4b:s4+s12], $0x40, s10, s12, $0xb8;
	[tilespmem:$0x1A1D0] =	vst v63  }
0x63: {  	_ =	swait.ge [sflag:s14], $0xFA00  }
0x64: {  	[sflag:s14] =	ssyncset.done $0x0  }
0x65: {  	[sflag:s14] =	ssyncadd.s32 $0xFFFF0600  }
0x66: {  	[spmem:s2] =	stream.indirect.scatter.add.f32 [tilespmem:s13], [sflag:$0x2], $0x40, s11, s12, $0xb8;
	[tilespmem:$0x1A1D0] =	vst v63  }
0x67: {  	_ =	swait.ge [sflag:s8], $0xFA00  }
0x68: {  	[sflag:s8] =	ssyncset.done $0x0  }
0x69: {  	s21 =	rddreg [dreg:$0xa];
	[sflag:s8] =	ssyncadd.s32 $0xFFFF0600  }
0x6a: {  	[tilespmem:s10], [sflag:$0x2] =	stream.linear.gather [hbm4b:s21+s3], $0x3E8, $0x38;
	[tilespmem:$0x1A1D0] =	vst v63  }
0x6b: {  	_ =	swait.ge [sflag:s8], $0x3E8  }
0x6c: {  	[sflag:s8] =	ssyncset.done $0x0  }
0x6d: {  	s22 =	rddreg [dreg:$0xb];
	[sflag:s8] =	ssyncadd.s32 $0xFFFFFC18  }
0x6e: {  	[tilespmem:s11], [sflag:$0x2] =	stream.linear.gather [hbm4b:s22+s3], $0x3E8, $0x38;
	[tilespmem:$0x1A1D0] =	vst v63  }
0x6f: {  	_ =	swait.ge [sflag:s8], $0x3E8  }
0x70: {  	[sflag:s8] =	ssyncset.done $0x0  }
0x71: {  	[sflag:s8] =	ssyncadd.s32 $0xFFFFFC18  }
0x72: {  	[tilespmem:s13], [sflag:$0x1] =	stream.indirect.gather [hbm4b:s4+s12], $0x40, s10, s12, $0xb8;
	[tilespmem:$0x1A1D0] =	vst v63  }
0x73: {  	_ =	swait.ge [sflag:s14], $0xFA00  }
0x74: {  	[sflag:s14] =	ssyncset.done $0x0  }
0x75: {  	[sflag:s14] =	ssyncadd.s32 $0xFFFF0600  }
0x76: {  	[spmem:s2] =	stream.indirect.scatter.add.f32 [tilespmem:s13], [sflag:$0x2], $0x40, s11, s12, $0xb8;
	[tilespmem:$0x1A1D0] =	vst v63  }
0x77: {  	_ =	swait.ge [sflag:s8], $0xFA00  }
0x78: {  	[sflag:s8] =	ssyncset.done $0x0  }
0x79: {  	s23 =	rddreg [dreg:$0xc];
	[sflag:s8] =	ssyncadd.s32 $0xFFFF0600  }
0x7a: {  	[tilespmem:s10], [sflag:$0x2] =	stream.linear.gather [hbm4b:s23+s3], $0x3E8, $0x38;
	[tilespmem:$0x1A1D0] =	vst v63  }
0x7b: {  	_ =	swait.ge [sflag:s8], $0x3E8  }
0x7c: {  	[sflag:s8] =	ssyncset.done $0x0  }
0x7d: {  	s24 =	rddreg [dreg:$0xd];
	[sflag:s8] =	ssyncadd.s32 $0xFFFFFC18  }
0x7e: {  	[tilespmem:s11], [sflag:$0x2] =	stream.linear.gather [hbm4b:s24+s3], $0x3E8, $0x38;
	[tilespmem:$0x1A1D0] =	vst v63  }
0x7f: {  	_ =	swait.ge [sflag:s8], $0x3E8  }
0x80: {  	[sflag:s8] =	ssyncset.done $0x0  }
0x81: {  	[sflag:s8] =	ssyncadd.s32 $0xFFFFFC18  }
0x82: {  	[tilespmem:s13], [sflag:$0x1] =	stream.indirect.gather [hbm4b:s4+s12], $0x40, s10, s12, $0xb8;
	[tilespmem:$0x1A1D0] =	vst v63  }
0x83: {  	_ =	swait.ge [sflag:s14], $0xFA00  }
0x84: {  	[sflag:s14] =	ssyncset.done $0x0  }
0x85: {  	[sflag:s14] =	ssyncadd.s32 $0xFFFF0600  }
0x86: {  	[spmem:s2] =	stream.indirect.scatter.add.f32 [tilespmem:s13], [sflag:$0x2], $0x40, s11, s12, $0xb8;
	[tilespmem:$0x1A1D0] =	vst v63  }
0x87: {  	_ =	swait.ge [sflag:s8], $0xFA00  }
0x88: {  	[sflag:s8] =	ssyncset.done $0x0  }
0x89: {  	s25 =	rddreg [dreg:$0xe];
	[sflag:s8] =	ssyncadd.s32 $0xFFFF0600  }
0x8a: {  	[tilespmem:s10], [sflag:$0x2] =	stream.linear.gather [hbm4b:s25+s3], $0x3E8, $0x38;
	[tilespmem:$0x1A1D0] =	vst v63  }
0x8b: {  	_ =	swait.ge [sflag:s8], $0x3E8  }
0x8c: {  	[sflag:s8] =	ssyncset.done $0x0  }
0x8d: {  	s26 =	rddreg [dreg:$0xf];
	[sflag:s8] =	ssyncadd.s32 $0xFFFFFC18  }
0x8e: {  	[tilespmem:s11], [sflag:$0x2] =	stream.linear.gather [hbm4b:s26+s3], $0x3E8, $0x38;
	[tilespmem:$0x1A1D0] =	vst v63  }
0x8f: {  	_ =	swait.ge [sflag:s8], $0x3E8  }
0x90: {  	[sflag:s8] =	ssyncset.done $0x0  }
0x91: {  	[sflag:s8] =	ssyncadd.s32 $0xFFFFFC18  }
0x92: {  	[tilespmem:s13], [sflag:$0x1] =	stream.indirect.gather [hbm4b:s4+s12], $0x40, s10, s12, $0xb8;
	[tilespmem:$0x1A1D0] =	vst v63  }
0x93: {  	_ =	swait.ge [sflag:s14], $0xFA00  }
0x94: {  	[sflag:s14] =	ssyncset.done $0x0  }
0x95: {  	[sflag:s14] =	ssyncadd.s32 $0xFFFF0600  }
0x96: {  	[spmem:s2] =	stream.indirect.scatter.add.f32 [tilespmem:s13], [sflag:$0x2], $0x40, s11, s12, $0xb8;
	[tilespmem:$0x1A1D0] =	vst v63  }
0x97: {  	_ =	swait.ge [sflag:s8], $0xFA00  }
0x98: {  	[sflag:s8] =	ssyncset.done $0x0  }
0x99: {  	s16 =	rddreg [dreg:$0x10];
	[sflag:s8] =	ssyncadd.s32 $0xFFFF0600  }
0x9a: {  	[tilespmem:s10], [sflag:$0x2] =	stream.linear.gather [hbm4b:s16+s3], $0x3E8, $0x38;
	[tilespmem:$0x1A1D0] =	vst v63  }
0x9b: {  	_ =	swait.ge [sflag:s8], $0x3E8  }
0x9c: {  	[sflag:s8] =	ssyncset.done $0x0  }
0x9d: {  	s17 =	rddreg [dreg:$0x11];
	[sflag:s8] =	ssyncadd.s32 $0xFFFFFC18  }
0x9e: {  	[tilespmem:s11], [sflag:$0x2] =	stream.linear.gather [hbm4b:s17+s3], $0x3E8, $0x38;
	[tilespmem:$0x1A1D0] =	vst v63  }
0x9f: {  	_ =	swait.ge [sflag:s8], $0x3E8  }
0xa0: {  	[sflag:s8] =	ssyncset.done $0x0  }
0xa1: {  	[sflag:s8] =	ssyncadd.s32 $0xFFFFFC18  }
0xa2: {  	[tilespmem:s13], [sflag:$0x1] =	stream.indirect.gather [hbm4b:s4+s12], $0x40, s10, s12, $0xb8;
	[tilespmem:$0x1A1D0] =	vst v63  }
0xa3: {  	_ =	swait.ge [sflag:s14], $0xFA00  }
0xa4: {  	[sflag:s14] =	ssyncset.done $0x0  }
0xa5: {  	[sflag:s14] =	ssyncadd.s32 $0xFFFF0600  }
0xa6: {  	[spmem:s2] =	stream.indirect.scatter.add.f32 [tilespmem:s13], [sflag:$0x2], $0x40, s11, s12, $0xb8;
	[tilespmem:$0x1A1D0] =	vst v63  }
0xa7: {  	_ =	swait.ge [sflag:s8], $0xFA00  }
0xa8: {  	[sflag:s8] =	ssyncset.done $0x0  }
0xa9: {  	s18 =	rddreg [dreg:$0x12];
	[sflag:s8] =	ssyncadd.s32 $0xFFFF0600  }
0xaa: {  	[tilespmem:s10], [sflag:$0x2] =	stream.linear.gather [hbm4b:s18+s3], $0x3E8, $0x38;
	[tilespmem:$0x1A1D0] =	vst v63  }
0xab: {  	_ =	swait.ge [sflag:s8], $0x3E8  }
0xac: {  	[sflag:s8] =	ssyncset.done $0x0  }
0xad: {  	s19 =	rddreg [dreg:$0x13];
	[sflag:s8] =	ssyncadd.s32 $0xFFFFFC18  }
0xae: {  	[tilespmem:s11], [sflag:$0x2] =	stream.linear.gather [hbm4b:s19+s3], $0x3E8, $0x38;
	[tilespmem:$0x1A1D0] =	vst v63  }
0xaf: {  	_ =	swait.ge [sflag:s8], $0x3E8  }
0xb0: {  	[sflag:s8] =	ssyncset.done $0x0  }
0xb1: {  	[sflag:s8] =	ssyncadd.s32 $0xFFFFFC18  }
0xb2: {  	[tilespmem:s13], [sflag:$0x1] =	stream.indirect.gather [hbm4b:s4+s12], $0x40, s10, s12, $0xb8;
	[tilespmem:$0x1A1D0] =	vst v63  }
0xb3: {  	_ =	swait.ge [sflag:s14], $0xFA00  }
0xb4: {  	[sflag:s14] =	ssyncset.done $0x0  }
0xb5: {  	[sflag:s14] =	ssyncadd.s32 $0xFFFF0600  }
0xb6: {  	[spmem:s2] =	stream.indirect.scatter.add.f32 [tilespmem:s13], [sflag:$0x2], $0x40, s11, s12, $0xb8;
	[tilespmem:$0x1A1D0] =	vst v63  }
0xb7: {  	_ =	swait.ge [sflag:s8], $0xFA00  }
0xb8: {  	[sflag:s8] =	ssyncset.done $0x0  }
0xb9: {  	s20 =	rddreg [dreg:$0x14];
	[sflag:s8] =	ssyncadd.s32 $0xFFFF0600  }
0xba: {  	[tilespmem:s10], [sflag:$0x2] =	stream.linear.gather [hbm4b:s20+s3], $0x3E8, $0x38;
	[tilespmem:$0x1A1D0] =	vst v63  }
0xbb: {  	_ =	swait.ge [sflag:s8], $0x3E8  }
0xbc: {  	[sflag:s8] =	ssyncset.done $0x0  }
0xbd: {  	s21 =	rddreg [dreg:$0x15];
	[sflag:s8] =	ssyncadd.s32 $0xFFFFFC18  }
0xbe: {  	[tilespmem:s11], [sflag:$0x2] =	stream.linear.gather [hbm4b:s21+s3], $0x3E8, $0x38;
	[tilespmem:$0x1A1D0] =	vst v63  }
0xbf: {  	_ =	swait.ge [sflag:s8], $0x3E8  }
0xc0: {  	[sflag:s8] =	ssyncset.done $0x0  }
0xc1: {  	[sflag:s8] =	ssyncadd.s32 $0xFFFFFC18  }
0xc2: {  	[tilespmem:s13], [sflag:$0x1] =	stream.indirect.gather [hbm4b:s4+s12], $0x40, s10, s12, $0xb8;
	[tilespmem:$0x1A1D0] =	vst v63  }
0xc3: {  	_ =	swait.ge [sflag:s14], $0xFA00  }
0xc4: {  	[sflag:s14] =	ssyncset.done $0x0  }
0xc5: {  	[sflag:s14] =	ssyncadd.s32 $0xFFFF0600  }
0xc6: {  	[spmem:s2] =	stream.indirect.scatter.add.f32 [tilespmem:s13], [sflag:$0x2], $0x40, s11, s12, $0xb8;
	[tilespmem:$0x1A1D0] =	vst v63  }
0xc7: {  	_ =	swait.ge [sflag:s8], $0xFA00  }
0xc8: {  	[sflag:s8] =	ssyncset.done $0x0  }
0xc9: {  	s22 =	rddreg [dreg:$0x16];
	[sflag:s8] =	ssyncadd.s32 $0xFFFF0600  }
0xca: {  	[tilespmem:s10], [sflag:$0x2] =	stream.linear.gather [hbm4b:s22+s3], $0x3E8, $0x38;
	[tilespmem:$0x1A1D0] =	vst v63  }
0xcb: {  	_ =	swait.ge [sflag:s8], $0x3E8  }
0xcc: {  	[sflag:s8] =	ssyncset.done $0x0  }
0xcd: {  	s23 =	rddreg [dreg:$0x17];
	[sflag:s8] =	ssyncadd.s32 $0xFFFFFC18  }
0xce: {  	[tilespmem:s11], [sflag:$0x2] =	stream.linear.gather [hbm4b:s23+s3], $0x3E8, $0x38;
	[tilespmem:$0x1A1D0] =	vst v63  }
0xcf: {  	_ =	swait.ge [sflag:s8], $0x3E8  }
0xd0: {  	[sflag:s8] =	ssyncset.done $0x0  }
0xd1: {  	[sflag:s8] =	ssyncadd.s32 $0xFFFFFC18  }
0xd2: {  	[tilespmem:s13], [sflag:$0x1] =	stream.indirect.gather [hbm4b:s4+s12], $0x40, s10, s12, $0xb8;
	[tilespmem:$0x1A1D0] =	vst v63  }
0xd3: {  	_ =	swait.ge [sflag:s14], $0xFA00  }
0xd4: {  	[sflag:s14] =	ssyncset.done $0x0  }
0xd5: {  	[sflag:s14] =	ssyncadd.s32 $0xFFFF0600  }
0xd6: {  	[spmem:s2] =	stream.indirect.scatter.add.f32 [tilespmem:s13], [sflag:$0x2], $0x40, s11, s12, $0xb8;
	[tilespmem:$0x1A1D0] =	vst v63  }
0xd7: {  	_ =	swait.ge [sflag:s8], $0xFA00  }
0xd8: {  	[sflag:s8] =	ssyncset.done $0x0  }
0xd9: {  	s24 =	rddreg [dreg:$0x18];
	[sflag:s8] =	ssyncadd.s32 $0xFFFF0600  }
0xda: {  	[tilespmem:s10], [sflag:$0x2] =	stream.linear.gather [hbm4b:s24+s3], $0x3E8, $0x38;
	[tilespmem:$0x1A1D0] =	vst v63  }
0xdb: {  	_ =	swait.ge [sflag:s8], $0x3E8  }
0xdc: {  	[sflag:s8] =	ssyncset.done $0x0  }
0xdd: {  	s25 =	rddreg [dreg:$0x19];
	[sflag:s8] =	ssyncadd.s32 $0xFFFFFC18  }
0xde: {  	[tilespmem:s11], [sflag:$0x2] =	stream.linear.gather [hbm4b:s25+s3], $0x3E8, $0x38;
	[tilespmem:$0x1A1D0] =	vst v63  }
0xdf: {  	_ =	swait.ge [sflag:s8], $0x3E8  }
0xe0: {  	[sflag:s8] =	ssyncset.done $0x0  }
0xe1: {  	[sflag:s8] =	ssyncadd.s32 $0xFFFFFC18  }
0xe2: {  	[tilespmem:s13], [sflag:$0x1] =	stream.indirect.gather [hbm4b:s4+s12], $0x40, s10, s12, $0xb8;
	[tilespmem:$0x1A1D0] =	vst v63  }
0xe3: {  	_ =	swait.ge [sflag:s14], $0xFA00  }
0xe4: {  	[sflag:s14] =	ssyncset.done $0x0  }
0xe5: {  	[sflag:s14] =	ssyncadd.s32 $0xFFFF0600  }
0xe6: {  	[spmem:s2] =	stream.indirect.scatter.add.f32 [tilespmem:s13], [sflag:$0x2], $0x40, s11, s12, $0xb8;
	[tilespmem:$0x1A1D0] =	vst v63  }
0xe7: {  	_ =	swait.ge [sflag:s8], $0xFA00  }
0xe8: {  	[sflag:s8] =	ssyncset.done $0x0  }
0xe9: {  	s26 =	rddreg [dreg:$0x1a];
	[sflag:s8] =	ssyncadd.s32 $0xFFFF0600  }
0xea: {  	[tilespmem:s10], [sflag:$0x2] =	stream.linear.gather [hbm4b:s26+s3], $0x3E8, $0x38;
	[tilespmem:$0x1A1D0] =	vst v63  }
0xeb: {  	_ =	swait.ge [sflag:s8], $0x3E8  }
0xec: {  	[sflag:s8] =	ssyncset.done $0x0  }
0xed: {  	s15 =	sadd.s32 $0x5DC, s6;
	[sflag:s8] =	ssyncadd.s32 $0xFFFFFC18  }
0xee: {  	[tilespmem:s11], [sflag:$0x2] =	stream.linear.gather [hbm4b:s15+s3], $0x3E8, $0x38;
	[tilespmem:$0x1A1D0] =	vst v63  }
0xef: {  	_ =	swait.ge [sflag:s8], $0x3E8  }
0xf0: {  	[sflag:s8] =	ssyncset.done $0x0  }
0xf1: {  	[sflag:s8] =	ssyncadd.s32 $0xFFFFFC18  }
0xf2: {  	[tilespmem:s13], [sflag:$0x1] =	stream.indirect.gather [hbm4b:s4+s12], $0x40, s10, s12, $0xb8;
	[tilespmem:$0x1A1D0] =	vst v63  }
0xf3: {  	_ =	swait.ge [sflag:s14], $0xFA00  }
0xf4: {  	[sflag:s14] =	ssyncset.done $0x0  }
0xf5: {  	[sflag:s14] =	ssyncadd.s32 $0xFFFF0600  }
0xf6: {  	[spmem:s2] =	stream.indirect.scatter.add.f32 [tilespmem:s13], [sflag:$0x2], $0x40, s11, s12, $0xb8;
	[tilespmem:$0x1A1D0] =	vst v63  }
0xf7: {  	s16 =	sadd.s32 $0x32C8, s0;
	_ =	swait.ge [sflag:s8], $0xFA00  }
0xf8: {  	s16 =	sshrl.u32 s16, $0x3;
	[sflag:s8] =	ssyncset.done $0x0  }
0xf9: {  	s16 =	sadd.s32 s29, s16;
	[sflag:s8] =	ssyncadd.s32 $0xFFFF0600  }
0xfa: {  	[tilespmem:s10], [sflag:$0x2] =	stream.linear.gather [hbm4b:s16+s3], $0x3E8, $0x38;
	[tilespmem:$0x1A1D0] =	vst v63  }
0xfb: {  	s17 =	sadd.s32 $0x32C8, s30;
	_ =	swait.ge [sflag:s8], $0x3E8  }
0xfc: {  	s17 =	sshrl.u32 s17, $0x3;
	[sflag:s8] =	ssyncset.done $0x0  }
0xfd: {  	s17 =	sadd.s32 s1, s17;
	[sflag:s8] =	ssyncadd.s32 $0xFFFFFC18  }
0xfe: {  	[tilespmem:s11], [sflag:$0x2] =	stream.linear.gather [hbm4b:s17+s3], $0x3E8, $0x38;
	[tilespmem:$0x1A1D0] =	vst v63  }
0xff: {  	_ =	swait.ge [sflag:s8], $0x3E8  }
0x100: {  	[sflag:s8] =	ssyncset.done $0x0  }
0x101: {  	[sflag:s8] =	ssyncadd.s32 $0xFFFFFC18  }
0x102: {  	[tilespmem:s13], [sflag:$0x1] =	stream.indirect.gather [hbm4b:s4+s12], $0x40, s10, s12, $0xb8;
	[tilespmem:$0x1A1D0] =	vst v63  }
0x103: {  	_ =	swait.ge [sflag:s14], $0xFA00  }
0x104: {  	[sflag:s14] =	ssyncset.done $0x0  }
0x105: {  	[sflag:s14] =	ssyncadd.s32 $0xFFFF0600  }
0x106: {  	[spmem:s2] =	stream.indirect.scatter.add.f32 [tilespmem:s13], [sflag:$0x2], $0x40, s11, s12, $0xb8;
	[tilespmem:$0x1A1D0] =	vst v63  }
0x107: {  	_ =	swait.ge [sflag:s8], $0xFA00  }
0x108: {  	[sflag:s8] =	ssyncset.done $0x0  }
0x109: {  	s18 =	sadd.s32 $0x6D6, s5;
	[sflag:s8] =	ssyncadd.s32 $0xFFFF0600  }
0x10a: {  	[tilespmem:s10], [sflag:$0x2] =	stream.linear.gather [hbm4b:s18+s3], $0x3E8, $0x38;
	[tilespmem:$0x1A1D0] =	vst v63  }
0x10b: {  	_ =	swait.ge [sflag:s8], $0x3E8  }
0x10c: {  	[sflag:s8] =	ssyncset.done $0x0  }
0x10d: {  	s19 =	sadd.s32 $0x6D6, s6;
	[sflag:s8] =	ssyncadd.s32 $0xFFFFFC18  }
0x10e: {  	[tilespmem:s11], [sflag:$0x2] =	stream.linear.gather [hbm4b:s19+s3], $0x3E8, $0x38;
	[tilespmem:$0x1A1D0] =	vst v63  }
0x10f: {  	_ =	swait.ge [sflag:s8], $0x3E8  }
0x110: {  	[sflag:s8] =	ssyncset.done $0x0  }
0x111: {  	[sflag:s8] =	ssyncadd.s32 $0xFFFFFC18  }
0x112: {  	[tilespmem:s13], [sflag:$0x1] =	stream.indirect.gather [hbm4b:s4+s12], $0x40, s10, s12, $0xb8;
	[tilespmem:$0x1A1D0] =	vst v63  }
0x113: {  	_ =	swait.ge [sflag:s14], $0xFA00  }
0x114: {  	[sflag:s14] =	ssyncset.done $0x0  }
0x115: {  	[sflag:s14] =	ssyncadd.s32 $0xFFFF0600  }
0x116: {  	[spmem:s2] =	stream.indirect.scatter.add.f32 [tilespmem:s13], [sflag:$0x2], $0x40, s11, s12, $0xb8;
	[tilespmem:$0x1A1D0] =	vst v63  }
0x117: {  	s20 =	sadd.s32 $0x3A98, s0;
	_ =	swait.ge [sflag:s8], $0xFA00  }
0x118: {  	s20 =	sshrl.u32 s20, $0x3;
	[sflag:s8] =	ssyncset.done $0x0  }
0x119: {  	s20 =	sadd.s32 s29, s20;
	[sflag:s8] =	ssyncadd.s32 $0xFFFF0600  }
0x11a: {  	[tilespmem:s10], [sflag:$0x2] =	stream.linear.gather [hbm4b:s20+s3], $0x3E8, $0x38;
	[tilespmem:$0x1A1D0] =	vst v63  }
0x11b: {  	s21 =	sadd.s32 $0x3A98, s30;
	_ =	swait.ge [sflag:s8], $0x3E8  }
0x11c: {  	s21 =	sshrl.u32 s21, $0x3;
	[sflag:s8] =	ssyncset.done $0x0  }
0x11d: {  	s21 =	sadd.s32 s1, s21;
	[sflag:s8] =	ssyncadd.s32 $0xFFFFFC18  }
0x11e: {  	[tilespmem:s11], [sflag:$0x2] =	stream.linear.gather [hbm4b:s21+s3], $0x3E8, $0x38;
	[tilespmem:$0x1A1D0] =	vst v63  }
0x11f: {  	_ =	swait.ge [sflag:s8], $0x3E8  }
0x120: {  	[sflag:s8] =	ssyncset.done $0x0  }
0x121: {  	[sflag:s8] =	ssyncadd.s32 $0xFFFFFC18  }
0x122: {  	[tilespmem:s13], [sflag:$0x1] =	stream.indirect.gather [hbm4b:s4+s12], $0x40, s10, s12, $0xb8;
	[tilespmem:$0x1A1D0] =	vst v63  }
0x123: {  	_ =	swait.ge [sflag:s14], $0xFA00  }
0x124: {  	[sflag:s14] =	ssyncset.done $0x0  }
0x125: {  	[sflag:s14] =	ssyncadd.s32 $0xFFFF0600  }
0x126: {  	[spmem:s2] =	stream.indirect.scatter.add.f32 [tilespmem:s13], [sflag:$0x2], $0x40, s11, s12, $0xb8;
	[tilespmem:$0x1A1D0] =	vst v63  }
0x127: {  	_ =	swait.ge [sflag:s8], $0xFA00  }
0x128: {  	[sflag:s8] =	ssyncset.done $0x0  }
0x129: {  	s22 =	sadd.s32 $0x7D0, s5;
	[sflag:s8] =	ssyncadd.s32 $0xFFFF0600  }
0x12a: {  	[tilespmem:s10], [sflag:$0x2] =	stream.linear.gather [hbm4b:s22+s3], $0x3E8, $0x38;
	[tilespmem:$0x1A1D0] =	vst v63  }
0x12b: {  	_ =	swait.ge [sflag:s8], $0x3E8  }
0x12c: {  	[sflag:s8] =	ssyncset.done $0x0  }
0x12d: {  	s23 =	sadd.s32 $0x7D0, s6;
	[sflag:s8] =	ssyncadd.s32 $0xFFFFFC18  }
0x12e: {  	[tilespmem:s11], [sflag:$0x2] =	stream.linear.gather [hbm4b:s23+s3], $0x3E8, $0x38;
	[tilespmem:$0x1A1D0] =	vst v63  }
0x12f: {  	_ =	swait.ge [sflag:s8], $0x3E8  }
0x130: {  	[sflag:s8] =	ssyncset.done $0x0  }
0x131: {  	[sflag:s8] =	ssyncadd.s32 $0xFFFFFC18  }
0x132: {  	[tilespmem:s13], [sflag:$0x1] =	stream.indirect.gather [hbm4b:s4+s12], $0x40, s10, s12, $0xb8;
	[tilespmem:$0x1A1D0] =	vst v63  }
0x133: {  	_ =	swait.ge [sflag:s14], $0xFA00  }
0x134: {  	[sflag:s14] =	ssyncset.done $0x0  }
0x135: {  	[sflag:s14] =	ssyncadd.s32 $0xFFFF0600  }
0x136: {  	[spmem:s2] =	stream.indirect.scatter.add.f32 [tilespmem:s13], [sflag:$0x2], $0x40, s11, s12, $0xb8;
	[tilespmem:$0x1A1D0] =	vst v63  }
0x137: {  	s24 =	sadd.s32 $0x4268, s0;
	_ =	swait.ge [sflag:s8], $0xFA00  }
0x138: {  	s24 =	sshrl.u32 s24, $0x3;
	[sflag:s8] =	ssyncset.done $0x0  }
0x139: {  	s24 =	sadd.s32 s29, s24;
	[sflag:s8] =	ssyncadd.s32 $0xFFFF0600  }
0x13a: {  	[tilespmem:s10], [sflag:$0x2] =	stream.linear.gather [hbm4b:s24+s3], $0x3E8, $0x38;
	[tilespmem:$0x1A1D0] =	vst v63  }
0x13b: {  	s25 =	sadd.s32 $0x4268, s30;
	_ =	swait.ge [sflag:s8], $0x3E8  }
0x13c: {  	s25 =	sshrl.u32 s25, $0x3;
	[sflag:s8] =	ssyncset.done $0x0  }
0x13d: {  	s25 =	sadd.s32 s1, s25;
	[sflag:s8] =	ssyncadd.s32 $0xFFFFFC18  }
0x13e: {  	[tilespmem:s11], [sflag:$0x2] =	stream.linear.gather [hbm4b:s25+s3], $0x3E8, $0x38;
	[tilespmem:$0x1A1D0] =	vst v63  }
0x13f: {  	_ =	swait.ge [sflag:s8], $0x3E8  }
0x140: {  	[sflag:s8] =	ssyncset.done $0x0  }
0x141: {  	[sflag:s8] =	ssyncadd.s32 $0xFFFFFC18  }
0x142: {  	[tilespmem:s13], [sflag:$0x1] =	stream.indirect.gather [hbm4b:s4+s12], $0x40, s10, s12, $0xb8;
	[tilespmem:$0x1A1D0] =	vst v63  }
0x143: {  	_ =	swait.ge [sflag:s14], $0xFA00  }
0x144: {  	[sflag:s14] =	ssyncset.done $0x0  }
0x145: {  	[sflag:s14] =	ssyncadd.s32 $0xFFFF0600  }
0x146: {  	[spmem:s2] =	stream.indirect.scatter.add.f32 [tilespmem:s13], [sflag:$0x2], $0x40, s11, s12, $0xb8;
	[tilespmem:$0x1A1D0] =	vst v63  }
0x147: {  	_ =	swait.ge [sflag:s8], $0xFA00  }
0x148: {  	[sflag:s8] =	ssyncset.done $0x0  }
0x149: {  	s26 =	sadd.s32 $0x8CA, s5;
	[sflag:s8] =	ssyncadd.s32 $0xFFFF0600  }
0x14a: {  	[tilespmem:s10], [sflag:$0x2] =	stream.linear.gather [hbm4b:s26+s3], $0x3E8, $0x38;
	[tilespmem:$0x1A1D0] =	vst v63  }
0x14b: {  	_ =	swait.ge [sflag:s8], $0x3E8  }
0x14c: {  	[sflag:s8] =	ssyncset.done $0x0  }
0x14d: {  	s28 =	sadd.s32 $0x8CA, s6;
	[sflag:s8] =	ssyncadd.s32 $0xFFFFFC18  }
0x14e: {  	[tilespmem:s11], [sflag:$0x2] =	stream.linear.gather [hbm4b:s28+s3], $0x3E8, $0x38;
	[tilespmem:$0x1A1D0] =	vst v63  }
0x14f: {  	_ =	swait.ge [sflag:s8], $0x3E8  }
0x150: {  	[sflag:s8] =	ssyncset.done $0x0  }
0x151: {  	[sflag:s8] =	ssyncadd.s32 $0xFFFFFC18  }
0x152: {  	[tilespmem:s13], [sflag:$0x1] =	stream.indirect.gather [hbm4b:s4+s12], $0x40, s10, s12, $0xb8;
	[tilespmem:$0x1A1D0] =	vst v63  }
0x153: {  	_ =	swait.ge [sflag:s14], $0xFA00  }
0x154: {  	[sflag:s14] =	ssyncset.done $0x0  }
0x155: {  	[sflag:s14] =	ssyncadd.s32 $0xFFFF0600  }
0x156: {  	[spmem:s2] =	stream.indirect.scatter.add.f32 [tilespmem:s13], [sflag:$0x2], $0x40, s11, s12, $0xb8;
	[tilespmem:$0x1A1D0] =	vst v63  }
0x157: {  	s0 =	sadd.s32 $0x4A38, s0;
	_ =	swait.ge [sflag:s8], $0xFA00  }
0x158: {  	s0 =	sshrl.u32 s0, $0x3;
	[sflag:s8] =	ssyncset.done $0x0  }
0x159: {  	s29 =	sadd.s32 s29, s0;
	[sflag:s8] =	ssyncadd.s32 $0xFFFF0600  }
0x15a: {  	[tilespmem:s10], [sflag:$0x2] =	stream.linear.gather [hbm4b:s29+s3], $0x3E8, $0x38;
	[tilespmem:$0x1A1D0] =	vst v63  }
0x15b: {  	s0 =	sadd.s32 $0x4A38, s30;
	_ =	swait.ge [sflag:s8], $0x3E8  }
0x15c: {  	s0 =	sshrl.u32 s0, $0x3;
	[sflag:s8] =	ssyncset.done $0x0  }
0x15d: {  	s30 =	sadd.s32 s1, s0;
	[sflag:s8] =	ssyncadd.s32 $0xFFFFFC18  }
0x15e: {  	[tilespmem:s11], [sflag:$0x2] =	stream.linear.gather [hbm4b:s30+s3], $0x3E8, $0x38;
	[tilespmem:$0x1A1D0] =	vst v63  }
0x15f: {  	_ =	swait.ge [sflag:s8], $0x3E8  }
0x160: {  	[sflag:s8] =	ssyncset.done $0x0  }
0x161: {  	[sflag:s8] =	ssyncadd.s32 $0xFFFFFC18  }
0x162: {  	[tilespmem:s13], [sflag:$0x1] =	stream.indirect.gather [hbm4b:s4+s12], $0x40, s10, s12, $0xb8;
	[tilespmem:$0x1A1D0] =	vst v63  }
0x163: {  	_ =	swait.ge [sflag:s14], $0xFA00  }
0x164: {  	s0 =	ssub.s32 $0x2, s31;
	[sflag:s14] =	ssyncset.done $0x0  }
0x165: {  	s1 =	sshrl.u32 s0, $0x1;
	[sflag:s14] =	ssyncadd.s32 $0xFFFF0600  }
0x166: {  	[spmem:s2] =	stream.indirect.scatter.add.f32 [tilespmem:s13], [sflag:$0x2], $0x40, s11, s12, $0xb8;
	[tilespmem:$0x1A1D0] =	vst v63  }
0x167: {  	_ =	swait.ge [sflag:s8], $0xFA00;
	[dreg:$0x1c] =	wrdreg s1  }
0x168: {  	[sflag:s8] =	ssyncset.done $0x0;
	s1 =	rddreg [dreg:$0x1b]  }
0x169: {  	s31 =	rddreg [dreg:$0x0]  }
0x16a: {  	s31 =	sadd.s32 s1, s31;
	s1 =	rddreg [dreg:$0x1c]  }
0x16b: {  	s0 =	ssub.s32 s0, s1  }
0x16c: {  	s0 =	smax.u32 s0, $0x1  }
0x16d: {  	p0 =	sne.s32 s0, $0x1  }
.Ltmp0:
0x16e: {  	_ = 	snop;
	(pc) =	sbr.rel @!p0 .LBB2_2-.Ltmp0, $4  }
0x16f: {  	[sflag:s8] =	ssyncadd.s32 $0xFFFF0600  }
0x170: {  	[bflag:$0x0] =	sbarrier.arrive $0xFFFF;
	s31 =	sadd.s32 $0x29400, s31  }
0x171: {  	[hbm:s31], [sflag:s7] =	dma.local [spmem:s9], $0x1400  }
0x172: {  	s1 =	sadd.s32 $0xFFFFFFFF, s0;
	_ =	swait.ge [sflag:s8], $0x1400  }
.LBB2_1:
0x173: {  	[sflag:s8] =	ssyncset.done $0x0  }
0x174: {  	s0 =	rddreg [dreg:$0x3];
	[sflag:s8] =	ssyncadd.s32 $0xFFFFEC00  }
0x175: {  	[spmem:s9], [sflag:s7] =	dma.local [hbm:s0], $0x1400  }
0x176: {  	_ =	swait.ge [sflag:s8], $0x1400  }
0x177: {  	[sflag:s8] =	ssyncset.done $0x0  }
0x178: {  	[sflag:s8] =	ssyncadd.s32 $0xFFFFEC00  }
0x179: {  	[bflag:$0x0] =	sbarrier.arrive $0xFFFF  }
0x17a: {  	[tilespmem:s10], [sflag:$0x2] =	stream.linear.gather [hbm4b:s5+s3], $0x3E8, $0x38;
	[tilespmem:$0x1A1D0] =	vst v63  }
0x17b: {  	_ =	swait.ge [sflag:s8], $0x3E8  }
0x17c: {  	[sflag:s8] =	ssyncset.done $0x0  }
0x17d: {  	[sflag:s8] =	ssyncadd.s32 $0xFFFFFC18  }
0x17e: {  	[tilespmem:s11], [sflag:$0x2] =	stream.linear.gather [hbm4b:s6+s3], $0x3E8, $0x38;
	[tilespmem:$0x1A1D0] =	vst v63  }
0x17f: {  	_ =	swait.ge [sflag:s8], $0x3E8  }
0x180: {  	[sflag:s8] =	ssyncset.done $0x0  }
0x181: {  	[sflag:s8] =	ssyncadd.s32 $0xFFFFFC18  }
0x182: {  	[tilespmem:s13], [sflag:$0x1] =	stream.indirect.gather [hbm4b:s4+s12], $0x40, s10, s12, $0xb8;
	[tilespmem:$0x1A1D0] =	vst v63  }
0x183: {  	_ =	swait.ge [sflag:s14], $0xFA00  }
0x184: {  	[sflag:s14] =	ssyncset.done $0x0  }
0x185: {  	[sflag:s14] =	ssyncadd.s32 $0xFFFF0600  }
0x186: {  	[spmem:s2] =	stream.indirect.scatter.add.f32 [tilespmem:s13], [sflag:$0x2], $0x40, s11, s12, $0xb8;
	[tilespmem:$0x1A1D0] =	vst v63  }
0x187: {  	_ =	swait.ge [sflag:s8], $0xFA00  }
0x188: {  	[sflag:s8] =	ssyncset.done $0x0  }
0x189: {  	s0 =	rddreg [dreg:$0x4];
	[sflag:s8] =	ssyncadd.s32 $0xFFFF0600  }
0x18a: {  	[tilespmem:s10], [sflag:$0x2] =	stream.linear.gather [hbm4b:s0+s3], $0x3E8, $0x38;
	[tilespmem:$0x1A1D0] =	vst v63  }
0x18b: {  	_ =	swait.ge [sflag:s8], $0x3E8  }
0x18c: {  	[sflag:s8] =	ssyncset.done $0x0  }
0x18d: {  	s0 =	rddreg [dreg:$0x5];
	[sflag:s8] =	ssyncadd.s32 $0xFFFFFC18  }
0x18e: {  	[tilespmem:s11], [sflag:$0x2] =	stream.linear.gather [hbm4b:s0+s3], $0x3E8, $0x38;
	[tilespmem:$0x1A1D0] =	vst v63  }
0x18f: {  	_ =	swait.ge [sflag:s8], $0x3E8  }
0x190: {  	[sflag:s8] =	ssyncset.done $0x0  }
0x191: {  	[sflag:s8] =	ssyncadd.s32 $0xFFFFFC18  }
0x192: {  	[tilespmem:s13], [sflag:$0x1] =	stream.indirect.gather [hbm4b:s4+s12], $0x40, s10, s12, $0xb8;
	[tilespmem:$0x1A1D0] =	vst v63  }
0x193: {  	_ =	swait.ge [sflag:s14], $0xFA00  }
0x194: {  	[sflag:s14] =	ssyncset.done $0x0  }
0x195: {  	[sflag:s14] =	ssyncadd.s32 $0xFFFF0600  }
0x196: {  	[spmem:s2] =	stream.indirect.scatter.add.f32 [tilespmem:s13], [sflag:$0x2], $0x40, s11, s12, $0xb8;
	[tilespmem:$0x1A1D0] =	vst v63  }
0x197: {  	_ =	swait.ge [sflag:s8], $0xFA00  }
0x198: {  	[sflag:s8] =	ssyncset.done $0x0  }
0x199: {  	s0 =	rddreg [dreg:$0x6];
	[sflag:s8] =	ssyncadd.s32 $0xFFFF0600  }
0x19a: {  	[tilespmem:s10], [sflag:$0x2] =	stream.linear.gather [hbm4b:s0+s3], $0x3E8, $0x38;
	[tilespmem:$0x1A1D0] =	vst v63  }
0x19b: {  	_ =	swait.ge [sflag:s8], $0x3E8  }
0x19c: {  	[sflag:s8] =	ssyncset.done $0x0  }
0x19d: {  	s0 =	rddreg [dreg:$0x7];
	[sflag:s8] =	ssyncadd.s32 $0xFFFFFC18  }
0x19e: {  	[tilespmem:s11], [sflag:$0x2] =	stream.linear.gather [hbm4b:s0+s3], $0x3E8, $0x38;
	[tilespmem:$0x1A1D0] =	vst v63  }
0x19f: {  	_ =	swait.ge [sflag:s8], $0x3E8  }
0x1a0: {  	[sflag:s8] =	ssyncset.done $0x0  }
0x1a1: {  	[sflag:s8] =	ssyncadd.s32 $0xFFFFFC18  }
0x1a2: {  	[tilespmem:s13], [sflag:$0x1] =	stream.indirect.gather [hbm4b:s4+s12], $0x40, s10, s12, $0xb8;
	[tilespmem:$0x1A1D0] =	vst v63  }
0x1a3: {  	_ =	swait.ge [sflag:s14], $0xFA00  }
0x1a4: {  	[sflag:s14] =	ssyncset.done $0x0  }
0x1a5: {  	[sflag:s14] =	ssyncadd.s32 $0xFFFF0600  }
0x1a6: {  	[spmem:s2] =	stream.indirect.scatter.add.f32 [tilespmem:s13], [sflag:$0x2], $0x40, s11, s12, $0xb8;
	[tilespmem:$0x1A1D0] =	vst v63  }
0x1a7: {  	_ =	swait.ge [sflag:s8], $0xFA00  }
0x1a8: {  	[sflag:s8] =	ssyncset.done $0x0  }
0x1a9: {  	s0 =	rddreg [dreg:$0x8];
	[sflag:s8] =	ssyncadd.s32 $0xFFFF0600  }
0x1aa: {  	[tilespmem:s10], [sflag:$0x2] =	stream.linear.gather [hbm4b:s0+s3], $0x3E8, $0x38;
	[tilespmem:$0x1A1D0] =	vst v63  }
0x1ab: {  	_ =	swait.ge [sflag:s8], $0x3E8  }
0x1ac: {  	[sflag:s8] =	ssyncset.done $0x0  }
0x1ad: {  	s0 =	rddreg [dreg:$0x9];
	[sflag:s8] =	ssyncadd.s32 $0xFFFFFC18  }
0x1ae: {  	[tilespmem:s11], [sflag:$0x2] =	stream.linear.gather [hbm4b:s0+s3], $0x3E8, $0x38;
	[tilespmem:$0x1A1D0] =	vst v63  }
0x1af: {  	_ =	swait.ge [sflag:s8], $0x3E8  }
0x1b0: {  	[sflag:s8] =	ssyncset.done $0x0  }
0x1b1: {  	[sflag:s8] =	ssyncadd.s32 $0xFFFFFC18  }
0x1b2: {  	[tilespmem:s13], [sflag:$0x1] =	stream.indirect.gather [hbm4b:s4+s12], $0x40, s10, s12, $0xb8;
	[tilespmem:$0x1A1D0] =	vst v63  }
0x1b3: {  	_ =	swait.ge [sflag:s14], $0xFA00  }
0x1b4: {  	[sflag:s14] =	ssyncset.done $0x0  }
0x1b5: {  	[sflag:s14] =	ssyncadd.s32 $0xFFFF0600  }
0x1b6: {  	[spmem:s2] =	stream.indirect.scatter.add.f32 [tilespmem:s13], [sflag:$0x2], $0x40, s11, s12, $0xb8;
	[tilespmem:$0x1A1D0] =	vst v63  }
0x1b7: {  	_ =	swait.ge [sflag:s8], $0xFA00  }
0x1b8: {  	[sflag:s8] =	ssyncset.done $0x0  }
0x1b9: {  	s0 =	rddreg [dreg:$0xa];
	[sflag:s8] =	ssyncadd.s32 $0xFFFF0600  }
0x1ba: {  	[tilespmem:s10], [sflag:$0x2] =	stream.linear.gather [hbm4b:s0+s3], $0x3E8, $0x38;
	[tilespmem:$0x1A1D0] =	vst v63  }
0x1bb: {  	_ =	swait.ge [sflag:s8], $0x3E8  }
0x1bc: {  	[sflag:s8] =	ssyncset.done $0x0  }
0x1bd: {  	s0 =	rddreg [dreg:$0xb];
	[sflag:s8] =	ssyncadd.s32 $0xFFFFFC18  }
0x1be: {  	[tilespmem:s11], [sflag:$0x2] =	stream.linear.gather [hbm4b:s0+s3], $0x3E8, $0x38;
	[tilespmem:$0x1A1D0] =	vst v63  }
0x1bf: {  	_ =	swait.ge [sflag:s8], $0x3E8  }
0x1c0: {  	[sflag:s8] =	ssyncset.done $0x0  }
0x1c1: {  	[sflag:s8] =	ssyncadd.s32 $0xFFFFFC18  }
0x1c2: {  	[tilespmem:s13], [sflag:$0x1] =	stream.indirect.gather [hbm4b:s4+s12], $0x40, s10, s12, $0xb8;
	[tilespmem:$0x1A1D0] =	vst v63  }
0x1c3: {  	_ =	swait.ge [sflag:s14], $0xFA00  }
0x1c4: {  	[sflag:s14] =	ssyncset.done $0x0  }
0x1c5: {  	[sflag:s14] =	ssyncadd.s32 $0xFFFF0600  }
0x1c6: {  	[spmem:s2] =	stream.indirect.scatter.add.f32 [tilespmem:s13], [sflag:$0x2], $0x40, s11, s12, $0xb8;
	[tilespmem:$0x1A1D0] =	vst v63  }
0x1c7: {  	_ =	swait.ge [sflag:s8], $0xFA00  }
0x1c8: {  	[sflag:s8] =	ssyncset.done $0x0  }
0x1c9: {  	s0 =	rddreg [dreg:$0xc];
	[sflag:s8] =	ssyncadd.s32 $0xFFFF0600  }
0x1ca: {  	[tilespmem:s10], [sflag:$0x2] =	stream.linear.gather [hbm4b:s0+s3], $0x3E8, $0x38;
	[tilespmem:$0x1A1D0] =	vst v63  }
0x1cb: {  	_ =	swait.ge [sflag:s8], $0x3E8  }
0x1cc: {  	[sflag:s8] =	ssyncset.done $0x0  }
0x1cd: {  	s0 =	rddreg [dreg:$0xd];
	[sflag:s8] =	ssyncadd.s32 $0xFFFFFC18  }
0x1ce: {  	[tilespmem:s11], [sflag:$0x2] =	stream.linear.gather [hbm4b:s0+s3], $0x3E8, $0x38;
	[tilespmem:$0x1A1D0] =	vst v63  }
0x1cf: {  	_ =	swait.ge [sflag:s8], $0x3E8  }
0x1d0: {  	[sflag:s8] =	ssyncset.done $0x0  }
0x1d1: {  	[sflag:s8] =	ssyncadd.s32 $0xFFFFFC18  }
0x1d2: {  	[tilespmem:s13], [sflag:$0x1] =	stream.indirect.gather [hbm4b:s4+s12], $0x40, s10, s12, $0xb8;
	[tilespmem:$0x1A1D0] =	vst v63  }
0x1d3: {  	_ =	swait.ge [sflag:s14], $0xFA00  }
0x1d4: {  	[sflag:s14] =	ssyncset.done $0x0  }
0x1d5: {  	[sflag:s14] =	ssyncadd.s32 $0xFFFF0600  }
0x1d6: {  	[spmem:s2] =	stream.indirect.scatter.add.f32 [tilespmem:s13], [sflag:$0x2], $0x40, s11, s12, $0xb8;
	[tilespmem:$0x1A1D0] =	vst v63  }
0x1d7: {  	_ =	swait.ge [sflag:s8], $0xFA00  }
0x1d8: {  	[sflag:s8] =	ssyncset.done $0x0  }
0x1d9: {  	s0 =	rddreg [dreg:$0xe];
	[sflag:s8] =	ssyncadd.s32 $0xFFFF0600  }
0x1da: {  	[tilespmem:s10], [sflag:$0x2] =	stream.linear.gather [hbm4b:s0+s3], $0x3E8, $0x38;
	[tilespmem:$0x1A1D0] =	vst v63  }
0x1db: {  	_ =	swait.ge [sflag:s8], $0x3E8  }
0x1dc: {  	[sflag:s8] =	ssyncset.done $0x0  }
0x1dd: {  	s0 =	rddreg [dreg:$0xf];
	[sflag:s8] =	ssyncadd.s32 $0xFFFFFC18  }
0x1de: {  	[tilespmem:s11], [sflag:$0x2] =	stream.linear.gather [hbm4b:s0+s3], $0x3E8, $0x38;
	[tilespmem:$0x1A1D0] =	vst v63  }
0x1df: {  	_ =	swait.ge [sflag:s8], $0x3E8  }
0x1e0: {  	[sflag:s8] =	ssyncset.done $0x0  }
0x1e1: {  	[sflag:s8] =	ssyncadd.s32 $0xFFFFFC18  }
0x1e2: {  	[tilespmem:s13], [sflag:$0x1] =	stream.indirect.gather [hbm4b:s4+s12], $0x40, s10, s12, $0xb8;
	[tilespmem:$0x1A1D0] =	vst v63  }
0x1e3: {  	_ =	swait.ge [sflag:s14], $0xFA00  }
0x1e4: {  	[sflag:s14] =	ssyncset.done $0x0  }
0x1e5: {  	[sflag:s14] =	ssyncadd.s32 $0xFFFF0600  }
0x1e6: {  	[spmem:s2] =	stream.indirect.scatter.add.f32 [tilespmem:s13], [sflag:$0x2], $0x40, s11, s12, $0xb8;
	[tilespmem:$0x1A1D0] =	vst v63  }
0x1e7: {  	_ =	swait.ge [sflag:s8], $0xFA00  }
0x1e8: {  	[sflag:s8] =	ssyncset.done $0x0  }
0x1e9: {  	s0 =	rddreg [dreg:$0x10];
	[sflag:s8] =	ssyncadd.s32 $0xFFFF0600  }
0x1ea: {  	[tilespmem:s10], [sflag:$0x2] =	stream.linear.gather [hbm4b:s0+s3], $0x3E8, $0x38;
	[tilespmem:$0x1A1D0] =	vst v63  }
0x1eb: {  	_ =	swait.ge [sflag:s8], $0x3E8  }
0x1ec: {  	[sflag:s8] =	ssyncset.done $0x0  }
0x1ed: {  	s0 =	rddreg [dreg:$0x11];
	[sflag:s8] =	ssyncadd.s32 $0xFFFFFC18  }
0x1ee: {  	[tilespmem:s11], [sflag:$0x2] =	stream.linear.gather [hbm4b:s0+s3], $0x3E8, $0x38;
	[tilespmem:$0x1A1D0] =	vst v63  }
0x1ef: {  	_ =	swait.ge [sflag:s8], $0x3E8  }
0x1f0: {  	[sflag:s8] =	ssyncset.done $0x0  }
0x1f1: {  	[sflag:s8] =	ssyncadd.s32 $0xFFFFFC18  }
0x1f2: {  	[tilespmem:s13], [sflag:$0x1] =	stream.indirect.gather [hbm4b:s4+s12], $0x40, s10, s12, $0xb8;
	[tilespmem:$0x1A1D0] =	vst v63  }
0x1f3: {  	_ =	swait.ge [sflag:s14], $0xFA00  }
0x1f4: {  	[sflag:s14] =	ssyncset.done $0x0  }
0x1f5: {  	[sflag:s14] =	ssyncadd.s32 $0xFFFF0600  }
0x1f6: {  	[spmem:s2] =	stream.indirect.scatter.add.f32 [tilespmem:s13], [sflag:$0x2], $0x40, s11, s12, $0xb8;
	[tilespmem:$0x1A1D0] =	vst v63  }
0x1f7: {  	_ =	swait.ge [sflag:s8], $0xFA00  }
0x1f8: {  	[sflag:s8] =	ssyncset.done $0x0  }
0x1f9: {  	s0 =	rddreg [dreg:$0x12];
	[sflag:s8] =	ssyncadd.s32 $0xFFFF0600  }
0x1fa: {  	[tilespmem:s10], [sflag:$0x2] =	stream.linear.gather [hbm4b:s0+s3], $0x3E8, $0x38;
	[tilespmem:$0x1A1D0] =	vst v63  }
0x1fb: {  	_ =	swait.ge [sflag:s8], $0x3E8  }
0x1fc: {  	[sflag:s8] =	ssyncset.done $0x0  }
0x1fd: {  	s0 =	rddreg [dreg:$0x13];
	[sflag:s8] =	ssyncadd.s32 $0xFFFFFC18  }
0x1fe: {  	[tilespmem:s11], [sflag:$0x2] =	stream.linear.gather [hbm4b:s0+s3], $0x3E8, $0x38;
	[tilespmem:$0x1A1D0] =	vst v63  }
0x1ff: {  	_ =	swait.ge [sflag:s8], $0x3E8  }
0x200: {  	[sflag:s8] =	ssyncset.done $0x0  }
0x201: {  	[sflag:s8] =	ssyncadd.s32 $0xFFFFFC18  }
0x202: {  	[tilespmem:s13], [sflag:$0x1] =	stream.indirect.gather [hbm4b:s4+s12], $0x40, s10, s12, $0xb8;
	[tilespmem:$0x1A1D0] =	vst v63  }
0x203: {  	_ =	swait.ge [sflag:s14], $0xFA00  }
0x204: {  	[sflag:s14] =	ssyncset.done $0x0  }
0x205: {  	[sflag:s14] =	ssyncadd.s32 $0xFFFF0600  }
0x206: {  	[spmem:s2] =	stream.indirect.scatter.add.f32 [tilespmem:s13], [sflag:$0x2], $0x40, s11, s12, $0xb8;
	[tilespmem:$0x1A1D0] =	vst v63  }
0x207: {  	_ =	swait.ge [sflag:s8], $0xFA00  }
0x208: {  	[sflag:s8] =	ssyncset.done $0x0  }
0x209: {  	s0 =	rddreg [dreg:$0x14];
	[sflag:s8] =	ssyncadd.s32 $0xFFFF0600  }
0x20a: {  	[tilespmem:s10], [sflag:$0x2] =	stream.linear.gather [hbm4b:s0+s3], $0x3E8, $0x38;
	[tilespmem:$0x1A1D0] =	vst v63  }
0x20b: {  	_ =	swait.ge [sflag:s8], $0x3E8  }
0x20c: {  	[sflag:s8] =	ssyncset.done $0x0  }
0x20d: {  	s0 =	rddreg [dreg:$0x15];
	[sflag:s8] =	ssyncadd.s32 $0xFFFFFC18  }
0x20e: {  	[tilespmem:s11], [sflag:$0x2] =	stream.linear.gather [hbm4b:s0+s3], $0x3E8, $0x38;
	[tilespmem:$0x1A1D0] =	vst v63  }
0x20f: {  	_ =	swait.ge [sflag:s8], $0x3E8  }
0x210: {  	[sflag:s8] =	ssyncset.done $0x0  }
0x211: {  	[sflag:s8] =	ssyncadd.s32 $0xFFFFFC18  }
0x212: {  	[tilespmem:s13], [sflag:$0x1] =	stream.indirect.gather [hbm4b:s4+s12], $0x40, s10, s12, $0xb8;
	[tilespmem:$0x1A1D0] =	vst v63  }
0x213: {  	_ =	swait.ge [sflag:s14], $0xFA00  }
0x214: {  	[sflag:s14] =	ssyncset.done $0x0  }
0x215: {  	[sflag:s14] =	ssyncadd.s32 $0xFFFF0600  }
0x216: {  	[spmem:s2] =	stream.indirect.scatter.add.f32 [tilespmem:s13], [sflag:$0x2], $0x40, s11, s12, $0xb8;
	[tilespmem:$0x1A1D0] =	vst v63  }
0x217: {  	_ =	swait.ge [sflag:s8], $0xFA00  }
0x218: {  	[sflag:s8] =	ssyncset.done $0x0  }
0x219: {  	s0 =	rddreg [dreg:$0x16];
	[sflag:s8] =	ssyncadd.s32 $0xFFFF0600  }
0x21a: {  	[tilespmem:s10], [sflag:$0x2] =	stream.linear.gather [hbm4b:s0+s3], $0x3E8, $0x38;
	[tilespmem:$0x1A1D0] =	vst v63  }
0x21b: {  	_ =	swait.ge [sflag:s8], $0x3E8  }
0x21c: {  	[sflag:s8] =	ssyncset.done $0x0  }
0x21d: {  	s0 =	rddreg [dreg:$0x17];
	[sflag:s8] =	ssyncadd.s32 $0xFFFFFC18  }
0x21e: {  	[tilespmem:s11], [sflag:$0x2] =	stream.linear.gather [hbm4b:s0+s3], $0x3E8, $0x38;
	[tilespmem:$0x1A1D0] =	vst v63  }
0x21f: {  	_ =	swait.ge [sflag:s8], $0x3E8  }
0x220: {  	[sflag:s8] =	ssyncset.done $0x0  }
0x221: {  	[sflag:s8] =	ssyncadd.s32 $0xFFFFFC18  }
0x222: {  	[tilespmem:s13], [sflag:$0x1] =	stream.indirect.gather [hbm4b:s4+s12], $0x40, s10, s12, $0xb8;
	[tilespmem:$0x1A1D0] =	vst v63  }
0x223: {  	_ =	swait.ge [sflag:s14], $0xFA00  }
0x224: {  	[sflag:s14] =	ssyncset.done $0x0  }
0x225: {  	[sflag:s14] =	ssyncadd.s32 $0xFFFF0600  }
0x226: {  	[spmem:s2] =	stream.indirect.scatter.add.f32 [tilespmem:s13], [sflag:$0x2], $0x40, s11, s12, $0xb8;
	[tilespmem:$0x1A1D0] =	vst v63  }
0x227: {  	_ =	swait.ge [sflag:s8], $0xFA00  }
0x228: {  	[sflag:s8] =	ssyncset.done $0x0  }
0x229: {  	s0 =	rddreg [dreg:$0x18];
	[sflag:s8] =	ssyncadd.s32 $0xFFFF0600  }
0x22a: {  	[tilespmem:s10], [sflag:$0x2] =	stream.linear.gather [hbm4b:s0+s3], $0x3E8, $0x38;
	[tilespmem:$0x1A1D0] =	vst v63  }
0x22b: {  	_ =	swait.ge [sflag:s8], $0x3E8  }
0x22c: {  	[sflag:s8] =	ssyncset.done $0x0  }
0x22d: {  	s0 =	rddreg [dreg:$0x19];
	[sflag:s8] =	ssyncadd.s32 $0xFFFFFC18  }
0x22e: {  	[tilespmem:s11], [sflag:$0x2] =	stream.linear.gather [hbm4b:s0+s3], $0x3E8, $0x38;
	[tilespmem:$0x1A1D0] =	vst v63  }
0x22f: {  	_ =	swait.ge [sflag:s8], $0x3E8  }
0x230: {  	[sflag:s8] =	ssyncset.done $0x0  }
0x231: {  	[sflag:s8] =	ssyncadd.s32 $0xFFFFFC18  }
0x232: {  	[tilespmem:s13], [sflag:$0x1] =	stream.indirect.gather [hbm4b:s4+s12], $0x40, s10, s12, $0xb8;
	[tilespmem:$0x1A1D0] =	vst v63  }
0x233: {  	_ =	swait.ge [sflag:s14], $0xFA00  }
0x234: {  	[sflag:s14] =	ssyncset.done $0x0  }
0x235: {  	[sflag:s14] =	ssyncadd.s32 $0xFFFF0600  }
0x236: {  	[spmem:s2] =	stream.indirect.scatter.add.f32 [tilespmem:s13], [sflag:$0x2], $0x40, s11, s12, $0xb8;
	[tilespmem:$0x1A1D0] =	vst v63  }
0x237: {  	_ =	swait.ge [sflag:s8], $0xFA00  }
0x238: {  	[sflag:s8] =	ssyncset.done $0x0  }
0x239: {  	s0 =	rddreg [dreg:$0x1a];
	[sflag:s8] =	ssyncadd.s32 $0xFFFF0600  }
0x23a: {  	[tilespmem:s10], [sflag:$0x2] =	stream.linear.gather [hbm4b:s0+s3], $0x3E8, $0x38;
	[tilespmem:$0x1A1D0] =	vst v63  }
0x23b: {  	_ =	swait.ge [sflag:s8], $0x3E8  }
0x23c: {  	[sflag:s8] =	ssyncset.done $0x0  }
0x23d: {  	[sflag:s8] =	ssyncadd.s32 $0xFFFFFC18  }
0x23e: {  	[tilespmem:s11], [sflag:$0x2] =	stream.linear.gather [hbm4b:s15+s3], $0x3E8, $0x38;
	[tilespmem:$0x1A1D0] =	vst v63  }
0x23f: {  	_ =	swait.ge [sflag:s8], $0x3E8  }
0x240: {  	[sflag:s8] =	ssyncset.done $0x0  }
0x241: {  	[sflag:s8] =	ssyncadd.s32 $0xFFFFFC18  }
0x242: {  	[tilespmem:s13], [sflag:$0x1] =	stream.indirect.gather [hbm4b:s4+s12], $0x40, s10, s12, $0xb8;
	[tilespmem:$0x1A1D0] =	vst v63  }
0x243: {  	_ =	swait.ge [sflag:s14], $0xFA00  }
0x244: {  	[sflag:s14] =	ssyncset.done $0x0  }
0x245: {  	[sflag:s14] =	ssyncadd.s32 $0xFFFF0600  }
0x246: {  	[spmem:s2] =	stream.indirect.scatter.add.f32 [tilespmem:s13], [sflag:$0x2], $0x40, s11, s12, $0xb8;
	[tilespmem:$0x1A1D0] =	vst v63  }
0x247: {  	_ =	swait.ge [sflag:s8], $0xFA00  }
0x248: {  	[sflag:s8] =	ssyncset.done $0x0  }
0x249: {  	[sflag:s8] =	ssyncadd.s32 $0xFFFF0600  }
0x24a: {  	[tilespmem:s10], [sflag:$0x2] =	stream.linear.gather [hbm4b:s16+s3], $0x3E8, $0x38;
	[tilespmem:$0x1A1D0] =	vst v63  }
0x24b: {  	_ =	swait.ge [sflag:s8], $0x3E8  }
0x24c: {  	[sflag:s8] =	ssyncset.done $0x0  }
0x24d: {  	[sflag:s8] =	ssyncadd.s32 $0xFFFFFC18  }
0x24e: {  	[tilespmem:s11], [sflag:$0x2] =	stream.linear.gather [hbm4b:s17+s3], $0x3E8, $0x38;
	[tilespmem:$0x1A1D0] =	vst v63  }
0x24f: {  	_ =	swait.ge [sflag:s8], $0x3E8  }
0x250: {  	[sflag:s8] =	ssyncset.done $0x0  }
0x251: {  	[sflag:s8] =	ssyncadd.s32 $0xFFFFFC18  }
0x252: {  	[tilespmem:s13], [sflag:$0x1] =	stream.indirect.gather [hbm4b:s4+s12], $0x40, s10, s12, $0xb8;
	[tilespmem:$0x1A1D0] =	vst v63  }
0x253: {  	_ =	swait.ge [sflag:s14], $0xFA00  }
0x254: {  	[sflag:s14] =	ssyncset.done $0x0  }
0x255: {  	[sflag:s14] =	ssyncadd.s32 $0xFFFF0600  }
0x256: {  	[spmem:s2] =	stream.indirect.scatter.add.f32 [tilespmem:s13], [sflag:$0x2], $0x40, s11, s12, $0xb8;
	[tilespmem:$0x1A1D0] =	vst v63  }
0x257: {  	_ =	swait.ge [sflag:s8], $0xFA00  }
0x258: {  	[sflag:s8] =	ssyncset.done $0x0  }
0x259: {  	[sflag:s8] =	ssyncadd.s32 $0xFFFF0600  }
0x25a: {  	[tilespmem:s10], [sflag:$0x2] =	stream.linear.gather [hbm4b:s18+s3], $0x3E8, $0x38;
	[tilespmem:$0x1A1D0] =	vst v63  }
0x25b: {  	_ =	swait.ge [sflag:s8], $0x3E8  }
0x25c: {  	[sflag:s8] =	ssyncset.done $0x0  }
0x25d: {  	[sflag:s8] =	ssyncadd.s32 $0xFFFFFC18  }
0x25e: {  	[tilespmem:s11], [sflag:$0x2] =	stream.linear.gather [hbm4b:s19+s3], $0x3E8, $0x38;
	[tilespmem:$0x1A1D0] =	vst v63  }
0x25f: {  	_ =	swait.ge [sflag:s8], $0x3E8  }
0x260: {  	[sflag:s8] =	ssyncset.done $0x0  }
0x261: {  	[sflag:s8] =	ssyncadd.s32 $0xFFFFFC18  }
0x262: {  	[tilespmem:s13], [sflag:$0x1] =	stream.indirect.gather [hbm4b:s4+s12], $0x40, s10, s12, $0xb8;
	[tilespmem:$0x1A1D0] =	vst v63  }
0x263: {  	_ =	swait.ge [sflag:s14], $0xFA00  }
0x264: {  	[sflag:s14] =	ssyncset.done $0x0  }
0x265: {  	[sflag:s14] =	ssyncadd.s32 $0xFFFF0600  }
0x266: {  	[spmem:s2] =	stream.indirect.scatter.add.f32 [tilespmem:s13], [sflag:$0x2], $0x40, s11, s12, $0xb8;
	[tilespmem:$0x1A1D0] =	vst v63  }
0x267: {  	_ =	swait.ge [sflag:s8], $0xFA00  }
0x268: {  	[sflag:s8] =	ssyncset.done $0x0  }
0x269: {  	[sflag:s8] =	ssyncadd.s32 $0xFFFF0600  }
0x26a: {  	[tilespmem:s10], [sflag:$0x2] =	stream.linear.gather [hbm4b:s20+s3], $0x3E8, $0x38;
	[tilespmem:$0x1A1D0] =	vst v63  }
0x26b: {  	_ =	swait.ge [sflag:s8], $0x3E8  }
0x26c: {  	[sflag:s8] =	ssyncset.done $0x0  }
0x26d: {  	[sflag:s8] =	ssyncadd.s32 $0xFFFFFC18  }
0x26e: {  	[tilespmem:s11], [sflag:$0x2] =	stream.linear.gather [hbm4b:s21+s3], $0x3E8, $0x38;
	[tilespmem:$0x1A1D0] =	vst v63  }
0x26f: {  	_ =	swait.ge [sflag:s8], $0x3E8  }
0x270: {  	[sflag:s8] =	ssyncset.done $0x0  }
0x271: {  	[sflag:s8] =	ssyncadd.s32 $0xFFFFFC18  }
0x272: {  	[tilespmem:s13], [sflag:$0x1] =	stream.indirect.gather [hbm4b:s4+s12], $0x40, s10, s12, $0xb8;
	[tilespmem:$0x1A1D0] =	vst v63  }
0x273: {  	_ =	swait.ge [sflag:s14], $0xFA00  }
0x274: {  	[sflag:s14] =	ssyncset.done $0x0  }
0x275: {  	[sflag:s14] =	ssyncadd.s32 $0xFFFF0600  }
0x276: {  	[spmem:s2] =	stream.indirect.scatter.add.f32 [tilespmem:s13], [sflag:$0x2], $0x40, s11, s12, $0xb8;
	[tilespmem:$0x1A1D0] =	vst v63  }
0x277: {  	_ =	swait.ge [sflag:s8], $0xFA00  }
0x278: {  	[sflag:s8] =	ssyncset.done $0x0  }
0x279: {  	[sflag:s8] =	ssyncadd.s32 $0xFFFF0600  }
0x27a: {  	[tilespmem:s10], [sflag:$0x2] =	stream.linear.gather [hbm4b:s22+s3], $0x3E8, $0x38;
	[tilespmem:$0x1A1D0] =	vst v63  }
0x27b: {  	_ =	swait.ge [sflag:s8], $0x3E8  }
0x27c: {  	[sflag:s8] =	ssyncset.done $0x0  }
0x27d: {  	[sflag:s8] =	ssyncadd.s32 $0xFFFFFC18  }
0x27e: {  	[tilespmem:s11], [sflag:$0x2] =	stream.linear.gather [hbm4b:s23+s3], $0x3E8, $0x38;
	[tilespmem:$0x1A1D0] =	vst v63  }
0x27f: {  	_ =	swait.ge [sflag:s8], $0x3E8  }
0x280: {  	[sflag:s8] =	ssyncset.done $0x0  }
0x281: {  	[sflag:s8] =	ssyncadd.s32 $0xFFFFFC18  }
0x282: {  	[tilespmem:s13], [sflag:$0x1] =	stream.indirect.gather [hbm4b:s4+s12], $0x40, s10, s12, $0xb8;
	[tilespmem:$0x1A1D0] =	vst v63  }
0x283: {  	_ =	swait.ge [sflag:s14], $0xFA00  }
0x284: {  	[sflag:s14] =	ssyncset.done $0x0  }
0x285: {  	[sflag:s14] =	ssyncadd.s32 $0xFFFF0600  }
0x286: {  	[spmem:s2] =	stream.indirect.scatter.add.f32 [tilespmem:s13], [sflag:$0x2], $0x40, s11, s12, $0xb8;
	[tilespmem:$0x1A1D0] =	vst v63  }
0x287: {  	_ =	swait.ge [sflag:s8], $0xFA00  }
0x288: {  	[sflag:s8] =	ssyncset.done $0x0  }
0x289: {  	[sflag:s8] =	ssyncadd.s32 $0xFFFF0600  }
0x28a: {  	[tilespmem:s10], [sflag:$0x2] =	stream.linear.gather [hbm4b:s24+s3], $0x3E8, $0x38;
	[tilespmem:$0x1A1D0] =	vst v63  }
0x28b: {  	_ =	swait.ge [sflag:s8], $0x3E8  }
0x28c: {  	[sflag:s8] =	ssyncset.done $0x0  }
0x28d: {  	[sflag:s8] =	ssyncadd.s32 $0xFFFFFC18  }
0x28e: {  	[tilespmem:s11], [sflag:$0x2] =	stream.linear.gather [hbm4b:s25+s3], $0x3E8, $0x38;
	[tilespmem:$0x1A1D0] =	vst v63  }
0x28f: {  	_ =	swait.ge [sflag:s8], $0x3E8  }
0x290: {  	[sflag:s8] =	ssyncset.done $0x0  }
0x291: {  	[sflag:s8] =	ssyncadd.s32 $0xFFFFFC18  }
0x292: {  	[tilespmem:s13], [sflag:$0x1] =	stream.indirect.gather [hbm4b:s4+s12], $0x40, s10, s12, $0xb8;
	[tilespmem:$0x1A1D0] =	vst v63  }
0x293: {  	_ =	swait.ge [sflag:s14], $0xFA00  }
0x294: {  	[sflag:s14] =	ssyncset.done $0x0  }
0x295: {  	[sflag:s14] =	ssyncadd.s32 $0xFFFF0600  }
0x296: {  	[spmem:s2] =	stream.indirect.scatter.add.f32 [tilespmem:s13], [sflag:$0x2], $0x40, s11, s12, $0xb8;
	[tilespmem:$0x1A1D0] =	vst v63  }
0x297: {  	_ =	swait.ge [sflag:s8], $0xFA00  }
0x298: {  	[sflag:s8] =	ssyncset.done $0x0  }
0x299: {  	[sflag:s8] =	ssyncadd.s32 $0xFFFF0600  }
0x29a: {  	[tilespmem:s10], [sflag:$0x2] =	stream.linear.gather [hbm4b:s26+s3], $0x3E8, $0x38;
	[tilespmem:$0x1A1D0] =	vst v63  }
0x29b: {  	_ =	swait.ge [sflag:s8], $0x3E8  }
0x29c: {  	[sflag:s8] =	ssyncset.done $0x0  }
0x29d: {  	[sflag:s8] =	ssyncadd.s32 $0xFFFFFC18  }
0x29e: {  	[tilespmem:s11], [sflag:$0x2] =	stream.linear.gather [hbm4b:s28+s3], $0x3E8, $0x38;
	[tilespmem:$0x1A1D0] =	vst v63  }
0x29f: {  	_ =	swait.ge [sflag:s8], $0x3E8  }
0x2a0: {  	[sflag:s8] =	ssyncset.done $0x0  }
0x2a1: {  	[sflag:s8] =	ssyncadd.s32 $0xFFFFFC18  }
0x2a2: {  	[tilespmem:s13], [sflag:$0x1] =	stream.indirect.gather [hbm4b:s4+s12], $0x40, s10, s12, $0xb8;
	[tilespmem:$0x1A1D0] =	vst v63  }
0x2a3: {  	_ =	swait.ge [sflag:s14], $0xFA00  }
0x2a4: {  	[sflag:s14] =	ssyncset.done $0x0  }
0x2a5: {  	[sflag:s14] =	ssyncadd.s32 $0xFFFF0600  }
0x2a6: {  	[spmem:s2] =	stream.indirect.scatter.add.f32 [tilespmem:s13], [sflag:$0x2], $0x40, s11, s12, $0xb8;
	[tilespmem:$0x1A1D0] =	vst v63  }
0x2a7: {  	_ =	swait.ge [sflag:s8], $0xFA00  }
0x2a8: {  	[sflag:s8] =	ssyncset.done $0x0  }
0x2a9: {  	[sflag:s8] =	ssyncadd.s32 $0xFFFF0600  }
0x2aa: {  	[tilespmem:s10], [sflag:$0x2] =	stream.linear.gather [hbm4b:s29+s3], $0x3E8, $0x38;
	[tilespmem:$0x1A1D0] =	vst v63  }
0x2ab: {  	_ =	swait.ge [sflag:s8], $0x3E8  }
0x2ac: {  	[sflag:s8] =	ssyncset.done $0x0  }
0x2ad: {  	[sflag:s8] =	ssyncadd.s32 $0xFFFFFC18  }
0x2ae: {  	[tilespmem:s11], [sflag:$0x2] =	stream.linear.gather [hbm4b:s30+s3], $0x3E8, $0x38;
	[tilespmem:$0x1A1D0] =	vst v63  }
0x2af: {  	_ =	swait.ge [sflag:s8], $0x3E8  }
0x2b0: {  	[sflag:s8] =	ssyncset.done $0x0  }
0x2b1: {  	[sflag:s8] =	ssyncadd.s32 $0xFFFFFC18  }
0x2b2: {  	[tilespmem:s13], [sflag:$0x1] =	stream.indirect.gather [hbm4b:s4+s12], $0x40, s10, s12, $0xb8;
	[tilespmem:$0x1A1D0] =	vst v63  }
0x2b3: {  	_ =	swait.ge [sflag:s14], $0xFA00  }
0x2b4: {  	[sflag:s14] =	ssyncset.done $0x0  }
0x2b5: {  	[sflag:s14] =	ssyncadd.s32 $0xFFFF0600  }
0x2b6: {  	[spmem:s2] =	stream.indirect.scatter.add.f32 [tilespmem:s13], [sflag:$0x2], $0x40, s11, s12, $0xb8;
	[tilespmem:$0x1A1D0] =	vst v63  }
0x2b7: {  	p0 =	sne.s32 s1, $0x1;
	_ =	swait.ge [sflag:s8], $0xFA00  }
.Ltmp1:
0x2b8: {  	[sflag:s8] =	ssyncset.done $0x0;
	(pc) =	sbr.rel @p0 .LBB2_1-.Ltmp1, $4  }
0x2b9: {  	[sflag:s8] =	ssyncadd.s32 $0xFFFF0600  }
0x2ba: {  	[bflag:$0x0] =	sbarrier.arrive $0xFFFF  }
0x2bb: {  	[hbm:s31], [sflag:s7] =	dma.local [spmem:s9], $0x1400  }
0x2bc: {  	s1 =	sadd.s32 $0xFFFFFFFF, s1;
	_ =	swait.ge [sflag:s8], $0x1400  }
.LBB2_2:
0x2bd: {  	[sflag:s8] =	ssyncset.done $0x0  }
0x2be: {  	[sflag:s8] =	ssyncadd.s32 $0xFFFFEC00  }
0x2bf: {  	_ =	sfence.sel $0x180000  }
0x2c0: {  	[bflag:$0x0] =	sbarrier.arrive $0xFFFF  }
0x2c1: {  	_ =	strace $0x9000004A  }
0x2c2: {  	s0 =	stileid.u32;
	[bflag:$0x2] =	sbarrier.arrive $0xFFFF  }
0x2c3: {  	p0 =	sne.s32 s0, $0x0;
	s0 =	rddreg [dreg:$0x2]  }
0x2c4: {  	s0 =	sadd.s32 @!p0 $0x100000, s0  }
0x2c5: {  	[sflag:s0] =	ssyncadd.tile.s32 @!p0 $0x1;
	_ =	shalt  }
.Lfunc_end2:
_tile_overlayer_lowered:
.L_overlay_start_2:
0x2c6: {  	(tag) =	ssettag $0x2  }
0x2c7: {  	s0 =	rddreg [dreg:$0x0];
	s2 =	stileid.u32  }
0x2c8: {  	s1 =	rddreg [dreg:$0x1];
	p0 =	sne.s32 s2, $0x0  }
0x2c9: {  	s3 =	rddreg [dreg:$0x2];
	[bflag:$0x3] =	sbarrier.arrive $0xFFFF;
	s2 =	simm.s32 @!p0 $0x1C02  }
0x2ca: {  	[timem:s3], [sflag:s2] =	dma.local @!p0 [hbm:s0], s1  }
0x2cb: {  	s0 =	simm.s32 @!p0 $0x2  }
0x2cc: {  	_ =	swait.ge @!p0 [sflag:s0], s1  }
0x2cd: {  	s1 =	ssub.s32 @!p0 $0x0, s1;
	[sflag:s0] =	ssyncset.done @!p0 $0x0  }
0x2ce: {  	[sflag:s0] =	ssyncadd.s32 @!p0 s1  }
0x2cf: {  	[bflag:$0x3] =	sbarrier.arrive $0xFFFF  }
0x2d0: {  	_ =	shalt  }

// kernel: kernel.14.cloned.1.call-start
scs
__scs_entry_jumppad:
0x0: {  	(pc) =	sbr.rel $0x88, $3  }
0x1: {  	(tag) =	ssettag $0x0;
	lr =	simm.s32 $0x1  }
0x2: {  	[smem:$0x3F98] =	sst lr;
	_ =	strace $0xD0000000  }
0x3: {  	_ = 	snop  }
0x4: {  	_ = 	snop  }
0x5: {  	_ = 	snop  }
0x6: {  	_ = 	snop  }
0x7: {  	_ = 	snop  }
__scs_overlays_trampoline_lowered:
0x8: {  	[smem:$0x3FA7] =	sst s0  }
0x9: {  	[smem:$0x3FA8] =	sst s1  }
0xa: {  	[smem:$0x3FA9] =	sst s2  }
0xb: {  	[smem:$0x3FAA] =	sst s3  }
0xc: {  	[smem:$0x3FAB] =	sst s4  }
0xd: {  	[smem:$0x3FAC] =	sst s5  }
0xe: {  	[smem:$0x3FAD] =	sst s6  }
0xf: {  	[smem:$0x3FAE] =	sst s7  }
0x10: {  	[smem:$0x3FAF] =	sst s8  }
0x11: {  	[smem:$0x3FB0] =	sst s9;
	s0 =	simm.s32 @!p0 $0x0  }
0x12: {  	s1 =	sld [smem:$0x3F96];
	s0 =	simm.s32 @p0 $0x1  }
0x13: {  	[smem:$0x3FB1] =	sst s0;
	s0 =	simm.s32 @!p1 $0x0  }
0x14: {  	s2 =	sld [smem:$0x3F95];
	s0 =	simm.s32 @p1 $0x1  }
0x15: {  	[smem:$0x3FB2] =	sst s0;
	s0 =	simm.s32 @!p2 $0x0  }
0x16: {  	s3 =	sld [smem:$0x3FDB];
	s0 =	simm.s32 @p2 $0x1  }
0x17: {  	s4 =	simm.s32 $0x1BF5;
	[smem:$0x3FB4] =	sst s0  }
0x18: {  	s0 =	sld [smem:$0x3F97];
	_ =	swait.ge [sflag:s4], $0x0  }
0x19: {  	s7 =	sld [smem:$0x3F98]  }
0x1a: {  	s8 =	sadd.s32 $0xFFFFE003, lr  }
0x1b: {  	s9 =	sadd.s32 $0xFFFFFEF7, lr;
	s5 =	simm.s32 $0xFFFFFFFF;
	p2 =	slt.u32 s8, $0xFFFFF086  }
0x1c: {  	p1 =	slt.u32 s9, $0xF7A;
	s5 =	simm.s32 @!p2 $0x0  }
0x1d: {  	s5 =	simm.s32 @p1 $0x1;
	p0 =	seq.s32 s7, s2  }
0x1e: {  	s7 =	smul.u32 @!p0 $0xF7A, s2;
	p2 =	seq.s32 @!p0 s5, $0x0  }
0x1f: {  	s9 =	smul.u32 $0xF7A, s1;
	s8 =	simm.s32 @!p0 $0x1BF5;
	p2 =	por !p2, p0  }
0x20: {  	[sflag:s8] =	ssyncset.s32 @!p0 $0xFFFFF086;
	s6 =	sadd.s32 @!p0 s3, s7;
	s7 =	simm.s32 @!p0 $0x108  }
0x21: {  	s3 =	sadd.s32 s3, s9;
	s6 =	sadd.s32 @!p0 $0x88, s6;
	s7 =	simm.s32 @p2 $0x1082  }
0x22: {  	[simem:s7], [sflag:s8] =	dma.local @!p0 [hbm:s6], $0xF7A  }
0x23: {  	s9 =	sor.u32 $0xD0000000, s2;
	s6 =	simm.s32 $0x108;
	_ =	swait.ge @!p0 [sflag:s8], $0x0  }
0x24: {  	s3 =	sadd.s32 $0x88, s3;
	s6 =	simm.s32 @!p1 $0x1082;
	[sflag:s4] =	ssyncset.s32 $0xFFFFF086  }
0x25: {  	[simem:s6], [sflag:s4] =	dma.local [hbm:s3], $0xF7A  }
0x26: {  	[smem:$0x3F98] =	sst s1;
	(tag) =	ssettag s2;
	_ =	strace s9  }
0x27: {  	s1 =	sld [smem:$0x3FA8]  }
0x28: {  	s2 =	sld [smem:$0x3FA9]  }
0x29: {  	s4 =	sld [smem:$0x3FAB]  }
0x2a: {  	p0 =	seq.s32 s5, $0x0;
	s5 =	sld [smem:$0x3FAC]  }
0x2b: {  	s6 =	sld [smem:$0x3FAD]  }
0x2c: {  	s7 =	sld [smem:$0x3FAE]  }
0x2d: {  	s3 =	simm.s32 $0x108;
	s8 =	sld [smem:$0x3FAF]  }
0x2e: {  	s3 =	simm.s32 @!p0 $0x1082;
	s9 =	sld [smem:$0x3FB0]  }
0x2f: {  	lr =	sadd.s32 s0, s3;
	s0 =	sld [smem:$0x3FA7]  }
0x30: {  	s3 =	sld [smem:$0x3FAA]  }
0x31: {  	[smem:$0x3FB3] =	sst s10  }
0x32: {  	s10 =	sld [smem:$0x3FB1];
	_ =	sdelay $0x3  }
0x33: {  	p0 =	seq.s32 s10, $0x1;
	s10 =	sld [smem:$0x3FB3];
	_ =	sdelay $0x3  }
0x34: {  	[smem:$0x3FB3] =	sst s10  }
0x35: {  	s10 =	sld [smem:$0x3FB2];
	_ =	sdelay $0x3  }
0x36: {  	p1 =	seq.s32 s10, $0x1;
	s10 =	sld [smem:$0x3FB3];
	_ =	sdelay $0x3  }
0x37: {  	[smem:$0x3FB3] =	sst s10  }
0x38: {  	s10 =	sld [smem:$0x3FB4]  }
0x39: {  	_ = 	snop;
	(pc) =	sbr.ind lr, $3  }
0x3a: {  	_ = 	snop  }
0x3b: {  	_ = 	snop  }
0x3c: {  	p2 =	seq.s32 s10, $0x1;
	s10 =	sld [smem:$0x3FB3]  }
0x3d: {  	_ =	shalt  }
0x3e: {  	_ =	shalt  }
0x3f: {  	_ =	shalt  }
0x40: {  	_ =	shalt  }
0x41: {  	_ =	shalt  }
0x42: {  	_ =	shalt  }
0x43: {  	_ =	shalt  }
0x44: {  	_ =	shalt  }
0x45: {  	_ =	shalt  }
0x46: {  	_ =	shalt  }
0x47: {  	_ =	shalt  }
0x48: {  	_ =	shalt  }
0x49: {  	_ =	shalt  }
0x4a: {  	_ =	shalt  }
0x4b: {  	_ =	shalt  }
0x4c: {  	_ =	shalt  }
0x4d: {  	_ =	shalt  }
0x4e: {  	_ =	shalt  }
0x4f: {  	_ =	shalt  }
0x50: {  	_ =	shalt  }
0x51: {  	_ =	shalt  }
0x52: {  	_ =	shalt  }
0x53: {  	_ =	shalt  }
0x54: {  	_ =	shalt  }
0x55: {  	_ =	shalt  }
0x56: {  	_ =	shalt  }
0x57: {  	_ =	shalt  }
0x58: {  	_ =	shalt  }
0x59: {  	_ =	shalt  }
0x5a: {  	_ =	shalt  }
0x5b: {  	_ =	shalt  }
0x5c: {  	_ =	shalt  }
0x5d: {  	_ =	shalt  }
0x5e: {  	_ =	shalt  }
0x5f: {  	_ =	shalt  }
0x60: {  	_ =	shalt  }
0x61: {  	_ =	shalt  }
0x62: {  	_ =	shalt  }
0x63: {  	_ =	shalt  }
0x64: {  	_ =	shalt  }
0x65: {  	_ =	shalt  }
0x66: {  	_ =	shalt  }
0x67: {  	_ =	shalt  }
0x68: {  	_ =	shalt  }
0x69: {  	_ =	shalt  }
0x6a: {  	_ =	shalt  }
0x6b: {  	_ =	shalt  }
0x6c: {  	_ =	shalt  }
0x6d: {  	_ =	shalt  }
0x6e: {  	_ =	shalt  }
0x6f: {  	_ =	shalt  }
0x70: {  	_ =	shalt  }
0x71: {  	_ =	shalt  }
0x72: {  	_ =	shalt  }
0x73: {  	_ =	shalt  }
0x74: {  	_ =	shalt  }
0x75: {  	_ =	shalt  }
0x76: {  	_ =	shalt  }
0x77: {  	_ =	shalt  }
0x78: {  	_ =	shalt  }
0x79: {  	_ =	shalt  }
0x7a: {  	_ =	shalt  }
0x7b: {  	_ =	shalt  }
0x7c: {  	_ =	shalt  }
0x7d: {  	_ =	shalt  }
0x7e: {  	_ =	shalt  }
0x7f: {  	_ =	shalt  }
0x80: {  	_ =	shalt  }
0x81: {  	_ =	shalt  }
0x82: {  	_ =	shalt  }
0x83: {  	_ =	shalt  }
0x84: {  	_ =	shalt  }
0x85: {  	_ =	shalt  }
0x86: {  	_ =	shalt  }
0x87: {  	_ =	shalt  }
.Lfunc_end0:
.L_simem_size_0:
called_computation.2_lowered:
.L_overlay_start_0:
0x88: {  	s2 =	sld [smem:$0x3FD9]  }
0x89: {  	s3 =	sld [smem:$0x3FFE];
	_ =	sdelay $0x1  }
0x8a: {  	s1 =	srdreg.scid  }
0x8b: {  	s0 =	sand.u32 $0x1, s1  }
0x8c: {  	s16 =	sshll.u32 s0, $0xA;
	s2 =	sadd.s32 s3, s2  }
0x8d: {  	s2 =	sadd.s32 s2, s16  }
0x8e: {  	[smem:$0x3FBF] =	sst s2  }
0x8f: {  	_ = 	snop  }
0x90: {  	(tm) =	ssettm $0x1  }
0x91: {  	s17 =	sld [smem:$0x3FFB];
	_ =	sdelay $0x3  }
0x92: {  	_ =	strace s17  }
0x93: {  	s2 =	sld [smem:$0x3FFC];
	_ =	sdelay $0x3  }
0x94: {  	_ =	strace s2  }
0x95: {  	s2 =	sld [smem:$0x3FFD];
	_ =	sdelay $0x3  }
0x96: {  	_ =	strace s2  }
0x97: {  	_ =	strace $0x8FFFFFFF  }
0x98: {  	s18 =	sld [smem:$0x3FDB];
	_ =	sdelay $0x1  }
0x99: {  	s19 =	simm.s32 $_scs_section_size  }
0x9a: {  	s4 =	simm.s32 $_size__tile_overlayer_lowered;
	s5 =	simm.s32 $_tile_overlayer_lowered  }
0x9b: {  	s22 =	simm.s32 $0x1BFF;
	s21 =	sshll.u32 s5, $0x1;
	s2 =	sadd.s32 s19, s18  }
0x9c: {  	s6 =	simm.s32 $0x0;
	s20 =	sshll.u32 s4, $0x1;
	s4 =	sadd.s32 s21, s2  }
0x9d: {  	[timem:s6], [sflag:s22] =	dma.local [hbm:s4], s20  }
0x9e: {  	_ =	swait.ge [sflag:s22], s20  }
0x9f: {  	s3 =	ssub.s32 $0x0, s20;
	[sflag:s22] =	ssyncset.done $0x0  }
0xa0: {  	[sflag:s22] =	ssyncadd.s32 s3;
	_ =	sdelay $0x1  }
0xa1: {  	s23 =	simm.s32 $0x1B8B  }
0xa2: {  	_ =	swait.ge [sflag:s23], $0x1  }
0xa3: {  	[sflag:s23] =	ssyncset.done $0x0  }
0xa4: {  	s25 =	simm.s32 $0x1B8E;
	s24 =	sld [smem:$0x3FFE];
	[sflag:s23] =	ssyncadd.s32 $0xFFFFFFFF  }
0xa5: {  	s26 =	simm.s32 $execute0_lowered;
	[smem:$0x3FD2] =	sst s25  }
0xa6: {  	s4 =	sshll.u32 s26, $0x1;
	_ =	strace $0x8000004C;
	[dreg:$0x1] =	wrdreg $0xFFFFFFFF  }
0xa7: {  	s28 =	simm.s32 $_size_execute0_lowered;
	s2 =	sadd.s32 s2, s4;
	[dreg:$0x0] =	wrdreg $0x0  }
0xa8: {  	s4 =	sshll.u32 s28, $0x1;
	[dreg:$0x2] =	wrdreg s2  }
0xa9: {  	[dreg:$0x3] =	wrdreg s4  }
0xaa: {  	[dreg:$0x4] =	wrdreg $0xC0  }
0xab: {  	_ =	task [dreg:s6], $0x5FFFF  }
0xac: {  	[dreg:$0x1] =	wrdreg $0xFFFFFFFF  }
0xad: {  	[dreg:$0x0] =	wrdreg $0x60  }
0xae: {  	[dreg:$0x2] =	wrdreg s24  }
0xaf: {  	[dreg:$0x3] =	wrdreg $0x0  }
0xb0: {  	[dreg:$0x4] =	wrdreg $0x9  }
0xb1: {  	_ =	task.clear_ibuf [dreg:s6], $0x5FFFF;
	_ =	strace $0x9000004C  }
0xb2: {  	s29 =	simm.s32 $0x9;
	_ =	strace $0x8000004E  }
0xb3: {  	_ =	swait.ge [sflag:s29], $0x1  }
0xb4: {  	[sflag:s29] =	ssyncadd.s32 $0xFFFFFFFF  }
0xb5: {  	_ =	strace $0x9000004E  }
0xb6: {  	_ =	sfence  }
0xb7: {  	s30 =	sld [smem:$0x0];
	_ =	sdelay $0x2  }
0xb8: {  	s31 =	sshll.u32 s1, $0xD;
	s1 =	sshrl.u32 s1, $0x2  }
0xb9: {  	s3 =	sand.u32 $0x4000, s31;
	s1 =	sadd.s32 s1, s30  }
0xba: {  	s0 =	sor.u32 s3, s0;
	s1 =	sshll.u32 s1, $0x11  }
0xbb: {  	s0 =	sor.u32 s1, s0  }
0xbc: {  	s0 =	sadd.s32 $0x8F2B, s0  }
0xbd: {  	[sflag:s0] =	ssyncadd.remote.s32 $0x1  }
0xbe: {  	_ =	sfence.sel $0xFFFF  }
0xbf: {  	[dreg:$0x0] =	wrdreg $0xFFFFFFFF;
	(pc) =	sbr.abs _section_cstart, $3  }
0xc0: {  	[dreg:$0x1] =	wrdreg $0xFFFFFFFF  }
0xc1: {  	_ =	task.clear_ibuf [dreg:s6], $0x2FFFF;
	_ =	strace $0x9FFFFFFF  }
0xc2: {  	(tm) =	ssettm $0x7FFFFFFF  }
0xc3: {  	_ =	shalt  }
tec
execute0_lowered:
.L_overlay_start_1:
0x0: {  	(tag) =	ssettag $0x1  }
0x1: {  	s0 =	srdreg.scid  }
0x2: {  	s6 =	rddreg [dreg:$0x0];
	s11 =	stileid.u32  }
0x3: {  	s2 =	rddreg [dreg:$0x1];
	s1 =	smul.u32 $0x280, s11  }
0x4: {  	s3 =	simm.s32 $0x0;
	s31 =	sand.u32 $0x1, s0;
	s30 =	smul.u32 $0x4E20, s11  }
0x5: {  	[smem:$0x7FF] =	sst s3;
	s0 =	smul.u32 $0x2800, s31  }
0x6: {  	s4 =	sadd.s32 $0x29400, s6;
	s29 =	sadd.s32 $0x15A00, s6;
	s5 =	smul.u32 $0x4E200, s31  }
0x7: {  	_ =	strace $0x8000004D;
	s14 =	sadd.s32 $0x3E8, s30;
	s16 =	sshrl.u32 s30, $0x3  }
0x8: {  	s9 =	sadd.s32 $0xBB8, s30;
	s0 =	sadd.s32 s1, s0;
	s1 =	sadd.s32 $0x1400, s6  }
0x9: {  	s6 =	sshrl.u32 s14, $0x3;
	s20 =	sshrl.u32 s9, $0x3;
	s7 =	sshll.u32 s0, $0x3  }
0xa: {  	s0 =	sadd.s32 s30, s5;
	s6 =	sadd.s32 s1, s6;
	[dreg:$0x1b] =	wrdreg s7  }
0xb: {  	s21 =	sadd.s32 s1, s20;
	s10 =	sadd.s32 s4, s7;
	[dreg:$0x5] =	wrdreg s6  }
0xc: {  	s12 =	sadd.s32 $0x3E8, s0;
	s6 =	sadd.s32 s1, s16;
	[dreg:$0x9] =	wrdreg s21  }
0xd: {  	s15 =	sshrl.u32 s0, $0x3;
	[dreg:$0x3] =	wrdreg s10;
	s19 =	sadd.s32 $0xFA, s6  }
0xe: {  	s18 =	sadd.s32 $0xBB8, s0;
	s24 =	sadd.s32 $0x1F4, s6;
	[dreg:$0x7] =	wrdreg s19  }
0xf: {  	s13 =	sshrl.u32 s12, $0x3;
	s12 =	sadd.s32 $0x2EE, s6;
	[dreg:$0xb] =	wrdreg s24  }
0x10: {  	s5 =	sadd.s32 s29, s15;
	s8 =	sadd.s32 s29, s13;
	[dreg:$0xf] =	wrdreg s12  }
0x11: {  	s7 =	sshrl.u32 s18, $0x3;
	s17 =	sadd.s32 $0xFA, s5;
	[dreg:$0x4] =	wrdreg s8  }
0x12: {  	s25 =	sadd.s32 $0x1388, s30;
	s7 =	sadd.s32 s29, s7;
	[dreg:$0x6] =	wrdreg s17  }
0x13: {  	s26 =	sshrl.u32 s25, $0x3;
	s22 =	sadd.s32 $0x1F4, s5;
	[dreg:$0x8] =	wrdreg s7  }
0x14: {  	s23 =	sadd.s32 $0x1388, s0;
	s9 =	sadd.s32 $0x2EE, s5;
	[dreg:$0xa] =	wrdreg s22  }
0x15: {  	s10 =	sadd.s32 $0x1B58, s0;
	s16 =	sadd.s32 $0x3E8, s5;
	[dreg:$0xe] =	wrdreg s9  }
0x16: {  	s18 =	sadd.s32 $0x2328, s0;
	s19 =	sadd.s32 $0x3E8, s6;
	[dreg:$0x12] =	wrdreg s16  }
0x17: {  	s13 =	sadd.s32 $0x1B58, s30;
	s24 =	sadd.s32 $0x4E2, s6;
	[dreg:$0x13] =	wrdreg s19  }
0x18: {  	s12 =	sshll.u32 s11, $0x6;
	s8 =	sadd.s32 s1, s26;
	[dreg:$0x17] =	wrdreg s24  }
0x19: {  	s7 =	sshrl.u32 s23, $0x3;
	s22 =	sadd.s32 $0x4E2, s5;
	[dreg:$0xd] =	wrdreg s8  }
0x1a: {  	s14 =	sshrl.u32 s13, $0x3;
	s17 =	smul.u32 $0x28000, s11;
	[dreg:$0x16] =	wrdreg s22  }
0x1b: {  	s7 =	sadd.s32 s29, s7;
	s15 =	sadd.s32 s1, s14;
	s14 =	rddreg [dreg:$0x3]  }
0x1c: {  	s23 =	sadd.s32 $0x2AF8, s0;
	s26 =	sadd.s32 $0x2AF8, s30;
	[dreg:$0xc] =	wrdreg s7  }
0x1d: {  	s9 =	sshrl.u32 s23, $0x3;
	s7 =	sshrl.u32 s10, $0x3;
	[dreg:$0x11] =	wrdreg s15  }
0x1e: {  	s10 =	sadd.s32 $0x2328, s30;
	s8 =	sshrl.u32 s17, $0x2;
	s25 =	sadd.s32 s29, s9  }
0x1f: {  	s15 =	sadd.s32 $0x5DC, s5;
	s7 =	sadd.s32 s29, s7;
	[dreg:$0x18] =	wrdreg s25  }
0x20: {  	s20 =	sshrl.u32 s10, $0x3;
	s8 =	sadd.s32 s8, s2;
	[dreg:$0x1a] =	wrdreg s15  }
0x21: {  	s10 =	sshrl.u32 s26, $0x3;
	[dreg:$0x10] =	wrdreg s7;
	s21 =	sadd.s32 s1, s20  }
0x22: {  	s7 =	sshrl.u32 s18, $0x3;
	s13 =	sadd.s32 s1, s10;
	[dreg:$0x15] =	wrdreg s21  }
0x23: {  	s9 =	sshrl.u32 s8, $0x3;
	s7 =	sadd.s32 s29, s7;
	[dreg:$0x19] =	wrdreg s13  }
0x24: {  	s8 =	simm.s32 $0x2;
	[dreg:$0x14] =	wrdreg s7;
	s7 =	sor.u32 $0x1C02, s12  }
0x25: {  	[spmem:s9], [sflag:s7] =	dma.local [hbm:s14], $0x1400  }
0x26: {  	_ =	swait.ge [sflag:s8], $0x1400  }
0x27: {  	[sflag:s8] =	ssyncset.done $0x0  }
0x28: {  	[sflag:s8] =	ssyncadd.s32 $0xFFFFEC00  }
0x29: {  	s10 =	simm.s32 $0xA000;
	[bflag:$0x0] =	sbarrier.arrive $0xFFFF  }
0x2a: {  	[tilespmem:s10], [sflag:$0x2] =	stream.linear.gather [hbm4b:s5+s3], $0x3E8, $0x38;
	[tilespmem:$0x1A1D0] =	vst v63  }
0x2b: {  	_ =	swait.ge [sflag:s8], $0x3E8  }
0x2c: {  	[sflag:s8] =	ssyncset.done $0x0  }
0x2d: {  	s11 =	simm.s32 $0xA3E8;
	[sflag:s8] =	ssyncadd.s32 $0xFFFFFC18  }
0x2e: {  	[tilespmem:s11], [sflag:$0x2] =	stream.linear.gather [hbm4b:s6+s3], $0x3E8, $0x38;
	[tilespmem:$0x1A1D0] =	vst v63  }
0x2f: {  	_ =	swait.ge [sflag:s8], $0x3E8  }
0x30: {  	s13 =	simm.s32 $0xA7D0;
	[sflag:s8] =	ssyncset.done $0x0  }
0x31: {  	s12 =	simm.s32 $0x3E8;
	s14 =	simm.s32 $0x1;
	[sflag:s8] =	ssyncadd.s32 $0xFFFFFC18  }
0x32: {  	[tilespmem:s13], [sflag:$0x1] =	stream.indirect.gather [hbm4b:s4+s12], $0x40, s10, s12, $0xb8;
	[tilespmem:$0x1A1D0] =	vst v63  }
0x33: {  	_ =	swait.ge [sflag:s14], $0xFA00  }
0x34: {  	[sflag:s14] =	ssyncset.done $0x0  }
0x35: {  	[sflag:s14] =	ssyncadd.s32 $0xFFFF0600  }
0x36: {  	[spmem:s2] =	stream.indirect.scatter.add.f32 [tilespmem:s13], [sflag:$0x2], $0x40, s11, s12, $0xb8;
	[tilespmem:$0x1A1D0] =	vst v63  }
0x37: {  	_ =	swait.ge [sflag:s8], $0xFA00  }
0x38: {  	[sflag:s8] =	ssyncset.done $0x0  }
0x39: {  	s15 =	rddreg [dreg:$0x4];
	[sflag:s8] =	ssyncadd.s32 $0xFFFF0600  }
0x3a: {  	[tilespmem:s10], [sflag:$0x2] =	stream.linear.gather [hbm4b:s15+s3], $0x3E8, $0x38;
	[tilespmem:$0x1A1D0] =	vst v63  }
0x3b: {  	_ =	swait.ge [sflag:s8], $0x3E8  }
0x3c: {  	[sflag:s8] =	ssyncset.done $0x0  }
0x3d: {  	s16 =	rddreg [dreg:$0x5];
	[sflag:s8] =	ssyncadd.s32 $0xFFFFFC18  }
0x3e: {  	[tilespmem:s11], [sflag:$0x2] =	stream.linear.gather [hbm4b:s16+s3], $0x3E8, $0x38;
	[tilespmem:$0x1A1D0] =	vst v63  }
0x3f: {  	_ =	swait.ge [sflag:s8], $0x3E8  }
0x40: {  	[sflag:s8] =	ssyncset.done $0x0  }
0x41: {  	[sflag:s8] =	ssyncadd.s32 $0xFFFFFC18  }
0x42: {  	[tilespmem:s13], [sflag:$0x1] =	stream.indirect.gather [hbm4b:s4+s12], $0x40, s10, s12, $0xb8;
	[tilespmem:$0x1A1D0] =	vst v63  }
0x43: {  	_ =	swait.ge [sflag:s14], $0xFA00  }
0x44: {  	[sflag:s14] =	ssyncset.done $0x0  }
0x45: {  	[sflag:s14] =	ssyncadd.s32 $0xFFFF0600  }
0x46: {  	[spmem:s2] =	stream.indirect.scatter.add.f32 [tilespmem:s13], [sflag:$0x2], $0x40, s11, s12, $0xb8;
	[tilespmem:$0x1A1D0] =	vst v63  }
0x47: {  	_ =	swait.ge [sflag:s8], $0xFA00  }
0x48: {  	[sflag:s8] =	ssyncset.done $0x0  }
0x49: {  	s17 =	rddreg [dreg:$0x6];
	[sflag:s8] =	ssyncadd.s32 $0xFFFF0600  }
0x4a: {  	[tilespmem:s10], [sflag:$0x2] =	stream.linear.gather [hbm4b:s17+s3], $0x3E8, $0x38;
	[tilespmem:$0x1A1D0] =	vst v63  }
0x4b: {  	_ =	swait.ge [sflag:s8], $0x3E8  }
0x4c: {  	[sflag:s8] =	ssyncset.done $0x0  }
0x4d: {  	s18 =	rddreg [dreg:$0x7];
	[sflag:s8] =	ssyncadd.s32 $0xFFFFFC18  }
0x4e: {  	[tilespmem:s11], [sflag:$0x2] =	stream.linear.gather [hbm4b:s18+s3], $0x3E8, $0x38;
	[tilespmem:$0x1A1D0] =	vst v63  }
0x4f: {  	_ =	swait.ge [sflag:s8], $0x3E8  }
0x50: {  	[sflag:s8] =	ssyncset.done $0x0  }
0x51: {  	[sflag:s8] =	ssyncadd.s32 $0xFFFFFC18  }
0x52: {  	[tilespmem:s13], [sflag:$0x1] =	stream.indirect.gather [hbm4b:s4+s12], $0x40, s10, s12, $0xb8;
	[tilespmem:$0x1A1D0] =	vst v63  }
0x53: {  	_ =	swait.ge [sflag:s14], $0xFA00  }
0x54: {  	[sflag:s14] =	ssyncset.done $0x0  }
0x55: {  	[sflag:s14] =	ssyncadd.s32 $0xFFFF0600  }
0x56: {  	[spmem:s2] =	stream.indirect.scatter.add.f32 [tilespmem:s13], [sflag:$0x2], $0x40, s11, s12, $0xb8;
	[tilespmem:$0x1A1D0] =	vst v63  }
0x57: {  	_ =	swait.ge [sflag:s8], $0xFA00  }
0x58: {  	[sflag:s8] =	ssyncset.done $0x0  }
0x59: {  	s19 =	rddreg [dreg:$0x8];
	[sflag:s8] =	ssyncadd.s32 $0xFFFF0600  }
0x5a: {  	[tilespmem:s10], [sflag:$0x2] =	stream.linear.gather [hbm4b:s19+s3], $0x3E8, $0x38;
	[tilespmem:$0x1A1D0] =	vst v63  }
0x5b: {  	_ =	swait.ge [sflag:s8], $0x3E8  }
0x5c: {  	[sflag:s8] =	ssyncset.done $0x0  }
0x5d: {  	s20 =	rddreg [dreg:$0x9];
	[sflag:s8] =	ssyncadd.s32 $0xFFFFFC18  }
0x5e: {  	[tilespmem:s11], [sflag:$0x2] =	stream.linear.gather [hbm4b:s20+s3], $0x3E8, $0x38;
	[tilespmem:$0x1A1D0] =	vst v63  }
0x5f: {  	_ =	swait.ge [sflag:s8], $0x3E8  }
0x60: {  	[sflag:s8] =	ssyncset.done $0x0  }
0x61: {  	[sflag:s8] =	ssyncadd.s32 $0xFFFFFC18  }
0x62: {  	[tilespmem:s13], [sflag:$0x1] =	stream.indirect.gather [hbm4b:s4+s12], $0x40, s10, s12, $0xb8;
	[tilespmem:$0x1A1D0] =	vst v63  }
0x63: {  	_ =	swait.ge [sflag:s14], $0xFA00  }
0x64: {  	[sflag:s14] =	ssyncset.done $0x0  }
0x65: {  	[sflag:s14] =	ssyncadd.s32 $0xFFFF0600  }
0x66: {  	[spmem:s2] =	stream.indirect.scatter.add.f32 [tilespmem:s13], [sflag:$0x2], $0x40, s11, s12, $0xb8;
	[tilespmem:$0x1A1D0] =	vst v63  }
0x67: {  	_ =	swait.ge [sflag:s8], $0xFA00  }
0x68: {  	[sflag:s8] =	ssyncset.done $0x0  }
0x69: {  	s21 =	rddreg [dreg:$0xa];
	[sflag:s8] =	ssyncadd.s32 $0xFFFF0600  }
0x6a: {  	[tilespmem:s10], [sflag:$0x2] =	stream.linear.gather [hbm4b:s21+s3], $0x3E8, $0x38;
	[tilespmem:$0x1A1D0] =	vst v63  }
0x6b: {  	_ =	swait.ge [sflag:s8], $0x3E8  }
0x6c: {  	[sflag:s8] =	ssyncset.done $0x0  }
0x6d: {  	s22 =	rddreg [dreg:$0xb];
	[sflag:s8] =	ssyncadd.s32 $0xFFFFFC18  }
0x6e: {  	[tilespmem:s11], [sflag:$0x2] =	stream.linear.gather [hbm4b:s22+s3], $0x3E8, $0x38;
	[tilespmem:$0x1A1D0] =	vst v63  }
0x6f: {  	_ =	swait.ge [sflag:s8], $0x3E8  }
0x70: {  	[sflag:s8] =	ssyncset.done $0x0  }
0x71: {  	[sflag:s8] =	ssyncadd.s32 $0xFFFFFC18  }
0x72: {  	[tilespmem:s13], [sflag:$0x1] =	stream.indirect.gather [hbm4b:s4+s12], $0x40, s10, s12, $0xb8;
	[tilespmem:$0x1A1D0] =	vst v63  }
0x73: {  	_ =	swait.ge [sflag:s14], $0xFA00  }
0x74: {  	[sflag:s14] =	ssyncset.done $0x0  }
0x75: {  	[sflag:s14] =	ssyncadd.s32 $0xFFFF0600  }
0x76: {  	[spmem:s2] =	stream.indirect.scatter.add.f32 [tilespmem:s13], [sflag:$0x2], $0x40, s11, s12, $0xb8;
	[tilespmem:$0x1A1D0] =	vst v63  }
0x77: {  	_ =	swait.ge [sflag:s8], $0xFA00  }
0x78: {  	[sflag:s8] =	ssyncset.done $0x0  }
0x79: {  	s23 =	rddreg [dreg:$0xc];
	[sflag:s8] =	ssyncadd.s32 $0xFFFF0600  }
0x7a: {  	[tilespmem:s10], [sflag:$0x2] =	stream.linear.gather [hbm4b:s23+s3], $0x3E8, $0x38;
	[tilespmem:$0x1A1D0] =	vst v63  }
0x7b: {  	_ =	swait.ge [sflag:s8], $0x3E8  }
0x7c: {  	[sflag:s8] =	ssyncset.done $0x0  }
0x7d: {  	s24 =	rddreg [dreg:$0xd];
	[sflag:s8] =	ssyncadd.s32 $0xFFFFFC18  }
0x7e: {  	[tilespmem:s11], [sflag:$0x2] =	stream.linear.gather [hbm4b:s24+s3], $0x3E8, $0x38;
	[tilespmem:$0x1A1D0] =	vst v63  }
0x7f: {  	_ =	swait.ge [sflag:s8], $0x3E8  }
0x80: {  	[sflag:s8] =	ssyncset.done $0x0  }
0x81: {  	[sflag:s8] =	ssyncadd.s32 $0xFFFFFC18  }
0x82: {  	[tilespmem:s13], [sflag:$0x1] =	stream.indirect.gather [hbm4b:s4+s12], $0x40, s10, s12, $0xb8;
	[tilespmem:$0x1A1D0] =	vst v63  }
0x83: {  	_ =	swait.ge [sflag:s14], $0xFA00  }
0x84: {  	[sflag:s14] =	ssyncset.done $0x0  }
0x85: {  	[sflag:s14] =	ssyncadd.s32 $0xFFFF0600  }
0x86: {  	[spmem:s2] =	stream.indirect.scatter.add.f32 [tilespmem:s13], [sflag:$0x2], $0x40, s11, s12, $0xb8;
	[tilespmem:$0x1A1D0] =	vst v63  }
0x87: {  	_ =	swait.ge [sflag:s8], $0xFA00  }
0x88: {  	[sflag:s8] =	ssyncset.done $0x0  }
0x89: {  	s25 =	rddreg [dreg:$0xe];
	[sflag:s8] =	ssyncadd.s32 $0xFFFF0600  }
0x8a: {  	[tilespmem:s10], [sflag:$0x2] =	stream.linear.gather [hbm4b:s25+s3], $0x3E8, $0x38;
	[tilespmem:$0x1A1D0] =	vst v63  }
0x8b: {  	_ =	swait.ge [sflag:s8], $0x3E8  }
0x8c: {  	[sflag:s8] =	ssyncset.done $0x0  }
0x8d: {  	s26 =	rddreg [dreg:$0xf];
	[sflag:s8] =	ssyncadd.s32 $0xFFFFFC18  }
0x8e: {  	[tilespmem:s11], [sflag:$0x2] =	stream.linear.gather [hbm4b:s26+s3], $0x3E8, $0x38;
	[tilespmem:$0x1A1D0] =	vst v63  }
0x8f: {  	_ =	swait.ge [sflag:s8], $0x3E8  }
0x90: {  	[sflag:s8] =	ssyncset.done $0x0  }
0x91: {  	[sflag:s8] =	ssyncadd.s32 $0xFFFFFC18  }
0x92: {  	[tilespmem:s13], [sflag:$0x1] =	stream.indirect.gather [hbm4b:s4+s12], $0x40, s10, s12, $0xb8;
	[tilespmem:$0x1A1D0] =	vst v63  }
0x93: {  	_ =	swait.ge [sflag:s14], $0xFA00  }
0x94: {  	[sflag:s14] =	ssyncset.done $0x0  }
0x95: {  	[sflag:s14] =	ssyncadd.s32 $0xFFFF0600  }
0x96: {  	[spmem:s2] =	stream.indirect.scatter.add.f32 [tilespmem:s13], [sflag:$0x2], $0x40, s11, s12, $0xb8;
	[tilespmem:$0x1A1D0] =	vst v63  }
0x97: {  	_ =	swait.ge [sflag:s8], $0xFA00  }
0x98: {  	[sflag:s8] =	ssyncset.done $0x0  }
0x99: {  	s16 =	rddreg [dreg:$0x10];
	[sflag:s8] =	ssyncadd.s32 $0xFFFF0600  }
0x9a: {  	[tilespmem:s10], [sflag:$0x2] =	stream.linear.gather [hbm4b:s16+s3], $0x3E8, $0x38;
	[tilespmem:$0x1A1D0] =	vst v63  }
0x9b: {  	_ =	swait.ge [sflag:s8], $0x3E8  }
0x9c: {  	[sflag:s8] =	ssyncset.done $0x0  }
0x9d: {  	s17 =	rddreg [dreg:$0x11];
	[sflag:s8] =	ssyncadd.s32 $0xFFFFFC18  }
0x9e: {  	[tilespmem:s11], [sflag:$0x2] =	stream.linear.gather [hbm4b:s17+s3], $0x3E8, $0x38;
	[tilespmem:$0x1A1D0] =	vst v63  }
0x9f: {  	_ =	swait.ge [sflag:s8], $0x3E8  }
0xa0: {  	[sflag:s8] =	ssyncset.done $0x0  }
0xa1: {  	[sflag:s8] =	ssyncadd.s32 $0xFFFFFC18  }
0xa2: {  	[tilespmem:s13], [sflag:$0x1] =	stream.indirect.gather [hbm4b:s4+s12], $0x40, s10, s12, $0xb8;
	[tilespmem:$0x1A1D0] =	vst v63  }
0xa3: {  	_ =	swait.ge [sflag:s14], $0xFA00  }
0xa4: {  	[sflag:s14] =	ssyncset.done $0x0  }
0xa5: {  	[sflag:s14] =	ssyncadd.s32 $0xFFFF0600  }
0xa6: {  	[spmem:s2] =	stream.indirect.scatter.add.f32 [tilespmem:s13], [sflag:$0x2], $0x40, s11, s12, $0xb8;
	[tilespmem:$0x1A1D0] =	vst v63  }
0xa7: {  	_ =	swait.ge [sflag:s8], $0xFA00  }
0xa8: {  	[sflag:s8] =	ssyncset.done $0x0  }
0xa9: {  	s18 =	rddreg [dreg:$0x12];
	[sflag:s8] =	ssyncadd.s32 $0xFFFF0600  }
0xaa: {  	[tilespmem:s10], [sflag:$0x2] =	stream.linear.gather [hbm4b:s18+s3], $0x3E8, $0x38;
	[tilespmem:$0x1A1D0] =	vst v63  }
0xab: {  	_ =	swait.ge [sflag:s8], $0x3E8  }
0xac: {  	[sflag:s8] =	ssyncset.done $0x0  }
0xad: {  	s19 =	rddreg [dreg:$0x13];
	[sflag:s8] =	ssyncadd.s32 $0xFFFFFC18  }
0xae: {  	[tilespmem:s11], [sflag:$0x2] =	stream.linear.gather [hbm4b:s19+s3], $0x3E8, $0x38;
	[tilespmem:$0x1A1D0] =	vst v63  }
0xaf: {  	_ =	swait.ge [sflag:s8], $0x3E8  }
0xb0: {  	[sflag:s8] =	ssyncset.done $0x0  }
0xb1: {  	[sflag:s8] =	ssyncadd.s32 $0xFFFFFC18  }
0xb2: {  	[tilespmem:s13], [sflag:$0x1] =	stream.indirect.gather [hbm4b:s4+s12], $0x40, s10, s12, $0xb8;
	[tilespmem:$0x1A1D0] =	vst v63  }
0xb3: {  	_ =	swait.ge [sflag:s14], $0xFA00  }
0xb4: {  	[sflag:s14] =	ssyncset.done $0x0  }
0xb5: {  	[sflag:s14] =	ssyncadd.s32 $0xFFFF0600  }
0xb6: {  	[spmem:s2] =	stream.indirect.scatter.add.f32 [tilespmem:s13], [sflag:$0x2], $0x40, s11, s12, $0xb8;
	[tilespmem:$0x1A1D0] =	vst v63  }
0xb7: {  	_ =	swait.ge [sflag:s8], $0xFA00  }
0xb8: {  	[sflag:s8] =	ssyncset.done $0x0  }
0xb9: {  	s20 =	rddreg [dreg:$0x14];
	[sflag:s8] =	ssyncadd.s32 $0xFFFF0600  }
0xba: {  	[tilespmem:s10], [sflag:$0x2] =	stream.linear.gather [hbm4b:s20+s3], $0x3E8, $0x38;
	[tilespmem:$0x1A1D0] =	vst v63  }
0xbb: {  	_ =	swait.ge [sflag:s8], $0x3E8  }
0xbc: {  	[sflag:s8] =	ssyncset.done $0x0  }
0xbd: {  	s21 =	rddreg [dreg:$0x15];
	[sflag:s8] =	ssyncadd.s32 $0xFFFFFC18  }
0xbe: {  	[tilespmem:s11], [sflag:$0x2] =	stream.linear.gather [hbm4b:s21+s3], $0x3E8, $0x38;
	[tilespmem:$0x1A1D0] =	vst v63  }
0xbf: {  	_ =	swait.ge [sflag:s8], $0x3E8  }
0xc0: {  	[sflag:s8] =	ssyncset.done $0x0  }
0xc1: {  	[sflag:s8] =	ssyncadd.s32 $0xFFFFFC18  }
0xc2: {  	[tilespmem:s13], [sflag:$0x1] =	stream.indirect.gather [hbm4b:s4+s12], $0x40, s10, s12, $0xb8;
	[tilespmem:$0x1A1D0] =	vst v63  }
0xc3: {  	_ =	swait.ge [sflag:s14], $0xFA00  }
0xc4: {  	[sflag:s14] =	ssyncset.done $0x0  }
0xc5: {  	[sflag:s14] =	ssyncadd.s32 $0xFFFF0600  }
0xc6: {  	[spmem:s2] =	stream.indirect.scatter.add.f32 [tilespmem:s13], [sflag:$0x2], $0x40, s11, s12, $0xb8;
	[tilespmem:$0x1A1D0] =	vst v63  }
0xc7: {  	_ =	swait.ge [sflag:s8], $0xFA00  }
0xc8: {  	[sflag:s8] =	ssyncset.done $0x0  }
0xc9: {  	s22 =	rddreg [dreg:$0x16];
	[sflag:s8] =	ssyncadd.s32 $0xFFFF0600  }
0xca: {  	[tilespmem:s10], [sflag:$0x2] =	stream.linear.gather [hbm4b:s22+s3], $0x3E8, $0x38;
	[tilespmem:$0x1A1D0] =	vst v63  }
0xcb: {  	_ =	swait.ge [sflag:s8], $0x3E8  }
0xcc: {  	[sflag:s8] =	ssyncset.done $0x0  }
0xcd: {  	s23 =	rddreg [dreg:$0x17];
	[sflag:s8] =	ssyncadd.s32 $0xFFFFFC18  }
0xce: {  	[tilespmem:s11], [sflag:$0x2] =	stream.linear.gather [hbm4b:s23+s3], $0x3E8, $0x38;
	[tilespmem:$0x1A1D0] =	vst v63  }
0xcf: {  	_ =	swait.ge [sflag:s8], $0x3E8  }
0xd0: {  	[sflag:s8] =	ssyncset.done $0x0  }
0xd1: {  	[sflag:s8] =	ssyncadd.s32 $0xFFFFFC18  }
0xd2: {  	[tilespmem:s13], [sflag:$0x1] =	stream.indirect.gather [hbm4b:s4+s12], $0x40, s10, s12, $0xb8;
	[tilespmem:$0x1A1D0] =	vst v63  }
0xd3: {  	_ =	swait.ge [sflag:s14], $0xFA00  }
0xd4: {  	[sflag:s14] =	ssyncset.done $0x0  }
0xd5: {  	[sflag:s14] =	ssyncadd.s32 $0xFFFF0600  }
0xd6: {  	[spmem:s2] =	stream.indirect.scatter.add.f32 [tilespmem:s13], [sflag:$0x2], $0x40, s11, s12, $0xb8;
	[tilespmem:$0x1A1D0] =	vst v63  }
0xd7: {  	_ =	swait.ge [sflag:s8], $0xFA00  }
0xd8: {  	[sflag:s8] =	ssyncset.done $0x0  }
0xd9: {  	s24 =	rddreg [dreg:$0x18];
	[sflag:s8] =	ssyncadd.s32 $0xFFFF0600  }
0xda: {  	[tilespmem:s10], [sflag:$0x2] =	stream.linear.gather [hbm4b:s24+s3], $0x3E8, $0x38;
	[tilespmem:$0x1A1D0] =	vst v63  }
0xdb: {  	_ =	swait.ge [sflag:s8], $0x3E8  }
0xdc: {  	[sflag:s8] =	ssyncset.done $0x0  }
0xdd: {  	s25 =	rddreg [dreg:$0x19];
	[sflag:s8] =	ssyncadd.s32 $0xFFFFFC18  }
0xde: {  	[tilespmem:s11], [sflag:$0x2] =	stream.linear.gather [hbm4b:s25+s3], $0x3E8, $0x38;
	[tilespmem:$0x1A1D0] =	vst v63  }
0xdf: {  	_ =	swait.ge [sflag:s8], $0x3E8  }
0xe0: {  	[sflag:s8] =	ssyncset.done $0x0  }
0xe1: {  	[sflag:s8] =	ssyncadd.s32 $0xFFFFFC18  }
0xe2: {  	[tilespmem:s13], [sflag:$0x1] =	stream.indirect.gather [hbm4b:s4+s12], $0x40, s10, s12, $0xb8;
	[tilespmem:$0x1A1D0] =	vst v63  }
0xe3: {  	_ =	swait.ge [sflag:s14], $0xFA00  }
0xe4: {  	[sflag:s14] =	ssyncset.done $0x0  }
0xe5: {  	[sflag:s14] =	ssyncadd.s32 $0xFFFF0600  }
0xe6: {  	[spmem:s2] =	stream.indirect.scatter.add.f32 [tilespmem:s13], [sflag:$0x2], $0x40, s11, s12, $0xb8;
	[tilespmem:$0x1A1D0] =	vst v63  }
0xe7: {  	_ =	swait.ge [sflag:s8], $0xFA00  }
0xe8: {  	[sflag:s8] =	ssyncset.done $0x0  }
0xe9: {  	s26 =	rddreg [dreg:$0x1a];
	[sflag:s8] =	ssyncadd.s32 $0xFFFF0600  }
0xea: {  	[tilespmem:s10], [sflag:$0x2] =	stream.linear.gather [hbm4b:s26+s3], $0x3E8, $0x38;
	[tilespmem:$0x1A1D0] =	vst v63  }
0xeb: {  	_ =	swait.ge [sflag:s8], $0x3E8  }
0xec: {  	[sflag:s8] =	ssyncset.done $0x0  }
0xed: {  	s15 =	sadd.s32 $0x5DC, s6;
	[sflag:s8] =	ssyncadd.s32 $0xFFFFFC18  }
0xee: {  	[tilespmem:s11], [sflag:$0x2] =	stream.linear.gather [hbm4b:s15+s3], $0x3E8, $0x38;
	[tilespmem:$0x1A1D0] =	vst v63  }
0xef: {  	_ =	swait.ge [sflag:s8], $0x3E8  }
0xf0: {  	[sflag:s8] =	ssyncset.done $0x0  }
0xf1: {  	[sflag:s8] =	ssyncadd.s32 $0xFFFFFC18  }
0xf2: {  	[tilespmem:s13], [sflag:$0x1] =	stream.indirect.gather [hbm4b:s4+s12], $0x40, s10, s12, $0xb8;
	[tilespmem:$0x1A1D0] =	vst v63  }
0xf3: {  	_ =	swait.ge [sflag:s14], $0xFA00  }
0xf4: {  	[sflag:s14] =	ssyncset.done $0x0  }
0xf5: {  	[sflag:s14] =	ssyncadd.s32 $0xFFFF0600  }
0xf6: {  	[spmem:s2] =	stream.indirect.scatter.add.f32 [tilespmem:s13], [sflag:$0x2], $0x40, s11, s12, $0xb8;
	[tilespmem:$0x1A1D0] =	vst v63  }
0xf7: {  	s16 =	sadd.s32 $0x32C8, s0;
	_ =	swait.ge [sflag:s8], $0xFA00  }
0xf8: {  	s16 =	sshrl.u32 s16, $0x3;
	[sflag:s8] =	ssyncset.done $0x0  }
0xf9: {  	s16 =	sadd.s32 s29, s16;
	[sflag:s8] =	ssyncadd.s32 $0xFFFF0600  }
0xfa: {  	[tilespmem:s10], [sflag:$0x2] =	stream.linear.gather [hbm4b:s16+s3], $0x3E8, $0x38;
	[tilespmem:$0x1A1D0] =	vst v63  }
0xfb: {  	s17 =	sadd.s32 $0x32C8, s30;
	_ =	swait.ge [sflag:s8], $0x3E8  }
0xfc: {  	s17 =	sshrl.u32 s17, $0x3;
	[sflag:s8] =	ssyncset.done $0x0  }
0xfd: {  	s17 =	sadd.s32 s1, s17;
	[sflag:s8] =	ssyncadd.s32 $0xFFFFFC18  }
0xfe: {  	[tilespmem:s11], [sflag:$0x2] =	stream.linear.gather [hbm4b:s17+s3], $0x3E8, $0x38;
	[tilespmem:$0x1A1D0] =	vst v63  }
0xff: {  	_ =	swait.ge [sflag:s8], $0x3E8  }
0x100: {  	[sflag:s8] =	ssyncset.done $0x0  }
0x101: {  	[sflag:s8] =	ssyncadd.s32 $0xFFFFFC18  }
0x102: {  	[tilespmem:s13], [sflag:$0x1] =	stream.indirect.gather [hbm4b:s4+s12], $0x40, s10, s12, $0xb8;
	[tilespmem:$0x1A1D0] =	vst v63  }
0x103: {  	_ =	swait.ge [sflag:s14], $0xFA00  }
0x104: {  	[sflag:s14] =	ssyncset.done $0x0  }
0x105: {  	[sflag:s14] =	ssyncadd.s32 $0xFFFF0600  }
0x106: {  	[spmem:s2] =	stream.indirect.scatter.add.f32 [tilespmem:s13], [sflag:$0x2], $0x40, s11, s12, $0xb8;
	[tilespmem:$0x1A1D0] =	vst v63  }
0x107: {  	_ =	swait.ge [sflag:s8], $0xFA00  }
0x108: {  	[sflag:s8] =	ssyncset.done $0x0  }
0x109: {  	s18 =	sadd.s32 $0x6D6, s5;
	[sflag:s8] =	ssyncadd.s32 $0xFFFF0600  }
0x10a: {  	[tilespmem:s10], [sflag:$0x2] =	stream.linear.gather [hbm4b:s18+s3], $0x3E8, $0x38;
	[tilespmem:$0x1A1D0] =	vst v63  }
0x10b: {  	_ =	swait.ge [sflag:s8], $0x3E8  }
0x10c: {  	[sflag:s8] =	ssyncset.done $0x0  }
0x10d: {  	s19 =	sadd.s32 $0x6D6, s6;
	[sflag:s8] =	ssyncadd.s32 $0xFFFFFC18  }
0x10e: {  	[tilespmem:s11], [sflag:$0x2] =	stream.linear.gather [hbm4b:s19+s3], $0x3E8, $0x38;
	[tilespmem:$0x1A1D0] =	vst v63  }
0x10f: {  	_ =	swait.ge [sflag:s8], $0x3E8  }
0x110: {  	[sflag:s8] =	ssyncset.done $0x0  }
0x111: {  	[sflag:s8] =	ssyncadd.s32 $0xFFFFFC18  }
0x112: {  	[tilespmem:s13], [sflag:$0x1] =	stream.indirect.gather [hbm4b:s4+s12], $0x40, s10, s12, $0xb8;
	[tilespmem:$0x1A1D0] =	vst v63  }
0x113: {  	_ =	swait.ge [sflag:s14], $0xFA00  }
0x114: {  	[sflag:s14] =	ssyncset.done $0x0  }
0x115: {  	[sflag:s14] =	ssyncadd.s32 $0xFFFF0600  }
0x116: {  	[spmem:s2] =	stream.indirect.scatter.add.f32 [tilespmem:s13], [sflag:$0x2], $0x40, s11, s12, $0xb8;
	[tilespmem:$0x1A1D0] =	vst v63  }
0x117: {  	s20 =	sadd.s32 $0x3A98, s0;
	_ =	swait.ge [sflag:s8], $0xFA00  }
0x118: {  	s20 =	sshrl.u32 s20, $0x3;
	[sflag:s8] =	ssyncset.done $0x0  }
0x119: {  	s20 =	sadd.s32 s29, s20;
	[sflag:s8] =	ssyncadd.s32 $0xFFFF0600  }
0x11a: {  	[tilespmem:s10], [sflag:$0x2] =	stream.linear.gather [hbm4b:s20+s3], $0x3E8, $0x38;
	[tilespmem:$0x1A1D0] =	vst v63  }
0x11b: {  	s21 =	sadd.s32 $0x3A98, s30;
	_ =	swait.ge [sflag:s8], $0x3E8  }
0x11c: {  	s21 =	sshrl.u32 s21, $0x3;
	[sflag:s8] =	ssyncset.done $0x0  }
0x11d: {  	s21 =	sadd.s32 s1, s21;
	[sflag:s8] =	ssyncadd.s32 $0xFFFFFC18  }
0x11e: {  	[tilespmem:s11], [sflag:$0x2] =	stream.linear.gather [hbm4b:s21+s3], $0x3E8, $0x38;
	[tilespmem:$0x1A1D0] =	vst v63  }
0x11f: {  	_ =	swait.ge [sflag:s8], $0x3E8  }
0x120: {  	[sflag:s8] =	ssyncset.done $0x0  }
0x121: {  	[sflag:s8] =	ssyncadd.s32 $0xFFFFFC18  }
0x122: {  	[tilespmem:s13], [sflag:$0x1] =	stream.indirect.gather [hbm4b:s4+s12], $0x40, s10, s12, $0xb8;
	[tilespmem:$0x1A1D0] =	vst v63  }
0x123: {  	_ =	swait.ge [sflag:s14], $0xFA00  }
0x124: {  	[sflag:s14] =	ssyncset.done $0x0  }
0x125: {  	[sflag:s14] =	ssyncadd.s32 $0xFFFF0600  }
0x126: {  	[spmem:s2] =	stream.indirect.scatter.add.f32 [tilespmem:s13], [sflag:$0x2], $0x40, s11, s12, $0xb8;
	[tilespmem:$0x1A1D0] =	vst v63  }
0x127: {  	_ =	swait.ge [sflag:s8], $0xFA00  }
0x128: {  	[sflag:s8] =	ssyncset.done $0x0  }
0x129: {  	s22 =	sadd.s32 $0x7D0, s5;
	[sflag:s8] =	ssyncadd.s32 $0xFFFF0600  }
0x12a: {  	[tilespmem:s10], [sflag:$0x2] =	stream.linear.gather [hbm4b:s22+s3], $0x3E8, $0x38;
	[tilespmem:$0x1A1D0] =	vst v63  }
0x12b: {  	_ =	swait.ge [sflag:s8], $0x3E8  }
0x12c: {  	[sflag:s8] =	ssyncset.done $0x0  }
0x12d: {  	s23 =	sadd.s32 $0x7D0, s6;
	[sflag:s8] =	ssyncadd.s32 $0xFFFFFC18  }
0x12e: {  	[tilespmem:s11], [sflag:$0x2] =	stream.linear.gather [hbm4b:s23+s3], $0x3E8, $0x38;
	[tilespmem:$0x1A1D0] =	vst v63  }
0x12f: {  	_ =	swait.ge [sflag:s8], $0x3E8  }
0x130: {  	[sflag:s8] =	ssyncset.done $0x0  }
0x131: {  	[sflag:s8] =	ssyncadd.s32 $0xFFFFFC18  }
0x132: {  	[tilespmem:s13], [sflag:$0x1] =	stream.indirect.gather [hbm4b:s4+s12], $0x40, s10, s12, $0xb8;
	[tilespmem:$0x1A1D0] =	vst v63  }
0x133: {  	_ =	swait.ge [sflag:s14], $0xFA00  }
0x134: {  	[sflag:s14] =	ssyncset.done $0x0  }
0x135: {  	[sflag:s14] =	ssyncadd.s32 $0xFFFF0600  }
0x136: {  	[spmem:s2] =	stream.indirect.scatter.add.f32 [tilespmem:s13], [sflag:$0x2], $0x40, s11, s12, $0xb8;
	[tilespmem:$0x1A1D0] =	vst v63  }
0x137: {  	s24 =	sadd.s32 $0x4268, s0;
	_ =	swait.ge [sflag:s8], $0xFA00  }
0x138: {  	s24 =	sshrl.u32 s24, $0x3;
	[sflag:s8] =	ssyncset.done $0x0  }
0x139: {  	s24 =	sadd.s32 s29, s24;
	[sflag:s8] =	ssyncadd.s32 $0xFFFF0600  }
0x13a: {  	[tilespmem:s10], [sflag:$0x2] =	stream.linear.gather [hbm4b:s24+s3], $0x3E8, $0x38;
	[tilespmem:$0x1A1D0] =	vst v63  }
0x13b: {  	s25 =	sadd.s32 $0x4268, s30;
	_ =	swait.ge [sflag:s8], $0x3E8  }
0x13c: {  	s25 =	sshrl.u32 s25, $0x3;
	[sflag:s8] =	ssyncset.done $0x0  }
0x13d: {  	s25 =	sadd.s32 s1, s25;
	[sflag:s8] =	ssyncadd.s32 $0xFFFFFC18  }
0x13e: {  	[tilespmem:s11], [sflag:$0x2] =	stream.linear.gather [hbm4b:s25+s3], $0x3E8, $0x38;
	[tilespmem:$0x1A1D0] =	vst v63  }
0x13f: {  	_ =	swait.ge [sflag:s8], $0x3E8  }
0x140: {  	[sflag:s8] =	ssyncset.done $0x0  }
0x141: {  	[sflag:s8] =	ssyncadd.s32 $0xFFFFFC18  }
0x142: {  	[tilespmem:s13], [sflag:$0x1] =	stream.indirect.gather [hbm4b:s4+s12], $0x40, s10, s12, $0xb8;
	[tilespmem:$0x1A1D0] =	vst v63  }
0x143: {  	_ =	swait.ge [sflag:s14], $0xFA00  }
0x144: {  	[sflag:s14] =	ssyncset.done $0x0  }
0x145: {  	[sflag:s14] =	ssyncadd.s32 $0xFFFF0600  }
0x146: {  	[spmem:s2] =	stream.indirect.scatter.add.f32 [tilespmem:s13], [sflag:$0x2], $0x40, s11, s12, $0xb8;
	[tilespmem:$0x1A1D0] =	vst v63  }
0x147: {  	_ =	swait.ge [sflag:s8], $0xFA00  }
0x148: {  	[sflag:s8] =	ssyncset.done $0x0  }
0x149: {  	s26 =	sadd.s32 $0x8CA, s5;
	[sflag:s8] =	ssyncadd.s32 $0xFFFF0600  }
0x14a: {  	[tilespmem:s10], [sflag:$0x2] =	stream.linear.gather [hbm4b:s26+s3], $0x3E8, $0x38;
	[tilespmem:$0x1A1D0] =	vst v63  }
0x14b: {  	_ =	swait.ge [sflag:s8], $0x3E8  }
0x14c: {  	[sflag:s8] =	ssyncset.done $0x0  }
0x14d: {  	s28 =	sadd.s32 $0x8CA, s6;
	[sflag:s8] =	ssyncadd.s32 $0xFFFFFC18  }
0x14e: {  	[tilespmem:s11], [sflag:$0x2] =	stream.linear.gather [hbm4b:s28+s3], $0x3E8, $0x38;
	[tilespmem:$0x1A1D0] =	vst v63  }
0x14f: {  	_ =	swait.ge [sflag:s8], $0x3E8  }
0x150: {  	[sflag:s8] =	ssyncset.done $0x0  }
0x151: {  	[sflag:s8] =	ssyncadd.s32 $0xFFFFFC18  }
0x152: {  	[tilespmem:s13], [sflag:$0x1] =	stream.indirect.gather [hbm4b:s4+s12], $0x40, s10, s12, $0xb8;
	[tilespmem:$0x1A1D0] =	vst v63  }
0x153: {  	_ =	swait.ge [sflag:s14], $0xFA00  }
0x154: {  	[sflag:s14] =	ssyncset.done $0x0  }
0x155: {  	[sflag:s14] =	ssyncadd.s32 $0xFFFF0600  }
0x156: {  	[spmem:s2] =	stream.indirect.scatter.add.f32 [tilespmem:s13], [sflag:$0x2], $0x40, s11, s12, $0xb8;
	[tilespmem:$0x1A1D0] =	vst v63  }
0x157: {  	s0 =	sadd.s32 $0x4A38, s0;
	_ =	swait.ge [sflag:s8], $0xFA00  }
0x158: {  	s0 =	sshrl.u32 s0, $0x3;
	[sflag:s8] =	ssyncset.done $0x0  }
0x159: {  	s29 =	sadd.s32 s29, s0;
	[sflag:s8] =	ssyncadd.s32 $0xFFFF0600  }
0x15a: {  	[tilespmem:s10], [sflag:$0x2] =	stream.linear.gather [hbm4b:s29+s3], $0x3E8, $0x38;
	[tilespmem:$0x1A1D0] =	vst v63  }
0x15b: {  	s0 =	sadd.s32 $0x4A38, s30;
	_ =	swait.ge [sflag:s8], $0x3E8  }
0x15c: {  	s0 =	sshrl.u32 s0, $0x3;
	[sflag:s8] =	ssyncset.done $0x0  }
0x15d: {  	s30 =	sadd.s32 s1, s0;
	[sflag:s8] =	ssyncadd.s32 $0xFFFFFC18  }
0x15e: {  	[tilespmem:s11], [sflag:$0x2] =	stream.linear.gather [hbm4b:s30+s3], $0x3E8, $0x38;
	[tilespmem:$0x1A1D0] =	vst v63  }
0x15f: {  	_ =	swait.ge [sflag:s8], $0x3E8  }
0x160: {  	[sflag:s8] =	ssyncset.done $0x0  }
0x161: {  	[sflag:s8] =	ssyncadd.s32 $0xFFFFFC18  }
0x162: {  	[tilespmem:s13], [sflag:$0x1] =	stream.indirect.gather [hbm4b:s4+s12], $0x40, s10, s12, $0xb8;
	[tilespmem:$0x1A1D0] =	vst v63  }
0x163: {  	_ =	swait.ge [sflag:s14], $0xFA00  }
0x164: {  	s0 =	ssub.s32 $0x2, s31;
	[sflag:s14] =	ssyncset.done $0x0  }
0x165: {  	s1 =	sshrl.u32 s0, $0x1;
	[sflag:s14] =	ssyncadd.s32 $0xFFFF0600  }
0x166: {  	[spmem:s2] =	stream.indirect.scatter.add.f32 [tilespmem:s13], [sflag:$0x2], $0x40, s11, s12, $0xb8;
	[tilespmem:$0x1A1D0] =	vst v63  }
0x167: {  	_ =	swait.ge [sflag:s8], $0xFA00;
	[dreg:$0x1c] =	wrdreg s1  }
0x168: {  	[sflag:s8] =	ssyncset.done $0x0;
	s1 =	rddreg [dreg:$0x1b]  }
0x169: {  	s31 =	rddreg [dreg:$0x0]  }
0x16a: {  	s31 =	sadd.s32 s1, s31;
	s1 =	rddreg [dreg:$0x1c]  }
0x16b: {  	s0 =	ssub.s32 s0, s1  }
0x16c: {  	s0 =	smax.u32 s0, $0x1  }
0x16d: {  	p0 =	sne.s32 s0, $0x1  }
.Ltmp0:
0x16e: {  	_ = 	snop;
	(pc) =	sbr.rel @!p0 .LBB2_2-.Ltmp0, $4  }
0x16f: {  	[sflag:s8] =	ssyncadd.s32 $0xFFFF0600  }
0x170: {  	[bflag:$0x0] =	sbarrier.arrive $0xFFFF;
	s31 =	sadd.s32 $0x51400, s31  }
0x171: {  	[hbm:s31], [sflag:s7] =	dma.local [spmem:s9], $0x1400  }
0x172: {  	s1 =	sadd.s32 $0xFFFFFFFF, s0;
	_ =	swait.ge [sflag:s8], $0x1400  }
.LBB2_1:
0x173: {  	[sflag:s8] =	ssyncset.done $0x0  }
0x174: {  	s0 =	rddreg [dreg:$0x3];
	[sflag:s8] =	ssyncadd.s32 $0xFFFFEC00  }
0x175: {  	[spmem:s9], [sflag:s7] =	dma.local [hbm:s0], $0x1400  }
0x176: {  	_ =	swait.ge [sflag:s8], $0x1400  }
0x177: {  	[sflag:s8] =	ssyncset.done $0x0  }
0x178: {  	[sflag:s8] =	ssyncadd.s32 $0xFFFFEC00  }
0x179: {  	[bflag:$0x0] =	sbarrier.arrive $0xFFFF  }
0x17a: {  	[tilespmem:s10], [sflag:$0x2] =	stream.linear.gather [hbm4b:s5+s3], $0x3E8, $0x38;
	[tilespmem:$0x1A1D0] =	vst v63  }
0x17b: {  	_ =	swait.ge [sflag:s8], $0x3E8  }
0x17c: {  	[sflag:s8] =	ssyncset.done $0x0  }
0x17d: {  	[sflag:s8] =	ssyncadd.s32 $0xFFFFFC18  }
0x17e: {  	[tilespmem:s11], [sflag:$0x2] =	stream.linear.gather [hbm4b:s6+s3], $0x3E8, $0x38;
	[tilespmem:$0x1A1D0] =	vst v63  }
0x17f: {  	_ =	swait.ge [sflag:s8], $0x3E8  }
0x180: {  	[sflag:s8] =	ssyncset.done $0x0  }
0x181: {  	[sflag:s8] =	ssyncadd.s32 $0xFFFFFC18  }
0x182: {  	[tilespmem:s13], [sflag:$0x1] =	stream.indirect.gather [hbm4b:s4+s12], $0x40, s10, s12, $0xb8;
	[tilespmem:$0x1A1D0] =	vst v63  }
0x183: {  	_ =	swait.ge [sflag:s14], $0xFA00  }
0x184: {  	[sflag:s14] =	ssyncset.done $0x0  }
0x185: {  	[sflag:s14] =	ssyncadd.s32 $0xFFFF0600  }
0x186: {  	[spmem:s2] =	stream.indirect.scatter.add.f32 [tilespmem:s13], [sflag:$0x2], $0x40, s11, s12, $0xb8;
	[tilespmem:$0x1A1D0] =	vst v63  }
0x187: {  	_ =	swait.ge [sflag:s8], $0xFA00  }
0x188: {  	[sflag:s8] =	ssyncset.done $0x0  }
0x189: {  	s0 =	rddreg [dreg:$0x4];
	[sflag:s8] =	ssyncadd.s32 $0xFFFF0600  }
0x18a: {  	[tilespmem:s10], [sflag:$0x2] =	stream.linear.gather [hbm4b:s0+s3], $0x3E8, $0x38;
	[tilespmem:$0x1A1D0] =	vst v63  }
0x18b: {  	_ =	swait.ge [sflag:s8], $0x3E8  }
0x18c: {  	[sflag:s8] =	ssyncset.done $0x0  }
0x18d: {  	s0 =	rddreg [dreg:$0x5];
	[sflag:s8] =	ssyncadd.s32 $0xFFFFFC18  }
0x18e: {  	[tilespmem:s11], [sflag:$0x2] =	stream.linear.gather [hbm4b:s0+s3], $0x3E8, $0x38;
	[tilespmem:$0x1A1D0] =	vst v63  }
0x18f: {  	_ =	swait.ge [sflag:s8], $0x3E8  }
0x190: {  	[sflag:s8] =	ssyncset.done $0x0  }
0x191: {  	[sflag:s8] =	ssyncadd.s32 $0xFFFFFC18  }
0x192: {  	[tilespmem:s13], [sflag:$0x1] =	stream.indirect.gather [hbm4b:s4+s12], $0x40, s10, s12, $0xb8;
	[tilespmem:$0x1A1D0] =	vst v63  }
0x193: {  	_ =	swait.ge [sflag:s14], $0xFA00  }
0x194: {  	[sflag:s14] =	ssyncset.done $0x0  }
0x195: {  	[sflag:s14] =	ssyncadd.s32 $0xFFFF0600  }
0x196: {  	[spmem:s2] =	stream.indirect.scatter.add.f32 [tilespmem:s13], [sflag:$0x2], $0x40, s11, s12, $0xb8;
	[tilespmem:$0x1A1D0] =	vst v63  }
0x197: {  	_ =	swait.ge [sflag:s8], $0xFA00  }
0x198: {  	[sflag:s8] =	ssyncset.done $0x0  }
0x199: {  	s0 =	rddreg [dreg:$0x6];
	[sflag:s8] =	ssyncadd.s32 $0xFFFF0600  }
0x19a: {  	[tilespmem:s10], [sflag:$0x2] =	stream.linear.gather [hbm4b:s0+s3], $0x3E8, $0x38;
	[tilespmem:$0x1A1D0] =	vst v63  }
0x19b: {  	_ =	swait.ge [sflag:s8], $0x3E8  }
0x19c: {  	[sflag:s8] =	ssyncset.done $0x0  }
0x19d: {  	s0 =	rddreg [dreg:$0x7];
	[sflag:s8] =	ssyncadd.s32 $0xFFFFFC18  }
0x19e: {  	[tilespmem:s11], [sflag:$0x2] =	stream.linear.gather [hbm4b:s0+s3], $0x3E8, $0x38;
	[tilespmem:$0x1A1D0] =	vst v63  }
0x19f: {  	_ =	swait.ge [sflag:s8], $0x3E8  }
0x1a0: {  	[sflag:s8] =	ssyncset.done $0x0  }
0x1a1: {  	[sflag:s8] =	ssyncadd.s32 $0xFFFFFC18  }
0x1a2: {  	[tilespmem:s13], [sflag:$0x1] =	stream.indirect.gather [hbm4b:s4+s12], $0x40, s10, s12, $0xb8;
	[tilespmem:$0x1A1D0] =	vst v63  }
0x1a3: {  	_ =	swait.ge [sflag:s14], $0xFA00  }
0x1a4: {  	[sflag:s14] =	ssyncset.done $0x0  }
0x1a5: {  	[sflag:s14] =	ssyncadd.s32 $0xFFFF0600  }
0x1a6: {  	[spmem:s2] =	stream.indirect.scatter.add.f32 [tilespmem:s13], [sflag:$0x2], $0x40, s11, s12, $0xb8;
	[tilespmem:$0x1A1D0] =	vst v63  }
0x1a7: {  	_ =	swait.ge [sflag:s8], $0xFA00  }
0x1a8: {  	[sflag:s8] =	ssyncset.done $0x0  }
0x1a9: {  	s0 =	rddreg [dreg:$0x8];
	[sflag:s8] =	ssyncadd.s32 $0xFFFF0600  }
0x1aa: {  	[tilespmem:s10], [sflag:$0x2] =	stream.linear.gather [hbm4b:s0+s3], $0x3E8, $0x38;
	[tilespmem:$0x1A1D0] =	vst v63  }
0x1ab: {  	_ =	swait.ge [sflag:s8], $0x3E8  }
0x1ac: {  	[sflag:s8] =	ssyncset.done $0x0  }
0x1ad: {  	s0 =	rddreg [dreg:$0x9];
	[sflag:s8] =	ssyncadd.s32 $0xFFFFFC18  }
0x1ae: {  	[tilespmem:s11], [sflag:$0x2] =	stream.linear.gather [hbm4b:s0+s3], $0x3E8, $0x38;
	[tilespmem:$0x1A1D0] =	vst v63  }
0x1af: {  	_ =	swait.ge [sflag:s8], $0x3E8  }
0x1b0: {  	[sflag:s8] =	ssyncset.done $0x0  }
0x1b1: {  	[sflag:s8] =	ssyncadd.s32 $0xFFFFFC18  }
0x1b2: {  	[tilespmem:s13], [sflag:$0x1] =	stream.indirect.gather [hbm4b:s4+s12], $0x40, s10, s12, $0xb8;
	[tilespmem:$0x1A1D0] =	vst v63  }
0x1b3: {  	_ =	swait.ge [sflag:s14], $0xFA00  }
0x1b4: {  	[sflag:s14] =	ssyncset.done $0x0  }
0x1b5: {  	[sflag:s14] =	ssyncadd.s32 $0xFFFF0600  }
0x1b6: {  	[spmem:s2] =	stream.indirect.scatter.add.f32 [tilespmem:s13], [sflag:$0x2], $0x40, s11, s12, $0xb8;
	[tilespmem:$0x1A1D0] =	vst v63  }
0x1b7: {  	_ =	swait.ge [sflag:s8], $0xFA00  }
0x1b8: {  	[sflag:s8] =	ssyncset.done $0x0  }
0x1b9: {  	s0 =	rddreg [dreg:$0xa];
	[sflag:s8] =	ssyncadd.s32 $0xFFFF0600  }
0x1ba: {  	[tilespmem:s10], [sflag:$0x2] =	stream.linear.gather [hbm4b:s0+s3], $0x3E8, $0x38;
	[tilespmem:$0x1A1D0] =	vst v63  }
0x1bb: {  	_ =	swait.ge [sflag:s8], $0x3E8  }
0x1bc: {  	[sflag:s8] =	ssyncset.done $0x0  }
0x1bd: {  	s0 =	rddreg [dreg:$0xb];
	[sflag:s8] =	ssyncadd.s32 $0xFFFFFC18  }
0x1be: {  	[tilespmem:s11], [sflag:$0x2] =	stream.linear.gather [hbm4b:s0+s3], $0x3E8, $0x38;
	[tilespmem:$0x1A1D0] =	vst v63  }
0x1bf: {  	_ =	swait.ge [sflag:s8], $0x3E8  }
0x1c0: {  	[sflag:s8] =	ssyncset.done $0x0  }
0x1c1: {  	[sflag:s8] =	ssyncadd.s32 $0xFFFFFC18  }
0x1c2: {  	[tilespmem:s13], [sflag:$0x1] =	stream.indirect.gather [hbm4b:s4+s12], $0x40, s10, s12, $0xb8;
	[tilespmem:$0x1A1D0] =	vst v63  }
0x1c3: {  	_ =	swait.ge [sflag:s14], $0xFA00  }
0x1c4: {  	[sflag:s14] =	ssyncset.done $0x0  }
0x1c5: {  	[sflag:s14] =	ssyncadd.s32 $0xFFFF0600  }
0x1c6: {  	[spmem:s2] =	stream.indirect.scatter.add.f32 [tilespmem:s13], [sflag:$0x2], $0x40, s11, s12, $0xb8;
	[tilespmem:$0x1A1D0] =	vst v63  }
0x1c7: {  	_ =	swait.ge [sflag:s8], $0xFA00  }
0x1c8: {  	[sflag:s8] =	ssyncset.done $0x0  }
0x1c9: {  	s0 =	rddreg [dreg:$0xc];
	[sflag:s8] =	ssyncadd.s32 $0xFFFF0600  }
0x1ca: {  	[tilespmem:s10], [sflag:$0x2] =	stream.linear.gather [hbm4b:s0+s3], $0x3E8, $0x38;
	[tilespmem:$0x1A1D0] =	vst v63  }
0x1cb: {  	_ =	swait.ge [sflag:s8], $0x3E8  }
0x1cc: {  	[sflag:s8] =	ssyncset.done $0x0  }
0x1cd: {  	s0 =	rddreg [dreg:$0xd];
	[sflag:s8] =	ssyncadd.s32 $0xFFFFFC18  }
0x1ce: {  	[tilespmem:s11], [sflag:$0x2] =	stream.linear.gather [hbm4b:s0+s3], $0x3E8, $0x38;
	[tilespmem:$0x1A1D0] =	vst v63  }
0x1cf: {  	_ =	swait.ge [sflag:s8], $0x3E8  }
0x1d0: {  	[sflag:s8] =	ssyncset.done $0x0  }
0x1d1: {  	[sflag:s8] =	ssyncadd.s32 $0xFFFFFC18  }
0x1d2: {  	[tilespmem:s13], [sflag:$0x1] =	stream.indirect.gather [hbm4b:s4+s12], $0x40, s10, s12, $0xb8;
	[tilespmem:$0x1A1D0] =	vst v63  }
0x1d3: {  	_ =	swait.ge [sflag:s14], $0xFA00  }
0x1d4: {  	[sflag:s14] =	ssyncset.done $0x0  }
0x1d5: {  	[sflag:s14] =	ssyncadd.s32 $0xFFFF0600  }
0x1d6: {  	[spmem:s2] =	stream.indirect.scatter.add.f32 [tilespmem:s13], [sflag:$0x2], $0x40, s11, s12, $0xb8;
	[tilespmem:$0x1A1D0] =	vst v63  }
0x1d7: {  	_ =	swait.ge [sflag:s8], $0xFA00  }
0x1d8: {  	[sflag:s8] =	ssyncset.done $0x0  }
0x1d9: {  	s0 =	rddreg [dreg:$0xe];
	[sflag:s8] =	ssyncadd.s32 $0xFFFF0600  }
0x1da: {  	[tilespmem:s10], [sflag:$0x2] =	stream.linear.gather [hbm4b:s0+s3], $0x3E8, $0x38;
	[tilespmem:$0x1A1D0] =	vst v63  }
0x1db: {  	_ =	swait.ge [sflag:s8], $0x3E8  }
0x1dc: {  	[sflag:s8] =	ssyncset.done $0x0  }
0x1dd: {  	s0 =	rddreg [dreg:$0xf];
	[sflag:s8] =	ssyncadd.s32 $0xFFFFFC18  }
0x1de: {  	[tilespmem:s11], [sflag:$0x2] =	stream.linear.gather [hbm4b:s0+s3], $0x3E8, $0x38;
	[tilespmem:$0x1A1D0] =	vst v63  }
0x1df: {  	_ =	swait.ge [sflag:s8], $0x3E8  }
0x1e0: {  	[sflag:s8] =	ssyncset.done $0x0  }
0x1e1: {  	[sflag:s8] =	ssyncadd.s32 $0xFFFFFC18  }
0x1e2: {  	[tilespmem:s13], [sflag:$0x1] =	stream.indirect.gather [hbm4b:s4+s12], $0x40, s10, s12, $0xb8;
	[tilespmem:$0x1A1D0] =	vst v63  }
0x1e3: {  	_ =	swait.ge [sflag:s14], $0xFA00  }
0x1e4: {  	[sflag:s14] =	ssyncset.done $0x0  }
0x1e5: {  	[sflag:s14] =	ssyncadd.s32 $0xFFFF0600  }
0x1e6: {  	[spmem:s2] =	stream.indirect.scatter.add.f32 [tilespmem:s13], [sflag:$0x2], $0x40, s11, s12, $0xb8;
	[tilespmem:$0x1A1D0] =	vst v63  }
0x1e7: {  	_ =	swait.ge [sflag:s8], $0xFA00  }
0x1e8: {  	[sflag:s8] =	ssyncset.done $0x0  }
0x1e9: {  	s0 =	rddreg [dreg:$0x10];
	[sflag:s8] =	ssyncadd.s32 $0xFFFF0600  }
0x1ea: {  	[tilespmem:s10], [sflag:$0x2] =	stream.linear.gather [hbm4b:s0+s3], $0x3E8, $0x38;
	[tilespmem:$0x1A1D0] =	vst v63  }
0x1eb: {  	_ =	swait.ge [sflag:s8], $0x3E8  }
0x1ec: {  	[sflag:s8] =	ssyncset.done $0x0  }
0x1ed: {  	s0 =	rddreg [dreg:$0x11];
	[sflag:s8] =	ssyncadd.s32 $0xFFFFFC18  }
0x1ee: {  	[tilespmem:s11], [sflag:$0x2] =	stream.linear.gather [hbm4b:s0+s3], $0x3E8, $0x38;
	[tilespmem:$0x1A1D0] =	vst v63  }
0x1ef: {  	_ =	swait.ge [sflag:s8], $0x3E8  }
0x1f0: {  	[sflag:s8] =	ssyncset.done $0x0  }
0x1f1: {  	[sflag:s8] =	ssyncadd.s32 $0xFFFFFC18  }
0x1f2: {  	[tilespmem:s13], [sflag:$0x1] =	stream.indirect.gather [hbm4b:s4+s12], $0x40, s10, s12, $0xb8;
	[tilespmem:$0x1A1D0] =	vst v63  }
0x1f3: {  	_ =	swait.ge [sflag:s14], $0xFA00  }
0x1f4: {  	[sflag:s14] =	ssyncset.done $0x0  }
0x1f5: {  	[sflag:s14] =	ssyncadd.s32 $0xFFFF0600  }
0x1f6: {  	[spmem:s2] =	stream.indirect.scatter.add.f32 [tilespmem:s13], [sflag:$0x2], $0x40, s11, s12, $0xb8;
	[tilespmem:$0x1A1D0] =	vst v63  }
0x1f7: {  	_ =	swait.ge [sflag:s8], $0xFA00  }
0x1f8: {  	[sflag:s8] =	ssyncset.done $0x0  }
0x1f9: {  	s0 =	rddreg [dreg:$0x12];
	[sflag:s8] =	ssyncadd.s32 $0xFFFF0600  }
0x1fa: {  	[tilespmem:s10], [sflag:$0x2] =	stream.linear.gather [hbm4b:s0+s3], $0x3E8, $0x38;
	[tilespmem:$0x1A1D0] =	vst v63  }
0x1fb: {  	_ =	swait.ge [sflag:s8], $0x3E8  }
0x1fc: {  	[sflag:s8] =	ssyncset.done $0x0  }
0x1fd: {  	s0 =	rddreg [dreg:$0x13];
	[sflag:s8] =	ssyncadd.s32 $0xFFFFFC18  }
0x1fe: {  	[tilespmem:s11], [sflag:$0x2] =	stream.linear.gather [hbm4b:s0+s3], $0x3E8, $0x38;
	[tilespmem:$0x1A1D0] =	vst v63  }
0x1ff: {  	_ =	swait.ge [sflag:s8], $0x3E8  }
0x200: {  	[sflag:s8] =	ssyncset.done $0x0  }
0x201: {  	[sflag:s8] =	ssyncadd.s32 $0xFFFFFC18  }
0x202: {  	[tilespmem:s13], [sflag:$0x1] =	stream.indirect.gather [hbm4b:s4+s12], $0x40, s10, s12, $0xb8;
	[tilespmem:$0x1A1D0] =	vst v63  }
0x203: {  	_ =	swait.ge [sflag:s14], $0xFA00  }
0x204: {  	[sflag:s14] =	ssyncset.done $0x0  }
0x205: {  	[sflag:s14] =	ssyncadd.s32 $0xFFFF0600  }
0x206: {  	[spmem:s2] =	stream.indirect.scatter.add.f32 [tilespmem:s13], [sflag:$0x2], $0x40, s11, s12, $0xb8;
	[tilespmem:$0x1A1D0] =	vst v63  }
0x207: {  	_ =	swait.ge [sflag:s8], $0xFA00  }
0x208: {  	[sflag:s8] =	ssyncset.done $0x0  }
0x209: {  	s0 =	rddreg [dreg:$0x14];
	[sflag:s8] =	ssyncadd.s32 $0xFFFF0600  }
0x20a: {  	[tilespmem:s10], [sflag:$0x2] =	stream.linear.gather [hbm4b:s0+s3], $0x3E8, $0x38;
	[tilespmem:$0x1A1D0] =	vst v63  }
0x20b: {  	_ =	swait.ge [sflag:s8], $0x3E8  }
0x20c: {  	[sflag:s8] =	ssyncset.done $0x0  }
0x20d: {  	s0 =	rddreg [dreg:$0x15];
	[sflag:s8] =	ssyncadd.s32 $0xFFFFFC18  }
0x20e: {  	[tilespmem:s11], [sflag:$0x2] =	stream.linear.gather [hbm4b:s0+s3], $0x3E8, $0x38;
	[tilespmem:$0x1A1D0] =	vst v63  }
0x20f: {  	_ =	swait.ge [sflag:s8], $0x3E8  }
0x210: {  	[sflag:s8] =	ssyncset.done $0x0  }
0x211: {  	[sflag:s8] =	ssyncadd.s32 $0xFFFFFC18  }
0x212: {  	[tilespmem:s13], [sflag:$0x1] =	stream.indirect.gather [hbm4b:s4+s12], $0x40, s10, s12, $0xb8;
	[tilespmem:$0x1A1D0] =	vst v63  }
0x213: {  	_ =	swait.ge [sflag:s14], $0xFA00  }
0x214: {  	[sflag:s14] =	ssyncset.done $0x0  }
0x215: {  	[sflag:s14] =	ssyncadd.s32 $0xFFFF0600  }
0x216: {  	[spmem:s2] =	stream.indirect.scatter.add.f32 [tilespmem:s13], [sflag:$0x2], $0x40, s11, s12, $0xb8;
	[tilespmem:$0x1A1D0] =	vst v63  }
0x217: {  	_ =	swait.ge [sflag:s8], $0xFA00  }
0x218: {  	[sflag:s8] =	ssyncset.done $0x0  }
0x219: {  	s0 =	rddreg [dreg:$0x16];
	[sflag:s8] =	ssyncadd.s32 $0xFFFF0600  }
0x21a: {  	[tilespmem:s10], [sflag:$0x2] =	stream.linear.gather [hbm4b:s0+s3], $0x3E8, $0x38;
	[tilespmem:$0x1A1D0] =	vst v63  }
0x21b: {  	_ =	swait.ge [sflag:s8], $0x3E8  }
0x21c: {  	[sflag:s8] =	ssyncset.done $0x0  }
0x21d: {  	s0 =	rddreg [dreg:$0x17];
	[sflag:s8] =	ssyncadd.s32 $0xFFFFFC18  }
0x21e: {  	[tilespmem:s11], [sflag:$0x2] =	stream.linear.gather [hbm4b:s0+s3], $0x3E8, $0x38;
	[tilespmem:$0x1A1D0] =	vst v63  }
0x21f: {  	_ =	swait.ge [sflag:s8], $0x3E8  }
0x220: {  	[sflag:s8] =	ssyncset.done $0x0  }
0x221: {  	[sflag:s8] =	ssyncadd.s32 $0xFFFFFC18  }
0x222: {  	[tilespmem:s13], [sflag:$0x1] =	stream.indirect.gather [hbm4b:s4+s12], $0x40, s10, s12, $0xb8;
	[tilespmem:$0x1A1D0] =	vst v63  }
0x223: {  	_ =	swait.ge [sflag:s14], $0xFA00  }
0x224: {  	[sflag:s14] =	ssyncset.done $0x0  }
0x225: {  	[sflag:s14] =	ssyncadd.s32 $0xFFFF0600  }
0x226: {  	[spmem:s2] =	stream.indirect.scatter.add.f32 [tilespmem:s13], [sflag:$0x2], $0x40, s11, s12, $0xb8;
	[tilespmem:$0x1A1D0] =	vst v63  }
0x227: {  	_ =	swait.ge [sflag:s8], $0xFA00  }
0x228: {  	[sflag:s8] =	ssyncset.done $0x0  }
0x229: {  	s0 =	rddreg [dreg:$0x18];
	[sflag:s8] =	ssyncadd.s32 $0xFFFF0600  }
0x22a: {  	[tilespmem:s10], [sflag:$0x2] =	stream.linear.gather [hbm4b:s0+s3], $0x3E8, $0x38;
	[tilespmem:$0x1A1D0] =	vst v63  }
0x22b: {  	_ =	swait.ge [sflag:s8], $0x3E8  }
0x22c: {  	[sflag:s8] =	ssyncset.done $0x0  }
0x22d: {  	s0 =	rddreg [dreg:$0x19];
	[sflag:s8] =	ssyncadd.s32 $0xFFFFFC18  }
0x22e: {  	[tilespmem:s11], [sflag:$0x2] =	stream.linear.gather [hbm4b:s0+s3], $0x3E8, $0x38;
	[tilespmem:$0x1A1D0] =	vst v63  }
0x22f: {  	_ =	swait.ge [sflag:s8], $0x3E8  }
0x230: {  	[sflag:s8] =	ssyncset.done $0x0  }
0x231: {  	[sflag:s8] =	ssyncadd.s32 $0xFFFFFC18  }
0x232: {  	[tilespmem:s13], [sflag:$0x1] =	stream.indirect.gather [hbm4b:s4+s12], $0x40, s10, s12, $0xb8;
	[tilespmem:$0x1A1D0] =	vst v63  }
0x233: {  	_ =	swait.ge [sflag:s14], $0xFA00  }
0x234: {  	[sflag:s14] =	ssyncset.done $0x0  }
0x235: {  	[sflag:s14] =	ssyncadd.s32 $0xFFFF0600  }
0x236: {  	[spmem:s2] =	stream.indirect.scatter.add.f32 [tilespmem:s13], [sflag:$0x2], $0x40, s11, s12, $0xb8;
	[tilespmem:$0x1A1D0] =	vst v63  }
0x237: {  	_ =	swait.ge [sflag:s8], $0xFA00  }
0x238: {  	[sflag:s8] =	ssyncset.done $0x0  }
0x239: {  	s0 =	rddreg [dreg:$0x1a];
	[sflag:s8] =	ssyncadd.s32 $0xFFFF0600  }
0x23a: {  	[tilespmem:s10], [sflag:$0x2] =	stream.linear.gather [hbm4b:s0+s3], $0x3E8, $0x38;
	[tilespmem:$0x1A1D0] =	vst v63  }
0x23b: {  	_ =	swait.ge [sflag:s8], $0x3E8  }
0x23c: {  	[sflag:s8] =	ssyncset.done $0x0  }
0x23d: {  	[sflag:s8] =	ssyncadd.s32 $0xFFFFFC18  }
0x23e: {  	[tilespmem:s11], [sflag:$0x2] =	stream.linear.gather [hbm4b:s15+s3], $0x3E8, $0x38;
	[tilespmem:$0x1A1D0] =	vst v63  }
0x23f: {  	_ =	swait.ge [sflag:s8], $0x3E8  }
0x240: {  	[sflag:s8] =	ssyncset.done $0x0  }
0x241: {  	[sflag:s8] =	ssyncadd.s32 $0xFFFFFC18  }
0x242: {  	[tilespmem:s13], [sflag:$0x1] =	stream.indirect.gather [hbm4b:s4+s12], $0x40, s10, s12, $0xb8;
	[tilespmem:$0x1A1D0] =	vst v63  }
0x243: {  	_ =	swait.ge [sflag:s14], $0xFA00  }
0x244: {  	[sflag:s14] =	ssyncset.done $0x0  }
0x245: {  	[sflag:s14] =	ssyncadd.s32 $0xFFFF0600  }
0x246: {  	[spmem:s2] =	stream.indirect.scatter.add.f32 [tilespmem:s13], [sflag:$0x2], $0x40, s11, s12, $0xb8;
	[tilespmem:$0x1A1D0] =	vst v63  }
0x247: {  	_ =	swait.ge [sflag:s8], $0xFA00  }
0x248: {  	[sflag:s8] =	ssyncset.done $0x0  }
0x249: {  	[sflag:s8] =	ssyncadd.s32 $0xFFFF0600  }
0x24a: {  	[tilespmem:s10], [sflag:$0x2] =	stream.linear.gather [hbm4b:s16+s3], $0x3E8, $0x38;
	[tilespmem:$0x1A1D0] =	vst v63  }
0x24b: {  	_ =	swait.ge [sflag:s8], $0x3E8  }
0x24c: {  	[sflag:s8] =	ssyncset.done $0x0  }
0x24d: {  	[sflag:s8] =	ssyncadd.s32 $0xFFFFFC18  }
0x24e: {  	[tilespmem:s11], [sflag:$0x2] =	stream.linear.gather [hbm4b:s17+s3], $0x3E8, $0x38;
	[tilespmem:$0x1A1D0] =	vst v63  }
0x24f: {  	_ =	swait.ge [sflag:s8], $0x3E8  }
0x250: {  	[sflag:s8] =	ssyncset.done $0x0  }
0x251: {  	[sflag:s8] =	ssyncadd.s32 $0xFFFFFC18  }
0x252: {  	[tilespmem:s13], [sflag:$0x1] =	stream.indirect.gather [hbm4b:s4+s12], $0x40, s10, s12, $0xb8;
	[tilespmem:$0x1A1D0] =	vst v63  }
0x253: {  	_ =	swait.ge [sflag:s14], $0xFA00  }
0x254: {  	[sflag:s14] =	ssyncset.done $0x0  }
0x255: {  	[sflag:s14] =	ssyncadd.s32 $0xFFFF0600  }
0x256: {  	[spmem:s2] =	stream.indirect.scatter.add.f32 [tilespmem:s13], [sflag:$0x2], $0x40, s11, s12, $0xb8;
	[tilespmem:$0x1A1D0] =	vst v63  }
0x257: {  	_ =	swait.ge [sflag:s8], $0xFA00  }
0x258: {  	[sflag:s8] =	ssyncset.done $0x0  }
0x259: {  	[sflag:s8] =	ssyncadd.s32 $0xFFFF0600  }
0x25a: {  	[tilespmem:s10], [sflag:$0x2] =	stream.linear.gather [hbm4b:s18+s3], $0x3E8, $0x38;
	[tilespmem:$0x1A1D0] =	vst v63  }
0x25b: {  	_ =	swait.ge [sflag:s8], $0x3E8  }
0x25c: {  	[sflag:s8] =	ssyncset.done $0x0  }
0x25d: {  	[sflag:s8] =	ssyncadd.s32 $0xFFFFFC18  }
0x25e: {  	[tilespmem:s11], [sflag:$0x2] =	stream.linear.gather [hbm4b:s19+s3], $0x3E8, $0x38;
	[tilespmem:$0x1A1D0] =	vst v63  }
0x25f: {  	_ =	swait.ge [sflag:s8], $0x3E8  }
0x260: {  	[sflag:s8] =	ssyncset.done $0x0  }
0x261: {  	[sflag:s8] =	ssyncadd.s32 $0xFFFFFC18  }
0x262: {  	[tilespmem:s13], [sflag:$0x1] =	stream.indirect.gather [hbm4b:s4+s12], $0x40, s10, s12, $0xb8;
	[tilespmem:$0x1A1D0] =	vst v63  }
0x263: {  	_ =	swait.ge [sflag:s14], $0xFA00  }
0x264: {  	[sflag:s14] =	ssyncset.done $0x0  }
0x265: {  	[sflag:s14] =	ssyncadd.s32 $0xFFFF0600  }
0x266: {  	[spmem:s2] =	stream.indirect.scatter.add.f32 [tilespmem:s13], [sflag:$0x2], $0x40, s11, s12, $0xb8;
	[tilespmem:$0x1A1D0] =	vst v63  }
0x267: {  	_ =	swait.ge [sflag:s8], $0xFA00  }
0x268: {  	[sflag:s8] =	ssyncset.done $0x0  }
0x269: {  	[sflag:s8] =	ssyncadd.s32 $0xFFFF0600  }
0x26a: {  	[tilespmem:s10], [sflag:$0x2] =	stream.linear.gather [hbm4b:s20+s3], $0x3E8, $0x38;
	[tilespmem:$0x1A1D0] =	vst v63  }
0x26b: {  	_ =	swait.ge [sflag:s8], $0x3E8  }
0x26c: {  	[sflag:s8] =	ssyncset.done $0x0  }
0x26d: {  	[sflag:s8] =	ssyncadd.s32 $0xFFFFFC18  }
0x26e: {  	[tilespmem:s11], [sflag:$0x2] =	stream.linear.gather [hbm4b:s21+s3], $0x3E8, $0x38;
	[tilespmem:$0x1A1D0] =	vst v63  }
0x26f: {  	_ =	swait.ge [sflag:s8], $0x3E8  }
0x270: {  	[sflag:s8] =	ssyncset.done $0x0  }
0x271: {  	[sflag:s8] =	ssyncadd.s32 $0xFFFFFC18  }
0x272: {  	[tilespmem:s13], [sflag:$0x1] =	stream.indirect.gather [hbm4b:s4+s12], $0x40, s10, s12, $0xb8;
	[tilespmem:$0x1A1D0] =	vst v63  }
0x273: {  	_ =	swait.ge [sflag:s14], $0xFA00  }
0x274: {  	[sflag:s14] =	ssyncset.done $0x0  }
0x275: {  	[sflag:s14] =	ssyncadd.s32 $0xFFFF0600  }
0x276: {  	[spmem:s2] =	stream.indirect.scatter.add.f32 [tilespmem:s13], [sflag:$0x2], $0x40, s11, s12, $0xb8;
	[tilespmem:$0x1A1D0] =	vst v63  }
0x277: {  	_ =	swait.ge [sflag:s8], $0xFA00  }
0x278: {  	[sflag:s8] =	ssyncset.done $0x0  }
0x279: {  	[sflag:s8] =	ssyncadd.s32 $0xFFFF0600  }
0x27a: {  	[tilespmem:s10], [sflag:$0x2] =	stream.linear.gather [hbm4b:s22+s3], $0x3E8, $0x38;
	[tilespmem:$0x1A1D0] =	vst v63  }
0x27b: {  	_ =	swait.ge [sflag:s8], $0x3E8  }
0x27c: {  	[sflag:s8] =	ssyncset.done $0x0  }
0x27d: {  	[sflag:s8] =	ssyncadd.s32 $0xFFFFFC18  }
0x27e: {  	[tilespmem:s11], [sflag:$0x2] =	stream.linear.gather [hbm4b:s23+s3], $0x3E8, $0x38;
	[tilespmem:$0x1A1D0] =	vst v63  }
0x27f: {  	_ =	swait.ge [sflag:s8], $0x3E8  }
0x280: {  	[sflag:s8] =	ssyncset.done $0x0  }
0x281: {  	[sflag:s8] =	ssyncadd.s32 $0xFFFFFC18  }
0x282: {  	[tilespmem:s13], [sflag:$0x1] =	stream.indirect.gather [hbm4b:s4+s12], $0x40, s10, s12, $0xb8;
	[tilespmem:$0x1A1D0] =	vst v63  }
0x283: {  	_ =	swait.ge [sflag:s14], $0xFA00  }
0x284: {  	[sflag:s14] =	ssyncset.done $0x0  }
0x285: {  	[sflag:s14] =	ssyncadd.s32 $0xFFFF0600  }
0x286: {  	[spmem:s2] =	stream.indirect.scatter.add.f32 [tilespmem:s13], [sflag:$0x2], $0x40, s11, s12, $0xb8;
	[tilespmem:$0x1A1D0] =	vst v63  }
0x287: {  	_ =	swait.ge [sflag:s8], $0xFA00  }
0x288: {  	[sflag:s8] =	ssyncset.done $0x0  }
0x289: {  	[sflag:s8] =	ssyncadd.s32 $0xFFFF0600  }
0x28a: {  	[tilespmem:s10], [sflag:$0x2] =	stream.linear.gather [hbm4b:s24+s3], $0x3E8, $0x38;
	[tilespmem:$0x1A1D0] =	vst v63  }
0x28b: {  	_ =	swait.ge [sflag:s8], $0x3E8  }
0x28c: {  	[sflag:s8] =	ssyncset.done $0x0  }
0x28d: {  	[sflag:s8] =	ssyncadd.s32 $0xFFFFFC18  }
0x28e: {  	[tilespmem:s11], [sflag:$0x2] =	stream.linear.gather [hbm4b:s25+s3], $0x3E8, $0x38;
	[tilespmem:$0x1A1D0] =	vst v63  }
0x28f: {  	_ =	swait.ge [sflag:s8], $0x3E8  }
0x290: {  	[sflag:s8] =	ssyncset.done $0x0  }
0x291: {  	[sflag:s8] =	ssyncadd.s32 $0xFFFFFC18  }
0x292: {  	[tilespmem:s13], [sflag:$0x1] =	stream.indirect.gather [hbm4b:s4+s12], $0x40, s10, s12, $0xb8;
	[tilespmem:$0x1A1D0] =	vst v63  }
0x293: {  	_ =	swait.ge [sflag:s14], $0xFA00  }
0x294: {  	[sflag:s14] =	ssyncset.done $0x0  }
0x295: {  	[sflag:s14] =	ssyncadd.s32 $0xFFFF0600  }
0x296: {  	[spmem:s2] =	stream.indirect.scatter.add.f32 [tilespmem:s13], [sflag:$0x2], $0x40, s11, s12, $0xb8;
	[tilespmem:$0x1A1D0] =	vst v63  }
0x297: {  	_ =	swait.ge [sflag:s8], $0xFA00  }
0x298: {  	[sflag:s8] =	ssyncset.done $0x0  }
0x299: {  	[sflag:s8] =	ssyncadd.s32 $0xFFFF0600  }
0x29a: {  	[tilespmem:s10], [sflag:$0x2] =	stream.linear.gather [hbm4b:s26+s3], $0x3E8, $0x38;
	[tilespmem:$0x1A1D0] =	vst v63  }
0x29b: {  	_ =	swait.ge [sflag:s8], $0x3E8  }
0x29c: {  	[sflag:s8] =	ssyncset.done $0x0  }
0x29d: {  	[sflag:s8] =	ssyncadd.s32 $0xFFFFFC18  }
0x29e: {  	[tilespmem:s11], [sflag:$0x2] =	stream.linear.gather [hbm4b:s28+s3], $0x3E8, $0x38;
	[tilespmem:$0x1A1D0] =	vst v63  }
0x29f: {  	_ =	swait.ge [sflag:s8], $0x3E8  }
0x2a0: {  	[sflag:s8] =	ssyncset.done $0x0  }
0x2a1: {  	[sflag:s8] =	ssyncadd.s32 $0xFFFFFC18  }
0x2a2: {  	[tilespmem:s13], [sflag:$0x1] =	stream.indirect.gather [hbm4b:s4+s12], $0x40, s10, s12, $0xb8;
	[tilespmem:$0x1A1D0] =	vst v63  }
0x2a3: {  	_ =	swait.ge [sflag:s14], $0xFA00  }
0x2a4: {  	[sflag:s14] =	ssyncset.done $0x0  }
0x2a5: {  	[sflag:s14] =	ssyncadd.s32 $0xFFFF0600  }
0x2a6: {  	[spmem:s2] =	stream.indirect.scatter.add.f32 [tilespmem:s13], [sflag:$0x2], $0x40, s11, s12, $0xb8;
	[tilespmem:$0x1A1D0] =	vst v63  }
0x2a7: {  	_ =	swait.ge [sflag:s8], $0xFA00  }
0x2a8: {  	[sflag:s8] =	ssyncset.done $0x0  }
0x2a9: {  	[sflag:s8] =	ssyncadd.s32 $0xFFFF0600  }
0x2aa: {  	[tilespmem:s10], [sflag:$0x2] =	stream.linear.gather [hbm4b:s29+s3], $0x3E8, $0x38;
	[tilespmem:$0x1A1D0] =	vst v63  }
0x2ab: {  	_ =	swait.ge [sflag:s8], $0x3E8  }
0x2ac: {  	[sflag:s8] =	ssyncset.done $0x0  }
0x2ad: {  	[sflag:s8] =	ssyncadd.s32 $0xFFFFFC18  }
0x2ae: {  	[tilespmem:s11], [sflag:$0x2] =	stream.linear.gather [hbm4b:s30+s3], $0x3E8, $0x38;
	[tilespmem:$0x1A1D0] =	vst v63  }
0x2af: {  	_ =	swait.ge [sflag:s8], $0x3E8  }
0x2b0: {  	[sflag:s8] =	ssyncset.done $0x0  }
0x2b1: {  	[sflag:s8] =	ssyncadd.s32 $0xFFFFFC18  }
0x2b2: {  	[tilespmem:s13], [sflag:$0x1] =	stream.indirect.gather [hbm4b:s4+s12], $0x40, s10, s12, $0xb8;
	[tilespmem:$0x1A1D0] =	vst v63  }
0x2b3: {  	_ =	swait.ge [sflag:s14], $0xFA00  }
0x2b4: {  	[sflag:s14] =	ssyncset.done $0x0  }
0x2b5: {  	[sflag:s14] =	ssyncadd.s32 $0xFFFF0600  }
0x2b6: {  	[spmem:s2] =	stream.indirect.scatter.add.f32 [tilespmem:s13], [sflag:$0x2], $0x40, s11, s12, $0xb8;
	[tilespmem:$0x1A1D0] =	vst v63  }
0x2b7: {  	p0 =	sne.s32 s1, $0x1;
	_ =	swait.ge [sflag:s8], $0xFA00  }
.Ltmp1:
0x2b8: {  	[sflag:s8] =	ssyncset.done $0x0;
	(pc) =	sbr.rel @p0 .LBB2_1-.Ltmp1, $4  }
0x2b9: {  	[sflag:s8] =	ssyncadd.s32 $0xFFFF0600  }
0x2ba: {  	[bflag:$0x0] =	sbarrier.arrive $0xFFFF  }
0x2bb: {  	[hbm:s31], [sflag:s7] =	dma.local [spmem:s9], $0x1400  }
0x2bc: {  	s1 =	sadd.s32 $0xFFFFFFFF, s1;
	_ =	swait.ge [sflag:s8], $0x1400  }
.LBB2_2:
0x2bd: {  	[sflag:s8] =	ssyncset.done $0x0  }
0x2be: {  	[sflag:s8] =	ssyncadd.s32 $0xFFFFEC00  }
0x2bf: {  	_ =	sfence.sel $0x180000  }
0x2c0: {  	[bflag:$0x0] =	sbarrier.arrive $0xFFFF  }
0x2c1: {  	_ =	strace $0x9000004D  }
0x2c2: {  	s0 =	stileid.u32;
	[bflag:$0x2] =	sbarrier.arrive $0xFFFF  }
0x2c3: {  	p0 =	sne.s32 s0, $0x0;
	s0 =	rddreg [dreg:$0x2]  }
0x2c4: {  	s0 =	sadd.s32 @!p0 $0x100000, s0  }
0x2c5: {  	[sflag:s0] =	ssyncadd.tile.s32 @!p0 $0x1;
	_ =	shalt  }
.Lfunc_end2:
_tile_overlayer_lowered:
.L_overlay_start_2:
0x2c6: {  	(tag) =	ssettag $0x2  }
0x2c7: {  	s0 =	rddreg [dreg:$0x0];
	s2 =	stileid.u32  }
0x2c8: {  	s1 =	rddreg [dreg:$0x1];
	p0 =	sne.s32 s2, $0x0  }
0x2c9: {  	s3 =	rddreg [dreg:$0x2];
	[bflag:$0x3] =	sbarrier.arrive $0xFFFF;
	s2 =	simm.s32 @!p0 $0x1C02  }
0x2ca: {  	[timem:s3], [sflag:s2] =	dma.local @!p0 [hbm:s0], s1  }
0x2cb: {  	s0 =	simm.s32 @!p0 $0x2  }
0x2cc: {  	_ =	swait.ge @!p0 [sflag:s0], s1  }
0x2cd: {  	s1 =	ssub.s32 @!p0 $0x0, s1;
	[sflag:s0] =	ssyncset.done @!p0 $0x0  }
0x2ce: {  	[sflag:s0] =	ssyncadd.s32 @!p0 s1  }
0x2cf: {  	[bflag:$0x3] =	sbarrier.arrive $0xFFFF  }
0x2d0: {  	_ =	shalt  }

// kernel: kernel.8.cloned.1.call-start
scs
__scs_entry_jumppad:
0x0: {  	(pc) =	sbr.rel $0x88, $3  }
0x1: {  	(tag) =	ssettag $0x0;
	lr =	simm.s32 $0x1  }
0x2: {  	[smem:$0x3F98] =	sst lr;
	_ =	strace $0xD0000000  }
0x3: {  	_ = 	snop  }
0x4: {  	_ = 	snop  }
0x5: {  	_ = 	snop  }
0x6: {  	_ = 	snop  }
0x7: {  	_ = 	snop  }
__scs_overlays_trampoline_lowered:
0x8: {  	[smem:$0x3FA7] =	sst s0  }
0x9: {  	[smem:$0x3FA8] =	sst s1  }
0xa: {  	[smem:$0x3FA9] =	sst s2  }
0xb: {  	[smem:$0x3FAA] =	sst s3  }
0xc: {  	[smem:$0x3FAB] =	sst s4  }
0xd: {  	[smem:$0x3FAC] =	sst s5  }
0xe: {  	[smem:$0x3FAD] =	sst s6  }
0xf: {  	[smem:$0x3FAE] =	sst s7  }
0x10: {  	[smem:$0x3FAF] =	sst s8  }
0x11: {  	[smem:$0x3FB0] =	sst s9;
	s0 =	simm.s32 @!p0 $0x0  }
0x12: {  	s1 =	sld [smem:$0x3F96];
	s0 =	simm.s32 @p0 $0x1  }
0x13: {  	[smem:$0x3FB1] =	sst s0;
	s0 =	simm.s32 @!p1 $0x0  }
0x14: {  	s2 =	sld [smem:$0x3F95];
	s0 =	simm.s32 @p1 $0x1  }
0x15: {  	[smem:$0x3FB2] =	sst s0;
	s0 =	simm.s32 @!p2 $0x0  }
0x16: {  	s3 =	sld [smem:$0x3FDB];
	s0 =	simm.s32 @p2 $0x1  }
0x17: {  	s4 =	simm.s32 $0x1BF5;
	[smem:$0x3FB4] =	sst s0  }
0x18: {  	s0 =	sld [smem:$0x3F97];
	_ =	swait.ge [sflag:s4], $0x0  }
0x19: {  	s7 =	sld [smem:$0x3F98]  }
0x1a: {  	s8 =	sadd.s32 $0xFFFFE003, lr  }
0x1b: {  	s9 =	sadd.s32 $0xFFFFFEF7, lr;
	s5 =	simm.s32 $0xFFFFFFFF;
	p2 =	slt.u32 s8, $0xFFFFF086  }
0x1c: {  	p1 =	slt.u32 s9, $0xF7A;
	s5 =	simm.s32 @!p2 $0x0  }
0x1d: {  	s5 =	simm.s32 @p1 $0x1;
	p0 =	seq.s32 s7, s2  }
0x1e: {  	s7 =	smul.u32 @!p0 $0xF7A, s2;
	p2 =	seq.s32 @!p0 s5, $0x0  }
0x1f: {  	s9 =	smul.u32 $0xF7A, s1;
	s8 =	simm.s32 @!p0 $0x1BF5;
	p2 =	por !p2, p0  }
0x20: {  	[sflag:s8] =	ssyncset.s32 @!p0 $0xFFFFF086;
	s6 =	sadd.s32 @!p0 s3, s7;
	s7 =	simm.s32 @!p0 $0x108  }
0x21: {  	s3 =	sadd.s32 s3, s9;
	s6 =	sadd.s32 @!p0 $0x88, s6;
	s7 =	simm.s32 @p2 $0x1082  }
0x22: {  	[simem:s7], [sflag:s8] =	dma.local @!p0 [hbm:s6], $0xF7A  }
0x23: {  	s9 =	sor.u32 $0xD0000000, s2;
	s6 =	simm.s32 $0x108;
	_ =	swait.ge @!p0 [sflag:s8], $0x0  }
0x24: {  	s3 =	sadd.s32 $0x88, s3;
	s6 =	simm.s32 @!p1 $0x1082;
	[sflag:s4] =	ssyncset.s32 $0xFFFFF086  }
0x25: {  	[simem:s6], [sflag:s4] =	dma.local [hbm:s3], $0xF7A  }
0x26: {  	[smem:$0x3F98] =	sst s1;
	(tag) =	ssettag s2;
	_ =	strace s9  }
0x27: {  	s1 =	sld [smem:$0x3FA8]  }
0x28: {  	s2 =	sld [smem:$0x3FA9]  }
0x29: {  	s4 =	sld [smem:$0x3FAB]  }
0x2a: {  	p0 =	seq.s32 s5, $0x0;
	s5 =	sld [smem:$0x3FAC]  }
0x2b: {  	s6 =	sld [smem:$0x3FAD]  }
0x2c: {  	s7 =	sld [smem:$0x3FAE]  }
0x2d: {  	s3 =	simm.s32 $0x108;
	s8 =	sld [smem:$0x3FAF]  }
0x2e: {  	s3 =	simm.s32 @!p0 $0x1082;
	s9 =	sld [smem:$0x3FB0]  }
0x2f: {  	lr =	sadd.s32 s0, s3;
	s0 =	sld [smem:$0x3FA7]  }
0x30: {  	s3 =	sld [smem:$0x3FAA]  }
0x31: {  	[smem:$0x3FB3] =	sst s10  }
0x32: {  	s10 =	sld [smem:$0x3FB1];
	_ =	sdelay $0x3  }
0x33: {  	p0 =	seq.s32 s10, $0x1;
	s10 =	sld [smem:$0x3FB3];
	_ =	sdelay $0x3  }
0x34: {  	[smem:$0x3FB3] =	sst s10  }
0x35: {  	s10 =	sld [smem:$0x3FB2];
	_ =	sdelay $0x3  }
0x36: {  	p1 =	seq.s32 s10, $0x1;
	s10 =	sld [smem:$0x3FB3];
	_ =	sdelay $0x3  }
0x37: {  	[smem:$0x3FB3] =	sst s10  }
0x38: {  	s10 =	sld [smem:$0x3FB4]  }
0x39: {  	_ = 	snop;
	(pc) =	sbr.ind lr, $3  }
0x3a: {  	_ = 	snop  }
0x3b: {  	_ = 	snop  }
0x3c: {  	p2 =	seq.s32 s10, $0x1;
	s10 =	sld [smem:$0x3FB3]  }
0x3d: {  	_ =	shalt  }
0x3e: {  	_ =	shalt  }
0x3f: {  	_ =	shalt  }
0x40: {  	_ =	shalt  }
0x41: {  	_ =	shalt  }
0x42: {  	_ =	shalt  }
0x43: {  	_ =	shalt  }
0x44: {  	_ =	shalt  }
0x45: {  	_ =	shalt  }
0x46: {  	_ =	shalt  }
0x47: {  	_ =	shalt  }
0x48: {  	_ =	shalt  }
0x49: {  	_ =	shalt  }
0x4a: {  	_ =	shalt  }
0x4b: {  	_ =	shalt  }
0x4c: {  	_ =	shalt  }
0x4d: {  	_ =	shalt  }
0x4e: {  	_ =	shalt  }
0x4f: {  	_ =	shalt  }
0x50: {  	_ =	shalt  }
0x51: {  	_ =	shalt  }
0x52: {  	_ =	shalt  }
0x53: {  	_ =	shalt  }
0x54: {  	_ =	shalt  }
0x55: {  	_ =	shalt  }
0x56: {  	_ =	shalt  }
0x57: {  	_ =	shalt  }
0x58: {  	_ =	shalt  }
0x59: {  	_ =	shalt  }
0x5a: {  	_ =	shalt  }
0x5b: {  	_ =	shalt  }
0x5c: {  	_ =	shalt  }
0x5d: {  	_ =	shalt  }
0x5e: {  	_ =	shalt  }
0x5f: {  	_ =	shalt  }
0x60: {  	_ =	shalt  }
0x61: {  	_ =	shalt  }
0x62: {  	_ =	shalt  }
0x63: {  	_ =	shalt  }
0x64: {  	_ =	shalt  }
0x65: {  	_ =	shalt  }
0x66: {  	_ =	shalt  }
0x67: {  	_ =	shalt  }
0x68: {  	_ =	shalt  }
0x69: {  	_ =	shalt  }
0x6a: {  	_ =	shalt  }
0x6b: {  	_ =	shalt  }
0x6c: {  	_ =	shalt  }
0x6d: {  	_ =	shalt  }
0x6e: {  	_ =	shalt  }
0x6f: {  	_ =	shalt  }
0x70: {  	_ =	shalt  }
0x71: {  	_ =	shalt  }
0x72: {  	_ =	shalt  }
0x73: {  	_ =	shalt  }
0x74: {  	_ =	shalt  }
0x75: {  	_ =	shalt  }
0x76: {  	_ =	shalt  }
0x77: {  	_ =	shalt  }
0x78: {  	_ =	shalt  }
0x79: {  	_ =	shalt  }
0x7a: {  	_ =	shalt  }
0x7b: {  	_ =	shalt  }
0x7c: {  	_ =	shalt  }
0x7d: {  	_ =	shalt  }
0x7e: {  	_ =	shalt  }
0x7f: {  	_ =	shalt  }
0x80: {  	_ =	shalt  }
0x81: {  	_ =	shalt  }
0x82: {  	_ =	shalt  }
0x83: {  	_ =	shalt  }
0x84: {  	_ =	shalt  }
0x85: {  	_ =	shalt  }
0x86: {  	_ =	shalt  }
0x87: {  	_ =	shalt  }
.Lfunc_end0:
.L_simem_size_0:
called_computation_lowered:
.L_overlay_start_0:
0x88: {  	s2 =	sld [smem:$0x3FD9]  }
0x89: {  	s3 =	sld [smem:$0x3FFE];
	_ =	sdelay $0x1  }
0x8a: {  	s1 =	srdreg.scid  }
0x8b: {  	s0 =	sand.u32 $0x1, s1  }
0x8c: {  	s16 =	sshll.u32 s0, $0xA;
	s2 =	sadd.s32 s3, s2  }
0x8d: {  	s2 =	sadd.s32 s2, s16  }
0x8e: {  	[smem:$0x3FBF] =	sst s2  }
0x8f: {  	_ = 	snop  }
0x90: {  	(tm) =	ssettm $0x1  }
0x91: {  	s17 =	sld [smem:$0x3FFB];
	_ =	sdelay $0x3  }
0x92: {  	_ =	strace s17  }
0x93: {  	s2 =	sld [smem:$0x3FFC];
	_ =	sdelay $0x3  }
0x94: {  	_ =	strace s2  }
0x95: {  	s2 =	sld [smem:$0x3FFD];
	_ =	sdelay $0x3  }
0x96: {  	_ =	strace s2  }
0x97: {  	_ =	strace $0x8FFFFFFF  }
0x98: {  	s18 =	sld [smem:$0x3FDB];
	_ =	sdelay $0x1  }
0x99: {  	s19 =	simm.s32 $_scs_section_size  }
0x9a: {  	s4 =	simm.s32 $_size__tile_overlayer_lowered;
	s5 =	simm.s32 $_tile_overlayer_lowered  }
0x9b: {  	s22 =	simm.s32 $0x1BFF;
	s21 =	sshll.u32 s5, $0x1;
	s2 =	sadd.s32 s19, s18  }
0x9c: {  	s6 =	simm.s32 $0x0;
	s20 =	sshll.u32 s4, $0x1;
	s4 =	sadd.s32 s21, s2  }
0x9d: {  	[timem:s6], [sflag:s22] =	dma.local [hbm:s4], s20  }
0x9e: {  	_ =	swait.ge [sflag:s22], s20  }
0x9f: {  	s3 =	ssub.s32 $0x0, s20;
	[sflag:s22] =	ssyncset.done $0x0  }
0xa0: {  	[sflag:s22] =	ssyncadd.s32 s3;
	_ =	sdelay $0x1  }
0xa1: {  	s23 =	simm.s32 $0x1B8B  }
0xa2: {  	_ =	swait.ge [sflag:s23], $0x1  }
0xa3: {  	[sflag:s23] =	ssyncset.done $0x0  }
0xa4: {  	s25 =	simm.s32 $0x1B8E;
	s24 =	sld [smem:$0x3FFE];
	[sflag:s23] =	ssyncadd.s32 $0xFFFFFFFF  }
0xa5: {  	s26 =	simm.s32 $execute0_lowered;
	[smem:$0x3FD2] =	sst s25  }
0xa6: {  	s4 =	sshll.u32 s26, $0x1;
	_ =	strace $0x80000046;
	[dreg:$0x1] =	wrdreg $0xFFFFFFFF  }
0xa7: {  	s28 =	simm.s32 $_size_execute0_lowered;
	s2 =	sadd.s32 s2, s4;
	[dreg:$0x0] =	wrdreg $0x0  }
0xa8: {  	s4 =	sshll.u32 s28, $0x1;
	[dreg:$0x2] =	wrdreg s2  }
0xa9: {  	[dreg:$0x3] =	wrdreg s4  }
0xaa: {  	[dreg:$0x4] =	wrdreg $0xC0  }
0xab: {  	_ =	task [dreg:s6], $0x5FFFF  }
0xac: {  	[dreg:$0x1] =	wrdreg $0xFFFFFFFF  }
0xad: {  	[dreg:$0x0] =	wrdreg $0x60  }
0xae: {  	[dreg:$0x2] =	wrdreg s24  }
0xaf: {  	[dreg:$0x3] =	wrdreg $0x0  }
0xb0: {  	[dreg:$0x4] =	wrdreg $0x9  }
0xb1: {  	_ =	task.clear_ibuf [dreg:s6], $0x5FFFF;
	_ =	strace $0x90000046  }
0xb2: {  	s29 =	simm.s32 $0x9;
	_ =	strace $0x80000048  }
0xb3: {  	_ =	swait.ge [sflag:s29], $0x1  }
0xb4: {  	[sflag:s29] =	ssyncadd.s32 $0xFFFFFFFF  }
0xb5: {  	_ =	strace $0x90000048  }
0xb6: {  	_ =	sfence  }
0xb7: {  	s30 =	sld [smem:$0x0];
	_ =	sdelay $0x2  }
0xb8: {  	s31 =	sshll.u32 s1, $0xD;
	s1 =	sshrl.u32 s1, $0x2  }
0xb9: {  	s3 =	sand.u32 $0x4000, s31;
	s1 =	sadd.s32 s1, s30  }
0xba: {  	s0 =	sor.u32 s3, s0;
	s1 =	sshll.u32 s1, $0x11  }
0xbb: {  	s0 =	sor.u32 s1, s0  }
0xbc: {  	s0 =	sadd.s32 $0x8F2B, s0  }
0xbd: {  	[sflag:s0] =	ssyncadd.remote.s32 $0x1  }
0xbe: {  	_ =	sfence.sel $0xFFFF  }
0xbf: {  	[dreg:$0x0] =	wrdreg $0xFFFFFFFF;
	(pc) =	sbr.abs _section_cstart, $3  }
0xc0: {  	[dreg:$0x1] =	wrdreg $0xFFFFFFFF  }
0xc1: {  	_ =	task.clear_ibuf [dreg:s6], $0x2FFFF;
	_ =	strace $0x9FFFFFFF  }
0xc2: {  	(tm) =	ssettm $0x7FFFFFFF  }
0xc3: {  	_ =	shalt  }
tec
execute0_lowered:
.L_overlay_start_1:
0x0: {  	(tag) =	ssettag $0x1  }
0x1: {  	s1 =	srdreg.scid  }
0x2: {  	s1 =	sand.u32 $0x1, s1  }
0x3: {  	p0 =	seq.s32 s1, $0x1  }
.Ltmp0:
0x4: {  	_ = 	snop;
	(pc) =	sbr.rel @p0 .LBB2_2-.Ltmp0, $4  }
0x5: {  	s2 =	rddreg [dreg:$0x0]  }
0x6: {  	s3 =	rddreg [dreg:$0x1];
	s4 =	simm.s32 $0x0  }
0x7: {  	[smem:$0x7FF] =	sst s4  }
0x8: {  	s0 =	rddreg [dreg:$0x2];
	_ =	strace $0x80000047;
	s1 =	stileid.u32  }
0x9: {  	s6 =	smul.u32 $0x2800, s1  }
0xa: {  	s7 =	sadd.s32 $0xBA00, s2  }
0xb: {  	s28 =	sshll.u32 s1, $0x6;
	s5 =	sshrl.u32 s6, $0x3;
	s8 =	sadd.s32 s6, s3  }
0xc: {  	s6 =	sor.u32 $0x1C01, s28;
	s7 =	sadd.s32 s7, s5;
	s8 =	sshrl.u32 s8, $0x3  }
0xd: {  	[spmem:s8], [sflag:s6] =	dma.local [hbm:s7], $0x500  }
0xe: {  	s7 =	simm.s32 $0x1  }
0xf: {  	_ =	swait.ge [sflag:s7], $0x500  }
0x10: {  	[sflag:s7] =	ssyncset.done $0x0  }
0x11: {  	s10 =	sadd.s32 $0xB200, s2;
	s9 =	simm.s32 $0x2BE8;
	[sflag:s7] =	ssyncadd.s32 $0xFFFFFB00  }
0x12: {  	[tilespmem:s9], [sflag:$0x1] =	stream.linear.gather [hbm4b:s10+s4], $0x3E80, $0x38;
	[tilespmem:$0x6A68] =	vst v63  }
0x13: {  	s12 =	smul.u32 $0x4E20, s1;
	_ =	swait.ge [sflag:s7], $0x3E80  }
0x14: {  	[sflag:s7] =	ssyncset.done $0x0  }
0x15: {  	s11 =	sadd.s32 $0x1400, s2;
	s29 =	sshrl.u32 s12, $0x3;
	[sflag:s7] =	ssyncadd.s32 $0xFFFFC180  }
0x16: {  	s14 =	sadd.s32 s11, s29;
	s10 =	simm.s32 $0x2800;
	[bflag:$0x0] =	sbarrier.arrive $0xFFFF  }
0x17: {  	[tilespmem:s10], [sflag:$0x1] =	stream.linear.gather [hbm4b:s14+s4], $0x3E8, $0x38;
	[tilespmem:$0x6A68] =	vst v63  }
0x18: {  	_ =	swait.ge [sflag:s7], $0x3E8  }
0x19: {  	[sflag:s7] =	ssyncset.done $0x0  }
0x1a: {  	s13 =	simm.s32 $0x3E8;
	[sflag:s7] =	ssyncadd.s32 $0xFFFFFC18  }
0x1b: {  	[spmem:s3] =	stream.indirect.scatter.add.f32 [tilespmem:s9], [sflag:$0x1], $0x10, s10, s13, $0xb8;
	[tilespmem:$0x6A68] =	vst v63  }
0x1c: {  	s15 =	sadd.s32 $0x3E8, s12;
	_ =	swait.ge [sflag:s7], $0x3E80  }
0x1d: {  	s15 =	sshrl.u32 s15, $0x3;
	[sflag:s7] =	ssyncset.done $0x0  }
0x1e: {  	s15 =	sadd.s32 s11, s15;
	[sflag:s7] =	ssyncadd.s32 $0xFFFFC180  }
0x1f: {  	[tilespmem:s10], [sflag:$0x1] =	stream.linear.gather [hbm4b:s15+s4], $0x3E8, $0x38;
	[tilespmem:$0x6A68] =	vst v63  }
0x20: {  	_ =	swait.ge [sflag:s7], $0x3E8  }
0x21: {  	[sflag:s7] =	ssyncset.done $0x0  }
0x22: {  	[sflag:s7] =	ssyncadd.s32 $0xFFFFFC18  }
0x23: {  	[spmem:s3] =	stream.indirect.scatter.add.f32 [tilespmem:s9], [sflag:$0x1], $0x10, s10, s13, $0xb8;
	[tilespmem:$0x6A68] =	vst v63  }
0x24: {  	_ =	swait.ge [sflag:s7], $0x3E80  }
0x25: {  	[sflag:s7] =	ssyncset.done $0x0  }
0x26: {  	s30 =	sadd.s32 $0xFA, s14;
	[sflag:s7] =	ssyncadd.s32 $0xFFFFC180  }
0x27: {  	[tilespmem:s10], [sflag:$0x1] =	stream.linear.gather [hbm4b:s30+s4], $0x3E8, $0x38;
	[tilespmem:$0x6A68] =	vst v63  }
0x28: {  	_ =	swait.ge [sflag:s7], $0x3E8  }
0x29: {  	[sflag:s7] =	ssyncset.done $0x0  }
0x2a: {  	[sflag:s7] =	ssyncadd.s32 $0xFFFFFC18  }
0x2b: {  	[spmem:s3] =	stream.indirect.scatter.add.f32 [tilespmem:s9], [sflag:$0x1], $0x10, s10, s13, $0xb8;
	[tilespmem:$0x6A68] =	vst v63  }
0x2c: {  	s31 =	sadd.s32 $0xBB8, s12;
	_ =	swait.ge [sflag:s7], $0x3E80  }
0x2d: {  	s15 =	sshrl.u32 s31, $0x3;
	[sflag:s7] =	ssyncset.done $0x0  }
0x2e: {  	s15 =	sadd.s32 s11, s15;
	[sflag:s7] =	ssyncadd.s32 $0xFFFFC180  }
0x2f: {  	[tilespmem:s10], [sflag:$0x1] =	stream.linear.gather [hbm4b:s15+s4], $0x3E8, $0x38;
	[tilespmem:$0x6A68] =	vst v63  }
0x30: {  	_ =	swait.ge [sflag:s7], $0x3E8  }
0x31: {  	[sflag:s7] =	ssyncset.done $0x0  }
0x32: {  	[sflag:s7] =	ssyncadd.s32 $0xFFFFFC18  }
0x33: {  	[spmem:s3] =	stream.indirect.scatter.add.f32 [tilespmem:s9], [sflag:$0x1], $0x10, s10, s13, $0xb8;
	[tilespmem:$0x6A68] =	vst v63  }
0x34: {  	_ =	swait.ge [sflag:s7], $0x3E80  }
0x35: {  	[sflag:s7] =	ssyncset.done $0x0  }
0x36: {  	s16 =	sadd.s32 $0x1F4, s14;
	[sflag:s7] =	ssyncadd.s32 $0xFFFFC180  }
0x37: {  	[tilespmem:s10], [sflag:$0x1] =	stream.linear.gather [hbm4b:s16+s4], $0x3E8, $0x38;
	[tilespmem:$0x6A68] =	vst v63  }
0x38: {  	_ =	swait.ge [sflag:s7], $0x3E8  }
0x39: {  	[sflag:s7] =	ssyncset.done $0x0  }
0x3a: {  	[sflag:s7] =	ssyncadd.s32 $0xFFFFFC18  }
0x3b: {  	[spmem:s3] =	stream.indirect.scatter.add.f32 [tilespmem:s9], [sflag:$0x1], $0x10, s10, s13, $0xb8;
	[tilespmem:$0x6A68] =	vst v63  }
0x3c: {  	s17 =	sadd.s32 $0x1388, s12;
	_ =	swait.ge [sflag:s7], $0x3E80  }
0x3d: {  	s15 =	sshrl.u32 s17, $0x3;
	[sflag:s7] =	ssyncset.done $0x0  }
0x3e: {  	s15 =	sadd.s32 s11, s15;
	[sflag:s7] =	ssyncadd.s32 $0xFFFFC180  }
0x3f: {  	[tilespmem:s10], [sflag:$0x1] =	stream.linear.gather [hbm4b:s15+s4], $0x3E8, $0x38;
	[tilespmem:$0x6A68] =	vst v63  }
0x40: {  	_ =	swait.ge [sflag:s7], $0x3E8  }
0x41: {  	[sflag:s7] =	ssyncset.done $0x0  }
0x42: {  	[sflag:s7] =	ssyncadd.s32 $0xFFFFFC18  }
0x43: {  	[spmem:s3] =	stream.indirect.scatter.add.f32 [tilespmem:s9], [sflag:$0x1], $0x10, s10, s13, $0xb8;
	[tilespmem:$0x6A68] =	vst v63  }
0x44: {  	_ =	swait.ge [sflag:s7], $0x3E80  }
0x45: {  	[sflag:s7] =	ssyncset.done $0x0  }
0x46: {  	s18 =	sadd.s32 $0x2EE, s14;
	[sflag:s7] =	ssyncadd.s32 $0xFFFFC180  }
0x47: {  	[tilespmem:s10], [sflag:$0x1] =	stream.linear.gather [hbm4b:s18+s4], $0x3E8, $0x38;
	[tilespmem:$0x6A68] =	vst v63  }
0x48: {  	_ =	swait.ge [sflag:s7], $0x3E8  }
0x49: {  	[sflag:s7] =	ssyncset.done $0x0  }
0x4a: {  	[sflag:s7] =	ssyncadd.s32 $0xFFFFFC18  }
0x4b: {  	[spmem:s3] =	stream.indirect.scatter.add.f32 [tilespmem:s9], [sflag:$0x1], $0x10, s10, s13, $0xb8;
	[tilespmem:$0x6A68] =	vst v63  }
0x4c: {  	s19 =	sadd.s32 $0x1B58, s12;
	_ =	swait.ge [sflag:s7], $0x3E80  }
0x4d: {  	s15 =	sshrl.u32 s19, $0x3;
	[sflag:s7] =	ssyncset.done $0x0  }
0x4e: {  	s15 =	sadd.s32 s11, s15;
	[sflag:s7] =	ssyncadd.s32 $0xFFFFC180  }
0x4f: {  	[tilespmem:s10], [sflag:$0x1] =	stream.linear.gather [hbm4b:s15+s4], $0x3E8, $0x38;
	[tilespmem:$0x6A68] =	vst v63  }
0x50: {  	_ =	swait.ge [sflag:s7], $0x3E8  }
0x51: {  	[sflag:s7] =	ssyncset.done $0x0  }
0x52: {  	[sflag:s7] =	ssyncadd.s32 $0xFFFFFC18  }
0x53: {  	[spmem:s3] =	stream.indirect.scatter.add.f32 [tilespmem:s9], [sflag:$0x1], $0x10, s10, s13, $0xb8;
	[tilespmem:$0x6A68] =	vst v63  }
0x54: {  	_ =	swait.ge [sflag:s7], $0x3E80  }
0x55: {  	[sflag:s7] =	ssyncset.done $0x0  }
0x56: {  	s20 =	sadd.s32 $0x3E8, s14;
	[sflag:s7] =	ssyncadd.s32 $0xFFFFC180  }
0x57: {  	[tilespmem:s10], [sflag:$0x1] =	stream.linear.gather [hbm4b:s20+s4], $0x3E8, $0x38;
	[tilespmem:$0x6A68] =	vst v63  }
0x58: {  	_ =	swait.ge [sflag:s7], $0x3E8  }
0x59: {  	[sflag:s7] =	ssyncset.done $0x0  }
0x5a: {  	[sflag:s7] =	ssyncadd.s32 $0xFFFFFC18  }
0x5b: {  	[spmem:s3] =	stream.indirect.scatter.add.f32 [tilespmem:s9], [sflag:$0x1], $0x10, s10, s13, $0xb8;
	[tilespmem:$0x6A68] =	vst v63  }
0x5c: {  	s21 =	sadd.s32 $0x2328, s12;
	_ =	swait.ge [sflag:s7], $0x3E80  }
0x5d: {  	s15 =	sshrl.u32 s21, $0x3;
	[sflag:s7] =	ssyncset.done $0x0  }
0x5e: {  	s15 =	sadd.s32 s11, s15;
	[sflag:s7] =	ssyncadd.s32 $0xFFFFC180  }
0x5f: {  	[tilespmem:s10], [sflag:$0x1] =	stream.linear.gather [hbm4b:s15+s4], $0x3E8, $0x38;
	[tilespmem:$0x6A68] =	vst v63  }
0x60: {  	_ =	swait.ge [sflag:s7], $0x3E8  }
0x61: {  	[sflag:s7] =	ssyncset.done $0x0  }
0x62: {  	[sflag:s7] =	ssyncadd.s32 $0xFFFFFC18  }
0x63: {  	[spmem:s3] =	stream.indirect.scatter.add.f32 [tilespmem:s9], [sflag:$0x1], $0x10, s10, s13, $0xb8;
	[tilespmem:$0x6A68] =	vst v63  }
0x64: {  	_ =	swait.ge [sflag:s7], $0x3E80  }
0x65: {  	[sflag:s7] =	ssyncset.done $0x0  }
0x66: {  	s22 =	sadd.s32 $0x4E2, s14;
	[sflag:s7] =	ssyncadd.s32 $0xFFFFC180  }
0x67: {  	[tilespmem:s10], [sflag:$0x1] =	stream.linear.gather [hbm4b:s22+s4], $0x3E8, $0x38;
	[tilespmem:$0x6A68] =	vst v63  }
0x68: {  	_ =	swait.ge [sflag:s7], $0x3E8  }
0x69: {  	[sflag:s7] =	ssyncset.done $0x0  }
0x6a: {  	[sflag:s7] =	ssyncadd.s32 $0xFFFFFC18  }
0x6b: {  	[spmem:s3] =	stream.indirect.scatter.add.f32 [tilespmem:s9], [sflag:$0x1], $0x10, s10, s13, $0xb8;
	[tilespmem:$0x6A68] =	vst v63  }
0x6c: {  	s23 =	sadd.s32 $0x2AF8, s12;
	_ =	swait.ge [sflag:s7], $0x3E80  }
0x6d: {  	s15 =	sshrl.u32 s23, $0x3;
	[sflag:s7] =	ssyncset.done $0x0  }
0x6e: {  	s15 =	sadd.s32 s11, s15;
	[sflag:s7] =	ssyncadd.s32 $0xFFFFC180  }
0x6f: {  	[tilespmem:s10], [sflag:$0x1] =	stream.linear.gather [hbm4b:s15+s4], $0x3E8, $0x38;
	[tilespmem:$0x6A68] =	vst v63  }
0x70: {  	_ =	swait.ge [sflag:s7], $0x3E8  }
0x71: {  	[sflag:s7] =	ssyncset.done $0x0  }
0x72: {  	[sflag:s7] =	ssyncadd.s32 $0xFFFFFC18  }
0x73: {  	[spmem:s3] =	stream.indirect.scatter.add.f32 [tilespmem:s9], [sflag:$0x1], $0x10, s10, s13, $0xb8;
	[tilespmem:$0x6A68] =	vst v63  }
0x74: {  	_ =	swait.ge [sflag:s7], $0x3E80  }
0x75: {  	[sflag:s7] =	ssyncset.done $0x0  }
0x76: {  	s24 =	sadd.s32 $0x5DC, s14;
	[sflag:s7] =	ssyncadd.s32 $0xFFFFC180  }
0x77: {  	[tilespmem:s10], [sflag:$0x1] =	stream.linear.gather [hbm4b:s24+s4], $0x3E8, $0x38;
	[tilespmem:$0x6A68] =	vst v63  }
0x78: {  	_ =	swait.ge [sflag:s7], $0x3E8  }
0x79: {  	[sflag:s7] =	ssyncset.done $0x0  }
0x7a: {  	[sflag:s7] =	ssyncadd.s32 $0xFFFFFC18  }
0x7b: {  	[spmem:s3] =	stream.indirect.scatter.add.f32 [tilespmem:s9], [sflag:$0x1], $0x10, s10, s13, $0xb8;
	[tilespmem:$0x6A68] =	vst v63  }
0x7c: {  	s25 =	sadd.s32 $0x32C8, s12;
	_ =	swait.ge [sflag:s7], $0x3E80  }
0x7d: {  	s15 =	sshrl.u32 s25, $0x3;
	[sflag:s7] =	ssyncset.done $0x0  }
0x7e: {  	s15 =	sadd.s32 s11, s15;
	[sflag:s7] =	ssyncadd.s32 $0xFFFFC180  }
0x7f: {  	[tilespmem:s10], [sflag:$0x1] =	stream.linear.gather [hbm4b:s15+s4], $0x3E8, $0x38;
	[tilespmem:$0x6A68] =	vst v63  }
0x80: {  	_ =	swait.ge [sflag:s7], $0x3E8  }
0x81: {  	[sflag:s7] =	ssyncset.done $0x0  }
0x82: {  	[sflag:s7] =	ssyncadd.s32 $0xFFFFFC18  }
0x83: {  	[spmem:s3] =	stream.indirect.scatter.add.f32 [tilespmem:s9], [sflag:$0x1], $0x10, s10, s13, $0xb8;
	[tilespmem:$0x6A68] =	vst v63  }
0x84: {  	_ =	swait.ge [sflag:s7], $0x3E80  }
0x85: {  	[sflag:s7] =	ssyncset.done $0x0  }
0x86: {  	s26 =	sadd.s32 $0x6D6, s14;
	[sflag:s7] =	ssyncadd.s32 $0xFFFFC180  }
0x87: {  	[tilespmem:s10], [sflag:$0x1] =	stream.linear.gather [hbm4b:s26+s4], $0x3E8, $0x38;
	[tilespmem:$0x6A68] =	vst v63  }
0x88: {  	_ =	swait.ge [sflag:s7], $0x3E8  }
0x89: {  	[sflag:s7] =	ssyncset.done $0x0  }
0x8a: {  	[sflag:s7] =	ssyncadd.s32 $0xFFFFFC18  }
0x8b: {  	[spmem:s3] =	stream.indirect.scatter.add.f32 [tilespmem:s9], [sflag:$0x1], $0x10, s10, s13, $0xb8;
	[tilespmem:$0x6A68] =	vst v63  }
0x8c: {  	s28 =	sadd.s32 $0x3A98, s12;
	_ =	swait.ge [sflag:s7], $0x3E80  }
0x8d: {  	s15 =	sshrl.u32 s28, $0x3;
	[sflag:s7] =	ssyncset.done $0x0  }
0x8e: {  	s15 =	sadd.s32 s11, s15;
	[sflag:s7] =	ssyncadd.s32 $0xFFFFC180  }
0x8f: {  	[tilespmem:s10], [sflag:$0x1] =	stream.linear.gather [hbm4b:s15+s4], $0x3E8, $0x38;
	[tilespmem:$0x6A68] =	vst v63  }
0x90: {  	_ =	swait.ge [sflag:s7], $0x3E8  }
0x91: {  	[sflag:s7] =	ssyncset.done $0x0  }
0x92: {  	[sflag:s7] =	ssyncadd.s32 $0xFFFFFC18  }
0x93: {  	[spmem:s3] =	stream.indirect.scatter.add.f32 [tilespmem:s9], [sflag:$0x1], $0x10, s10, s13, $0xb8;
	[tilespmem:$0x6A68] =	vst v63  }
0x94: {  	_ =	swait.ge [sflag:s7], $0x3E80  }
0x95: {  	[sflag:s7] =	ssyncset.done $0x0  }
0x96: {  	s29 =	sadd.s32 $0x7D0, s14;
	[sflag:s7] =	ssyncadd.s32 $0xFFFFC180  }
0x97: {  	[tilespmem:s10], [sflag:$0x1] =	stream.linear.gather [hbm4b:s29+s4], $0x3E8, $0x38;
	[tilespmem:$0x6A68] =	vst v63  }
0x98: {  	_ =	swait.ge [sflag:s7], $0x3E8  }
0x99: {  	[sflag:s7] =	ssyncset.done $0x0  }
0x9a: {  	[sflag:s7] =	ssyncadd.s32 $0xFFFFFC18  }
0x9b: {  	[spmem:s3] =	stream.indirect.scatter.add.f32 [tilespmem:s9], [sflag:$0x1], $0x10, s10, s13, $0xb8;
	[tilespmem:$0x6A68] =	vst v63  }
0x9c: {  	s30 =	sadd.s32 $0x4268, s12;
	_ =	swait.ge [sflag:s7], $0x3E80  }
0x9d: {  	s15 =	sshrl.u32 s30, $0x3;
	[sflag:s7] =	ssyncset.done $0x0  }
0x9e: {  	s15 =	sadd.s32 s11, s15;
	[sflag:s7] =	ssyncadd.s32 $0xFFFFC180  }
0x9f: {  	[tilespmem:s10], [sflag:$0x1] =	stream.linear.gather [hbm4b:s15+s4], $0x3E8, $0x38;
	[tilespmem:$0x6A68] =	vst v63  }
0xa0: {  	_ =	swait.ge [sflag:s7], $0x3E8  }
0xa1: {  	[sflag:s7] =	ssyncset.done $0x0  }
0xa2: {  	[sflag:s7] =	ssyncadd.s32 $0xFFFFFC18  }
0xa3: {  	[spmem:s3] =	stream.indirect.scatter.add.f32 [tilespmem:s9], [sflag:$0x1], $0x10, s10, s13, $0xb8;
	[tilespmem:$0x6A68] =	vst v63  }
0xa4: {  	_ =	swait.ge [sflag:s7], $0x3E80  }
0xa5: {  	[sflag:s7] =	ssyncset.done $0x0  }
0xa6: {  	s14 =	sadd.s32 $0x8CA, s14;
	[sflag:s7] =	ssyncadd.s32 $0xFFFFC180  }
0xa7: {  	[tilespmem:s10], [sflag:$0x1] =	stream.linear.gather [hbm4b:s14+s4], $0x3E8, $0x38;
	[tilespmem:$0x6A68] =	vst v63  }
0xa8: {  	_ =	swait.ge [sflag:s7], $0x3E8  }
0xa9: {  	[sflag:s7] =	ssyncset.done $0x0  }
0xaa: {  	[sflag:s7] =	ssyncadd.s32 $0xFFFFFC18  }
0xab: {  	[spmem:s3] =	stream.indirect.scatter.add.f32 [tilespmem:s9], [sflag:$0x1], $0x10, s10, s13, $0xb8;
	[tilespmem:$0x6A68] =	vst v63  }
0xac: {  	s12 =	sadd.s32 $0x4A38, s12;
	_ =	swait.ge [sflag:s7], $0x3E80  }
0xad: {  	s12 =	sshrl.u32 s12, $0x3;
	[sflag:s7] =	ssyncset.done $0x0  }
0xae: {  	s11 =	sadd.s32 s11, s12;
	[sflag:s7] =	ssyncadd.s32 $0xFFFFC180  }
0xaf: {  	[tilespmem:s10], [sflag:$0x1] =	stream.linear.gather [hbm4b:s11+s4], $0x3E8, $0x38;
	[tilespmem:$0x6A68] =	vst v63  }
0xb0: {  	_ =	swait.ge [sflag:s7], $0x3E8  }
0xb1: {  	[sflag:s7] =	ssyncset.done $0x0  }
0xb2: {  	[sflag:s7] =	ssyncadd.s32 $0xFFFFFC18  }
0xb3: {  	[spmem:s3] =	stream.indirect.scatter.add.f32 [tilespmem:s9], [sflag:$0x1], $0x10, s10, s13, $0xb8;
	[tilespmem:$0x6A68] =	vst v63  }
0xb4: {  	_ =	swait.ge [sflag:s7], $0x3E80  }
0xb5: {  	[sflag:s7] =	ssyncset.done $0x0  }
0xb6: {  	s31 =	sadd.s32 $0x10A00, s2;
	[sflag:s7] =	ssyncadd.s32 $0xFFFFC180  }
0xb7: {  	s2 =	sadd.s32 s31, s5;
	[bflag:$0x0] =	sbarrier.arrive $0xFFFF  }
0xb8: {  	[hbm:s2], [sflag:s6] =	dma.local [spmem:s8], $0x500  }
0xb9: {  	_ =	swait.ge [sflag:s7], $0x500  }
0xba: {  	[sflag:s7] =	ssyncset.done $0x0  }
0xbb: {  	[sflag:s7] =	ssyncadd.s32 $0xFFFFFB00  }
.LBB2_2:
0xbc: {  	_ =	sfence.sel $0x180000  }
0xbd: {  	[bflag:$0x0] =	sbarrier.arrive $0xFFFF  }
0xbe: {  	p0 =	sne.s32 s1, $0x0;
	_ =	strace $0x90000047  }
0xbf: {  	s0 =	sadd.s32 @!p0 $0x100000, s0;
	[bflag:$0x2] =	sbarrier.arrive $0xFFFF  }
0xc0: {  	[sflag:s0] =	ssyncadd.tile.s32 @!p0 $0x1;
	_ =	shalt  }
.Lfunc_end2:
_tile_overlayer_lowered:
.L_overlay_start_2:
0xc1: {  	(tag) =	ssettag $0x2  }
0xc2: {  	s0 =	rddreg [dreg:$0x0];
	s2 =	stileid.u32  }
0xc3: {  	s1 =	rddreg [dreg:$0x1];
	p0 =	sne.s32 s2, $0x0  }
0xc4: {  	s3 =	rddreg [dreg:$0x2];
	[bflag:$0x3] =	sbarrier.arrive $0xFFFF;
	s2 =	simm.s32 @!p0 $0x1C01  }
0xc5: {  	[timem:s3], [sflag:s2] =	dma.local @!p0 [hbm:s0], s1  }
0xc6: {  	s0 =	simm.s32 @!p0 $0x1  }
0xc7: {  	_ =	swait.ge @!p0 [sflag:s0], s1  }
0xc8: {  	s1 =	ssub.s32 @!p0 $0x0, s1;
	[sflag:s0] =	ssyncset.done @!p0 $0x0  }
0xc9: {  	[sflag:s0] =	ssyncadd.s32 @!p0 s1  }
0xca: {  	[bflag:$0x3] =	sbarrier.arrive $0xFFFF  }
0xcb: {  	_ =	shalt  }

</sc_bundles>
